<compile_context>
chip_gen: v7x
topology: tpu7x:2x2x1
jax: 0.10.2.dev20260603
libtpu: 0.0.44.dev20260713+nightly
codegen_flags: <defaults>
</compile_context>

<pallas_src>
import functools

import jax
import jax.numpy as jnp
from jax import lax
from jax.experimental import pallas as pl
from jax.experimental.pallas import tpu as pltpu
from jax.experimental.pallas import tpu_sc as plsc

N = 10000
E = 320000
D = 128

NW = 32
NP = 10240
EP = 327680
EPT = EP // NW
CH = 128
NCH = EPT // CH
CHUNKS = EP // CH
RPT = NP // 16
NCH0 = 80
NCH1 = 80

_mesh = plsc.VectorSubcoreMesh(core_axis_name="c", subcore_axis_name="s")



@functools.partial(
    pl.kernel,
    out_type=jax.ShapeDtypeStruct((2, 2, NP), jnp.float32),
    mesh=_mesh,
    scratch_types=[
        pltpu.VMEM((NCH, CH), jnp.int32),
        pltpu.VMEM((NCH, CH), jnp.int32),
        pltpu.VMEM((CH,), jnp.float32),
        pltpu.VMEM((CH,), jnp.float32),
        pltpu.VMEM_SHARED((NP,), jnp.float32),
        pltpu.VMEM_SHARED((NP,), jnp.float32),
        pltpu.SemaphoreType.DMA,
    ],
)
def _sc_degrees(src_hbm, dst_hbm, ones_hbm, out_hbm,
                sidx2, didx2, onev, zv, cnt_o, cnt_i, sd):
    c = lax.axis_index("c")
    s = lax.axis_index("s")
    wid = c * 16 + s
    for k in range(CH // 16):
        zv[pl.ds(k * 16, 16)] = jnp.zeros((16,), jnp.float32)
    for k in range(RPT // CH):
        off = s * RPT + k * CH
        pltpu.sync_copy(zv, cnt_o.at[pl.ds(off, CH)])
        pltpu.sync_copy(zv, cnt_i.at[pl.ds(off, CH)])
    pltpu.sync_copy(ones_hbm, onev)
    pltpu.sync_copy(src_hbm.at[pl.ds(wid * NCH, NCH)], sidx2)
    pltpu.sync_copy(dst_hbm.at[pl.ds(wid * NCH, NCH)], didx2)
    plsc.subcore_barrier()

    GRP = 8

    def body(i, _):
        for b in range(GRP):
            jj = i * GRP + b
            pltpu.async_copy(onev, cnt_o.at[sidx2.at[jj]], sd, add=True)
            pltpu.async_copy(onev, cnt_i.at[didx2.at[jj]], sd, add=True)
        for b in range(GRP):
            jj = i * GRP + b
            pltpu.make_async_copy(onev, cnt_o.at[sidx2.at[jj]], sd).wait()
            pltpu.make_async_copy(onev, cnt_i.at[didx2.at[jj]], sd).wait()
        return 0

    lax.fori_loop(0, NCH // GRP, body, 0)
    plsc.subcore_barrier()

    @pl.when(s == 0)
    def _():
        pltpu.sync_copy(cnt_o, out_hbm.at[c, 0])
        pltpu.sync_copy(cnt_i, out_hbm.at[c, 1])


NBUF = 2
NIB = 4


@functools.partial(
    pl.kernel,
    out_type=jax.ShapeDtypeStruct((2, NP, D), jnp.float32),
    mesh=_mesh,
    scratch_types=[
        pltpu.VMEM((NIB, CH), jnp.int32),
        pltpu.VMEM((NIB, CH), jnp.int32),
        pltpu.VMEM((NBUF, CH, D), jnp.float32),
        pltpu.VMEM_SHARED((NP, D), jnp.float32),
        [pltpu.SemaphoreType.DMA] * NBUF,
        [pltpu.SemaphoreType.DMA] * NBUF,
        [pltpu.SemaphoreType.DMA] * NIB,
    ],
)
def _sc_spmm(x_hbm, src_hbm, dst_hbm, out_hbm,
             sidxr, didxr, rows, agg, sg, ss, si):
    c = lax.axis_index("c")
    s = lax.axis_index("s")
    zbuf = rows.at[0]

    def zrow(r, _):
        for k in range(D // 16):
            zbuf[r, pl.ds(k * 16, 16)] = jnp.zeros((16,), jnp.float32)
        return 0

    lax.fori_loop(0, CH, zrow, 0)
    for k in range(RPT // CH):
        pltpu.sync_copy(zbuf, agg.at[pl.ds(s * RPT + k * CH, CH)])
    plsc.subcore_barrier()

    def idx_start(jj, ib):
        pltpu.async_copy(src_hbm.at[jj], sidxr.at[ib], si[ib])
        pltpu.async_copy(dst_hbm.at[jj], didxr.at[ib], si[ib])

    def idx_wait(jj, ib):
        pltpu.make_async_copy(src_hbm.at[jj], sidxr.at[ib], si[ib]).wait()
        pltpu.make_async_copy(dst_hbm.at[jj], didxr.at[ib], si[ib]).wait()

    def gather_start(ib, b):
        pltpu.async_copy(x_hbm.at[sidxr.at[ib]], rows.at[b], sg[b])

    def gather_wait(ib, b):
        pltpu.make_async_copy(x_hbm.at[sidxr.at[ib]], rows.at[b], sg[b]).wait()

    def scatter_start(ib, b):
        pltpu.async_copy(rows.at[b], agg.at[didxr.at[ib]], ss[b], add=True)

    def scatter_wait(ib, b):
        pltpu.make_async_copy(rows.at[b], agg.at[didxr.at[ib]], ss[b]).wait()

    def pipe(nch, base):
        idx_start(base + 0, 0)
        idx_start(base + 1, 1)
        idx_wait(base + 0, 0)
        gather_start(0, 0)

        def body(i, _):
            for b in range(NIB):
                jj = i * NIB + b
                f = jj + 1
                fib = (b + 1) % NIB
                f2 = (b + 1) % NBUF

                @pl.when(f < nch)
                def _():
                    idx_wait(base + f, fib)

                    @pl.when(jj >= 1)
                    def _():
                        scatter_wait((b - 1) % NIB, f2)

                    gather_start(fib, f2)

                gather_wait(b, b % NBUF)

                @pl.when(jj + 2 < nch)
                def _():
                    idx_start(base + jj + 2, (b + 2) % NIB)

                scatter_start(b, b % NBUF)
            return 0

        lax.fori_loop(0, nch // NIB, body, 0)
        scatter_wait((nch - 2) % NIB, (nch - 2) % NBUF)
        scatter_wait((nch - 1) % NIB, (nch - 1) % NBUF)

    @pl.when(c == 0)
    def _():
        pipe(NCH0, s * NCH0)

    @pl.when(c == 1)
    def _():
        pipe(NCH1, 16 * NCH0 + s * NCH1)

    plsc.subcore_barrier()
    pltpu.sync_copy(agg.at[pl.ds(s * RPT, RPT)], out_hbm.at[c, pl.ds(s * RPT, RPT)])



def _tc1_body(h_ref, w_ref, co_ref, o_ref):
    so = lax.rsqrt(jnp.maximum(co_ref[...], 1.0))
    o_ref[...] = jnp.dot(h_ref[...] * so, w_ref[...],
                         preferred_element_type=jnp.float32)


def _tc2_body(aggp_ref, ci_ref, co_ref, b1_ref, w2_ref, o_ref):
    agg = aggp_ref[0] + aggp_ref[1]
    si = lax.rsqrt(jnp.maximum(ci_ref[...], 1.0))
    so = lax.rsqrt(jnp.maximum(co_ref[...], 1.0))
    h1 = jnp.maximum(agg * si + b1_ref[...], 0.0)
    o_ref[...] = jnp.dot(h1 * so, w2_ref[...],
                         preferred_element_type=jnp.float32)


def _tc3_body(aggp_ref, ci_ref, b2_ref, o_ref):
    agg = aggp_ref[0] + aggp_ref[1]
    si = lax.rsqrt(jnp.maximum(ci_ref[...], 1.0))
    o_ref[...] = agg * si + b2_ref[...]


_tc1 = pl.pallas_call(
    _tc1_body, out_shape=jax.ShapeDtypeStruct((NP, D), jnp.float32))
_tc2 = pl.pallas_call(
    _tc2_body, out_shape=jax.ShapeDtypeStruct((NP, D), jnp.float32))
_tc3 = pl.pallas_call(
    _tc3_body, out_shape=jax.ShapeDtypeStruct((NP, D), jnp.float32))



def kernel(h, edge_index, W1, b1, W2, b2):
    src = edge_index[0].astype(jnp.int32)
    dst = edge_index[1].astype(jnp.int32)
    pad = jnp.full((EP - E,), N, jnp.int32)
    srcp = jnp.concatenate([src, pad]).reshape(CHUNKS, CH)
    dstp = jnp.concatenate([dst, pad]).reshape(CHUNKS, CH)
    hp = jnp.pad(h, ((0, NP - N), (0, 0)))
    ones1 = jnp.ones((CH,), jnp.float32)

    cnt = _sc_degrees(srcp, dstp, ones1)
    co = (cnt[0, 0] + cnt[1, 0]).reshape(NP, 1)
    ci = (cnt[0, 1] + cnt[1, 1]).reshape(NP, 1)

    x1 = _tc1(hp, W1, co)
    agg1 = _sc_spmm(x1, srcp, dstp)
    x2 = _tc2(agg1, ci, co, b1.reshape(1, D), W2)
    agg2 = _sc_spmm(x2, srcp, dstp)
    out = _tc3(agg2, ci, b2.reshape(1, D))
    return out[:N]

# --- scband reference (transcript-rebuilt; emitter-appended) ---
"""Pipeline reference for scband-gnnmodel-72627896975415 (READ-ONLY COPY).

The authoritative reference and input builder live on the scoring server;
editing this copy changes nothing except your own understanding.
"""

import jax, jax.numpy as jnp
import numpy as np

N = 10000
E = 320000
D_IN = 128
D_HID = 128
D_OUT = 128

def setup_inputs(seed: int = 0) -> dict:
    key = jax.random.key(seed)
    k1, k2, k3, k4, k5, k6 = jax.random.split(key, 6)
    h = jax.random.normal(k1, (N, D_IN), dtype=jnp.float32)
    edge_index = jax.random.randint(k2, (2, E), 0, N)
    W1 = jax.random.normal(k3, (D_IN, D_HID), dtype=jnp.float32) * (1.0 / np.sqrt(D_IN))
    b1 = jnp.zeros((D_HID,), dtype=jnp.float32)
    W2 = jax.random.normal(k4, (D_HID, D_OUT), dtype=jnp.float32) * (1.0 / np.sqrt(D_HID))
    b2 = jnp.zeros((D_OUT,), dtype=jnp.float32)
    return {"h": h, "edge_index": edge_index, "W1": W1, "b1": b1, "W2": W2, "b2": b2}


def gcn_layer(h, edge_index, W, b):
    # DGL GraphConv with norm='both': out = D_in^{-1/2} A D_out^{-1/2} X W + b
    src = edge_index[0]
    dst = edge_index[1]
    deg_out = jnp.clip(jnp.bincount(src, length=N), 1, None).astype(h.dtype)
    deg_in = jnp.clip(jnp.bincount(dst, length=N), 1, None).astype(h.dtype)
    x = h * (deg_out ** -0.5)[:, None]
    x = x @ W  # apply weight before aggregation (math-equivalent)
    msgs = jnp.take(x, src, axis=0)
    agg = jax.ops.segment_sum(msgs, dst, num_segments=N)
    agg = agg * (deg_in ** -0.5)[:, None]
    return agg + b


def reference(h, edge_index, W1, b1, W2, b2):
    h1 = jax.nn.relu(gcn_layer(h, edge_index, W1, b1))
    out = gcn_layer(h1, edge_index, W2, b2)
    return out

if __name__ == "__main__":
    import jax
    _d = setup_inputs()
    print(jax.jit(kernel)(*tuple(_d.values())))

</pallas_src>

<mosaic_0001>
#map = affine_map<(d0, d1) -> (0, 0)>
#map1 = affine_map<(d0, d1) -> (0)>
#map2 = affine_map<(d0, d1) -> (0, 0, 0)>
module attributes {stable_mosaic.version = 14 : i64} {
  func.func @_sc_degrees(%arg0: i32, %arg1: i32, %arg2: memref<2560x128xi32, #tpu.memory_space<hbm>>, %arg3: memref<2560x128xi32, #tpu.memory_space<hbm>>, %arg4: memref<128xf32, #tpu.memory_space<hbm>>, %arg5: memref<2x2x10240xf32, #tpu.memory_space<hbm>>, %arg6: memref<80x128xi32, #tpu.memory_space<vmem>>, %arg7: memref<80x128xi32, #tpu.memory_space<vmem>>, %arg8: memref<128xf32, #tpu.memory_space<vmem>>, %arg9: memref<128xf32, #tpu.memory_space<vmem>>, %arg10: memref<10240xf32, #tpu.memory_space<vmem_shared>>, %arg11: memref<10240xf32, #tpu.memory_space<vmem_shared>>, %arg12: memref<!tpu.dma_semaphore, #tpu.memory_space<semaphore_mem>>) attributes {dimension_semantics = [#tpu.dimension_semantics<core_parallel>, #tpu.dimension_semantics<subcore_parallel>], iteration_bounds = array<i64: 2, 16>, scalar_prefetch = 0 : i64, scratch_operands = 7 : i64, tpu.core_type = #tpu.core_type<sc_vector_subcore>, window_params = [{transform_indices = #map}, {transform_indices = #map}, {transform_indices = #map1}, {transform_indices = #map2}]} {
    %mul3A = arith.constant 16 : i32
    %mul3A_0 = arith.muli %arg0, %mul3A : i32
    %add3A = arith.addi %mul3A_0, %arg1 : i32
    %broadcast_in_dim3A = arith.constant 0.000000e+00 : f32
    %broadcast_in_dim3A_1 = vector.broadcast %broadcast_in_dim3A : f32 to vector<16xf32>
    %swap3A = arith.constant 0 : index
    %swap3A_2 = tpu.vector_load %arg9[%swap3A] {strides = array<i32>} : memref<128xf32, #tpu.memory_space<vmem>>, vector<16xf32>,
    %swap3A_3 = vector.shape_cast %swap3A_2 : vector<16xf32> to vector<16xf32>
    %swap3A_4 = vector.shape_cast %broadcast_in_dim3A_1 : vector<16xf32> to vector<16xf32>
    tpu.vector_store %arg9[%swap3A], %swap3A_4 {strides = array<i32>} : memref<128xf32, #tpu.memory_space<vmem>>, vector<16xf32>,
    %broadcast_in_dim3A_5 = arith.constant 0.000000e+00 : f32
    %broadcast_in_dim3A_6 = vector.broadcast %broadcast_in_dim3A_5 : f32 to vector<16xf32>
    %swap3A_7 = arith.constant 16 : index
    %swap3A_8 = tpu.vector_load %arg9[%swap3A_7] {strides = array<i32>} : memref<128xf32, #tpu.memory_space<vmem>>, vector<16xf32>,
    %swap3A_9 = vector.shape_cast %swap3A_8 : vector<16xf32> to vector<16xf32>
    %swap3A_10 = vector.shape_cast %broadcast_in_dim3A_6 : vector<16xf32> to vector<16xf32>
    tpu.vector_store %arg9[%swap3A_7], %swap3A_10 {strides = array<i32>} : memref<128xf32, #tpu.memory_space<vmem>>, vector<16xf32>,
    %broadcast_in_dim3A_11 = arith.constant 0.000000e+00 : f32
    %broadcast_in_dim3A_12 = vector.broadcast %broadcast_in_dim3A_11 : f32 to vector<16xf32>
    %swap3A_13 = arith.constant 32 : index
    %swap3A_14 = tpu.vector_load %arg9[%swap3A_13] {strides = array<i32>} : memref<128xf32, #tpu.memory_space<vmem>>, vector<16xf32>,
    %swap3A_15 = vector.shape_cast %swap3A_14 : vector<16xf32> to vector<16xf32>
    %swap3A_16 = vector.shape_cast %broadcast_in_dim3A_12 : vector<16xf32> to vector<16xf32>
    tpu.vector_store %arg9[%swap3A_13], %swap3A_16 {strides = array<i32>} : memref<128xf32, #tpu.memory_space<vmem>>, vector<16xf32>,
    %broadcast_in_dim3A_17 = arith.constant 0.000000e+00 : f32
    %broadcast_in_dim3A_18 = vector.broadcast %broadcast_in_dim3A_17 : f32 to vector<16xf32>
    %swap3A_19 = arith.constant 48 : index
    %swap3A_20 = tpu.vector_load %arg9[%swap3A_19] {strides = array<i32>} : memref<128xf32, #tpu.memory_space<vmem>>, vector<16xf32>,
    %swap3A_21 = vector.shape_cast %swap3A_20 : vector<16xf32> to vector<16xf32>
    %swap3A_22 = vector.shape_cast %broadcast_in_dim3A_18 : vector<16xf32> to vector<16xf32>
    tpu.vector_store %arg9[%swap3A_19], %swap3A_22 {strides = array<i32>} : memref<128xf32, #tpu.memory_space<vmem>>, vector<16xf32>,
    %broadcast_in_dim3A_23 = arith.constant 0.000000e+00 : f32
    %broadcast_in_dim3A_24 = vector.broadcast %broadcast_in_dim3A_23 : f32 to vector<16xf32>
    %swap3A_25 = arith.constant 64 : index
    %swap3A_26 = tpu.vector_load %arg9[%swap3A_25] {strides = array<i32>} : memref<128xf32, #tpu.memory_space<vmem>>, vector<16xf32>,
    %swap3A_27 = vector.shape_cast %swap3A_26 : vector<16xf32> to vector<16xf32>
    %swap3A_28 = vector.shape_cast %broadcast_in_dim3A_24 : vector<16xf32> to vector<16xf32>
    tpu.vector_store %arg9[%swap3A_25], %swap3A_28 {strides = array<i32>} : memref<128xf32, #tpu.memory_space<vmem>>, vector<16xf32>,
    %broadcast_in_dim3A_29 = arith.constant 0.000000e+00 : f32
    %broadcast_in_dim3A_30 = vector.broadcast %broadcast_in_dim3A_29 : f32 to vector<16xf32>
    %swap3A_31 = arith.constant 80 : index
    %swap3A_32 = tpu.vector_load %arg9[%swap3A_31] {strides = array<i32>} : memref<128xf32, #tpu.memory_space<vmem>>, vector<16xf32>,
    %swap3A_33 = vector.shape_cast %swap3A_32 : vector<16xf32> to vector<16xf32>
    %swap3A_34 = vector.shape_cast %broadcast_in_dim3A_30 : vector<16xf32> to vector<16xf32>
    tpu.vector_store %arg9[%swap3A_31], %swap3A_34 {strides = array<i32>} : memref<128xf32, #tpu.memory_space<vmem>>, vector<16xf32>,
    %broadcast_in_dim3A_35 = arith.constant 0.000000e+00 : f32
    %broadcast_in_dim3A_36 = vector.broadcast %broadcast_in_dim3A_35 : f32 to vector<16xf32>
    %swap3A_37 = arith.constant 96 : index
    %swap3A_38 = tpu.vector_load %arg9[%swap3A_37] {strides = array<i32>} : memref<128xf32, #tpu.memory_space<vmem>>, vector<16xf32>,
    %swap3A_39 = vector.shape_cast %swap3A_38 : vector<16xf32> to vector<16xf32>
    %swap3A_40 = vector.shape_cast %broadcast_in_dim3A_36 : vector<16xf32> to vector<16xf32>
    tpu.vector_store %arg9[%swap3A_37], %swap3A_40 {strides = array<i32>} : memref<128xf32, #tpu.memory_space<vmem>>, vector<16xf32>,
    %broadcast_in_dim3A_41 = arith.constant 0.000000e+00 : f32
    %broadcast_in_dim3A_42 = vector.broadcast %broadcast_in_dim3A_41 : f32 to vector<16xf32>
    %swap3A_43 = arith.constant 112 : index
    %swap3A_44 = tpu.vector_load %arg9[%swap3A_43] {strides = array<i32>} : memref<128xf32, #tpu.memory_space<vmem>>, vector<16xf32>,
    %swap3A_45 = vector.shape_cast %swap3A_44 : vector<16xf32> to vector<16xf32>
    %swap3A_46 = vector.shape_cast %broadcast_in_dim3A_42 : vector<16xf32> to vector<16xf32>
    tpu.vector_store %arg9[%swap3A_43], %swap3A_46 {strides = array<i32>} : memref<128xf32, #tpu.memory_space<vmem>>, vector<16xf32>,
    %mul3A_47 = arith.constant 640 : i32
    %mul3A_48 = arith.muli %arg1, %mul3A_47 : i32
    %add3A_49 = arith.constant 0 : i32
    %add3A_50 = arith.addi %mul3A_48, %add3A_49 : i32
    "tpu.region"() ({
      %run_scoped3A = tpu.sem_alloc : memref<!tpu.dma_semaphore, #tpu.memory_space<semaphore_mem>>
      %dma_start3A = tpu.memref_slice %arg10[%add3A_50] : memref<10240xf32, #tpu.memory_space<vmem_shared>> -> memref<128xf32, #tpu.memory_space<vmem_shared>>
      %dma_start3A_80 = tpu.memref_slice %arg10[%add3A_50] : memref<10240xf32, #tpu.memory_space<vmem_shared>> -> memref<128xf32, #tpu.memory_space<vmem_shared>>
      tpu.enqueue_dma source(%arg9 : memref<128xf32, #tpu.memory_space<vmem>>) target(%dma_start3A_80 : memref<128xf32, #tpu.memory_space<vmem_shared>>) target_semaphore(%run_scoped3A : memref<!tpu.dma_semaphore, #tpu.memory_space<semaphore_mem>>)
      %dma_wait3A = tpu.memref_slice %arg10[%add3A_50] : memref<10240xf32, #tpu.memory_space<vmem_shared>> -> memref<128xf32, #tpu.memory_space<vmem_shared>>
      %dma_wait3A_81 = tpu.memref_slice %arg10[%add3A_50] : memref<10240xf32, #tpu.memory_space<vmem_shared>> -> memref<128xf32, #tpu.memory_space<vmem_shared>>
      tpu.wait_dma2 semaphore(%run_scoped3A : memref<!tpu.dma_semaphore, #tpu.memory_space<semaphore_mem>>) src(%arg9 : memref<128xf32, #tpu.memory_space<vmem>>) dst(%dma_wait3A_81 : memref<128xf32, #tpu.memory_space<vmem_shared>>)
      tpu.yield
    }) : () -> ()
    "tpu.region"() ({
      %run_scoped3A = tpu.sem_alloc : memref<!tpu.dma_semaphore, #tpu.memory_space<semaphore_mem>>
      %dma_start3A = tpu.memref_slice %arg11[%add3A_50] : memref<10240xf32, #tpu.memory_space<vmem_shared>> -> memref<128xf32, #tpu.memory_space<vmem_shared>>
      %dma_start3A_80 = tpu.memref_slice %arg11[%add3A_50] : memref<10240xf32, #tpu.memory_space<vmem_shared>> -> memref<128xf32, #tpu.memory_space<vmem_shared>>
      tpu.enqueue_dma source(%arg9 : memref<128xf32, #tpu.memory_space<vmem>>) target(%dma_start3A_80 : memref<128xf32, #tpu.memory_space<vmem_shared>>) target_semaphore(%run_scoped3A : memref<!tpu.dma_semaphore, #tpu.memory_space<semaphore_mem>>)
      %dma_wait3A = tpu.memref_slice %arg11[%add3A_50] : memref<10240xf32, #tpu.memory_space<vmem_shared>> -> memref<128xf32, #tpu.memory_space<vmem_shared>>
      %dma_wait3A_81 = tpu.memref_slice %arg11[%add3A_50] : memref<10240xf32, #tpu.memory_space<vmem_shared>> -> memref<128xf32, #tpu.memory_space<vmem_shared>>
      tpu.wait_dma2 semaphore(%run_scoped3A : memref<!tpu.dma_semaphore, #tpu.memory_space<semaphore_mem>>) src(%arg9 : memref<128xf32, #tpu.memory_space<vmem>>) dst(%dma_wait3A_81 : memref<128xf32, #tpu.memory_space<vmem_shared>>)
      tpu.yield
    }) : () -> ()
    %mul3A_51 = arith.constant 640 : i32
    %mul3A_52 = arith.muli %arg1, %mul3A_51 : i32
    %add3A_53 = arith.constant 128 : i32
    %add3A_54 = arith.addi %mul3A_52, %add3A_53 : i32
    "tpu.region"() ({
      %run_scoped3A = tpu.sem_alloc : memref<!tpu.dma_semaphore, #tpu.memory_space<semaphore_mem>>
      %dma_start3A = tpu.memref_slice %arg10[%add3A_54] : memref<10240xf32, #tpu.memory_space<vmem_shared>> -> memref<128xf32, #tpu.memory_space<vmem_shared>>
      %dma_start3A_80 = tpu.memref_slice %arg10[%add3A_54] : memref<10240xf32, #tpu.memory_space<vmem_shared>> -> memref<128xf32, #tpu.memory_space<vmem_shared>>
      tpu.enqueue_dma source(%arg9 : memref<128xf32, #tpu.memory_space<vmem>>) target(%dma_start3A_80 : memref<128xf32, #tpu.memory_space<vmem_shared>>) target_semaphore(%run_scoped3A : memref<!tpu.dma_semaphore, #tpu.memory_space<semaphore_mem>>)
      %dma_wait3A = tpu.memref_slice %arg10[%add3A_54] : memref<10240xf32, #tpu.memory_space<vmem_shared>> -> memref<128xf32, #tpu.memory_space<vmem_shared>>
      %dma_wait3A_81 = tpu.memref_slice %arg10[%add3A_54] : memref<10240xf32, #tpu.memory_space<vmem_shared>> -> memref<128xf32, #tpu.memory_space<vmem_shared>>
      tpu.wait_dma2 semaphore(%run_scoped3A : memref<!tpu.dma_semaphore, #tpu.memory_space<semaphore_mem>>) src(%arg9 : memref<128xf32, #tpu.memory_space<vmem>>) dst(%dma_wait3A_81 : memref<128xf32, #tpu.memory_space<vmem_shared>>)
      tpu.yield
    }) : () -> ()
    "tpu.region"() ({
      %run_scoped3A = tpu.sem_alloc : memref<!tpu.dma_semaphore, #tpu.memory_space<semaphore_mem>>
      %dma_start3A = tpu.memref_slice %arg11[%add3A_54] : memref<10240xf32, #tpu.memory_space<vmem_shared>> -> memref<128xf32, #tpu.memory_space<vmem_shared>>
      %dma_start3A_80 = tpu.memref_slice %arg11[%add3A_54] : memref<10240xf32, #tpu.memory_space<vmem_shared>> -> memref<128xf32, #tpu.memory_space<vmem_shared>>
      tpu.enqueue_dma source(%arg9 : memref<128xf32, #tpu.memory_space<vmem>>) target(%dma_start3A_80 : memref<128xf32, #tpu.memory_space<vmem_shared>>) target_semaphore(%run_scoped3A : memref<!tpu.dma_semaphore, #tpu.memory_space<semaphore_mem>>)
      %dma_wait3A = tpu.memref_slice %arg11[%add3A_54] : memref<10240xf32, #tpu.memory_space<vmem_shared>> -> memref<128xf32, #tpu.memory_space<vmem_shared>>
      %dma_wait3A_81 = tpu.memref_slice %arg11[%add3A_54] : memref<10240xf32, #tpu.memory_space<vmem_shared>> -> memref<128xf32, #tpu.memory_space<vmem_shared>>
      tpu.wait_dma2 semaphore(%run_scoped3A : memref<!tpu.dma_semaphore, #tpu.memory_space<semaphore_mem>>) src(%arg9 : memref<128xf32, #tpu.memory_space<vmem>>) dst(%dma_wait3A_81 : memref<128xf32, #tpu.memory_space<vmem_shared>>)
      tpu.yield
    }) : () -> ()
    %mul3A_55 = arith.constant 640 : i32
    %mul3A_56 = arith.muli %arg1, %mul3A_55 : i32
    %add3A_57 = arith.constant 256 : i32
    %add3A_58 = arith.addi %mul3A_56, %add3A_57 : i32
    "tpu.region"() ({
      %run_scoped3A = tpu.sem_alloc : memref<!tpu.dma_semaphore, #tpu.memory_space<semaphore_mem>>
      %dma_start3A = tpu.memref_slice %arg10[%add3A_58] : memref<10240xf32, #tpu.memory_space<vmem_shared>> -> memref<128xf32, #tpu.memory_space<vmem_shared>>
      %dma_start3A_80 = tpu.memref_slice %arg10[%add3A_58] : memref<10240xf32, #tpu.memory_space<vmem_shared>> -> memref<128xf32, #tpu.memory_space<vmem_shared>>
      tpu.enqueue_dma source(%arg9 : memref<128xf32, #tpu.memory_space<vmem>>) target(%dma_start3A_80 : memref<128xf32, #tpu.memory_space<vmem_shared>>) target_semaphore(%run_scoped3A : memref<!tpu.dma_semaphore, #tpu.memory_space<semaphore_mem>>)
      %dma_wait3A = tpu.memref_slice %arg10[%add3A_58] : memref<10240xf32, #tpu.memory_space<vmem_shared>> -> memref<128xf32, #tpu.memory_space<vmem_shared>>
      %dma_wait3A_81 = tpu.memref_slice %arg10[%add3A_58] : memref<10240xf32, #tpu.memory_space<vmem_shared>> -> memref<128xf32, #tpu.memory_space<vmem_shared>>
      tpu.wait_dma2 semaphore(%run_scoped3A : memref<!tpu.dma_semaphore, #tpu.memory_space<semaphore_mem>>) src(%arg9 : memref<128xf32, #tpu.memory_space<vmem>>) dst(%dma_wait3A_81 : memref<128xf32, #tpu.memory_space<vmem_shared>>)
      tpu.yield
    }) : () -> ()
    "tpu.region"() ({
      %run_scoped3A = tpu.sem_alloc : memref<!tpu.dma_semaphore, #tpu.memory_space<semaphore_mem>>
      %dma_start3A = tpu.memref_slice %arg11[%add3A_58] : memref<10240xf32, #tpu.memory_space<vmem_shared>> -> memref<128xf32, #tpu.memory_space<vmem_shared>>
      %dma_start3A_80 = tpu.memref_slice %arg11[%add3A_58] : memref<10240xf32, #tpu.memory_space<vmem_shared>> -> memref<128xf32, #tpu.memory_space<vmem_shared>>
      tpu.enqueue_dma source(%arg9 : memref<128xf32, #tpu.memory_space<vmem>>) target(%dma_start3A_80 : memref<128xf32, #tpu.memory_space<vmem_shared>>) target_semaphore(%run_scoped3A : memref<!tpu.dma_semaphore, #tpu.memory_space<semaphore_mem>>)
      %dma_wait3A = tpu.memref_slice %arg11[%add3A_58] : memref<10240xf32, #tpu.memory_space<vmem_shared>> -> memref<128xf32, #tpu.memory_space<vmem_shared>>
      %dma_wait3A_81 = tpu.memref_slice %arg11[%add3A_58] : memref<10240xf32, #tpu.memory_space<vmem_shared>> -> memref<128xf32, #tpu.memory_space<vmem_shared>>
      tpu.wait_dma2 semaphore(%run_scoped3A : memref<!tpu.dma_semaphore, #tpu.memory_space<semaphore_mem>>) src(%arg9 : memref<128xf32, #tpu.memory_space<vmem>>) dst(%dma_wait3A_81 : memref<128xf32, #tpu.memory_space<vmem_shared>>)
      tpu.yield
    }) : () -> ()
    %mul3A_59 = arith.constant 640 : i32
    %mul3A_60 = arith.muli %arg1, %mul3A_59 : i32
    %add3A_61 = arith.constant 384 : i32
    %add3A_62 = arith.addi %mul3A_60, %add3A_61 : i32
    "tpu.region"() ({
      %run_scoped3A = tpu.sem_alloc : memref<!tpu.dma_semaphore, #tpu.memory_space<semaphore_mem>>
      %dma_start3A = tpu.memref_slice %arg10[%add3A_62] : memref<10240xf32, #tpu.memory_space<vmem_shared>> -> memref<128xf32, #tpu.memory_space<vmem_shared>>
      %dma_start3A_80 = tpu.memref_slice %arg10[%add3A_62] : memref<10240xf32, #tpu.memory_space<vmem_shared>> -> memref<128xf32, #tpu.memory_space<vmem_shared>>
      tpu.enqueue_dma source(%arg9 : memref<128xf32, #tpu.memory_space<vmem>>) target(%dma_start3A_80 : memref<128xf32, #tpu.memory_space<vmem_shared>>) target_semaphore(%run_scoped3A : memref<!tpu.dma_semaphore, #tpu.memory_space<semaphore_mem>>)
      %dma_wait3A = tpu.memref_slice %arg10[%add3A_62] : memref<10240xf32, #tpu.memory_space<vmem_shared>> -> memref<128xf32, #tpu.memory_space<vmem_shared>>
      %dma_wait3A_81 = tpu.memref_slice %arg10[%add3A_62] : memref<10240xf32, #tpu.memory_space<vmem_shared>> -> memref<128xf32, #tpu.memory_space<vmem_shared>>
      tpu.wait_dma2 semaphore(%run_scoped3A : memref<!tpu.dma_semaphore, #tpu.memory_space<semaphore_mem>>) src(%arg9 : memref<128xf32, #tpu.memory_space<vmem>>) dst(%dma_wait3A_81 : memref<128xf32, #tpu.memory_space<vmem_shared>>)
      tpu.yield
    }) : () -> ()
    "tpu.region"() ({
      %run_scoped3A = tpu.sem_alloc : memref<!tpu.dma_semaphore, #tpu.memory_space<semaphore_mem>>
      %dma_start3A = tpu.memref_slice %arg11[%add3A_62] : memref<10240xf32, #tpu.memory_space<vmem_shared>> -> memref<128xf32, #tpu.memory_space<vmem_shared>>
      %dma_start3A_80 = tpu.memref_slice %arg11[%add3A_62] : memref<10240xf32, #tpu.memory_space<vmem_shared>> -> memref<128xf32, #tpu.memory_space<vmem_shared>>
      tpu.enqueue_dma source(%arg9 : memref<128xf32, #tpu.memory_space<vmem>>) target(%dma_start3A_80 : memref<128xf32, #tpu.memory_space<vmem_shared>>) target_semaphore(%run_scoped3A : memref<!tpu.dma_semaphore, #tpu.memory_space<semaphore_mem>>)
      %dma_wait3A = tpu.memref_slice %arg11[%add3A_62] : memref<10240xf32, #tpu.memory_space<vmem_shared>> -> memref<128xf32, #tpu.memory_space<vmem_shared>>
      %dma_wait3A_81 = tpu.memref_slice %arg11[%add3A_62] : memref<10240xf32, #tpu.memory_space<vmem_shared>> -> memref<128xf32, #tpu.memory_space<vmem_shared>>
      tpu.wait_dma2 semaphore(%run_scoped3A : memref<!tpu.dma_semaphore, #tpu.memory_space<semaphore_mem>>) src(%arg9 : memref<128xf32, #tpu.memory_space<vmem>>) dst(%dma_wait3A_81 : memref<128xf32, #tpu.memory_space<vmem_shared>>)
      tpu.yield
    }) : () -> ()
    %mul3A_63 = arith.constant 640 : i32
    %mul3A_64 = arith.muli %arg1, %mul3A_63 : i32
    %add3A_65 = arith.constant 512 : i32
    %add3A_66 = arith.addi %mul3A_64, %add3A_65 : i32
    "tpu.region"() ({
      %run_scoped3A = tpu.sem_alloc : memref<!tpu.dma_semaphore, #tpu.memory_space<semaphore_mem>>
      %dma_start3A = tpu.memref_slice %arg10[%add3A_66] : memref<10240xf32, #tpu.memory_space<vmem_shared>> -> memref<128xf32, #tpu.memory_space<vmem_shared>>
      %dma_start3A_80 = tpu.memref_slice %arg10[%add3A_66] : memref<10240xf32, #tpu.memory_space<vmem_shared>> -> memref<128xf32, #tpu.memory_space<vmem_shared>>
      tpu.enqueue_dma source(%arg9 : memref<128xf32, #tpu.memory_space<vmem>>) target(%dma_start3A_80 : memref<128xf32, #tpu.memory_space<vmem_shared>>) target_semaphore(%run_scoped3A : memref<!tpu.dma_semaphore, #tpu.memory_space<semaphore_mem>>)
      %dma_wait3A = tpu.memref_slice %arg10[%add3A_66] : memref<10240xf32, #tpu.memory_space<vmem_shared>> -> memref<128xf32, #tpu.memory_space<vmem_shared>>
      %dma_wait3A_81 = tpu.memref_slice %arg10[%add3A_66] : memref<10240xf32, #tpu.memory_space<vmem_shared>> -> memref<128xf32, #tpu.memory_space<vmem_shared>>
      tpu.wait_dma2 semaphore(%run_scoped3A : memref<!tpu.dma_semaphore, #tpu.memory_space<semaphore_mem>>) src(%arg9 : memref<128xf32, #tpu.memory_space<vmem>>) dst(%dma_wait3A_81 : memref<128xf32, #tpu.memory_space<vmem_shared>>)
      tpu.yield
    }) : () -> ()
    "tpu.region"() ({
      %run_scoped3A = tpu.sem_alloc : memref<!tpu.dma_semaphore, #tpu.memory_space<semaphore_mem>>
      %dma_start3A = tpu.memref_slice %arg11[%add3A_66] : memref<10240xf32, #tpu.memory_space<vmem_shared>> -> memref<128xf32, #tpu.memory_space<vmem_shared>>
      %dma_start3A_80 = tpu.memref_slice %arg11[%add3A_66] : memref<10240xf32, #tpu.memory_space<vmem_shared>> -> memref<128xf32, #tpu.memory_space<vmem_shared>>
      tpu.enqueue_dma source(%arg9 : memref<128xf32, #tpu.memory_space<vmem>>) target(%dma_start3A_80 : memref<128xf32, #tpu.memory_space<vmem_shared>>) target_semaphore(%run_scoped3A : memref<!tpu.dma_semaphore, #tpu.memory_space<semaphore_mem>>)
      %dma_wait3A = tpu.memref_slice %arg11[%add3A_66] : memref<10240xf32, #tpu.memory_space<vmem_shared>> -> memref<128xf32, #tpu.memory_space<vmem_shared>>
      %dma_wait3A_81 = tpu.memref_slice %arg11[%add3A_66] : memref<10240xf32, #tpu.memory_space<vmem_shared>> -> memref<128xf32, #tpu.memory_space<vmem_shared>>
      tpu.wait_dma2 semaphore(%run_scoped3A : memref<!tpu.dma_semaphore, #tpu.memory_space<semaphore_mem>>) src(%arg9 : memref<128xf32, #tpu.memory_space<vmem>>) dst(%dma_wait3A_81 : memref<128xf32, #tpu.memory_space<vmem_shared>>)
      tpu.yield
    }) : () -> ()
    "tpu.region"() ({
      %run_scoped3A = tpu.sem_alloc : memref<!tpu.dma_semaphore, #tpu.memory_space<semaphore_mem>>
      tpu.enqueue_dma source(%arg4 : memref<128xf32, #tpu.memory_space<hbm>>) target(%arg8 : memref<128xf32, #tpu.memory_space<vmem>>) target_semaphore(%run_scoped3A : memref<!tpu.dma_semaphore, #tpu.memory_space<semaphore_mem>>)
      tpu.wait_dma2 semaphore(%run_scoped3A : memref<!tpu.dma_semaphore, #tpu.memory_space<semaphore_mem>>) src(%arg4 : memref<128xf32, #tpu.memory_space<hbm>>) dst(%arg8 : memref<128xf32, #tpu.memory_space<vmem>>)
      tpu.yield
    }) : () -> ()
    %mul3A_67 = arith.constant 80 : i32
    %mul3A_68 = arith.muli %add3A, %mul3A_67 : i32
    "tpu.region"() ({
      %run_scoped3A = tpu.sem_alloc : memref<!tpu.dma_semaphore, #tpu.memory_space<semaphore_mem>>
      %dma_start3A = arith.constant 0 : i32
      %dma_start3A_80 = tpu.memref_slice %arg2[%mul3A_68, %dma_start3A] : memref<2560x128xi32, #tpu.memory_space<hbm>> -> memref<80x128xi32, #tpu.memory_space<hbm>>
      %dma_start3A_81 = arith.constant 0 : i32
      %dma_start3A_82 = tpu.memref_slice %arg2[%mul3A_68, %dma_start3A_81] : memref<2560x128xi32, #tpu.memory_space<hbm>> -> memref<80x128xi32, #tpu.memory_space<hbm>>
      tpu.enqueue_dma source(%dma_start3A_82 : memref<80x128xi32, #tpu.memory_space<hbm>>) target(%arg6 : memref<80x128xi32, #tpu.memory_space<vmem>>) target_semaphore(%run_scoped3A : memref<!tpu.dma_semaphore, #tpu.memory_space<semaphore_mem>>)
      %dma_wait3A = arith.constant 0 : i32
      %dma_wait3A_83 = tpu.memref_slice %arg2[%mul3A_68, %dma_wait3A] : memref<2560x128xi32, #tpu.memory_space<hbm>> -> memref<80x128xi32, #tpu.memory_space<hbm>>
      %dma_wait3A_84 = arith.constant 0 : i32
      %dma_wait3A_85 = tpu.memref_slice %arg2[%mul3A_68, %dma_wait3A_84] : memref<2560x128xi32, #tpu.memory_space<hbm>> -> memref<80x128xi32, #tpu.memory_space<hbm>>
      tpu.wait_dma2 semaphore(%run_scoped3A : memref<!tpu.dma_semaphore, #tpu.memory_space<semaphore_mem>>) src(%dma_wait3A_85 : memref<80x128xi32, #tpu.memory_space<hbm>>) dst(%arg6 : memref<80x128xi32, #tpu.memory_space<vmem>>)
      tpu.yield
    }) : () -> ()
    %mul3A_69 = arith.constant 80 : i32
    %mul3A_70 = arith.muli %add3A, %mul3A_69 : i32
    "tpu.region"() ({
      %run_scoped3A = tpu.sem_alloc : memref<!tpu.dma_semaphore, #tpu.memory_space<semaphore_mem>>
      %dma_start3A = arith.constant 0 : i32
      %dma_start3A_80 = tpu.memref_slice %arg3[%mul3A_70, %dma_start3A] : memref<2560x128xi32, #tpu.memory_space<hbm>> -> memref<80x128xi32, #tpu.memory_space<hbm>>
      %dma_start3A_81 = arith.constant 0 : i32
      %dma_start3A_82 = tpu.memref_slice %arg3[%mul3A_70, %dma_start3A_81] : memref<2560x128xi32, #tpu.memory_space<hbm>> -> memref<80x128xi32, #tpu.memory_space<hbm>>
      tpu.enqueue_dma source(%dma_start3A_82 : memref<80x128xi32, #tpu.memory_space<hbm>>) target(%arg7 : memref<80x128xi32, #tpu.memory_space<vmem>>) target_semaphore(%run_scoped3A : memref<!tpu.dma_semaphore, #tpu.memory_space<semaphore_mem>>)
      %dma_wait3A = arith.constant 0 : i32
      %dma_wait3A_83 = tpu.memref_slice %arg3[%mul3A_70, %dma_wait3A] : memref<2560x128xi32, #tpu.memory_space<hbm>> -> memref<80x128xi32, #tpu.memory_space<hbm>>
      %dma_wait3A_84 = arith.constant 0 : i32
      %dma_wait3A_85 = tpu.memref_slice %arg3[%mul3A_70, %dma_wait3A_84] : memref<2560x128xi32, #tpu.memory_space<hbm>> -> memref<80x128xi32, #tpu.memory_space<hbm>>
      tpu.wait_dma2 semaphore(%run_scoped3A : memref<!tpu.dma_semaphore, #tpu.memory_space<semaphore_mem>>) src(%dma_wait3A_85 : memref<80x128xi32, #tpu.memory_space<hbm>>) dst(%arg7 : memref<80x128xi32, #tpu.memory_space<vmem>>)
      tpu.yield
    }) : () -> ()
    %barrier3A = arith.constant 0 : index
    tpu.barrier barrier_id(%barrier3A)
    %scan3A = arith.constant 0 : i32
    %scan3A_71 = arith.constant 0 : i32
    %scan3A_72 = arith.constant 10 : i32
    %scan3A_73 = arith.addi %scan3A_71, %scan3A_72 : i32
    %scan3A_74 = arith.constant 1 : i32
    %scan3A_75 = scf.for %scan3A_80 = %scan3A_71 to %scan3A_73 step %scan3A_74 iter_args(%scan3A_81 = %scan3A) -> (i32)  : i32 {
      %mul3A_82 = arith.constant 8 : i32
      %mul3A_83 = arith.muli %scan3A_80, %mul3A_82 : i32
      %add3A_84 = arith.constant 0 : i32
      %add3A_85 = arith.addi %mul3A_83, %add3A_84 : i32
      %dma_start3A = arith.constant 0 : i32
      %dma_start3A_86 = tpu.memref_slice %arg6[%add3A_85, %dma_start3A] : memref<80x128xi32, #tpu.memory_space<vmem>> -> memref<1x128xi32, #tpu.memory_space<vmem>>
      %dma_start3A_87 = tpu.memref_squeeze %dma_start3A_86 : memref<1x128xi32, #tpu.memory_space<vmem>> -> memref<128xi32, #tpu.memory_space<vmem>>
      %dma_start3A_88 = arith.constant 0 : i32
      %dma_start3A_89 = tpu.memref_slice %arg10[%dma_start3A_88] : memref<10240xf32, #tpu.memory_space<vmem_shared>> -> memref<10240xf32, #tpu.memory_space<vmem_shared>>
      tpu.enqueue_indirect_dma source(%arg8 : memref<128xf32, #tpu.memory_space<vmem>>) target(%dma_start3A_89 : memref<10240xf32, #tpu.memory_space<vmem_shared>>) offsets(%dma_start3A_87 : memref<128xi32, #tpu.memory_space<vmem>>) semaphore(%arg12 : memref<!tpu.dma_semaphore, #tpu.memory_space<semaphore_mem>>) {add = true}
      %dma_start3A_90 = arith.constant 0 : i32
      %dma_start3A_91 = tpu.memref_slice %arg7[%add3A_85, %dma_start3A_90] : memref<80x128xi32, #tpu.memory_space<vmem>> -> memref<1x128xi32, #tpu.memory_space<vmem>>
      %dma_start3A_92 = tpu.memref_squeeze %dma_start3A_91 : memref<1x128xi32, #tpu.memory_space<vmem>> -> memref<128xi32, #tpu.memory_space<vmem>>
      %dma_start3A_93 = arith.constant 0 : i32
      %dma_start3A_94 = tpu.memref_slice %arg11[%dma_start3A_93] : memref<10240xf32, #tpu.memory_space<vmem_shared>> -> memref<10240xf32, #tpu.memory_space<vmem_shared>>
      tpu.enqueue_indirect_dma source(%arg8 : memref<128xf32, #tpu.memory_space<vmem>>) target(%dma_start3A_94 : memref<10240xf32, #tpu.memory_space<vmem_shared>>) offsets(%dma_start3A_92 : memref<128xi32, #tpu.memory_space<vmem>>) semaphore(%arg12 : memref<!tpu.dma_semaphore, #tpu.memory_space<semaphore_mem>>) {add = true}
      %mul3A_95 = arith.constant 8 : i32
      %mul3A_96 = arith.muli %scan3A_80, %mul3A_95 : i32
      %add3A_97 = arith.constant 1 : i32
      %add3A_98 = arith.addi %mul3A_96, %add3A_97 : i32
      %dma_start3A_99 = arith.constant 0 : i32
      %dma_start3A_100 = tpu.memref_slice %arg6[%add3A_98, %dma_start3A_99] : memref<80x128xi32, #tpu.memory_space<vmem>> -> memref<1x128xi32, #tpu.memory_space<vmem>>
      %dma_start3A_101 = tpu.memref_squeeze %dma_start3A_100 : memref<1x128xi32, #tpu.memory_space<vmem>> -> memref<128xi32, #tpu.memory_space<vmem>>
      %dma_start3A_102 = arith.constant 0 : i32
      %dma_start3A_103 = tpu.memref_slice %arg10[%dma_start3A_102] : memref<10240xf32, #tpu.memory_space<vmem_shared>> -> memref<10240xf32, #tpu.memory_space<vmem_shared>>
      tpu.enqueue_indirect_dma source(%arg8 : memref<128xf32, #tpu.memory_space<vmem>>) target(%dma_start3A_103 : memref<10240xf32, #tpu.memory_space<vmem_shared>>) offsets(%dma_start3A_101 : memref<128xi32, #tpu.memory_space<vmem>>) semaphore(%arg12 : memref<!tpu.dma_semaphore, #tpu.memory_space<semaphore_mem>>) {add = true}
      %dma_start3A_104 = arith.constant 0 : i32
      %dma_start3A_105 = tpu.memref_slice %arg7[%add3A_98, %dma_start3A_104] : memref<80x128xi32, #tpu.memory_space<vmem>> -> memref<1x128xi32, #tpu.memory_space<vmem>>
      %dma_start3A_106 = tpu.memref_squeeze %dma_start3A_105 : memref<1x128xi32, #tpu.memory_space<vmem>> -> memref<128xi32, #tpu.memory_space<vmem>>
      %dma_start3A_107 = arith.constant 0 : i32
      %dma_start3A_108 = tpu.memref_slice %arg11[%dma_start3A_107] : memref<10240xf32, #tpu.memory_space<vmem_shared>> -> memref<10240xf32, #tpu.memory_space<vmem_shared>>
      tpu.enqueue_indirect_dma source(%arg8 : memref<128xf32, #tpu.memory_space<vmem>>) target(%dma_start3A_108 : memref<10240xf32, #tpu.memory_space<vmem_shared>>) offsets(%dma_start3A_106 : memref<128xi32, #tpu.memory_space<vmem>>) semaphore(%arg12 : memref<!tpu.dma_semaphore, #tpu.memory_space<semaphore_mem>>) {add = true}
      %mul3A_109 = arith.constant 8 : i32
      %mul3A_110 = arith.muli %scan3A_80, %mul3A_109 : i32
      %add3A_111 = arith.constant 2 : i32
      %add3A_112 = arith.addi %mul3A_110, %add3A_111 : i32
      %dma_start3A_113 = arith.constant 0 : i32
      %dma_start3A_114 = tpu.memref_slice %arg6[%add3A_112, %dma_start3A_113] : memref<80x128xi32, #tpu.memory_space<vmem>> -> memref<1x128xi32, #tpu.memory_space<vmem>>
      %dma_start3A_115 = tpu.memref_squeeze %dma_start3A_114 : memref<1x128xi32, #tpu.memory_space<vmem>> -> memref<128xi32, #tpu.memory_space<vmem>>
      %dma_start3A_116 = arith.constant 0 : i32
      %dma_start3A_117 = tpu.memref_slice %arg10[%dma_start3A_116] : memref<10240xf32, #tpu.memory_space<vmem_shared>> -> memref<10240xf32, #tpu.memory_space<vmem_shared>>
      tpu.enqueue_indirect_dma source(%arg8 : memref<128xf32, #tpu.memory_space<vmem>>) target(%dma_start3A_117 : memref<10240xf32, #tpu.memory_space<vmem_shared>>) offsets(%dma_start3A_115 : memref<128xi32, #tpu.memory_space<vmem>>) semaphore(%arg12 : memref<!tpu.dma_semaphore, #tpu.memory_space<semaphore_mem>>) {add = true}
      %dma_start3A_118 = arith.constant 0 : i32
      %dma_start3A_119 = tpu.memref_slice %arg7[%add3A_112, %dma_start3A_118] : memref<80x128xi32, #tpu.memory_space<vmem>> -> memref<1x128xi32, #tpu.memory_space<vmem>>
      %dma_start3A_120 = tpu.memref_squeeze %dma_start3A_119 : memref<1x128xi32, #tpu.memory_space<vmem>> -> memref<128xi32, #tpu.memory_space<vmem>>
      %dma_start3A_121 = arith.constant 0 : i32
      %dma_start3A_122 = tpu.memref_slice %arg11[%dma_start3A_121] : memref<10240xf32, #tpu.memory_space<vmem_shared>> -> memref<10240xf32, #tpu.memory_space<vmem_shared>>
      tpu.enqueue_indirect_dma source(%arg8 : memref<128xf32, #tpu.memory_space<vmem>>) target(%dma_start3A_122 : memref<10240xf32, #tpu.memory_space<vmem_shared>>) offsets(%dma_start3A_120 : memref<128xi32, #tpu.memory_space<vmem>>) semaphore(%arg12 : memref<!tpu.dma_semaphore, #tpu.memory_space<semaphore_mem>>) {add = true}
      %mul3A_123 = arith.constant 8 : i32
      %mul3A_124 = arith.muli %scan3A_80, %mul3A_123 : i32
      %add3A_125 = arith.constant 3 : i32
      %add3A_126 = arith.addi %mul3A_124, %add3A_125 : i32
      %dma_start3A_127 = arith.constant 0 : i32
      %dma_start3A_128 = tpu.memref_slice %arg6[%add3A_126, %dma_start3A_127] : memref<80x128xi32, #tpu.memory_space<vmem>> -> memref<1x128xi32, #tpu.memory_space<vmem>>
      %dma_start3A_129 = tpu.memref_squeeze %dma_start3A_128 : memref<1x128xi32, #tpu.memory_space<vmem>> -> memref<128xi32, #tpu.memory_space<vmem>>
      %dma_start3A_130 = arith.constant 0 : i32
      %dma_start3A_131 = tpu.memref_slice %arg10[%dma_start3A_130] : memref<10240xf32, #tpu.memory_space<vmem_shared>> -> memref<10240xf32, #tpu.memory_space<vmem_shared>>
      tpu.enqueue_indirect_dma source(%arg8 : memref<128xf32, #tpu.memory_space<vmem>>) target(%dma_start3A_131 : memref<10240xf32, #tpu.memory_space<vmem_shared>>) offsets(%dma_start3A_129 : memref<128xi32, #tpu.memory_space<vmem>>) semaphore(%arg12 : memref<!tpu.dma_semaphore, #tpu.memory_space<semaphore_mem>>) {add = true}
      %dma_start3A_132 = arith.constant 0 : i32
      %dma_start3A_133 = tpu.memref_slice %arg7[%add3A_126, %dma_start3A_132] : memref<80x128xi32, #tpu.memory_space<vmem>> -> memref<1x128xi32, #tpu.memory_space<vmem>>
      %dma_start3A_134 = tpu.memref_squeeze %dma_start3A_133 : memref<1x128xi32, #tpu.memory_space<vmem>> -> memref<128xi32, #tpu.memory_space<vmem>>
      %dma_start3A_135 = arith.constant 0 : i32
      %dma_start3A_136 = tpu.memref_slice %arg11[%dma_start3A_135] : memref<10240xf32, #tpu.memory_space<vmem_shared>> -> memref<10240xf32, #tpu.memory_space<vmem_shared>>
      tpu.enqueue_indirect_dma source(%arg8 : memref<128xf32, #tpu.memory_space<vmem>>) target(%dma_start3A_136 : memref<10240xf32, #tpu.memory_space<vmem_shared>>) offsets(%dma_start3A_134 : memref<128xi32, #tpu.memory_space<vmem>>) semaphore(%arg12 : memref<!tpu.dma_semaphore, #tpu.memory_space<semaphore_mem>>) {add = true}
      %mul3A_137 = arith.constant 8 : i32
      %mul3A_138 = arith.muli %scan3A_80, %mul3A_137 : i32
      %add3A_139 = arith.constant 4 : i32
      %add3A_140 = arith.addi %mul3A_138, %add3A_139 : i32
      %dma_start3A_141 = arith.constant 0 : i32
      %dma_start3A_142 = tpu.memref_slice %arg6[%add3A_140, %dma_start3A_141] : memref<80x128xi32, #tpu.memory_space<vmem>> -> memref<1x128xi32, #tpu.memory_space<vmem>>
      %dma_start3A_143 = tpu.memref_squeeze %dma_start3A_142 : memref<1x128xi32, #tpu.memory_space<vmem>> -> memref<128xi32, #tpu.memory_space<vmem>>
      %dma_start3A_144 = arith.constant 0 : i32
      %dma_start3A_145 = tpu.memref_slice %arg10[%dma_start3A_144] : memref<10240xf32, #tpu.memory_space<vmem_shared>> -> memref<10240xf32, #tpu.memory_space<vmem_shared>>
      tpu.enqueue_indirect_dma source(%arg8 : memref<128xf32, #tpu.memory_space<vmem>>) target(%dma_start3A_145 : memref<10240xf32, #tpu.memory_space<vmem_shared>>) offsets(%dma_start3A_143 : memref<128xi32, #tpu.memory_space<vmem>>) semaphore(%arg12 : memref<!tpu.dma_semaphore, #tpu.memory_space<semaphore_mem>>) {add = true}
      %dma_start3A_146 = arith.constant 0 : i32
      %dma_start3A_147 = tpu.memref_slice %arg7[%add3A_140, %dma_start3A_146] : memref<80x128xi32, #tpu.memory_space<vmem>> -> memref<1x128xi32, #tpu.memory_space<vmem>>
      %dma_start3A_148 = tpu.memref_squeeze %dma_start3A_147 : memref<1x128xi32, #tpu.memory_space<vmem>> -> memref<128xi32, #tpu.memory_space<vmem>>
      %dma_start3A_149 = arith.constant 0 : i32
      %dma_start3A_150 = tpu.memref_slice %arg11[%dma_start3A_149] : memref<10240xf32, #tpu.memory_space<vmem_shared>> -> memref<10240xf32, #tpu.memory_space<vmem_shared>>
      tpu.enqueue_indirect_dma source(%arg8 : memref<128xf32, #tpu.memory_space<vmem>>) target(%dma_start3A_150 : memref<10240xf32, #tpu.memory_space<vmem_shared>>) offsets(%dma_start3A_148 : memref<128xi32, #tpu.memory_space<vmem>>) semaphore(%arg12 : memref<!tpu.dma_semaphore, #tpu.memory_space<semaphore_mem>>) {add = true}
      %mul3A_151 = arith.constant 8 : i32
      %mul3A_152 = arith.muli %scan3A_80, %mul3A_151 : i32
      %add3A_153 = arith.constant 5 : i32
      %add3A_154 = arith.addi %mul3A_152, %add3A_153 : i32
      %dma_start3A_155 = arith.constant 0 : i32
      %dma_start3A_156 = tpu.memref_slice %arg6[%add3A_154, %dma_start3A_155] : memref<80x128xi32, #tpu.memory_space<vmem>> -> memref<1x128xi32, #tpu.memory_space<vmem>>
      %dma_start3A_157 = tpu.memref_squeeze %dma_start3A_156 : memref<1x128xi32, #tpu.memory_space<vmem>> -> memref<128xi32, #tpu.memory_space<vmem>>
      %dma_start3A_158 = arith.constant 0 : i32
      %dma_start3A_159 = tpu.memref_slice %arg10[%dma_start3A_158] : memref<10240xf32, #tpu.memory_space<vmem_shared>> -> memref<10240xf32, #tpu.memory_space<vmem_shared>>
      tpu.enqueue_indirect_dma source(%arg8 : memref<128xf32, #tpu.memory_space<vmem>>) target(%dma_start3A_159 : memref<10240xf32, #tpu.memory_space<vmem_shared>>) offsets(%dma_start3A_157 : memref<128xi32, #tpu.memory_space<vmem>>) semaphore(%arg12 : memref<!tpu.dma_semaphore, #tpu.memory_space<semaphore_mem>>) {add = true}
      %dma_start3A_160 = arith.constant 0 : i32
      %dma_start3A_161 = tpu.memref_slice %arg7[%add3A_154, %dma_start3A_160] : memref<80x128xi32, #tpu.memory_space<vmem>> -> memref<1x128xi32, #tpu.memory_space<vmem>>
      %dma_start3A_162 = tpu.memref_squeeze %dma_start3A_161 : memref<1x128xi32, #tpu.memory_space<vmem>> -> memref<128xi32, #tpu.memory_space<vmem>>
      %dma_start3A_163 = arith.constant 0 : i32
      %dma_start3A_164 = tpu.memref_slice %arg11[%dma_start3A_163] : memref<10240xf32, #tpu.memory_space<vmem_shared>> -> memref<10240xf32, #tpu.memory_space<vmem_shared>>
      tpu.enqueue_indirect_dma source(%arg8 : memref<128xf32, #tpu.memory_space<vmem>>) target(%dma_start3A_164 : memref<10240xf32, #tpu.memory_space<vmem_shared>>) offsets(%dma_start3A_162 : memref<128xi32, #tpu.memory_space<vmem>>) semaphore(%arg12 : memref<!tpu.dma_semaphore, #tpu.memory_space<semaphore_mem>>) {add = true}
      %mul3A_165 = arith.constant 8 : i32
      %mul3A_166 = arith.muli %scan3A_80, %mul3A_165 : i32
      %add3A_167 = arith.constant 6 : i32
      %add3A_168 = arith.addi %mul3A_166, %add3A_167 : i32
      %dma_start3A_169 = arith.constant 0 : i32
      %dma_start3A_170 = tpu.memref_slice %arg6[%add3A_168, %dma_start3A_169] : memref<80x128xi32, #tpu.memory_space<vmem>> -> memref<1x128xi32, #tpu.memory_space<vmem>>
      %dma_start3A_171 = tpu.memref_squeeze %dma_start3A_170 : memref<1x128xi32, #tpu.memory_space<vmem>> -> memref<128xi32, #tpu.memory_space<vmem>>
      %dma_start3A_172 = arith.constant 0 : i32
      %dma_start3A_173 = tpu.memref_slice %arg10[%dma_start3A_172] : memref<10240xf32, #tpu.memory_space<vmem_shared>> -> memref<10240xf32, #tpu.memory_space<vmem_shared>>
      tpu.enqueue_indirect_dma source(%arg8 : memref<128xf32, #tpu.memory_space<vmem>>) target(%dma_start3A_173 : memref<10240xf32, #tpu.memory_space<vmem_shared>>) offsets(%dma_start3A_171 : memref<128xi32, #tpu.memory_space<vmem>>) semaphore(%arg12 : memref<!tpu.dma_semaphore, #tpu.memory_space<semaphore_mem>>) {add = true}
      %dma_start3A_174 = arith.constant 0 : i32
      %dma_start3A_175 = tpu.memref_slice %arg7[%add3A_168, %dma_start3A_174] : memref<80x128xi32, #tpu.memory_space<vmem>> -> memref<1x128xi32, #tpu.memory_space<vmem>>
      %dma_start3A_176 = tpu.memref_squeeze %dma_start3A_175 : memref<1x128xi32, #tpu.memory_space<vmem>> -> memref<128xi32, #tpu.memory_space<vmem>>
      %dma_start3A_177 = arith.constant 0 : i32
      %dma_start3A_178 = tpu.memref_slice %arg11[%dma_start3A_177] : memref<10240xf32, #tpu.memory_space<vmem_shared>> -> memref<10240xf32, #tpu.memory_space<vmem_shared>>
      tpu.enqueue_indirect_dma source(%arg8 : memref<128xf32, #tpu.memory_space<vmem>>) target(%dma_start3A_178 : memref<10240xf32, #tpu.memory_space<vmem_shared>>) offsets(%dma_start3A_176 : memref<128xi32, #tpu.memory_space<vmem>>) semaphore(%arg12 : memref<!tpu.dma_semaphore, #tpu.memory_space<semaphore_mem>>) {add = true}
      %mul3A_179 = arith.constant 8 : i32
      %mul3A_180 = arith.muli %scan3A_80, %mul3A_179 : i32
      %add3A_181 = arith.constant 7 : i32
      %add3A_182 = arith.addi %mul3A_180, %add3A_181 : i32
      %dma_start3A_183 = arith.constant 0 : i32
      %dma_start3A_184 = tpu.memref_slice %arg6[%add3A_182, %dma_start3A_183] : memref<80x128xi32, #tpu.memory_space<vmem>> -> memref<1x128xi32, #tpu.memory_space<vmem>>
      %dma_start3A_185 = tpu.memref_squeeze %dma_start3A_184 : memref<1x128xi32, #tpu.memory_space<vmem>> -> memref<128xi32, #tpu.memory_space<vmem>>
      %dma_start3A_186 = arith.constant 0 : i32
      %dma_start3A_187 = tpu.memref_slice %arg10[%dma_start3A_186] : memref<10240xf32, #tpu.memory_space<vmem_shared>> -> memref<10240xf32, #tpu.memory_space<vmem_shared>>
      tpu.enqueue_indirect_dma source(%arg8 : memref<128xf32, #tpu.memory_space<vmem>>) target(%dma_start3A_187 : memref<10240xf32, #tpu.memory_space<vmem_shared>>) offsets(%dma_start3A_185 : memref<128xi32, #tpu.memory_space<vmem>>) semaphore(%arg12 : memref<!tpu.dma_semaphore, #tpu.memory_space<semaphore_mem>>) {add = true}
      %dma_start3A_188 = arith.constant 0 : i32
      %dma_start3A_189 = tpu.memref_slice %arg7[%add3A_182, %dma_start3A_188] : memref<80x128xi32, #tpu.memory_space<vmem>> -> memref<1x128xi32, #tpu.memory_space<vmem>>
      %dma_start3A_190 = tpu.memref_squeeze %dma_start3A_189 : memref<1x128xi32, #tpu.memory_space<vmem>> -> memref<128xi32, #tpu.memory_space<vmem>>
      %dma_start3A_191 = arith.constant 0 : i32
      %dma_start3A_192 = tpu.memref_slice %arg11[%dma_start3A_191] : memref<10240xf32, #tpu.memory_space<vmem_shared>> -> memref<10240xf32, #tpu.memory_space<vmem_shared>>
      tpu.enqueue_indirect_dma source(%arg8 : memref<128xf32, #tpu.memory_space<vmem>>) target(%dma_start3A_192 : memref<10240xf32, #tpu.memory_space<vmem_shared>>) offsets(%dma_start3A_190 : memref<128xi32, #tpu.memory_space<vmem>>) semaphore(%arg12 : memref<!tpu.dma_semaphore, #tpu.memory_space<semaphore_mem>>) {add = true}
      %mul3A_193 = arith.constant 8 : i32
      %mul3A_194 = arith.muli %scan3A_80, %mul3A_193 : i32
      %add3A_195 = arith.constant 0 : i32
      %add3A_196 = arith.addi %mul3A_194, %add3A_195 : i32
      %dma_wait3A = arith.constant 0 : i32
      %dma_wait3A_197 = tpu.memref_slice %arg6[%add3A_196, %dma_wait3A] : memref<80x128xi32, #tpu.memory_space<vmem>> -> memref<1x128xi32, #tpu.memory_space<vmem>>
      %dma_wait3A_198 = tpu.memref_squeeze %dma_wait3A_197 : memref<1x128xi32, #tpu.memory_space<vmem>> -> memref<128xi32, #tpu.memory_space<vmem>>
      %dma_wait3A_199 = arith.constant 0 : i32
      %dma_wait3A_200 = tpu.memref_slice %arg10[%dma_wait3A_199] : memref<10240xf32, #tpu.memory_space<vmem_shared>> -> memref<10240xf32, #tpu.memory_space<vmem_shared>>
      tpu.wait_indirect_dma semaphore(%arg12 : memref<!tpu.dma_semaphore, #tpu.memory_space<semaphore_mem>>) src(%arg8 : memref<128xf32, #tpu.memory_space<vmem>>) dst(%dma_wait3A_200 : memref<10240xf32, #tpu.memory_space<vmem_shared>>)
      %dma_wait3A_201 = arith.constant 0 : i32
      %dma_wait3A_202 = tpu.memref_slice %arg7[%add3A_196, %dma_wait3A_201] : memref<80x128xi32, #tpu.memory_space<vmem>> -> memref<1x128xi32, #tpu.memory_space<vmem>>
      %dma_wait3A_203 = tpu.memref_squeeze %dma_wait3A_202 : memref<1x128xi32, #tpu.memory_space<vmem>> -> memref<128xi32, #tpu.memory_space<vmem>>
      %dma_wait3A_204 = arith.constant 0 : i32
      %dma_wait3A_205 = tpu.memref_slice %arg11[%dma_wait3A_204] : memref<10240xf32, #tpu.memory_space<vmem_shared>> -> memref<10240xf32, #tpu.memory_space<vmem_shared>>
      tpu.wait_indirect_dma semaphore(%arg12 : memref<!tpu.dma_semaphore, #tpu.memory_space<semaphore_mem>>) src(%arg8 : memref<128xf32, #tpu.memory_space<vmem>>) dst(%dma_wait3A_205 : memref<10240xf32, #tpu.memory_space<vmem_shared>>)
      %mul3A_206 = arith.constant 8 : i32
      %mul3A_207 = arith.muli %scan3A_80, %mul3A_206 : i32
      %add3A_208 = arith.constant 1 : i32
      %add3A_209 = arith.addi %mul3A_207, %add3A_208 : i32
      %dma_wait3A_210 = arith.constant 0 : i32
      %dma_wait3A_211 = tpu.memref_slice %arg6[%add3A_209, %dma_wait3A_210] : memref<80x128xi32, #tpu.memory_space<vmem>> -> memref<1x128xi32, #tpu.memory_space<vmem>>
      %dma_wait3A_212 = tpu.memref_squeeze %dma_wait3A_211 : memref<1x128xi32, #tpu.memory_space<vmem>> -> memref<128xi32, #tpu.memory_space<vmem>>
      %dma_wait3A_213 = arith.constant 0 : i32
      %dma_wait3A_214 = tpu.memref_slice %arg10[%dma_wait3A_213] : memref<10240xf32, #tpu.memory_space<vmem_shared>> -> memref<10240xf32, #tpu.memory_space<vmem_shared>>
      tpu.wait_indirect_dma semaphore(%arg12 : memref<!tpu.dma_semaphore, #tpu.memory_space<semaphore_mem>>) src(%arg8 : memref<128xf32, #tpu.memory_space<vmem>>) dst(%dma_wait3A_214 : memref<10240xf32, #tpu.memory_space<vmem_shared>>)
      %dma_wait3A_215 = arith.constant 0 : i32
      %dma_wait3A_216 = tpu.memref_slice %arg7[%add3A_209, %dma_wait3A_215] : memref<80x128xi32, #tpu.memory_space<vmem>> -> memref<1x128xi32, #tpu.memory_space<vmem>>
      %dma_wait3A_217 = tpu.memref_squeeze %dma_wait3A_216 : memref<1x128xi32, #tpu.memory_space<vmem>> -> memref<128xi32, #tpu.memory_space<vmem>>
      %dma_wait3A_218 = arith.constant 0 : i32
      %dma_wait3A_219 = tpu.memref_slice %arg11[%dma_wait3A_218] : memref<10240xf32, #tpu.memory_space<vmem_shared>> -> memref<10240xf32, #tpu.memory_space<vmem_shared>>
      tpu.wait_indirect_dma semaphore(%arg12 : memref<!tpu.dma_semaphore, #tpu.memory_space<semaphore_mem>>) src(%arg8 : memref<128xf32, #tpu.memory_space<vmem>>) dst(%dma_wait3A_219 : memref<10240xf32, #tpu.memory_space<vmem_shared>>)
      %mul3A_220 = arith.constant 8 : i32
      %mul3A_221 = arith.muli %scan3A_80, %mul3A_220 : i32
      %add3A_222 = arith.constant 2 : i32
      %add3A_223 = arith.addi %mul3A_221, %add3A_222 : i32
      %dma_wait3A_224 = arith.constant 0 : i32
      %dma_wait3A_225 = tpu.memref_slice %arg6[%add3A_223, %dma_wait3A_224] : memref<80x128xi32, #tpu.memory_space<vmem>> -> memref<1x128xi32, #tpu.memory_space<vmem>>
      %dma_wait3A_226 = tpu.memref_squeeze %dma_wait3A_225 : memref<1x128xi32, #tpu.memory_space<vmem>> -> memref<128xi32, #tpu.memory_space<vmem>>
      %dma_wait3A_227 = arith.constant 0 : i32
      %dma_wait3A_228 = tpu.memref_slice %arg10[%dma_wait3A_227] : memref<10240xf32, #tpu.memory_space<vmem_shared>> -> memref<10240xf32, #tpu.memory_space<vmem_shared>>
      tpu.wait_indirect_dma semaphore(%arg12 : memref<!tpu.dma_semaphore, #tpu.memory_space<semaphore_mem>>) src(%arg8 : memref<128xf32, #tpu.memory_space<vmem>>) dst(%dma_wait3A_228 : memref<10240xf32, #tpu.memory_space<vmem_shared>>)
      %dma_wait3A_229 = arith.constant 0 : i32
      %dma_wait3A_230 = tpu.memref_slice %arg7[%add3A_223, %dma_wait3A_229] : memref<80x128xi32, #tpu.memory_space<vmem>> -> memref<1x128xi32, #tpu.memory_space<vmem>>
      %dma_wait3A_231 = tpu.memref_squeeze %dma_wait3A_230 : memref<1x128xi32, #tpu.memory_space<vmem>> -> memref<128xi32, #tpu.memory_space<vmem>>
      %dma_wait3A_232 = arith.constant 0 : i32
      %dma_wait3A_233 = tpu.memref_slice %arg11[%dma_wait3A_232] : memref<10240xf32, #tpu.memory_space<vmem_shared>> -> memref<10240xf32, #tpu.memory_space<vmem_shared>>
      tpu.wait_indirect_dma semaphore(%arg12 : memref<!tpu.dma_semaphore, #tpu.memory_space<semaphore_mem>>) src(%arg8 : memref<128xf32, #tpu.memory_space<vmem>>) dst(%dma_wait3A_233 : memref<10240xf32, #tpu.memory_space<vmem_shared>>)
      %mul3A_234 = arith.constant 8 : i32
      %mul3A_235 = arith.muli %scan3A_80, %mul3A_234 : i32
      %add3A_236 = arith.constant 3 : i32
      %add3A_237 = arith.addi %mul3A_235, %add3A_236 : i32
      %dma_wait3A_238 = arith.constant 0 : i32
      %dma_wait3A_239 = tpu.memref_slice %arg6[%add3A_237, %dma_wait3A_238] : memref<80x128xi32, #tpu.memory_space<vmem>> -> memref<1x128xi32, #tpu.memory_space<vmem>>
      %dma_wait3A_240 = tpu.memref_squeeze %dma_wait3A_239 : memref<1x128xi32, #tpu.memory_space<vmem>> -> memref<128xi32, #tpu.memory_space<vmem>>
      %dma_wait3A_241 = arith.constant 0 : i32
      %dma_wait3A_242 = tpu.memref_slice %arg10[%dma_wait3A_241] : memref<10240xf32, #tpu.memory_space<vmem_shared>> -> memref<10240xf32, #tpu.memory_space<vmem_shared>>
      tpu.wait_indirect_dma semaphore(%arg12 : memref<!tpu.dma_semaphore, #tpu.memory_space<semaphore_mem>>) src(%arg8 : memref<128xf32, #tpu.memory_space<vmem>>) dst(%dma_wait3A_242 : memref<10240xf32, #tpu.memory_space<vmem_shared>>)
      %dma_wait3A_243 = arith.constant 0 : i32
      %dma_wait3A_244 = tpu.memref_slice %arg7[%add3A_237, %dma_wait3A_243] : memref<80x128xi32, #tpu.memory_space<vmem>> -> memref<1x128xi32, #tpu.memory_space<vmem>>
      %dma_wait3A_245 = tpu.memref_squeeze %dma_wait3A_244 : memref<1x128xi32, #tpu.memory_space<vmem>> -> memref<128xi32, #tpu.memory_space<vmem>>
      %dma_wait3A_246 = arith.constant 0 : i32
      %dma_wait3A_247 = tpu.memref_slice %arg11[%dma_wait3A_246] : memref<10240xf32, #tpu.memory_space<vmem_shared>> -> memref<10240xf32, #tpu.memory_space<vmem_shared>>
      tpu.wait_indirect_dma semaphore(%arg12 : memref<!tpu.dma_semaphore, #tpu.memory_space<semaphore_mem>>) src(%arg8 : memref<128xf32, #tpu.memory_space<vmem>>) dst(%dma_wait3A_247 : memref<10240xf32, #tpu.memory_space<vmem_shared>>)
      %mul3A_248 = arith.constant 8 : i32
      %mul3A_249 = arith.muli %scan3A_80, %mul3A_248 : i32
      %add3A_250 = arith.constant 4 : i32
      %add3A_251 = arith.addi %mul3A_249, %add3A_250 : i32
      %dma_wait3A_252 = arith.constant 0 : i32
      %dma_wait3A_253 = tpu.memref_slice %arg6[%add3A_251, %dma_wait3A_252] : memref<80x128xi32, #tpu.memory_space<vmem>> -> memref<1x128xi32, #tpu.memory_space<vmem>>
      %dma_wait3A_254 = tpu.memref_squeeze %dma_wait3A_253 : memref<1x128xi32, #tpu.memory_space<vmem>> -> memref<128xi32, #tpu.memory_space<vmem>>
      %dma_wait3A_255 = arith.constant 0 : i32
      %dma_wait3A_256 = tpu.memref_slice %arg10[%dma_wait3A_255] : memref<10240xf32, #tpu.memory_space<vmem_shared>> -> memref<10240xf32, #tpu.memory_space<vmem_shared>>
      tpu.wait_indirect_dma semaphore(%arg12 : memref<!tpu.dma_semaphore, #tpu.memory_space<semaphore_mem>>) src(%arg8 : memref<128xf32, #tpu.memory_space<vmem>>) dst(%dma_wait3A_256 : memref<10240xf32, #tpu.memory_space<vmem_shared>>)
      %dma_wait3A_257 = arith.constant 0 : i32
      %dma_wait3A_258 = tpu.memref_slice %arg7[%add3A_251, %dma_wait3A_257] : memref<80x128xi32, #tpu.memory_space<vmem>> -> memref<1x128xi32, #tpu.memory_space<vmem>>
      %dma_wait3A_259 = tpu.memref_squeeze %dma_wait3A_258 : memref<1x128xi32, #tpu.memory_space<vmem>> -> memref<128xi32, #tpu.memory_space<vmem>>
      %dma_wait3A_260 = arith.constant 0 : i32
      %dma_wait3A_261 = tpu.memref_slice %arg11[%dma_wait3A_260] : memref<10240xf32, #tpu.memory_space<vmem_shared>> -> memref<10240xf32, #tpu.memory_space<vmem_shared>>
      tpu.wait_indirect_dma semaphore(%arg12 : memref<!tpu.dma_semaphore, #tpu.memory_space<semaphore_mem>>) src(%arg8 : memref<128xf32, #tpu.memory_space<vmem>>) dst(%dma_wait3A_261 : memref<10240xf32, #tpu.memory_space<vmem_shared>>)
      %mul3A_262 = arith.constant 8 : i32
      %mul3A_263 = arith.muli %scan3A_80, %mul3A_262 : i32
      %add3A_264 = arith.constant 5 : i32
      %add3A_265 = arith.addi %mul3A_263, %add3A_264 : i32
      %dma_wait3A_266 = arith.constant 0 : i32
      %dma_wait3A_267 = tpu.memref_slice %arg6[%add3A_265, %dma_wait3A_266] : memref<80x128xi32, #tpu.memory_space<vmem>> -> memref<1x128xi32, #tpu.memory_space<vmem>>
      %dma_wait3A_268 = tpu.memref_squeeze %dma_wait3A_267 : memref<1x128xi32, #tpu.memory_space<vmem>> -> memref<128xi32, #tpu.memory_space<vmem>>
      %dma_wait3A_269 = arith.constant 0 : i32
      %dma_wait3A_270 = tpu.memref_slice %arg10[%dma_wait3A_269] : memref<10240xf32, #tpu.memory_space<vmem_shared>> -> memref<10240xf32, #tpu.memory_space<vmem_shared>>
      tpu.wait_indirect_dma semaphore(%arg12 : memref<!tpu.dma_semaphore, #tpu.memory_space<semaphore_mem>>) src(%arg8 : memref<128xf32, #tpu.memory_space<vmem>>) dst(%dma_wait3A_270 : memref<10240xf32, #tpu.memory_space<vmem_shared>>)
      %dma_wait3A_271 = arith.constant 0 : i32
      %dma_wait3A_272 = tpu.memref_slice %arg7[%add3A_265, %dma_wait3A_271] : memref<80x128xi32, #tpu.memory_space<vmem>> -> memref<1x128xi32, #tpu.memory_space<vmem>>
      %dma_wait3A_273 = tpu.memref_squeeze %dma_wait3A_272 : memref<1x128xi32, #tpu.memory_space<vmem>> -> memref<128xi32, #tpu.memory_space<vmem>>
      %dma_wait3A_274 = arith.constant 0 : i32
      %dma_wait3A_275 = tpu.memref_slice %arg11[%dma_wait3A_274] : memref<10240xf32, #tpu.memory_space<vmem_shared>> -> memref<10240xf32, #tpu.memory_space<vmem_shared>>
      tpu.wait_indirect_dma semaphore(%arg12 : memref<!tpu.dma_semaphore, #tpu.memory_space<semaphore_mem>>) src(%arg8 : memref<128xf32, #tpu.memory_space<vmem>>) dst(%dma_wait3A_275 : memref<10240xf32, #tpu.memory_space<vmem_shared>>)
      %mul3A_276 = arith.constant 8 : i32
      %mul3A_277 = arith.muli %scan3A_80, %mul3A_276 : i32
      %add3A_278 = arith.constant 6 : i32
      %add3A_279 = arith.addi %mul3A_277, %add3A_278 : i32
      %dma_wait3A_280 = arith.constant 0 : i32
      %dma_wait3A_281 = tpu.memref_slice %arg6[%add3A_279, %dma_wait3A_280] : memref<80x128xi32, #tpu.memory_space<vmem>> -> memref<1x128xi32, #tpu.memory_space<vmem>>
      %dma_wait3A_282 = tpu.memref_squeeze %dma_wait3A_281 : memref<1x128xi32, #tpu.memory_space<vmem>> -> memref<128xi32, #tpu.memory_space<vmem>>
      %dma_wait3A_283 = arith.constant 0 : i32
      %dma_wait3A_284 = tpu.memref_slice %arg10[%dma_wait3A_283] : memref<10240xf32, #tpu.memory_space<vmem_shared>> -> memref<10240xf32, #tpu.memory_space<vmem_shared>>
      tpu.wait_indirect_dma semaphore(%arg12 : memref<!tpu.dma_semaphore, #tpu.memory_space<semaphore_mem>>) src(%arg8 : memref<128xf32, #tpu.memory_space<vmem>>) dst(%dma_wait3A_284 : memref<10240xf32, #tpu.memory_space<vmem_shared>>)
      %dma_wait3A_285 = arith.constant 0 : i32
      %dma_wait3A_286 = tpu.memref_slice %arg7[%add3A_279, %dma_wait3A_285] : memref<80x128xi32, #tpu.memory_space<vmem>> -> memref<1x128xi32, #tpu.memory_space<vmem>>
      %dma_wait3A_287 = tpu.memref_squeeze %dma_wait3A_286 : memref<1x128xi32, #tpu.memory_space<vmem>> -> memref<128xi32, #tpu.memory_space<vmem>>
      %dma_wait3A_288 = arith.constant 0 : i32
      %dma_wait3A_289 = tpu.memref_slice %arg11[%dma_wait3A_288] : memref<10240xf32, #tpu.memory_space<vmem_shared>> -> memref<10240xf32, #tpu.memory_space<vmem_shared>>
      tpu.wait_indirect_dma semaphore(%arg12 : memref<!tpu.dma_semaphore, #tpu.memory_space<semaphore_mem>>) src(%arg8 : memref<128xf32, #tpu.memory_space<vmem>>) dst(%dma_wait3A_289 : memref<10240xf32, #tpu.memory_space<vmem_shared>>)
      %mul3A_290 = arith.constant 8 : i32
      %mul3A_291 = arith.muli %scan3A_80, %mul3A_290 : i32
      %add3A_292 = arith.constant 7 : i32
      %add3A_293 = arith.addi %mul3A_291, %add3A_292 : i32
      %dma_wait3A_294 = arith.constant 0 : i32
      %dma_wait3A_295 = tpu.memref_slice %arg6[%add3A_293, %dma_wait3A_294] : memref<80x128xi32, #tpu.memory_space<vmem>> -> memref<1x128xi32, #tpu.memory_space<vmem>>
      %dma_wait3A_296 = tpu.memref_squeeze %dma_wait3A_295 : memref<1x128xi32, #tpu.memory_space<vmem>> -> memref<128xi32, #tpu.memory_space<vmem>>
      %dma_wait3A_297 = arith.constant 0 : i32
      %dma_wait3A_298 = tpu.memref_slice %arg10[%dma_wait3A_297] : memref<10240xf32, #tpu.memory_space<vmem_shared>> -> memref<10240xf32, #tpu.memory_space<vmem_shared>>
      tpu.wait_indirect_dma semaphore(%arg12 : memref<!tpu.dma_semaphore, #tpu.memory_space<semaphore_mem>>) src(%arg8 : memref<128xf32, #tpu.memory_space<vmem>>) dst(%dma_wait3A_298 : memref<10240xf32, #tpu.memory_space<vmem_shared>>)
      %dma_wait3A_299 = arith.constant 0 : i32
      %dma_wait3A_300 = tpu.memref_slice %arg7[%add3A_293, %dma_wait3A_299] : memref<80x128xi32, #tpu.memory_space<vmem>> -> memref<1x128xi32, #tpu.memory_space<vmem>>
      %dma_wait3A_301 = tpu.memref_squeeze %dma_wait3A_300 : memref<1x128xi32, #tpu.memory_space<vmem>> -> memref<128xi32, #tpu.memory_space<vmem>>
      %dma_wait3A_302 = arith.constant 0 : i32
      %dma_wait3A_303 = tpu.memref_slice %arg11[%dma_wait3A_302] : memref<10240xf32, #tpu.memory_space<vmem_shared>> -> memref<10240xf32, #tpu.memory_space<vmem_shared>>
      tpu.wait_indirect_dma semaphore(%arg12 : memref<!tpu.dma_semaphore, #tpu.memory_space<semaphore_mem>>) src(%arg8 : memref<128xf32, #tpu.memory_space<vmem>>) dst(%dma_wait3A_303 : memref<10240xf32, #tpu.memory_space<vmem_shared>>)
      %scan3A_304 = arith.constant 0 : i32
      scf.yield %scan3A_304 : i32
    }
    %scan3A_76 = arith.constant 10 : i32
    %barrier3A_77 = arith.constant 0 : index
    tpu.barrier barrier_id(%barrier3A_77)
    %eq3A = arith.constant 0 : i32
    %eq3A_78 = arith.cmpi eq, %arg1, %eq3A : i32
    %convert_element_type3A = arith.extui %eq3A_78 : i1 to i32
    %cond3A = arith.constant 0 : i32
    %cond3A_79 = arith.cmpi ne, %convert_element_type3A, %cond3A : i32
    scf.if %cond3A_79 {
      %run_scoped3A = arith.constant 0 : i32
      "tpu.region"() ({
        %run_scoped3A_81 = tpu.sem_alloc : memref<!tpu.dma_semaphore, #tpu.memory_space<semaphore_mem>>
        %dma_start3A = arith.constant 0 : i32
        %dma_start3A_82 = tpu.memref_slice %arg5[%arg0, %run_scoped3A, %dma_start3A] : memref<2x2x10240xf32, #tpu.memory_space<hbm>> -> memref<1x1x10240xf32, #tpu.memory_space<hbm>>
        %dma_start3A_83 = tpu.memref_squeeze %dma_start3A_82 : memref<1x1x10240xf32, #tpu.memory_space<hbm>> -> memref<10240xf32, #tpu.memory_space<hbm>>
        tpu.enqueue_dma source(%arg10 : memref<10240xf32, #tpu.memory_space<vmem_shared>>) target(%dma_start3A_83 : memref<10240xf32, #tpu.memory_space<hbm>>) target_semaphore(%run_scoped3A_81 : memref<!tpu.dma_semaphore, #tpu.memory_space<semaphore_mem>>)
        %dma_wait3A = arith.constant 0 : i32
        %dma_wait3A_84 = tpu.memref_slice %arg5[%arg0, %run_scoped3A, %dma_wait3A] : memref<2x2x10240xf32, #tpu.memory_space<hbm>> -> memref<1x1x10240xf32, #tpu.memory_space<hbm>>
        %dma_wait3A_85 = tpu.memref_squeeze %dma_wait3A_84 : memref<1x1x10240xf32, #tpu.memory_space<hbm>> -> memref<10240xf32, #tpu.memory_space<hbm>>
        tpu.wait_dma2 semaphore(%run_scoped3A_81 : memref<!tpu.dma_semaphore, #tpu.memory_space<semaphore_mem>>) src(%arg10 : memref<10240xf32, #tpu.memory_space<vmem_shared>>) dst(%dma_wait3A_85 : memref<10240xf32, #tpu.memory_space<hbm>>)
        tpu.yield
      }) : () -> ()
      %run_scoped3A_80 = arith.constant 1 : i32
      "tpu.region"() ({
        %run_scoped3A_81 = tpu.sem_alloc : memref<!tpu.dma_semaphore, #tpu.memory_space<semaphore_mem>>
        %dma_start3A = arith.constant 0 : i32
        %dma_start3A_82 = tpu.memref_slice %arg5[%arg0, %run_scoped3A_80, %dma_start3A] : memref<2x2x10240xf32, #tpu.memory_space<hbm>> -> memref<1x1x10240xf32, #tpu.memory_space<hbm>>
        %dma_start3A_83 = tpu.memref_squeeze %dma_start3A_82 : memref<1x1x10240xf32, #tpu.memory_space<hbm>> -> memref<10240xf32, #tpu.memory_space<hbm>>
        tpu.enqueue_dma source(%arg11 : memref<10240xf32, #tpu.memory_space<vmem_shared>>) target(%dma_start3A_83 : memref<10240xf32, #tpu.memory_space<hbm>>) target_semaphore(%run_scoped3A_81 : memref<!tpu.dma_semaphore, #tpu.memory_space<semaphore_mem>>)
        %dma_wait3A = arith.constant 0 : i32
        %dma_wait3A_84 = tpu.memref_slice %arg5[%arg0, %run_scoped3A_80, %dma_wait3A] : memref<2x2x10240xf32, #tpu.memory_space<hbm>> -> memref<1x1x10240xf32, #tpu.memory_space<hbm>>
        %dma_wait3A_85 = tpu.memref_squeeze %dma_wait3A_84 : memref<1x1x10240xf32, #tpu.memory_space<hbm>> -> memref<10240xf32, #tpu.memory_space<hbm>>
        tpu.wait_dma2 semaphore(%run_scoped3A_81 : memref<!tpu.dma_semaphore, #tpu.memory_space<semaphore_mem>>) src(%arg11 : memref<10240xf32, #tpu.memory_space<vmem_shared>>) dst(%dma_wait3A_85 : memref<10240xf32, #tpu.memory_space<hbm>>)
        tpu.yield
      }) : () -> ()
    } else {
    }
    return
  }
}

#map = affine_map<(d0, d1) -> (0, 0)>
#map1 = affine_map<(d0, d1) -> (0, 0, 0)>
module attributes {stable_mosaic.version = 14 : i64} {
  func.func @_sc_spmm(%arg0: i32, %arg1: i32, %arg2: memref<10240x128xf32, #tpu.memory_space<hbm>>, %arg3: memref<2560x128xi32, #tpu.memory_space<hbm>>, %arg4: memref<2560x128xi32, #tpu.memory_space<hbm>>, %arg5: memref<2x10240x128xf32, #tpu.memory_space<hbm>>, %arg6: memref<4x128xi32, #tpu.memory_space<vmem>>, %arg7: memref<4x128xi32, #tpu.memory_space<vmem>>, %arg8: memref<2x128x128xf32, #tpu.memory_space<vmem>>, %arg9: memref<10240x128xf32, #tpu.memory_space<vmem_shared>>, %arg10: memref<!tpu.dma_semaphore, #tpu.memory_space<semaphore_mem>>, %arg11: memref<!tpu.dma_semaphore, #tpu.memory_space<semaphore_mem>>, %arg12: memref<!tpu.dma_semaphore, #tpu.memory_space<semaphore_mem>>, %arg13: memref<!tpu.dma_semaphore, #tpu.memory_space<semaphore_mem>>, %arg14: memref<!tpu.dma_semaphore, #tpu.memory_space<semaphore_mem>>, %arg15: memref<!tpu.dma_semaphore, #tpu.memory_space<semaphore_mem>>, %arg16: memref<!tpu.dma_semaphore, #tpu.memory_space<semaphore_mem>>, %arg17: memref<!tpu.dma_semaphore, #tpu.memory_space<semaphore_mem>>) attributes {dimension_semantics = [#tpu.dimension_semantics<core_parallel>, #tpu.dimension_semantics<subcore_parallel>], iteration_bounds = array<i64: 2, 16>, scalar_prefetch = 0 : i64, scratch_operands = 12 : i64, tpu.core_type = #tpu.core_type<sc_vector_subcore>, window_params = [{transform_indices = #map}, {transform_indices = #map}, {transform_indices = #map}, {transform_indices = #map1}]} {
    %scan3A = arith.constant 0 : i32
    %scan3A_0 = arith.constant 0 : i32
    %scan3A_1 = arith.constant 0 : i32
    %scan3A_2 = arith.constant 128 : i32
    %scan3A_3 = arith.addi %scan3A_1, %scan3A_2 : i32
    %scan3A_4 = arith.constant 1 : i32
    %scan3A_5 = scf.for %scan3A_41 = %scan3A_1 to %scan3A_3 step %scan3A_4 iter_args(%scan3A_42 = %scan3A_0) -> (i32)  : i32 {
      %broadcast_in_dim3A = arith.constant 0.000000e+00 : f32
      %broadcast_in_dim3A_43 = vector.broadcast %broadcast_in_dim3A : f32 to vector<16xf32>
      %swap3A = arith.constant 0 : i32
      %swap3A_44 = arith.constant 0 : i32
      %swap3A_45 = tpu.memref_slice %arg8[%scan3A, %swap3A, %swap3A_44] : memref<2x128x128xf32, #tpu.memory_space<vmem>> -> memref<1x128x128xf32, #tpu.memory_space<vmem>>
      %swap3A_46 = tpu.memref_squeeze %swap3A_45 : memref<1x128x128xf32, #tpu.memory_space<vmem>> -> memref<128x128xf32, #tpu.memory_space<vmem>>
      %swap3A_47 = arith.index_cast %scan3A_41 : i32 to index
      %swap3A_48 = arith.constant 0 : index
      %swap3A_49 = tpu.vector_load %swap3A_46[%swap3A_47, %swap3A_48] {strides = array<i32>} : memref<128x128xf32, #tpu.memory_space<vmem>>, vector<1x16xf32>,
      %swap3A_50 = vector.shape_cast %swap3A_49 : vector<1x16xf32> to vector<16xf32>
      %swap3A_51 = vector.shape_cast %broadcast_in_dim3A_43 : vector<16xf32> to vector<1x16xf32>
      tpu.vector_store %swap3A_46[%swap3A_47, %swap3A_48], %swap3A_51 {strides = array<i32>} : memref<128x128xf32, #tpu.memory_space<vmem>>, vector<1x16xf32>,
      %broadcast_in_dim3A_52 = arith.constant 0.000000e+00 : f32
      %broadcast_in_dim3A_53 = vector.broadcast %broadcast_in_dim3A_52 : f32 to vector<16xf32>
      %swap3A_54 = arith.constant 0 : i32
      %swap3A_55 = arith.constant 0 : i32
      %swap3A_56 = tpu.memref_slice %arg8[%scan3A, %swap3A_54, %swap3A_55] : memref<2x128x128xf32, #tpu.memory_space<vmem>> -> memref<1x128x128xf32, #tpu.memory_space<vmem>>
      %swap3A_57 = tpu.memref_squeeze %swap3A_56 : memref<1x128x128xf32, #tpu.memory_space<vmem>> -> memref<128x128xf32, #tpu.memory_space<vmem>>
      %swap3A_58 = arith.index_cast %scan3A_41 : i32 to index
      %swap3A_59 = arith.constant 16 : index
      %swap3A_60 = tpu.vector_load %swap3A_57[%swap3A_58, %swap3A_59] {strides = array<i32>} : memref<128x128xf32, #tpu.memory_space<vmem>>, vector<1x16xf32>,
      %swap3A_61 = vector.shape_cast %swap3A_60 : vector<1x16xf32> to vector<16xf32>
      %swap3A_62 = vector.shape_cast %broadcast_in_dim3A_53 : vector<16xf32> to vector<1x16xf32>
      tpu.vector_store %swap3A_57[%swap3A_58, %swap3A_59], %swap3A_62 {strides = array<i32>} : memref<128x128xf32, #tpu.memory_space<vmem>>, vector<1x16xf32>,
      %broadcast_in_dim3A_63 = arith.constant 0.000000e+00 : f32
      %broadcast_in_dim3A_64 = vector.broadcast %broadcast_in_dim3A_63 : f32 to vector<16xf32>
      %swap3A_65 = arith.constant 0 : i32
      %swap3A_66 = arith.constant 0 : i32
      %swap3A_67 = tpu.memref_slice %arg8[%scan3A, %swap3A_65, %swap3A_66] : memref<2x128x128xf32, #tpu.memory_space<vmem>> -> memref<1x128x128xf32, #tpu.memory_space<vmem>>
      %swap3A_68 = tpu.memref_squeeze %swap3A_67 : memref<1x128x128xf32, #tpu.memory_space<vmem>> -> memref<128x128xf32, #tpu.memory_space<vmem>>
      %swap3A_69 = arith.index_cast %scan3A_41 : i32 to index
      %swap3A_70 = arith.constant 32 : index
      %swap3A_71 = tpu.vector_load %swap3A_68[%swap3A_69, %swap3A_70] {strides = array<i32>} : memref<128x128xf32, #tpu.memory_space<vmem>>, vector<1x16xf32>,
      %swap3A_72 = vector.shape_cast %swap3A_71 : vector<1x16xf32> to vector<16xf32>
      %swap3A_73 = vector.shape_cast %broadcast_in_dim3A_64 : vector<16xf32> to vector<1x16xf32>
      tpu.vector_store %swap3A_68[%swap3A_69, %swap3A_70], %swap3A_73 {strides = array<i32>} : memref<128x128xf32, #tpu.memory_space<vmem>>, vector<1x16xf32>,
      %broadcast_in_dim3A_74 = arith.constant 0.000000e+00 : f32
      %broadcast_in_dim3A_75 = vector.broadcast %broadcast_in_dim3A_74 : f32 to vector<16xf32>
      %swap3A_76 = arith.constant 0 : i32
      %swap3A_77 = arith.constant 0 : i32
      %swap3A_78 = tpu.memref_slice %arg8[%scan3A, %swap3A_76, %swap3A_77] : memref<2x128x128xf32, #tpu.memory_space<vmem>> -> memref<1x128x128xf32, #tpu.memory_space<vmem>>
      %swap3A_79 = tpu.memref_squeeze %swap3A_78 : memref<1x128x128xf32, #tpu.memory_space<vmem>> -> memref<128x128xf32, #tpu.memory_space<vmem>>
      %swap3A_80 = arith.index_cast %scan3A_41 : i32 to index
      %swap3A_81 = arith.constant 48 : index
      %swap3A_82 = tpu.vector_load %swap3A_79[%swap3A_80, %swap3A_81] {strides = array<i32>} : memref<128x128xf32, #tpu.memory_space<vmem>>, vector<1x16xf32>,
      %swap3A_83 = vector.shape_cast %swap3A_82 : vector<1x16xf32> to vector<16xf32>
      %swap3A_84 = vector.shape_cast %broadcast_in_dim3A_75 : vector<16xf32> to vector<1x16xf32>
      tpu.vector_store %swap3A_79[%swap3A_80, %swap3A_81], %swap3A_84 {strides = array<i32>} : memref<128x128xf32, #tpu.memory_space<vmem>>, vector<1x16xf32>,
      %broadcast_in_dim3A_85 = arith.constant 0.000000e+00 : f32
      %broadcast_in_dim3A_86 = vector.broadcast %broadcast_in_dim3A_85 : f32 to vector<16xf32>
      %swap3A_87 = arith.constant 0 : i32
      %swap3A_88 = arith.constant 0 : i32
      %swap3A_89 = tpu.memref_slice %arg8[%scan3A, %swap3A_87, %swap3A_88] : memref<2x128x128xf32, #tpu.memory_space<vmem>> -> memref<1x128x128xf32, #tpu.memory_space<vmem>>
      %swap3A_90 = tpu.memref_squeeze %swap3A_89 : memref<1x128x128xf32, #tpu.memory_space<vmem>> -> memref<128x128xf32, #tpu.memory_space<vmem>>
      %swap3A_91 = arith.index_cast %scan3A_41 : i32 to index
      %swap3A_92 = arith.constant 64 : index
      %swap3A_93 = tpu.vector_load %swap3A_90[%swap3A_91, %swap3A_92] {strides = array<i32>} : memref<128x128xf32, #tpu.memory_space<vmem>>, vector<1x16xf32>,
      %swap3A_94 = vector.shape_cast %swap3A_93 : vector<1x16xf32> to vector<16xf32>
      %swap3A_95 = vector.shape_cast %broadcast_in_dim3A_86 : vector<16xf32> to vector<1x16xf32>
      tpu.vector_store %swap3A_90[%swap3A_91, %swap3A_92], %swap3A_95 {strides = array<i32>} : memref<128x128xf32, #tpu.memory_space<vmem>>, vector<1x16xf32>,
      %broadcast_in_dim3A_96 = arith.constant 0.000000e+00 : f32
      %broadcast_in_dim3A_97 = vector.broadcast %broadcast_in_dim3A_96 : f32 to vector<16xf32>
      %swap3A_98 = arith.constant 0 : i32
      %swap3A_99 = arith.constant 0 : i32
      %swap3A_100 = tpu.memref_slice %arg8[%scan3A, %swap3A_98, %swap3A_99] : memref<2x128x128xf32, #tpu.memory_space<vmem>> -> memref<1x128x128xf32, #tpu.memory_space<vmem>>
      %swap3A_101 = tpu.memref_squeeze %swap3A_100 : memref<1x128x128xf32, #tpu.memory_space<vmem>> -> memref<128x128xf32, #tpu.memory_space<vmem>>
      %swap3A_102 = arith.index_cast %scan3A_41 : i32 to index
      %swap3A_103 = arith.constant 80 : index
      %swap3A_104 = tpu.vector_load %swap3A_101[%swap3A_102, %swap3A_103] {strides = array<i32>} : memref<128x128xf32, #tpu.memory_space<vmem>>, vector<1x16xf32>,
      %swap3A_105 = vector.shape_cast %swap3A_104 : vector<1x16xf32> to vector<16xf32>
      %swap3A_106 = vector.shape_cast %broadcast_in_dim3A_97 : vector<16xf32> to vector<1x16xf32>
      tpu.vector_store %swap3A_101[%swap3A_102, %swap3A_103], %swap3A_106 {strides = array<i32>} : memref<128x128xf32, #tpu.memory_space<vmem>>, vector<1x16xf32>,
      %broadcast_in_dim3A_107 = arith.constant 0.000000e+00 : f32
      %broadcast_in_dim3A_108 = vector.broadcast %broadcast_in_dim3A_107 : f32 to vector<16xf32>
      %swap3A_109 = arith.constant 0 : i32
      %swap3A_110 = arith.constant 0 : i32
      %swap3A_111 = tpu.memref_slice %arg8[%scan3A, %swap3A_109, %swap3A_110] : memref<2x128x128xf32, #tpu.memory_space<vmem>> -> memref<1x128x128xf32, #tpu.memory_space<vmem>>
      %swap3A_112 = tpu.memref_squeeze %swap3A_111 : memref<1x128x128xf32, #tpu.memory_space<vmem>> -> memref<128x128xf32, #tpu.memory_space<vmem>>
      %swap3A_113 = arith.index_cast %scan3A_41 : i32 to index
      %swap3A_114 = arith.constant 96 : index
      %swap3A_115 = tpu.vector_load %swap3A_112[%swap3A_113, %swap3A_114] {strides = array<i32>} : memref<128x128xf32, #tpu.memory_space<vmem>>, vector<1x16xf32>,
      %swap3A_116 = vector.shape_cast %swap3A_115 : vector<1x16xf32> to vector<16xf32>
      %swap3A_117 = vector.shape_cast %broadcast_in_dim3A_108 : vector<16xf32> to vector<1x16xf32>
      tpu.vector_store %swap3A_112[%swap3A_113, %swap3A_114], %swap3A_117 {strides = array<i32>} : memref<128x128xf32, #tpu.memory_space<vmem>>, vector<1x16xf32>,
      %broadcast_in_dim3A_118 = arith.constant 0.000000e+00 : f32
      %broadcast_in_dim3A_119 = vector.broadcast %broadcast_in_dim3A_118 : f32 to vector<16xf32>
      %swap3A_120 = arith.constant 0 : i32
      %swap3A_121 = arith.constant 0 : i32
      %swap3A_122 = tpu.memref_slice %arg8[%scan3A, %swap3A_120, %swap3A_121] : memref<2x128x128xf32, #tpu.memory_space<vmem>> -> memref<1x128x128xf32, #tpu.memory_space<vmem>>
      %swap3A_123 = tpu.memref_squeeze %swap3A_122 : memref<1x128x128xf32, #tpu.memory_space<vmem>> -> memref<128x128xf32, #tpu.memory_space<vmem>>
      %swap3A_124 = arith.index_cast %scan3A_41 : i32 to index
      %swap3A_125 = arith.constant 112 : index
      %swap3A_126 = tpu.vector_load %swap3A_123[%swap3A_124, %swap3A_125] {strides = array<i32>} : memref<128x128xf32, #tpu.memory_space<vmem>>, vector<1x16xf32>,
      %swap3A_127 = vector.shape_cast %swap3A_126 : vector<1x16xf32> to vector<16xf32>
      %swap3A_128 = vector.shape_cast %broadcast_in_dim3A_119 : vector<16xf32> to vector<1x16xf32>
      tpu.vector_store %swap3A_123[%swap3A_124, %swap3A_125], %swap3A_128 {strides = array<i32>} : memref<128x128xf32, #tpu.memory_space<vmem>>, vector<1x16xf32>,
      %scan3A_129 = arith.constant 0 : i32
      scf.yield %scan3A_129 : i32
    }
    %scan3A_6 = arith.constant 128 : i32
    %mul3A = arith.constant 640 : i32
    %mul3A_7 = arith.muli %arg1, %mul3A : i32
    %add3A = arith.constant 0 : i32
    %add3A_8 = arith.addi %mul3A_7, %add3A : i32
    %run_scoped3A = arith.constant 0 : i32
    "tpu.region"() ({
      %run_scoped3A_41 = tpu.sem_alloc : memref<!tpu.dma_semaphore, #tpu.memory_space<semaphore_mem>>
      %dma_start3A = arith.constant 0 : i32
      %dma_start3A_42 = arith.constant 0 : i32
      %dma_start3A_43 = tpu.memref_slice %arg8[%run_scoped3A, %dma_start3A, %dma_start3A_42] : memref<2x128x128xf32, #tpu.memory_space<vmem>> -> memref<1x128x128xf32, #tpu.memory_space<vmem>>
      %dma_start3A_44 = tpu.memref_squeeze %dma_start3A_43 : memref<1x128x128xf32, #tpu.memory_space<vmem>> -> memref<128x128xf32, #tpu.memory_space<vmem>>
      %dma_start3A_45 = arith.constant 0 : i32
      %dma_start3A_46 = tpu.memref_slice %arg9[%add3A_8, %dma_start3A_45] : memref<10240x128xf32, #tpu.memory_space<vmem_shared>> -> memref<128x128xf32, #tpu.memory_space<vmem_shared>>
      %dma_start3A_47 = arith.constant 0 : i32
      %dma_start3A_48 = tpu.memref_slice %arg9[%add3A_8, %dma_start3A_47] : memref<10240x128xf32, #tpu.memory_space<vmem_shared>> -> memref<128x128xf32, #tpu.memory_space<vmem_shared>>
      %dma_start3A_49 = arith.constant 0 : i32
      %dma_start3A_50 = arith.constant 0 : i32
      %dma_start3A_51 = tpu.memref_slice %arg8[%run_scoped3A, %dma_start3A_49, %dma_start3A_50] : memref<2x128x128xf32, #tpu.memory_space<vmem>> -> memref<1x128x128xf32, #tpu.memory_space<vmem>>
      %dma_start3A_52 = tpu.memref_squeeze %dma_start3A_51 : memref<1x128x128xf32, #tpu.memory_space<vmem>> -> memref<128x128xf32, #tpu.memory_space<vmem>>
      tpu.enqueue_dma source(%dma_start3A_52 : memref<128x128xf32, #tpu.memory_space<vmem>>) target(%dma_start3A_48 : memref<128x128xf32, #tpu.memory_space<vmem_shared>>) target_semaphore(%run_scoped3A_41 : memref<!tpu.dma_semaphore, #tpu.memory_space<semaphore_mem>>)
      %dma_wait3A = arith.constant 0 : i32
      %dma_wait3A_53 = arith.constant 0 : i32
      %dma_wait3A_54 = tpu.memref_slice %arg8[%run_scoped3A, %dma_wait3A, %dma_wait3A_53] : memref<2x128x128xf32, #tpu.memory_space<vmem>> -> memref<1x128x128xf32, #tpu.memory_space<vmem>>
      %dma_wait3A_55 = tpu.memref_squeeze %dma_wait3A_54 : memref<1x128x128xf32, #tpu.memory_space<vmem>> -> memref<128x128xf32, #tpu.memory_space<vmem>>
      %dma_wait3A_56 = arith.constant 0 : i32
      %dma_wait3A_57 = tpu.memref_slice %arg9[%add3A_8, %dma_wait3A_56] : memref<10240x128xf32, #tpu.memory_space<vmem_shared>> -> memref<128x128xf32, #tpu.memory_space<vmem_shared>>
      %dma_wait3A_58 = arith.constant 0 : i32
      %dma_wait3A_59 = tpu.memref_slice %arg9[%add3A_8, %dma_wait3A_58] : memref<10240x128xf32, #tpu.memory_space<vmem_shared>> -> memref<128x128xf32, #tpu.memory_space<vmem_shared>>
      %dma_wait3A_60 = arith.constant 0 : i32
      %dma_wait3A_61 = arith.constant 0 : i32
      %dma_wait3A_62 = tpu.memref_slice %arg8[%run_scoped3A, %dma_wait3A_60, %dma_wait3A_61] : memref<2x128x128xf32, #tpu.memory_space<vmem>> -> memref<1x128x128xf32, #tpu.memory_space<vmem>>
      %dma_wait3A_63 = tpu.memref_squeeze %dma_wait3A_62 : memref<1x128x128xf32, #tpu.memory_space<vmem>> -> memref<128x128xf32, #tpu.memory_space<vmem>>
      tpu.wait_dma2 semaphore(%run_scoped3A_41 : memref<!tpu.dma_semaphore, #tpu.memory_space<semaphore_mem>>) src(%dma_wait3A_63 : memref<128x128xf32, #tpu.memory_space<vmem>>) dst(%dma_wait3A_59 : memref<128x128xf32, #tpu.memory_space<vmem_shared>>)
      tpu.yield
    }) : () -> ()
    %mul3A_9 = arith.constant 640 : i32
    %mul3A_10 = arith.muli %arg1, %mul3A_9 : i32
    %add3A_11 = arith.constant 128 : i32
    %add3A_12 = arith.addi %mul3A_10, %add3A_11 : i32
    %run_scoped3A_13 = arith.constant 0 : i32
    "tpu.region"() ({
      %run_scoped3A_41 = tpu.sem_alloc : memref<!tpu.dma_semaphore, #tpu.memory_space<semaphore_mem>>
      %dma_start3A = arith.constant 0 : i32
      %dma_start3A_42 = arith.constant 0 : i32
      %dma_start3A_43 = tpu.memref_slice %arg8[%run_scoped3A_13, %dma_start3A, %dma_start3A_42] : memref<2x128x128xf32, #tpu.memory_space<vmem>> -> memref<1x128x128xf32, #tpu.memory_space<vmem>>
      %dma_start3A_44 = tpu.memref_squeeze %dma_start3A_43 : memref<1x128x128xf32, #tpu.memory_space<vmem>> -> memref<128x128xf32, #tpu.memory_space<vmem>>
      %dma_start3A_45 = arith.constant 0 : i32
      %dma_start3A_46 = tpu.memref_slice %arg9[%add3A_12, %dma_start3A_45] : memref<10240x128xf32, #tpu.memory_space<vmem_shared>> -> memref<128x128xf32, #tpu.memory_space<vmem_shared>>
      %dma_start3A_47 = arith.constant 0 : i32
      %dma_start3A_48 = tpu.memref_slice %arg9[%add3A_12, %dma_start3A_47] : memref<10240x128xf32, #tpu.memory_space<vmem_shared>> -> memref<128x128xf32, #tpu.memory_space<vmem_shared>>
      %dma_start3A_49 = arith.constant 0 : i32
      %dma_start3A_50 = arith.constant 0 : i32
      %dma_start3A_51 = tpu.memref_slice %arg8[%run_scoped3A_13, %dma_start3A_49, %dma_start3A_50] : memref<2x128x128xf32, #tpu.memory_space<vmem>> -> memref<1x128x128xf32, #tpu.memory_space<vmem>>
      %dma_start3A_52 = tpu.memref_squeeze %dma_start3A_51 : memref<1x128x128xf32, #tpu.memory_space<vmem>> -> memref<128x128xf32, #tpu.memory_space<vmem>>
      tpu.enqueue_dma source(%dma_start3A_52 : memref<128x128xf32, #tpu.memory_space<vmem>>) target(%dma_start3A_48 : memref<128x128xf32, #tpu.memory_space<vmem_shared>>) target_semaphore(%run_scoped3A_41 : memref<!tpu.dma_semaphore, #tpu.memory_space<semaphore_mem>>)
      %dma_wait3A = arith.constant 0 : i32
      %dma_wait3A_53 = arith.constant 0 : i32
      %dma_wait3A_54 = tpu.memref_slice %arg8[%run_scoped3A_13, %dma_wait3A, %dma_wait3A_53] : memref<2x128x128xf32, #tpu.memory_space<vmem>> -> memref<1x128x128xf32, #tpu.memory_space<vmem>>
      %dma_wait3A_55 = tpu.memref_squeeze %dma_wait3A_54 : memref<1x128x128xf32, #tpu.memory_space<vmem>> -> memref<128x128xf32, #tpu.memory_space<vmem>>
      %dma_wait3A_56 = arith.constant 0 : i32
      %dma_wait3A_57 = tpu.memref_slice %arg9[%add3A_12, %dma_wait3A_56] : memref<10240x128xf32, #tpu.memory_space<vmem_shared>> -> memref<128x128xf32, #tpu.memory_space<vmem_shared>>
      %dma_wait3A_58 = arith.constant 0 : i32
      %dma_wait3A_59 = tpu.memref_slice %arg9[%add3A_12, %dma_wait3A_58] : memref<10240x128xf32, #tpu.memory_space<vmem_shared>> -> memref<128x128xf32, #tpu.memory_space<vmem_shared>>
      %dma_wait3A_60 = arith.constant 0 : i32
      %dma_wait3A_61 = arith.constant 0 : i32
      %dma_wait3A_62 = tpu.memref_slice %arg8[%run_scoped3A_13, %dma_wait3A_60, %dma_wait3A_61] : memref<2x128x128xf32, #tpu.memory_space<vmem>> -> memref<1x128x128xf32, #tpu.memory_space<vmem>>
      %dma_wait3A_63 = tpu.memref_squeeze %dma_wait3A_62 : memref<1x128x128xf32, #tpu.memory_space<vmem>> -> memref<128x128xf32, #tpu.memory_space<vmem>>
      tpu.wait_dma2 semaphore(%run_scoped3A_41 : memref<!tpu.dma_semaphore, #tpu.memory_space<semaphore_mem>>) src(%dma_wait3A_63 : memref<128x128xf32, #tpu.memory_space<vmem>>) dst(%dma_wait3A_59 : memref<128x128xf32, #tpu.memory_space<vmem_shared>>)
      tpu.yield
    }) : () -> ()
    %mul3A_14 = arith.constant 640 : i32
    %mul3A_15 = arith.muli %arg1, %mul3A_14 : i32
    %add3A_16 = arith.constant 256 : i32
    %add3A_17 = arith.addi %mul3A_15, %add3A_16 : i32
    %run_scoped3A_18 = arith.constant 0 : i32
    "tpu.region"() ({
      %run_scoped3A_41 = tpu.sem_alloc : memref<!tpu.dma_semaphore, #tpu.memory_space<semaphore_mem>>
      %dma_start3A = arith.constant 0 : i32
      %dma_start3A_42 = arith.constant 0 : i32
      %dma_start3A_43 = tpu.memref_slice %arg8[%run_scoped3A_18, %dma_start3A, %dma_start3A_42] : memref<2x128x128xf32, #tpu.memory_space<vmem>> -> memref<1x128x128xf32, #tpu.memory_space<vmem>>
      %dma_start3A_44 = tpu.memref_squeeze %dma_start3A_43 : memref<1x128x128xf32, #tpu.memory_space<vmem>> -> memref<128x128xf32, #tpu.memory_space<vmem>>
      %dma_start3A_45 = arith.constant 0 : i32
      %dma_start3A_46 = tpu.memref_slice %arg9[%add3A_17, %dma_start3A_45] : memref<10240x128xf32, #tpu.memory_space<vmem_shared>> -> memref<128x128xf32, #tpu.memory_space<vmem_shared>>
      %dma_start3A_47 = arith.constant 0 : i32
      %dma_start3A_48 = tpu.memref_slice %arg9[%add3A_17, %dma_start3A_47] : memref<10240x128xf32, #tpu.memory_space<vmem_shared>> -> memref<128x128xf32, #tpu.memory_space<vmem_shared>>
      %dma_start3A_49 = arith.constant 0 : i32
      %dma_start3A_50 = arith.constant 0 : i32
      %dma_start3A_51 = tpu.memref_slice %arg8[%run_scoped3A_18, %dma_start3A_49, %dma_start3A_50] : memref<2x128x128xf32, #tpu.memory_space<vmem>> -> memref<1x128x128xf32, #tpu.memory_space<vmem>>
      %dma_start3A_52 = tpu.memref_squeeze %dma_start3A_51 : memref<1x128x128xf32, #tpu.memory_space<vmem>> -> memref<128x128xf32, #tpu.memory_space<vmem>>
      tpu.enqueue_dma source(%dma_start3A_52 : memref<128x128xf32, #tpu.memory_space<vmem>>) target(%dma_start3A_48 : memref<128x128xf32, #tpu.memory_space<vmem_shared>>) target_semaphore(%run_scoped3A_41 : memref<!tpu.dma_semaphore, #tpu.memory_space<semaphore_mem>>)
      %dma_wait3A = arith.constant 0 : i32
      %dma_wait3A_53 = arith.constant 0 : i32
      %dma_wait3A_54 = tpu.memref_slice %arg8[%run_scoped3A_18, %dma_wait3A, %dma_wait3A_53] : memref<2x128x128xf32, #tpu.memory_space<vmem>> -> memref<1x128x128xf32, #tpu.memory_space<vmem>>
      %dma_wait3A_55 = tpu.memref_squeeze %dma_wait3A_54 : memref<1x128x128xf32, #tpu.memory_space<vmem>> -> memref<128x128xf32, #tpu.memory_space<vmem>>
      %dma_wait3A_56 = arith.constant 0 : i32
      %dma_wait3A_57 = tpu.memref_slice %arg9[%add3A_17, %dma_wait3A_56] : memref<10240x128xf32, #tpu.memory_space<vmem_shared>> -> memref<128x128xf32, #tpu.memory_space<vmem_shared>>
      %dma_wait3A_58 = arith.constant 0 : i32
      %dma_wait3A_59 = tpu.memref_slice %arg9[%add3A_17, %dma_wait3A_58] : memref<10240x128xf32, #tpu.memory_space<vmem_shared>> -> memref<128x128xf32, #tpu.memory_space<vmem_shared>>
      %dma_wait3A_60 = arith.constant 0 : i32
      %dma_wait3A_61 = arith.constant 0 : i32
      %dma_wait3A_62 = tpu.memref_slice %arg8[%run_scoped3A_18, %dma_wait3A_60, %dma_wait3A_61] : memref<2x128x128xf32, #tpu.memory_space<vmem>> -> memref<1x128x128xf32, #tpu.memory_space<vmem>>
      %dma_wait3A_63 = tpu.memref_squeeze %dma_wait3A_62 : memref<1x128x128xf32, #tpu.memory_space<vmem>> -> memref<128x128xf32, #tpu.memory_space<vmem>>
      tpu.wait_dma2 semaphore(%run_scoped3A_41 : memref<!tpu.dma_semaphore, #tpu.memory_space<semaphore_mem>>) src(%dma_wait3A_63 : memref<128x128xf32, #tpu.memory_space<vmem>>) dst(%dma_wait3A_59 : memref<128x128xf32, #tpu.memory_space<vmem_shared>>)
      tpu.yield
    }) : () -> ()
    %mul3A_19 = arith.constant 640 : i32
    %mul3A_20 = arith.muli %arg1, %mul3A_19 : i32
    %add3A_21 = arith.constant 384 : i32
    %add3A_22 = arith.addi %mul3A_20, %add3A_21 : i32
    %run_scoped3A_23 = arith.constant 0 : i32
    "tpu.region"() ({
      %run_scoped3A_41 = tpu.sem_alloc : memref<!tpu.dma_semaphore, #tpu.memory_space<semaphore_mem>>
      %dma_start3A = arith.constant 0 : i32
      %dma_start3A_42 = arith.constant 0 : i32
      %dma_start3A_43 = tpu.memref_slice %arg8[%run_scoped3A_23, %dma_start3A, %dma_start3A_42] : memref<2x128x128xf32, #tpu.memory_space<vmem>> -> memref<1x128x128xf32, #tpu.memory_space<vmem>>
      %dma_start3A_44 = tpu.memref_squeeze %dma_start3A_43 : memref<1x128x128xf32, #tpu.memory_space<vmem>> -> memref<128x128xf32, #tpu.memory_space<vmem>>
      %dma_start3A_45 = arith.constant 0 : i32
      %dma_start3A_46 = tpu.memref_slice %arg9[%add3A_22, %dma_start3A_45] : memref<10240x128xf32, #tpu.memory_space<vmem_shared>> -> memref<128x128xf32, #tpu.memory_space<vmem_shared>>
      %dma_start3A_47 = arith.constant 0 : i32
      %dma_start3A_48 = tpu.memref_slice %arg9[%add3A_22, %dma_start3A_47] : memref<10240x128xf32, #tpu.memory_space<vmem_shared>> -> memref<128x128xf32, #tpu.memory_space<vmem_shared>>
      %dma_start3A_49 = arith.constant 0 : i32
      %dma_start3A_50 = arith.constant 0 : i32
      %dma_start3A_51 = tpu.memref_slice %arg8[%run_scoped3A_23, %dma_start3A_49, %dma_start3A_50] : memref<2x128x128xf32, #tpu.memory_space<vmem>> -> memref<1x128x128xf32, #tpu.memory_space<vmem>>
      %dma_start3A_52 = tpu.memref_squeeze %dma_start3A_51 : memref<1x128x128xf32, #tpu.memory_space<vmem>> -> memref<128x128xf32, #tpu.memory_space<vmem>>
      tpu.enqueue_dma source(%dma_start3A_52 : memref<128x128xf32, #tpu.memory_space<vmem>>) target(%dma_start3A_48 : memref<128x128xf32, #tpu.memory_space<vmem_shared>>) target_semaphore(%run_scoped3A_41 : memref<!tpu.dma_semaphore, #tpu.memory_space<semaphore_mem>>)
      %dma_wait3A = arith.constant 0 : i32
      %dma_wait3A_53 = arith.constant 0 : i32
      %dma_wait3A_54 = tpu.memref_slice %arg8[%run_scoped3A_23, %dma_wait3A, %dma_wait3A_53] : memref<2x128x128xf32, #tpu.memory_space<vmem>> -> memref<1x128x128xf32, #tpu.memory_space<vmem>>
      %dma_wait3A_55 = tpu.memref_squeeze %dma_wait3A_54 : memref<1x128x128xf32, #tpu.memory_space<vmem>> -> memref<128x128xf32, #tpu.memory_space<vmem>>
      %dma_wait3A_56 = arith.constant 0 : i32
      %dma_wait3A_57 = tpu.memref_slice %arg9[%add3A_22, %dma_wait3A_56] : memref<10240x128xf32, #tpu.memory_space<vmem_shared>> -> memref<128x128xf32, #tpu.memory_space<vmem_shared>>
      %dma_wait3A_58 = arith.constant 0 : i32
      %dma_wait3A_59 = tpu.memref_slice %arg9[%add3A_22, %dma_wait3A_58] : memref<10240x128xf32, #tpu.memory_space<vmem_shared>> -> memref<128x128xf32, #tpu.memory_space<vmem_shared>>
      %dma_wait3A_60 = arith.constant 0 : i32
      %dma_wait3A_61 = arith.constant 0 : i32
      %dma_wait3A_62 = tpu.memref_slice %arg8[%run_scoped3A_23, %dma_wait3A_60, %dma_wait3A_61] : memref<2x128x128xf32, #tpu.memory_space<vmem>> -> memref<1x128x128xf32, #tpu.memory_space<vmem>>
      %dma_wait3A_63 = tpu.memref_squeeze %dma_wait3A_62 : memref<1x128x128xf32, #tpu.memory_space<vmem>> -> memref<128x128xf32, #tpu.memory_space<vmem>>
      tpu.wait_dma2 semaphore(%run_scoped3A_41 : memref<!tpu.dma_semaphore, #tpu.memory_space<semaphore_mem>>) src(%dma_wait3A_63 : memref<128x128xf32, #tpu.memory_space<vmem>>) dst(%dma_wait3A_59 : memref<128x128xf32, #tpu.memory_space<vmem_shared>>)
      tpu.yield
    }) : () -> ()
    %mul3A_24 = arith.constant 640 : i32
    %mul3A_25 = arith.muli %arg1, %mul3A_24 : i32
    %add3A_26 = arith.constant 512 : i32
    %add3A_27 = arith.addi %mul3A_25, %add3A_26 : i32
    %run_scoped3A_28 = arith.constant 0 : i32
    "tpu.region"() ({
      %run_scoped3A_41 = tpu.sem_alloc : memref<!tpu.dma_semaphore, #tpu.memory_space<semaphore_mem>>
      %dma_start3A = arith.constant 0 : i32
      %dma_start3A_42 = arith.constant 0 : i32
      %dma_start3A_43 = tpu.memref_slice %arg8[%run_scoped3A_28, %dma_start3A, %dma_start3A_42] : memref<2x128x128xf32, #tpu.memory_space<vmem>> -> memref<1x128x128xf32, #tpu.memory_space<vmem>>
      %dma_start3A_44 = tpu.memref_squeeze %dma_start3A_43 : memref<1x128x128xf32, #tpu.memory_space<vmem>> -> memref<128x128xf32, #tpu.memory_space<vmem>>
      %dma_start3A_45 = arith.constant 0 : i32
      %dma_start3A_46 = tpu.memref_slice %arg9[%add3A_27, %dma_start3A_45] : memref<10240x128xf32, #tpu.memory_space<vmem_shared>> -> memref<128x128xf32, #tpu.memory_space<vmem_shared>>
      %dma_start3A_47 = arith.constant 0 : i32
      %dma_start3A_48 = tpu.memref_slice %arg9[%add3A_27, %dma_start3A_47] : memref<10240x128xf32, #tpu.memory_space<vmem_shared>> -> memref<128x128xf32, #tpu.memory_space<vmem_shared>>
      %dma_start3A_49 = arith.constant 0 : i32
      %dma_start3A_50 = arith.constant 0 : i32
      %dma_start3A_51 = tpu.memref_slice %arg8[%run_scoped3A_28, %dma_start3A_49, %dma_start3A_50] : memref<2x128x128xf32, #tpu.memory_space<vmem>> -> memref<1x128x128xf32, #tpu.memory_space<vmem>>
      %dma_start3A_52 = tpu.memref_squeeze %dma_start3A_51 : memref<1x128x128xf32, #tpu.memory_space<vmem>> -> memref<128x128xf32, #tpu.memory_space<vmem>>
      tpu.enqueue_dma source(%dma_start3A_52 : memref<128x128xf32, #tpu.memory_space<vmem>>) target(%dma_start3A_48 : memref<128x128xf32, #tpu.memory_space<vmem_shared>>) target_semaphore(%run_scoped3A_41 : memref<!tpu.dma_semaphore, #tpu.memory_space<semaphore_mem>>)
      %dma_wait3A = arith.constant 0 : i32
      %dma_wait3A_53 = arith.constant 0 : i32
      %dma_wait3A_54 = tpu.memref_slice %arg8[%run_scoped3A_28, %dma_wait3A, %dma_wait3A_53] : memref<2x128x128xf32, #tpu.memory_space<vmem>> -> memref<1x128x128xf32, #tpu.memory_space<vmem>>
      %dma_wait3A_55 = tpu.memref_squeeze %dma_wait3A_54 : memref<1x128x128xf32, #tpu.memory_space<vmem>> -> memref<128x128xf32, #tpu.memory_space<vmem>>
      %dma_wait3A_56 = arith.constant 0 : i32
      %dma_wait3A_57 = tpu.memref_slice %arg9[%add3A_27, %dma_wait3A_56] : memref<10240x128xf32, #tpu.memory_space<vmem_shared>> -> memref<128x128xf32, #tpu.memory_space<vmem_shared>>
      %dma_wait3A_58 = arith.constant 0 : i32
      %dma_wait3A_59 = tpu.memref_slice %arg9[%add3A_27, %dma_wait3A_58] : memref<10240x128xf32, #tpu.memory_space<vmem_shared>> -> memref<128x128xf32, #tpu.memory_space<vmem_shared>>
      %dma_wait3A_60 = arith.constant 0 : i32
      %dma_wait3A_61 = arith.constant 0 : i32
      %dma_wait3A_62 = tpu.memref_slice %arg8[%run_scoped3A_28, %dma_wait3A_60, %dma_wait3A_61] : memref<2x128x128xf32, #tpu.memory_space<vmem>> -> memref<1x128x128xf32, #tpu.memory_space<vmem>>
      %dma_wait3A_63 = tpu.memref_squeeze %dma_wait3A_62 : memref<1x128x128xf32, #tpu.memory_space<vmem>> -> memref<128x128xf32, #tpu.memory_space<vmem>>
      tpu.wait_dma2 semaphore(%run_scoped3A_41 : memref<!tpu.dma_semaphore, #tpu.memory_space<semaphore_mem>>) src(%dma_wait3A_63 : memref<128x128xf32, #tpu.memory_space<vmem>>) dst(%dma_wait3A_59 : memref<128x128xf32, #tpu.memory_space<vmem_shared>>)
      tpu.yield
    }) : () -> ()
    %barrier3A = arith.constant 0 : index
    tpu.barrier barrier_id(%barrier3A)
    %eq3A = arith.constant 0 : i32
    %eq3A_29 = arith.cmpi eq, %arg0, %eq3A : i32
    %convert_element_type3A = arith.extui %eq3A_29 : i1 to i32
    %cond3A = arith.constant 0 : i32
    %cond3A_30 = arith.cmpi ne, %convert_element_type3A, %cond3A : i32
    scf.if %cond3A_30 {
      %mul3A_41 = arith.constant 80 : i32
      %mul3A_42 = arith.muli %arg1, %mul3A_41 : i32
      %add3A_43 = arith.constant 0 : i32
      %add3A_44 = arith.addi %mul3A_42, %add3A_43 : i32
      %dma_start3A = arith.constant 0 : i32
      %dma_start3A_45 = arith.constant 0 : i32
      %dma_start3A_46 = tpu.memref_slice %arg6[%dma_start3A, %dma_start3A_45] : memref<4x128xi32, #tpu.memory_space<vmem>> -> memref<1x128xi32, #tpu.memory_space<vmem>>
      %dma_start3A_47 = tpu.memref_squeeze %dma_start3A_46 : memref<1x128xi32, #tpu.memory_space<vmem>> -> memref<128xi32, #tpu.memory_space<vmem>>
      %dma_start3A_48 = arith.constant 0 : i32
      %dma_start3A_49 = tpu.memref_slice %arg3[%add3A_44, %dma_start3A_48] : memref<2560x128xi32, #tpu.memory_space<hbm>> -> memref<1x128xi32, #tpu.memory_space<hbm>>
      %dma_start3A_50 = tpu.memref_squeeze %dma_start3A_49 : memref<1x128xi32, #tpu.memory_space<hbm>> -> memref<128xi32, #tpu.memory_space<hbm>>
      %dma_start3A_51 = arith.constant 0 : i32
      %dma_start3A_52 = tpu.memref_slice %arg6[%dma_start3A, %dma_start3A_51] : memref<4x128xi32, #tpu.memory_space<vmem>> -> memref<1x128xi32, #tpu.memory_space<vmem>>
      %dma_start3A_53 = tpu.memref_squeeze %dma_start3A_52 : memref<1x128xi32, #tpu.memory_space<vmem>> -> memref<128xi32, #tpu.memory_space<vmem>>
      %dma_start3A_54 = arith.constant 0 : i32
      %dma_start3A_55 = tpu.memref_slice %arg3[%add3A_44, %dma_start3A_54] : memref<2560x128xi32, #tpu.memory_space<hbm>> -> memref<1x128xi32, #tpu.memory_space<hbm>>
      %dma_start3A_56 = tpu.memref_squeeze %dma_start3A_55 : memref<1x128xi32, #tpu.memory_space<hbm>> -> memref<128xi32, #tpu.memory_space<hbm>>
      tpu.enqueue_dma source(%dma_start3A_56 : memref<128xi32, #tpu.memory_space<hbm>>) target(%dma_start3A_53 : memref<128xi32, #tpu.memory_space<vmem>>) target_semaphore(%arg14 : memref<!tpu.dma_semaphore, #tpu.memory_space<semaphore_mem>>)
      %dma_start3A_57 = arith.constant 0 : i32
      %dma_start3A_58 = arith.constant 0 : i32
      %dma_start3A_59 = tpu.memref_slice %arg7[%dma_start3A_57, %dma_start3A_58] : memref<4x128xi32, #tpu.memory_space<vmem>> -> memref<1x128xi32, #tpu.memory_space<vmem>>
      %dma_start3A_60 = tpu.memref_squeeze %dma_start3A_59 : memref<1x128xi32, #tpu.memory_space<vmem>> -> memref<128xi32, #tpu.memory_space<vmem>>
      %dma_start3A_61 = arith.constant 0 : i32
      %dma_start3A_62 = tpu.memref_slice %arg4[%add3A_44, %dma_start3A_61] : memref<2560x128xi32, #tpu.memory_space<hbm>> -> memref<1x128xi32, #tpu.memory_space<hbm>>
      %dma_start3A_63 = tpu.memref_squeeze %dma_start3A_62 : memref<1x128xi32, #tpu.memory_space<hbm>> -> memref<128xi32, #tpu.memory_space<hbm>>
      %dma_start3A_64 = arith.constant 0 : i32
      %dma_start3A_65 = tpu.memref_slice %arg7[%dma_start3A_57, %dma_start3A_64] : memref<4x128xi32, #tpu.memory_space<vmem>> -> memref<1x128xi32, #tpu.memory_space<vmem>>
      %dma_start3A_66 = tpu.memref_squeeze %dma_start3A_65 : memref<1x128xi32, #tpu.memory_space<vmem>> -> memref<128xi32, #tpu.memory_space<vmem>>
      %dma_start3A_67 = arith.constant 0 : i32
      %dma_start3A_68 = tpu.memref_slice %arg4[%add3A_44, %dma_start3A_67] : memref<2560x128xi32, #tpu.memory_space<hbm>> -> memref<1x128xi32, #tpu.memory_space<hbm>>
      %dma_start3A_69 = tpu.memref_squeeze %dma_start3A_68 : memref<1x128xi32, #tpu.memory_space<hbm>> -> memref<128xi32, #tpu.memory_space<hbm>>
      tpu.enqueue_dma source(%dma_start3A_69 : memref<128xi32, #tpu.memory_space<hbm>>) target(%dma_start3A_66 : memref<128xi32, #tpu.memory_space<vmem>>) target_semaphore(%arg14 : memref<!tpu.dma_semaphore, #tpu.memory_space<semaphore_mem>>)
      %add3A_70 = arith.constant 1 : i32
      %add3A_71 = arith.addi %mul3A_42, %add3A_70 : i32
      %dma_start3A_72 = arith.constant 1 : i32
      %dma_start3A_73 = arith.constant 0 : i32
      %dma_start3A_74 = tpu.memref_slice %arg6[%dma_start3A_72, %dma_start3A_73] : memref<4x128xi32, #tpu.memory_space<vmem>> -> memref<1x128xi32, #tpu.memory_space<vmem>>
      %dma_start3A_75 = tpu.memref_squeeze %dma_start3A_74 : memref<1x128xi32, #tpu.memory_space<vmem>> -> memref<128xi32, #tpu.memory_space<vmem>>
      %dma_start3A_76 = arith.constant 0 : i32
      %dma_start3A_77 = tpu.memref_slice %arg3[%add3A_71, %dma_start3A_76] : memref<2560x128xi32, #tpu.memory_space<hbm>> -> memref<1x128xi32, #tpu.memory_space<hbm>>
      %dma_start3A_78 = tpu.memref_squeeze %dma_start3A_77 : memref<1x128xi32, #tpu.memory_space<hbm>> -> memref<128xi32, #tpu.memory_space<hbm>>
      %dma_start3A_79 = arith.constant 0 : i32
      %dma_start3A_80 = tpu.memref_slice %arg6[%dma_start3A_72, %dma_start3A_79] : memref<4x128xi32, #tpu.memory_space<vmem>> -> memref<1x128xi32, #tpu.memory_space<vmem>>
      %dma_start3A_81 = tpu.memref_squeeze %dma_start3A_80 : memref<1x128xi32, #tpu.memory_space<vmem>> -> memref<128xi32, #tpu.memory_space<vmem>>
      %dma_start3A_82 = arith.constant 0 : i32
      %dma_start3A_83 = tpu.memref_slice %arg3[%add3A_71, %dma_start3A_82] : memref<2560x128xi32, #tpu.memory_space<hbm>> -> memref<1x128xi32, #tpu.memory_space<hbm>>
      %dma_start3A_84 = tpu.memref_squeeze %dma_start3A_83 : memref<1x128xi32, #tpu.memory_space<hbm>> -> memref<128xi32, #tpu.memory_space<hbm>>
      tpu.enqueue_dma source(%dma_start3A_84 : memref<128xi32, #tpu.memory_space<hbm>>) target(%dma_start3A_81 : memref<128xi32, #tpu.memory_space<vmem>>) target_semaphore(%arg15 : memref<!tpu.dma_semaphore, #tpu.memory_space<semaphore_mem>>)
      %dma_start3A_85 = arith.constant 1 : i32
      %dma_start3A_86 = arith.constant 0 : i32
      %dma_start3A_87 = tpu.memref_slice %arg7[%dma_start3A_85, %dma_start3A_86] : memref<4x128xi32, #tpu.memory_space<vmem>> -> memref<1x128xi32, #tpu.memory_space<vmem>>
      %dma_start3A_88 = tpu.memref_squeeze %dma_start3A_87 : memref<1x128xi32, #tpu.memory_space<vmem>> -> memref<128xi32, #tpu.memory_space<vmem>>
      %dma_start3A_89 = arith.constant 0 : i32
      %dma_start3A_90 = tpu.memref_slice %arg4[%add3A_71, %dma_start3A_89] : memref<2560x128xi32, #tpu.memory_space<hbm>> -> memref<1x128xi32, #tpu.memory_space<hbm>>
      %dma_start3A_91 = tpu.memref_squeeze %dma_start3A_90 : memref<1x128xi32, #tpu.memory_space<hbm>> -> memref<128xi32, #tpu.memory_space<hbm>>
      %dma_start3A_92 = arith.constant 0 : i32
      %dma_start3A_93 = tpu.memref_slice %arg7[%dma_start3A_85, %dma_start3A_92] : memref<4x128xi32, #tpu.memory_space<vmem>> -> memref<1x128xi32, #tpu.memory_space<vmem>>
      %dma_start3A_94 = tpu.memref_squeeze %dma_start3A_93 : memref<1x128xi32, #tpu.memory_space<vmem>> -> memref<128xi32, #tpu.memory_space<vmem>>
      %dma_start3A_95 = arith.constant 0 : i32
      %dma_start3A_96 = tpu.memref_slice %arg4[%add3A_71, %dma_start3A_95] : memref<2560x128xi32, #tpu.memory_space<hbm>> -> memref<1x128xi32, #tpu.memory_space<hbm>>
      %dma_start3A_97 = tpu.memref_squeeze %dma_start3A_96 : memref<1x128xi32, #tpu.memory_space<hbm>> -> memref<128xi32, #tpu.memory_space<hbm>>
      tpu.enqueue_dma source(%dma_start3A_97 : memref<128xi32, #tpu.memory_space<hbm>>) target(%dma_start3A_94 : memref<128xi32, #tpu.memory_space<vmem>>) target_semaphore(%arg15 : memref<!tpu.dma_semaphore, #tpu.memory_space<semaphore_mem>>)
      %add3A_98 = arith.constant 0 : i32
      %add3A_99 = arith.addi %mul3A_42, %add3A_98 : i32
      %dma_wait3A = arith.constant 0 : i32
      %dma_wait3A_100 = arith.constant 0 : i32
      %dma_wait3A_101 = tpu.memref_slice %arg6[%dma_wait3A, %dma_wait3A_100] : memref<4x128xi32, #tpu.memory_space<vmem>> -> memref<1x128xi32, #tpu.memory_space<vmem>>
      %dma_wait3A_102 = tpu.memref_squeeze %dma_wait3A_101 : memref<1x128xi32, #tpu.memory_space<vmem>> -> memref<128xi32, #tpu.memory_space<vmem>>
      %dma_wait3A_103 = arith.constant 0 : i32
      %dma_wait3A_104 = tpu.memref_slice %arg3[%add3A_99, %dma_wait3A_103] : memref<2560x128xi32, #tpu.memory_space<hbm>> -> memref<1x128xi32, #tpu.memory_space<hbm>>
      %dma_wait3A_105 = tpu.memref_squeeze %dma_wait3A_104 : memref<1x128xi32, #tpu.memory_space<hbm>> -> memref<128xi32, #tpu.memory_space<hbm>>
      %dma_wait3A_106 = arith.constant 0 : i32
      %dma_wait3A_107 = tpu.memref_slice %arg6[%dma_wait3A, %dma_wait3A_106] : memref<4x128xi32, #tpu.memory_space<vmem>> -> memref<1x128xi32, #tpu.memory_space<vmem>>
      %dma_wait3A_108 = tpu.memref_squeeze %dma_wait3A_107 : memref<1x128xi32, #tpu.memory_space<vmem>> -> memref<128xi32, #tpu.memory_space<vmem>>
      %dma_wait3A_109 = arith.constant 0 : i32
      %dma_wait3A_110 = tpu.memref_slice %arg3[%add3A_99, %dma_wait3A_109] : memref<2560x128xi32, #tpu.memory_space<hbm>> -> memref<1x128xi32, #tpu.memory_space<hbm>>
      %dma_wait3A_111 = tpu.memref_squeeze %dma_wait3A_110 : memref<1x128xi32, #tpu.memory_space<hbm>> -> memref<128xi32, #tpu.memory_space<hbm>>
      tpu.wait_dma2 semaphore(%arg14 : memref<!tpu.dma_semaphore, #tpu.memory_space<semaphore_mem>>) src(%dma_wait3A_111 : memref<128xi32, #tpu.memory_space<hbm>>) dst(%dma_wait3A_108 : memref<128xi32, #tpu.memory_space<vmem>>)
      %dma_wait3A_112 = arith.constant 0 : i32
      %dma_wait3A_113 = arith.constant 0 : i32
      %dma_wait3A_114 = tpu.memref_slice %arg7[%dma_wait3A_112, %dma_wait3A_113] : memref<4x128xi32, #tpu.memory_space<vmem>> -> memref<1x128xi32, #tpu.memory_space<vmem>>
      %dma_wait3A_115 = tpu.memref_squeeze %dma_wait3A_114 : memref<1x128xi32, #tpu.memory_space<vmem>> -> memref<128xi32, #tpu.memory_space<vmem>>
      %dma_wait3A_116 = arith.constant 0 : i32
      %dma_wait3A_117 = tpu.memref_slice %arg4[%add3A_99, %dma_wait3A_116] : memref<2560x128xi32, #tpu.memory_space<hbm>> -> memref<1x128xi32, #tpu.memory_space<hbm>>
      %dma_wait3A_118 = tpu.memref_squeeze %dma_wait3A_117 : memref<1x128xi32, #tpu.memory_space<hbm>> -> memref<128xi32, #tpu.memory_space<hbm>>
      %dma_wait3A_119 = arith.constant 0 : i32
      %dma_wait3A_120 = tpu.memref_slice %arg7[%dma_wait3A_112, %dma_wait3A_119] : memref<4x128xi32, #tpu.memory_space<vmem>> -> memref<1x128xi32, #tpu.memory_space<vmem>>
      %dma_wait3A_121 = tpu.memref_squeeze %dma_wait3A_120 : memref<1x128xi32, #tpu.memory_space<vmem>> -> memref<128xi32, #tpu.memory_space<vmem>>
      %dma_wait3A_122 = arith.constant 0 : i32
      %dma_wait3A_123 = tpu.memref_slice %arg4[%add3A_99, %dma_wait3A_122] : memref<2560x128xi32, #tpu.memory_space<hbm>> -> memref<1x128xi32, #tpu.memory_space<hbm>>
      %dma_wait3A_124 = tpu.memref_squeeze %dma_wait3A_123 : memref<1x128xi32, #tpu.memory_space<hbm>> -> memref<128xi32, #tpu.memory_space<hbm>>
      tpu.wait_dma2 semaphore(%arg14 : memref<!tpu.dma_semaphore, #tpu.memory_space<semaphore_mem>>) src(%dma_wait3A_124 : memref<128xi32, #tpu.memory_space<hbm>>) dst(%dma_wait3A_121 : memref<128xi32, #tpu.memory_space<vmem>>)
      %dma_start3A_125 = arith.constant 0 : i32
      %dma_start3A_126 = arith.constant 0 : i32
      %dma_start3A_127 = arith.constant 0 : i32
      %dma_start3A_128 = arith.constant 0 : i32
      %dma_start3A_129 = tpu.memref_slice %arg8[%dma_start3A_126, %dma_start3A_127, %dma_start3A_128] : memref<2x128x128xf32, #tpu.memory_space<vmem>> -> memref<1x128x128xf32, #tpu.memory_space<vmem>>
      %dma_start3A_130 = tpu.memref_squeeze %dma_start3A_129 : memref<1x128x128xf32, #tpu.memory_space<vmem>> -> memref<128x128xf32, #tpu.memory_space<vmem>>
      %dma_start3A_131 = arith.constant 0 : i32
      %dma_start3A_132 = tpu.memref_slice %arg6[%dma_start3A_125, %dma_start3A_131] : memref<4x128xi32, #tpu.memory_space<vmem>> -> memref<1x128xi32, #tpu.memory_space<vmem>>
      %dma_start3A_133 = tpu.memref_squeeze %dma_start3A_132 : memref<1x128xi32, #tpu.memory_space<vmem>> -> memref<128xi32, #tpu.memory_space<vmem>>
      %dma_start3A_134 = arith.constant 0 : i32
      %dma_start3A_135 = arith.constant 0 : i32
      %dma_start3A_136 = tpu.memref_slice %arg2[%dma_start3A_134, %dma_start3A_135] : memref<10240x128xf32, #tpu.memory_space<hbm>> -> memref<10240x128xf32, #tpu.memory_space<hbm>>
      tpu.enqueue_indirect_dma source(%dma_start3A_136 : memref<10240x128xf32, #tpu.memory_space<hbm>>) target(%dma_start3A_130 : memref<128x128xf32, #tpu.memory_space<vmem>>) offsets(%dma_start3A_133 : memref<128xi32, #tpu.memory_space<vmem>>) semaphore(%arg10 : memref<!tpu.dma_semaphore, #tpu.memory_space<semaphore_mem>>)
      %scan3A_137 = arith.constant 0 : i32
      %scan3A_138 = arith.constant 0 : i32
      %scan3A_139 = arith.constant 20 : i32
      %scan3A_140 = arith.addi %scan3A_138, %scan3A_139 : i32
      %scan3A_141 = arith.constant 1 : i32
      %scan3A_142 = scf.for %scan3A_168 = %scan3A_138 to %scan3A_140 step %scan3A_141 iter_args(%scan3A_169 = %scan3A_137) -> (i32)  : i32 {
        %mul3A_170 = arith.constant 4 : i32
        %mul3A_171 = arith.muli %scan3A_168, %mul3A_170 : i32
        %add3A_172 = arith.constant 0 : i32
        %add3A_173 = arith.addi %mul3A_171, %add3A_172 : i32
        %add3A_174 = arith.constant 1 : i32
        %add3A_175 = arith.addi %add3A_173, %add3A_174 : i32
        %lt3A = arith.constant 80 : i32
        %lt3A_176 = arith.cmpi slt, %add3A_175, %lt3A : i32
        %convert_element_type3A_177 = arith.extui %lt3A_176 : i1 to i32
        %cond3A_178 = arith.constant 0 : i32
        %cond3A_179 = arith.cmpi ne, %convert_element_type3A_177, %cond3A_178 : i32
        scf.if %cond3A_179 {
          %add3A_338 = arith.addi %mul3A_42, %add3A_175 : i32
          %dma_wait3A_339 = arith.constant 1 : i32
          %dma_wait3A_340 = arith.constant 0 : i32
          %dma_wait3A_341 = tpu.memref_slice %arg6[%dma_wait3A_339, %dma_wait3A_340] : memref<4x128xi32, #tpu.memory_space<vmem>> -> memref<1x128xi32, #tpu.memory_space<vmem>>
          %dma_wait3A_342 = tpu.memref_squeeze %dma_wait3A_341 : memref<1x128xi32, #tpu.memory_space<vmem>> -> memref<128xi32, #tpu.memory_space<vmem>>
          %dma_wait3A_343 = arith.constant 0 : i32
          %dma_wait3A_344 = tpu.memref_slice %arg3[%add3A_338, %dma_wait3A_343] : memref<2560x128xi32, #tpu.memory_space<hbm>> -> memref<1x128xi32, #tpu.memory_space<hbm>>
          %dma_wait3A_345 = tpu.memref_squeeze %dma_wait3A_344 : memref<1x128xi32, #tpu.memory_space<hbm>> -> memref<128xi32, #tpu.memory_space<hbm>>
          %dma_wait3A_346 = arith.constant 0 : i32
          %dma_wait3A_347 = tpu.memref_slice %arg6[%dma_wait3A_339, %dma_wait3A_346] : memref<4x128xi32, #tpu.memory_space<vmem>> -> memref<1x128xi32, #tpu.memory_space<vmem>>
          %dma_wait3A_348 = tpu.memref_squeeze %dma_wait3A_347 : memref<1x128xi32, #tpu.memory_space<vmem>> -> memref<128xi32, #tpu.memory_space<vmem>>
          %dma_wait3A_349 = arith.constant 0 : i32
          %dma_wait3A_350 = tpu.memref_slice %arg3[%add3A_338, %dma_wait3A_349] : memref<2560x128xi32, #tpu.memory_space<hbm>> -> memref<1x128xi32, #tpu.memory_space<hbm>>
          %dma_wait3A_351 = tpu.memref_squeeze %dma_wait3A_350 : memref<1x128xi32, #tpu.memory_space<hbm>> -> memref<128xi32, #tpu.memory_space<hbm>>
          tpu.wait_dma2 semaphore(%arg15 : memref<!tpu.dma_semaphore, #tpu.memory_space<semaphore_mem>>) src(%dma_wait3A_351 : memref<128xi32, #tpu.memory_space<hbm>>) dst(%dma_wait3A_348 : memref<128xi32, #tpu.memory_space<vmem>>)
          %dma_wait3A_352 = arith.constant 1 : i32
          %dma_wait3A_353 = arith.constant 0 : i32
          %dma_wait3A_354 = tpu.memref_slice %arg7[%dma_wait3A_352, %dma_wait3A_353] : memref<4x128xi32, #tpu.memory_space<vmem>> -> memref<1x128xi32, #tpu.memory_space<vmem>>
          %dma_wait3A_355 = tpu.memref_squeeze %dma_wait3A_354 : memref<1x128xi32, #tpu.memory_space<vmem>> -> memref<128xi32, #tpu.memory_space<vmem>>
          %dma_wait3A_356 = arith.constant 0 : i32
          %dma_wait3A_357 = tpu.memref_slice %arg4[%add3A_338, %dma_wait3A_356] : memref<2560x128xi32, #tpu.memory_space<hbm>> -> memref<1x128xi32, #tpu.memory_space<hbm>>
          %dma_wait3A_358 = tpu.memref_squeeze %dma_wait3A_357 : memref<1x128xi32, #tpu.memory_space<hbm>> -> memref<128xi32, #tpu.memory_space<hbm>>
          %dma_wait3A_359 = arith.constant 0 : i32
          %dma_wait3A_360 = tpu.memref_slice %arg7[%dma_wait3A_352, %dma_wait3A_359] : memref<4x128xi32, #tpu.memory_space<vmem>> -> memref<1x128xi32, #tpu.memory_space<vmem>>
          %dma_wait3A_361 = tpu.memref_squeeze %dma_wait3A_360 : memref<1x128xi32, #tpu.memory_space<vmem>> -> memref<128xi32, #tpu.memory_space<vmem>>
          %dma_wait3A_362 = arith.constant 0 : i32
          %dma_wait3A_363 = tpu.memref_slice %arg4[%add3A_338, %dma_wait3A_362] : memref<2560x128xi32, #tpu.memory_space<hbm>> -> memref<1x128xi32, #tpu.memory_space<hbm>>
          %dma_wait3A_364 = tpu.memref_squeeze %dma_wait3A_363 : memref<1x128xi32, #tpu.memory_space<hbm>> -> memref<128xi32, #tpu.memory_space<hbm>>
          tpu.wait_dma2 semaphore(%arg15 : memref<!tpu.dma_semaphore, #tpu.memory_space<semaphore_mem>>) src(%dma_wait3A_364 : memref<128xi32, #tpu.memory_space<hbm>>) dst(%dma_wait3A_361 : memref<128xi32, #tpu.memory_space<vmem>>)
          %ge3A = arith.constant 1 : i32
          %ge3A_365 = arith.cmpi sge, %add3A_173, %ge3A : i32
          %convert_element_type3A_366 = arith.extui %ge3A_365 : i1 to i32
          %cond3A_367 = arith.constant 0 : i32
          %cond3A_368 = arith.cmpi ne, %convert_element_type3A_366, %cond3A_367 : i32
          scf.if %cond3A_368 {
            %dma_wait3A_381 = arith.constant 1 : i32
            %dma_wait3A_382 = arith.constant 3 : i32
            %dma_wait3A_383 = arith.constant 0 : i32
            %dma_wait3A_384 = arith.constant 0 : i32
            %dma_wait3A_385 = tpu.memref_slice %arg8[%dma_wait3A_381, %dma_wait3A_383, %dma_wait3A_384] : memref<2x128x128xf32, #tpu.memory_space<vmem>> -> memref<1x128x128xf32, #tpu.memory_space<vmem>>
            %dma_wait3A_386 = tpu.memref_squeeze %dma_wait3A_385 : memref<1x128x128xf32, #tpu.memory_space<vmem>> -> memref<128x128xf32, #tpu.memory_space<vmem>>
            %dma_wait3A_387 = arith.constant 0 : i32
            %dma_wait3A_388 = tpu.memref_slice %arg7[%dma_wait3A_382, %dma_wait3A_387] : memref<4x128xi32, #tpu.memory_space<vmem>> -> memref<1x128xi32, #tpu.memory_space<vmem>>
            %dma_wait3A_389 = tpu.memref_squeeze %dma_wait3A_388 : memref<1x128xi32, #tpu.memory_space<vmem>> -> memref<128xi32, #tpu.memory_space<vmem>>
            %dma_wait3A_390 = arith.constant 0 : i32
            %dma_wait3A_391 = arith.constant 0 : i32
            %dma_wait3A_392 = tpu.memref_slice %arg9[%dma_wait3A_390, %dma_wait3A_391] : memref<10240x128xf32, #tpu.memory_space<vmem_shared>> -> memref<10240x128xf32, #tpu.memory_space<vmem_shared>>
            tpu.wait_indirect_dma semaphore(%arg13 : memref<!tpu.dma_semaphore, #tpu.memory_space<semaphore_mem>>) src(%dma_wait3A_386 : memref<128x128xf32, #tpu.memory_space<vmem>>) dst(%dma_wait3A_392 : memref<10240x128xf32, #tpu.memory_space<vmem_shared>>)
          } else {
          }
          %dma_start3A_369 = arith.constant 1 : i32
          %dma_start3A_370 = arith.constant 1 : i32
          %dma_start3A_371 = arith.constant 0 : i32
          %dma_start3A_372 = arith.constant 0 : i32
          %dma_start3A_373 = tpu.memref_slice %arg8[%dma_start3A_370, %dma_start3A_371, %dma_start3A_372] : memref<2x128x128xf32, #tpu.memory_space<vmem>> -> memref<1x128x128xf32, #tpu.memory_space<vmem>>
          %dma_start3A_374 = tpu.memref_squeeze %dma_start3A_373 : memref<1x128x128xf32, #tpu.memory_space<vmem>> -> memref<128x128xf32, #tpu.memory_space<vmem>>
          %dma_start3A_375 = arith.constant 0 : i32
          %dma_start3A_376 = tpu.memref_slice %arg6[%dma_start3A_369, %dma_start3A_375] : memref<4x128xi32, #tpu.memory_space<vmem>> -> memref<1x128xi32, #tpu.memory_space<vmem>>
          %dma_start3A_377 = tpu.memref_squeeze %dma_start3A_376 : memref<1x128xi32, #tpu.memory_space<vmem>> -> memref<128xi32, #tpu.memory_space<vmem>>
          %dma_start3A_378 = arith.constant 0 : i32
          %dma_start3A_379 = arith.constant 0 : i32
          %dma_start3A_380 = tpu.memref_slice %arg2[%dma_start3A_378, %dma_start3A_379] : memref<10240x128xf32, #tpu.memory_space<hbm>> -> memref<10240x128xf32, #tpu.memory_space<hbm>>
          tpu.enqueue_indirect_dma source(%dma_start3A_380 : memref<10240x128xf32, #tpu.memory_space<hbm>>) target(%dma_start3A_374 : memref<128x128xf32, #tpu.memory_space<vmem>>) offsets(%dma_start3A_377 : memref<128xi32, #tpu.memory_space<vmem>>) semaphore(%arg11 : memref<!tpu.dma_semaphore, #tpu.memory_space<semaphore_mem>>)
        } else {
        }
        %dma_wait3A_180 = arith.constant 0 : i32
        %dma_wait3A_181 = arith.constant 0 : i32
        %dma_wait3A_182 = arith.constant 0 : i32
        %dma_wait3A_183 = arith.constant 0 : i32
        %dma_wait3A_184 = tpu.memref_slice %arg8[%dma_wait3A_181, %dma_wait3A_182, %dma_wait3A_183] : memref<2x128x128xf32, #tpu.memory_space<vmem>> -> memref<1x128x128xf32, #tpu.memory_space<vmem>>
        %dma_wait3A_185 = tpu.memref_squeeze %dma_wait3A_184 : memref<1x128x128xf32, #tpu.memory_space<vmem>> -> memref<128x128xf32, #tpu.memory_space<vmem>>
        %dma_wait3A_186 = arith.constant 0 : i32
        %dma_wait3A_187 = tpu.memref_slice %arg6[%dma_wait3A_180, %dma_wait3A_186] : memref<4x128xi32, #tpu.memory_space<vmem>> -> memref<1x128xi32, #tpu.memory_space<vmem>>
        %dma_wait3A_188 = tpu.memref_squeeze %dma_wait3A_187 : memref<1x128xi32, #tpu.memory_space<vmem>> -> memref<128xi32, #tpu.memory_space<vmem>>
        %dma_wait3A_189 = arith.constant 0 : i32
        %dma_wait3A_190 = arith.constant 0 : i32
        %dma_wait3A_191 = tpu.memref_slice %arg2[%dma_wait3A_189, %dma_wait3A_190] : memref<10240x128xf32, #tpu.memory_space<hbm>> -> memref<10240x128xf32, #tpu.memory_space<hbm>>
        tpu.wait_indirect_dma semaphore(%arg10 : memref<!tpu.dma_semaphore, #tpu.memory_space<semaphore_mem>>) src(%dma_wait3A_191 : memref<10240x128xf32, #tpu.memory_space<hbm>>) dst(%dma_wait3A_185 : memref<128x128xf32, #tpu.memory_space<vmem>>)
        %add3A_192 = arith.constant 2 : i32
        %add3A_193 = arith.addi %add3A_173, %add3A_192 : i32
        %lt3A_194 = arith.constant 80 : i32
        %lt3A_195 = arith.cmpi slt, %add3A_193, %lt3A_194 : i32
        %convert_element_type3A_196 = arith.extui %lt3A_195 : i1 to i32
        %cond3A_197 = arith.constant 0 : i32
        %cond3A_198 = arith.cmpi ne, %convert_element_type3A_196, %cond3A_197 : i32
        scf.if %cond3A_198 {
          %add3A_338 = arith.addi %mul3A_42, %add3A_173 : i32
          %add3A_339 = arith.constant 2 : i32
          %add3A_340 = arith.addi %add3A_338, %add3A_339 : i32
          %dma_start3A_341 = arith.constant 2 : i32
          %dma_start3A_342 = arith.constant 0 : i32
          %dma_start3A_343 = tpu.memref_slice %arg6[%dma_start3A_341, %dma_start3A_342] : memref<4x128xi32, #tpu.memory_space<vmem>> -> memref<1x128xi32, #tpu.memory_space<vmem>>
          %dma_start3A_344 = tpu.memref_squeeze %dma_start3A_343 : memref<1x128xi32, #tpu.memory_space<vmem>> -> memref<128xi32, #tpu.memory_space<vmem>>
          %dma_start3A_345 = arith.constant 0 : i32
          %dma_start3A_346 = tpu.memref_slice %arg3[%add3A_340, %dma_start3A_345] : memref<2560x128xi32, #tpu.memory_space<hbm>> -> memref<1x128xi32, #tpu.memory_space<hbm>>
          %dma_start3A_347 = tpu.memref_squeeze %dma_start3A_346 : memref<1x128xi32, #tpu.memory_space<hbm>> -> memref<128xi32, #tpu.memory_space<hbm>>
          %dma_start3A_348 = arith.constant 0 : i32
          %dma_start3A_349 = tpu.memref_slice %arg6[%dma_start3A_341, %dma_start3A_348] : memref<4x128xi32, #tpu.memory_space<vmem>> -> memref<1x128xi32, #tpu.memory_space<vmem>>
          %dma_start3A_350 = tpu.memref_squeeze %dma_start3A_349 : memref<1x128xi32, #tpu.memory_space<vmem>> -> memref<128xi32, #tpu.memory_space<vmem>>
          %dma_start3A_351 = arith.constant 0 : i32
          %dma_start3A_352 = tpu.memref_slice %arg3[%add3A_340, %dma_start3A_351] : memref<2560x128xi32, #tpu.memory_space<hbm>> -> memref<1x128xi32, #tpu.memory_space<hbm>>
          %dma_start3A_353 = tpu.memref_squeeze %dma_start3A_352 : memref<1x128xi32, #tpu.memory_space<hbm>> -> memref<128xi32, #tpu.memory_space<hbm>>
          tpu.enqueue_dma source(%dma_start3A_353 : memref<128xi32, #tpu.memory_space<hbm>>) target(%dma_start3A_350 : memref<128xi32, #tpu.memory_space<vmem>>) target_semaphore(%arg16 : memref<!tpu.dma_semaphore, #tpu.memory_space<semaphore_mem>>)
          %dma_start3A_354 = arith.constant 2 : i32
          %dma_start3A_355 = arith.constant 0 : i32
          %dma_start3A_356 = tpu.memref_slice %arg7[%dma_start3A_354, %dma_start3A_355] : memref<4x128xi32, #tpu.memory_space<vmem>> -> memref<1x128xi32, #tpu.memory_space<vmem>>
          %dma_start3A_357 = tpu.memref_squeeze %dma_start3A_356 : memref<1x128xi32, #tpu.memory_space<vmem>> -> memref<128xi32, #tpu.memory_space<vmem>>
          %dma_start3A_358 = arith.constant 0 : i32
          %dma_start3A_359 = tpu.memref_slice %arg4[%add3A_340, %dma_start3A_358] : memref<2560x128xi32, #tpu.memory_space<hbm>> -> memref<1x128xi32, #tpu.memory_space<hbm>>
          %dma_start3A_360 = tpu.memref_squeeze %dma_start3A_359 : memref<1x128xi32, #tpu.memory_space<hbm>> -> memref<128xi32, #tpu.memory_space<hbm>>
          %dma_start3A_361 = arith.constant 0 : i32
          %dma_start3A_362 = tpu.memref_slice %arg7[%dma_start3A_354, %dma_start3A_361] : memref<4x128xi32, #tpu.memory_space<vmem>> -> memref<1x128xi32, #tpu.memory_space<vmem>>
          %dma_start3A_363 = tpu.memref_squeeze %dma_start3A_362 : memref<1x128xi32, #tpu.memory_space<vmem>> -> memref<128xi32, #tpu.memory_space<vmem>>
          %dma_start3A_364 = arith.constant 0 : i32
          %dma_start3A_365 = tpu.memref_slice %arg4[%add3A_340, %dma_start3A_364] : memref<2560x128xi32, #tpu.memory_space<hbm>> -> memref<1x128xi32, #tpu.memory_space<hbm>>
          %dma_start3A_366 = tpu.memref_squeeze %dma_start3A_365 : memref<1x128xi32, #tpu.memory_space<hbm>> -> memref<128xi32, #tpu.memory_space<hbm>>
          tpu.enqueue_dma source(%dma_start3A_366 : memref<128xi32, #tpu.memory_space<hbm>>) target(%dma_start3A_363 : memref<128xi32, #tpu.memory_space<vmem>>) target_semaphore(%arg16 : memref<!tpu.dma_semaphore, #tpu.memory_space<semaphore_mem>>)
        } else {
        }
        %dma_start3A_199 = arith.constant 0 : i32
        %dma_start3A_200 = arith.constant 0 : i32
        %dma_start3A_201 = arith.constant 0 : i32
        %dma_start3A_202 = arith.constant 0 : i32
        %dma_start3A_203 = tpu.memref_slice %arg8[%dma_start3A_199, %dma_start3A_201, %dma_start3A_202] : memref<2x128x128xf32, #tpu.memory_space<vmem>> -> memref<1x128x128xf32, #tpu.memory_space<vmem>>
        %dma_start3A_204 = tpu.memref_squeeze %dma_start3A_203 : memref<1x128x128xf32, #tpu.memory_space<vmem>> -> memref<128x128xf32, #tpu.memory_space<vmem>>
        %dma_start3A_205 = arith.constant 0 : i32
        %dma_start3A_206 = tpu.memref_slice %arg7[%dma_start3A_200, %dma_start3A_205] : memref<4x128xi32, #tpu.memory_space<vmem>> -> memref<1x128xi32, #tpu.memory_space<vmem>>
        %dma_start3A_207 = tpu.memref_squeeze %dma_start3A_206 : memref<1x128xi32, #tpu.memory_space<vmem>> -> memref<128xi32, #tpu.memory_space<vmem>>
        %dma_start3A_208 = arith.constant 0 : i32
        %dma_start3A_209 = arith.constant 0 : i32
        %dma_start3A_210 = tpu.memref_slice %arg9[%dma_start3A_208, %dma_start3A_209] : memref<10240x128xf32, #tpu.memory_space<vmem_shared>> -> memref<10240x128xf32, #tpu.memory_space<vmem_shared>>
        tpu.enqueue_indirect_dma source(%dma_start3A_204 : memref<128x128xf32, #tpu.memory_space<vmem>>) target(%dma_start3A_210 : memref<10240x128xf32, #tpu.memory_space<vmem_shared>>) offsets(%dma_start3A_207 : memref<128xi32, #tpu.memory_space<vmem>>) semaphore(%arg12 : memref<!tpu.dma_semaphore, #tpu.memory_space<semaphore_mem>>) {add = true}
        %mul3A_211 = arith.constant 4 : i32
        %mul3A_212 = arith.muli %scan3A_168, %mul3A_211 : i32
        %add3A_213 = arith.constant 1 : i32
        %add3A_214 = arith.addi %mul3A_212, %add3A_213 : i32
        %add3A_215 = arith.constant 1 : i32
        %add3A_216 = arith.addi %add3A_214, %add3A_215 : i32
        %lt3A_217 = arith.constant 80 : i32
        %lt3A_218 = arith.cmpi slt, %add3A_216, %lt3A_217 : i32
        %convert_element_type3A_219 = arith.extui %lt3A_218 : i1 to i32
        %cond3A_220 = arith.constant 0 : i32
        %cond3A_221 = arith.cmpi ne, %convert_element_type3A_219, %cond3A_220 : i32
        scf.if %cond3A_221 {
          %add3A_338 = arith.addi %mul3A_42, %add3A_216 : i32
          %dma_wait3A_339 = arith.constant 2 : i32
          %dma_wait3A_340 = arith.constant 0 : i32
          %dma_wait3A_341 = tpu.memref_slice %arg6[%dma_wait3A_339, %dma_wait3A_340] : memref<4x128xi32, #tpu.memory_space<vmem>> -> memref<1x128xi32, #tpu.memory_space<vmem>>
          %dma_wait3A_342 = tpu.memref_squeeze %dma_wait3A_341 : memref<1x128xi32, #tpu.memory_space<vmem>> -> memref<128xi32, #tpu.memory_space<vmem>>
          %dma_wait3A_343 = arith.constant 0 : i32
          %dma_wait3A_344 = tpu.memref_slice %arg3[%add3A_338, %dma_wait3A_343] : memref<2560x128xi32, #tpu.memory_space<hbm>> -> memref<1x128xi32, #tpu.memory_space<hbm>>
          %dma_wait3A_345 = tpu.memref_squeeze %dma_wait3A_344 : memref<1x128xi32, #tpu.memory_space<hbm>> -> memref<128xi32, #tpu.memory_space<hbm>>
          %dma_wait3A_346 = arith.constant 0 : i32
          %dma_wait3A_347 = tpu.memref_slice %arg6[%dma_wait3A_339, %dma_wait3A_346] : memref<4x128xi32, #tpu.memory_space<vmem>> -> memref<1x128xi32, #tpu.memory_space<vmem>>
          %dma_wait3A_348 = tpu.memref_squeeze %dma_wait3A_347 : memref<1x128xi32, #tpu.memory_space<vmem>> -> memref<128xi32, #tpu.memory_space<vmem>>
          %dma_wait3A_349 = arith.constant 0 : i32
          %dma_wait3A_350 = tpu.memref_slice %arg3[%add3A_338, %dma_wait3A_349] : memref<2560x128xi32, #tpu.memory_space<hbm>> -> memref<1x128xi32, #tpu.memory_space<hbm>>
          %dma_wait3A_351 = tpu.memref_squeeze %dma_wait3A_350 : memref<1x128xi32, #tpu.memory_space<hbm>> -> memref<128xi32, #tpu.memory_space<hbm>>
          tpu.wait_dma2 semaphore(%arg16 : memref<!tpu.dma_semaphore, #tpu.memory_space<semaphore_mem>>) src(%dma_wait3A_351 : memref<128xi32, #tpu.memory_space<hbm>>) dst(%dma_wait3A_348 : memref<128xi32, #tpu.memory_space<vmem>>)
          %dma_wait3A_352 = arith.constant 2 : i32
          %dma_wait3A_353 = arith.constant 0 : i32
          %dma_wait3A_354 = tpu.memref_slice %arg7[%dma_wait3A_352, %dma_wait3A_353] : memref<4x128xi32, #tpu.memory_space<vmem>> -> memref<1x128xi32, #tpu.memory_space<vmem>>
          %dma_wait3A_355 = tpu.memref_squeeze %dma_wait3A_354 : memref<1x128xi32, #tpu.memory_space<vmem>> -> memref<128xi32, #tpu.memory_space<vmem>>
          %dma_wait3A_356 = arith.constant 0 : i32
          %dma_wait3A_357 = tpu.memref_slice %arg4[%add3A_338, %dma_wait3A_356] : memref<2560x128xi32, #tpu.memory_space<hbm>> -> memref<1x128xi32, #tpu.memory_space<hbm>>
          %dma_wait3A_358 = tpu.memref_squeeze %dma_wait3A_357 : memref<1x128xi32, #tpu.memory_space<hbm>> -> memref<128xi32, #tpu.memory_space<hbm>>
          %dma_wait3A_359 = arith.constant 0 : i32
          %dma_wait3A_360 = tpu.memref_slice %arg7[%dma_wait3A_352, %dma_wait3A_359] : memref<4x128xi32, #tpu.memory_space<vmem>> -> memref<1x128xi32, #tpu.memory_space<vmem>>
          %dma_wait3A_361 = tpu.memref_squeeze %dma_wait3A_360 : memref<1x128xi32, #tpu.memory_space<vmem>> -> memref<128xi32, #tpu.memory_space<vmem>>
          %dma_wait3A_362 = arith.constant 0 : i32
          %dma_wait3A_363 = tpu.memref_slice %arg4[%add3A_338, %dma_wait3A_362] : memref<2560x128xi32, #tpu.memory_space<hbm>> -> memref<1x128xi32, #tpu.memory_space<hbm>>
          %dma_wait3A_364 = tpu.memref_squeeze %dma_wait3A_363 : memref<1x128xi32, #tpu.memory_space<hbm>> -> memref<128xi32, #tpu.memory_space<hbm>>
          tpu.wait_dma2 semaphore(%arg16 : memref<!tpu.dma_semaphore, #tpu.memory_space<semaphore_mem>>) src(%dma_wait3A_364 : memref<128xi32, #tpu.memory_space<hbm>>) dst(%dma_wait3A_361 : memref<128xi32, #tpu.memory_space<vmem>>)
          %ge3A = arith.constant 1 : i32
          %ge3A_365 = arith.cmpi sge, %add3A_214, %ge3A : i32
          %convert_element_type3A_366 = arith.extui %ge3A_365 : i1 to i32
          %cond3A_367 = arith.constant 0 : i32
          %cond3A_368 = arith.cmpi ne, %convert_element_type3A_366, %cond3A_367 : i32
          scf.if %cond3A_368 {
            %dma_wait3A_381 = arith.constant 0 : i32
            %dma_wait3A_382 = arith.constant 0 : i32
            %dma_wait3A_383 = arith.constant 0 : i32
            %dma_wait3A_384 = arith.constant 0 : i32
            %dma_wait3A_385 = tpu.memref_slice %arg8[%dma_wait3A_381, %dma_wait3A_383, %dma_wait3A_384] : memref<2x128x128xf32, #tpu.memory_space<vmem>> -> memref<1x128x128xf32, #tpu.memory_space<vmem>>
            %dma_wait3A_386 = tpu.memref_squeeze %dma_wait3A_385 : memref<1x128x128xf32, #tpu.memory_space<vmem>> -> memref<128x128xf32, #tpu.memory_space<vmem>>
            %dma_wait3A_387 = arith.constant 0 : i32
            %dma_wait3A_388 = tpu.memref_slice %arg7[%dma_wait3A_382, %dma_wait3A_387] : memref<4x128xi32, #tpu.memory_space<vmem>> -> memref<1x128xi32, #tpu.memory_space<vmem>>
            %dma_wait3A_389 = tpu.memref_squeeze %dma_wait3A_388 : memref<1x128xi32, #tpu.memory_space<vmem>> -> memref<128xi32, #tpu.memory_space<vmem>>
            %dma_wait3A_390 = arith.constant 0 : i32
            %dma_wait3A_391 = arith.constant 0 : i32
            %dma_wait3A_392 = tpu.memref_slice %arg9[%dma_wait3A_390, %dma_wait3A_391] : memref<10240x128xf32, #tpu.memory_space<vmem_shared>> -> memref<10240x128xf32, #tpu.memory_space<vmem_shared>>
            tpu.wait_indirect_dma semaphore(%arg12 : memref<!tpu.dma_semaphore, #tpu.memory_space<semaphore_mem>>) src(%dma_wait3A_386 : memref<128x128xf32, #tpu.memory_space<vmem>>) dst(%dma_wait3A_392 : memref<10240x128xf32, #tpu.memory_space<vmem_shared>>)
          } else {
          }
          %dma_start3A_369 = arith.constant 2 : i32
          %dma_start3A_370 = arith.constant 0 : i32
          %dma_start3A_371 = arith.constant 0 : i32
          %dma_start3A_372 = arith.constant 0 : i32
          %dma_start3A_373 = tpu.memref_slice %arg8[%dma_start3A_370, %dma_start3A_371, %dma_start3A_372] : memref<2x128x128xf32, #tpu.memory_space<vmem>> -> memref<1x128x128xf32, #tpu.memory_space<vmem>>
          %dma_start3A_374 = tpu.memref_squeeze %dma_start3A_373 : memref<1x128x128xf32, #tpu.memory_space<vmem>> -> memref<128x128xf32, #tpu.memory_space<vmem>>
          %dma_start3A_375 = arith.constant 0 : i32
          %dma_start3A_376 = tpu.memref_slice %arg6[%dma_start3A_369, %dma_start3A_375] : memref<4x128xi32, #tpu.memory_space<vmem>> -> memref<1x128xi32, #tpu.memory_space<vmem>>
          %dma_start3A_377 = tpu.memref_squeeze %dma_start3A_376 : memref<1x128xi32, #tpu.memory_space<vmem>> -> memref<128xi32, #tpu.memory_space<vmem>>
          %dma_start3A_378 = arith.constant 0 : i32
          %dma_start3A_379 = arith.constant 0 : i32
          %dma_start3A_380 = tpu.memref_slice %arg2[%dma_start3A_378, %dma_start3A_379] : memref<10240x128xf32, #tpu.memory_space<hbm>> -> memref<10240x128xf32, #tpu.memory_space<hbm>>
          tpu.enqueue_indirect_dma source(%dma_start3A_380 : memref<10240x128xf32, #tpu.memory_space<hbm>>) target(%dma_start3A_374 : memref<128x128xf32, #tpu.memory_space<vmem>>) offsets(%dma_start3A_377 : memref<128xi32, #tpu.memory_space<vmem>>) semaphore(%arg10 : memref<!tpu.dma_semaphore, #tpu.memory_space<semaphore_mem>>)
        } else {
        }
        %dma_wait3A_222 = arith.constant 1 : i32
        %dma_wait3A_223 = arith.constant 1 : i32
        %dma_wait3A_224 = arith.constant 0 : i32
        %dma_wait3A_225 = arith.constant 0 : i32
        %dma_wait3A_226 = tpu.memref_slice %arg8[%dma_wait3A_223, %dma_wait3A_224, %dma_wait3A_225] : memref<2x128x128xf32, #tpu.memory_space<vmem>> -> memref<1x128x128xf32, #tpu.memory_space<vmem>>
        %dma_wait3A_227 = tpu.memref_squeeze %dma_wait3A_226 : memref<1x128x128xf32, #tpu.memory_space<vmem>> -> memref<128x128xf32, #tpu.memory_space<vmem>>
        %dma_wait3A_228 = arith.constant 0 : i32
        %dma_wait3A_229 = tpu.memref_slice %arg6[%dma_wait3A_222, %dma_wait3A_228] : memref<4x128xi32, #tpu.memory_space<vmem>> -> memref<1x128xi32, #tpu.memory_space<vmem>>
        %dma_wait3A_230 = tpu.memref_squeeze %dma_wait3A_229 : memref<1x128xi32, #tpu.memory_space<vmem>> -> memref<128xi32, #tpu.memory_space<vmem>>
        %dma_wait3A_231 = arith.constant 0 : i32
        %dma_wait3A_232 = arith.constant 0 : i32
        %dma_wait3A_233 = tpu.memref_slice %arg2[%dma_wait3A_231, %dma_wait3A_232] : memref<10240x128xf32, #tpu.memory_space<hbm>> -> memref<10240x128xf32, #tpu.memory_space<hbm>>
        tpu.wait_indirect_dma semaphore(%arg11 : memref<!tpu.dma_semaphore, #tpu.memory_space<semaphore_mem>>) src(%dma_wait3A_233 : memref<10240x128xf32, #tpu.memory_space<hbm>>) dst(%dma_wait3A_227 : memref<128x128xf32, #tpu.memory_space<vmem>>)
        %add3A_234 = arith.constant 2 : i32
        %add3A_235 = arith.addi %add3A_214, %add3A_234 : i32
        %lt3A_236 = arith.constant 80 : i32
        %lt3A_237 = arith.cmpi slt, %add3A_235, %lt3A_236 : i32
        %convert_element_type3A_238 = arith.extui %lt3A_237 : i1 to i32
        %cond3A_239 = arith.constant 0 : i32
        %cond3A_240 = arith.cmpi ne, %convert_element_type3A_238, %cond3A_239 : i32
        scf.if %cond3A_240 {
          %add3A_338 = arith.addi %mul3A_42, %add3A_214 : i32
          %add3A_339 = arith.constant 2 : i32
          %add3A_340 = arith.addi %add3A_338, %add3A_339 : i32
          %dma_start3A_341 = arith.constant 3 : i32
          %dma_start3A_342 = arith.constant 0 : i32
          %dma_start3A_343 = tpu.memref_slice %arg6[%dma_start3A_341, %dma_start3A_342] : memref<4x128xi32, #tpu.memory_space<vmem>> -> memref<1x128xi32, #tpu.memory_space<vmem>>
          %dma_start3A_344 = tpu.memref_squeeze %dma_start3A_343 : memref<1x128xi32, #tpu.memory_space<vmem>> -> memref<128xi32, #tpu.memory_space<vmem>>
          %dma_start3A_345 = arith.constant 0 : i32
          %dma_start3A_346 = tpu.memref_slice %arg3[%add3A_340, %dma_start3A_345] : memref<2560x128xi32, #tpu.memory_space<hbm>> -> memref<1x128xi32, #tpu.memory_space<hbm>>
          %dma_start3A_347 = tpu.memref_squeeze %dma_start3A_346 : memref<1x128xi32, #tpu.memory_space<hbm>> -> memref<128xi32, #tpu.memory_space<hbm>>
          %dma_start3A_348 = arith.constant 0 : i32
          %dma_start3A_349 = tpu.memref_slice %arg6[%dma_start3A_341, %dma_start3A_348] : memref<4x128xi32, #tpu.memory_space<vmem>> -> memref<1x128xi32, #tpu.memory_space<vmem>>
          %dma_start3A_350 = tpu.memref_squeeze %dma_start3A_349 : memref<1x128xi32, #tpu.memory_space<vmem>> -> memref<128xi32, #tpu.memory_space<vmem>>
          %dma_start3A_351 = arith.constant 0 : i32
          %dma_start3A_352 = tpu.memref_slice %arg3[%add3A_340, %dma_start3A_351] : memref<2560x128xi32, #tpu.memory_space<hbm>> -> memref<1x128xi32, #tpu.memory_space<hbm>>
          %dma_start3A_353 = tpu.memref_squeeze %dma_start3A_352 : memref<1x128xi32, #tpu.memory_space<hbm>> -> memref<128xi32, #tpu.memory_space<hbm>>
          tpu.enqueue_dma source(%dma_start3A_353 : memref<128xi32, #tpu.memory_space<hbm>>) target(%dma_start3A_350 : memref<128xi32, #tpu.memory_space<vmem>>) target_semaphore(%arg17 : memref<!tpu.dma_semaphore, #tpu.memory_space<semaphore_mem>>)
          %dma_start3A_354 = arith.constant 3 : i32
          %dma_start3A_355 = arith.constant 0 : i32
          %dma_start3A_356 = tpu.memref_slice %arg7[%dma_start3A_354, %dma_start3A_355] : memref<4x128xi32, #tpu.memory_space<vmem>> -> memref<1x128xi32, #tpu.memory_space<vmem>>
          %dma_start3A_357 = tpu.memref_squeeze %dma_start3A_356 : memref<1x128xi32, #tpu.memory_space<vmem>> -> memref<128xi32, #tpu.memory_space<vmem>>
          %dma_start3A_358 = arith.constant 0 : i32
          %dma_start3A_359 = tpu.memref_slice %arg4[%add3A_340, %dma_start3A_358] : memref<2560x128xi32, #tpu.memory_space<hbm>> -> memref<1x128xi32, #tpu.memory_space<hbm>>
          %dma_start3A_360 = tpu.memref_squeeze %dma_start3A_359 : memref<1x128xi32, #tpu.memory_space<hbm>> -> memref<128xi32, #tpu.memory_space<hbm>>
          %dma_start3A_361 = arith.constant 0 : i32
          %dma_start3A_362 = tpu.memref_slice %arg7[%dma_start3A_354, %dma_start3A_361] : memref<4x128xi32, #tpu.memory_space<vmem>> -> memref<1x128xi32, #tpu.memory_space<vmem>>
          %dma_start3A_363 = tpu.memref_squeeze %dma_start3A_362 : memref<1x128xi32, #tpu.memory_space<vmem>> -> memref<128xi32, #tpu.memory_space<vmem>>
          %dma_start3A_364 = arith.constant 0 : i32
          %dma_start3A_365 = tpu.memref_slice %arg4[%add3A_340, %dma_start3A_364] : memref<2560x128xi32, #tpu.memory_space<hbm>> -> memref<1x128xi32, #tpu.memory_space<hbm>>
          %dma_start3A_366 = tpu.memref_squeeze %dma_start3A_365 : memref<1x128xi32, #tpu.memory_space<hbm>> -> memref<128xi32, #tpu.memory_space<hbm>>
          tpu.enqueue_dma source(%dma_start3A_366 : memref<128xi32, #tpu.memory_space<hbm>>) target(%dma_start3A_363 : memref<128xi32, #tpu.memory_space<vmem>>) target_semaphore(%arg17 : memref<!tpu.dma_semaphore, #tpu.memory_space<semaphore_mem>>)
        } else {
        }
        %dma_start3A_241 = arith.constant 1 : i32
        %dma_start3A_242 = arith.constant 1 : i32
        %dma_start3A_243 = arith.constant 0 : i32
        %dma_start3A_244 = arith.constant 0 : i32
        %dma_start3A_245 = tpu.memref_slice %arg8[%dma_start3A_241, %dma_start3A_243, %dma_start3A_244] : memref<2x128x128xf32, #tpu.memory_space<vmem>> -> memref<1x128x128xf32, #tpu.memory_space<vmem>>
        %dma_start3A_246 = tpu.memref_squeeze %dma_start3A_245 : memref<1x128x128xf32, #tpu.memory_space<vmem>> -> memref<128x128xf32, #tpu.memory_space<vmem>>
        %dma_start3A_247 = arith.constant 0 : i32
        %dma_start3A_248 = tpu.memref_slice %arg7[%dma_start3A_242, %dma_start3A_247] : memref<4x128xi32, #tpu.memory_space<vmem>> -> memref<1x128xi32, #tpu.memory_space<vmem>>
        %dma_start3A_249 = tpu.memref_squeeze %dma_start3A_248 : memref<1x128xi32, #tpu.memory_space<vmem>> -> memref<128xi32, #tpu.memory_space<vmem>>
        %dma_start3A_250 = arith.constant 0 : i32
        %dma_start3A_251 = arith.constant 0 : i32
        %dma_start3A_252 = tpu.memref_slice %arg9[%dma_start3A_250, %dma_start3A_251] : memref<10240x128xf32, #tpu.memory_space<vmem_shared>> -> memref<10240x128xf32, #tpu.memory_space<vmem_shared>>
        tpu.enqueue_indirect_dma source(%dma_start3A_246 : memref<128x128xf32, #tpu.memory_space<vmem>>) target(%dma_start3A_252 : memref<10240x128xf32, #tpu.memory_space<vmem_shared>>) offsets(%dma_start3A_249 : memref<128xi32, #tpu.memory_space<vmem>>) semaphore(%arg13 : memref<!tpu.dma_semaphore, #tpu.memory_space<semaphore_mem>>) {add = true}
        %mul3A_253 = arith.constant 4 : i32
        %mul3A_254 = arith.muli %scan3A_168, %mul3A_253 : i32
        %add3A_255 = arith.constant 2 : i32
        %add3A_256 = arith.addi %mul3A_254, %add3A_255 : i32
        %add3A_257 = arith.constant 1 : i32
        %add3A_258 = arith.addi %add3A_256, %add3A_257 : i32
        %lt3A_259 = arith.constant 80 : i32
        %lt3A_260 = arith.cmpi slt, %add3A_258, %lt3A_259 : i32
        %convert_element_type3A_261 = arith.extui %lt3A_260 : i1 to i32
        %cond3A_262 = arith.constant 0 : i32
        %cond3A_263 = arith.cmpi ne, %convert_element_type3A_261, %cond3A_262 : i32
        scf.if %cond3A_263 {
          %add3A_338 = arith.addi %mul3A_42, %add3A_258 : i32
          %dma_wait3A_339 = arith.constant 3 : i32
          %dma_wait3A_340 = arith.constant 0 : i32
          %dma_wait3A_341 = tpu.memref_slice %arg6[%dma_wait3A_339, %dma_wait3A_340] : memref<4x128xi32, #tpu.memory_space<vmem>> -> memref<1x128xi32, #tpu.memory_space<vmem>>
          %dma_wait3A_342 = tpu.memref_squeeze %dma_wait3A_341 : memref<1x128xi32, #tpu.memory_space<vmem>> -> memref<128xi32, #tpu.memory_space<vmem>>
          %dma_wait3A_343 = arith.constant 0 : i32
          %dma_wait3A_344 = tpu.memref_slice %arg3[%add3A_338, %dma_wait3A_343] : memref<2560x128xi32, #tpu.memory_space<hbm>> -> memref<1x128xi32, #tpu.memory_space<hbm>>
          %dma_wait3A_345 = tpu.memref_squeeze %dma_wait3A_344 : memref<1x128xi32, #tpu.memory_space<hbm>> -> memref<128xi32, #tpu.memory_space<hbm>>
          %dma_wait3A_346 = arith.constant 0 : i32
          %dma_wait3A_347 = tpu.memref_slice %arg6[%dma_wait3A_339, %dma_wait3A_346] : memref<4x128xi32, #tpu.memory_space<vmem>> -> memref<1x128xi32, #tpu.memory_space<vmem>>
          %dma_wait3A_348 = tpu.memref_squeeze %dma_wait3A_347 : memref<1x128xi32, #tpu.memory_space<vmem>> -> memref<128xi32, #tpu.memory_space<vmem>>
          %dma_wait3A_349 = arith.constant 0 : i32
          %dma_wait3A_350 = tpu.memref_slice %arg3[%add3A_338, %dma_wait3A_349] : memref<2560x128xi32, #tpu.memory_space<hbm>> -> memref<1x128xi32, #tpu.memory_space<hbm>>
          %dma_wait3A_351 = tpu.memref_squeeze %dma_wait3A_350 : memref<1x128xi32, #tpu.memory_space<hbm>> -> memref<128xi32, #tpu.memory_space<hbm>>
          tpu.wait_dma2 semaphore(%arg17 : memref<!tpu.dma_semaphore, #tpu.memory_space<semaphore_mem>>) src(%dma_wait3A_351 : memref<128xi32, #tpu.memory_space<hbm>>) dst(%dma_wait3A_348 : memref<128xi32, #tpu.memory_space<vmem>>)
          %dma_wait3A_352 = arith.constant 3 : i32
          %dma_wait3A_353 = arith.constant 0 : i32
          %dma_wait3A_354 = tpu.memref_slice %arg7[%dma_wait3A_352, %dma_wait3A_353] : memref<4x128xi32, #tpu.memory_space<vmem>> -> memref<1x128xi32, #tpu.memory_space<vmem>>
          %dma_wait3A_355 = tpu.memref_squeeze %dma_wait3A_354 : memref<1x128xi32, #tpu.memory_space<vmem>> -> memref<128xi32, #tpu.memory_space<vmem>>
          %dma_wait3A_356 = arith.constant 0 : i32
          %dma_wait3A_357 = tpu.memref_slice %arg4[%add3A_338, %dma_wait3A_356] : memref<2560x128xi32, #tpu.memory_space<hbm>> -> memref<1x128xi32, #tpu.memory_space<hbm>>
          %dma_wait3A_358 = tpu.memref_squeeze %dma_wait3A_357 : memref<1x128xi32, #tpu.memory_space<hbm>> -> memref<128xi32, #tpu.memory_space<hbm>>
          %dma_wait3A_359 = arith.constant 0 : i32
          %dma_wait3A_360 = tpu.memref_slice %arg7[%dma_wait3A_352, %dma_wait3A_359] : memref<4x128xi32, #tpu.memory_space<vmem>> -> memref<1x128xi32, #tpu.memory_space<vmem>>
          %dma_wait3A_361 = tpu.memref_squeeze %dma_wait3A_360 : memref<1x128xi32, #tpu.memory_space<vmem>> -> memref<128xi32, #tpu.memory_space<vmem>>
          %dma_wait3A_362 = arith.constant 0 : i32
          %dma_wait3A_363 = tpu.memref_slice %arg4[%add3A_338, %dma_wait3A_362] : memref<2560x128xi32, #tpu.memory_space<hbm>> -> memref<1x128xi32, #tpu.memory_space<hbm>>
          %dma_wait3A_364 = tpu.memref_squeeze %dma_wait3A_363 : memref<1x128xi32, #tpu.memory_space<hbm>> -> memref<128xi32, #tpu.memory_space<hbm>>
          tpu.wait_dma2 semaphore(%arg17 : memref<!tpu.dma_semaphore, #tpu.memory_space<semaphore_mem>>) src(%dma_wait3A_364 : memref<128xi32, #tpu.memory_space<hbm>>) dst(%dma_wait3A_361 : memref<128xi32, #tpu.memory_space<vmem>>)
          %ge3A = arith.constant 1 : i32
          %ge3A_365 = arith.cmpi sge, %add3A_256, %ge3A : i32
          %convert_element_type3A_366 = arith.extui %ge3A_365 : i1 to i32
          %cond3A_367 = arith.constant 0 : i32
          %cond3A_368 = arith.cmpi ne, %convert_element_type3A_366, %cond3A_367 : i32
          scf.if %cond3A_368 {
            %dma_wait3A_381 = arith.constant 1 : i32
            %dma_wait3A_382 = arith.constant 1 : i32
            %dma_wait3A_383 = arith.constant 0 : i32
            %dma_wait3A_384 = arith.constant 0 : i32
            %dma_wait3A_385 = tpu.memref_slice %arg8[%dma_wait3A_381, %dma_wait3A_383, %dma_wait3A_384] : memref<2x128x128xf32, #tpu.memory_space<vmem>> -> memref<1x128x128xf32, #tpu.memory_space<vmem>>
            %dma_wait3A_386 = tpu.memref_squeeze %dma_wait3A_385 : memref<1x128x128xf32, #tpu.memory_space<vmem>> -> memref<128x128xf32, #tpu.memory_space<vmem>>
            %dma_wait3A_387 = arith.constant 0 : i32
            %dma_wait3A_388 = tpu.memref_slice %arg7[%dma_wait3A_382, %dma_wait3A_387] : memref<4x128xi32, #tpu.memory_space<vmem>> -> memref<1x128xi32, #tpu.memory_space<vmem>>
            %dma_wait3A_389 = tpu.memref_squeeze %dma_wait3A_388 : memref<1x128xi32, #tpu.memory_space<vmem>> -> memref<128xi32, #tpu.memory_space<vmem>>
            %dma_wait3A_390 = arith.constant 0 : i32
            %dma_wait3A_391 = arith.constant 0 : i32
            %dma_wait3A_392 = tpu.memref_slice %arg9[%dma_wait3A_390, %dma_wait3A_391] : memref<10240x128xf32, #tpu.memory_space<vmem_shared>> -> memref<10240x128xf32, #tpu.memory_space<vmem_shared>>
            tpu.wait_indirect_dma semaphore(%arg13 : memref<!tpu.dma_semaphore, #tpu.memory_space<semaphore_mem>>) src(%dma_wait3A_386 : memref<128x128xf32, #tpu.memory_space<vmem>>) dst(%dma_wait3A_392 : memref<10240x128xf32, #tpu.memory_space<vmem_shared>>)
          } else {
          }
          %dma_start3A_369 = arith.constant 3 : i32
          %dma_start3A_370 = arith.constant 1 : i32
          %dma_start3A_371 = arith.constant 0 : i32
          %dma_start3A_372 = arith.constant 0 : i32
          %dma_start3A_373 = tpu.memref_slice %arg8[%dma_start3A_370, %dma_start3A_371, %dma_start3A_372] : memref<2x128x128xf32, #tpu.memory_space<vmem>> -> memref<1x128x128xf32, #tpu.memory_space<vmem>>
          %dma_start3A_374 = tpu.memref_squeeze %dma_start3A_373 : memref<1x128x128xf32, #tpu.memory_space<vmem>> -> memref<128x128xf32, #tpu.memory_space<vmem>>
          %dma_start3A_375 = arith.constant 0 : i32
          %dma_start3A_376 = tpu.memref_slice %arg6[%dma_start3A_369, %dma_start3A_375] : memref<4x128xi32, #tpu.memory_space<vmem>> -> memref<1x128xi32, #tpu.memory_space<vmem>>
          %dma_start3A_377 = tpu.memref_squeeze %dma_start3A_376 : memref<1x128xi32, #tpu.memory_space<vmem>> -> memref<128xi32, #tpu.memory_space<vmem>>
          %dma_start3A_378 = arith.constant 0 : i32
          %dma_start3A_379 = arith.constant 0 : i32
          %dma_start3A_380 = tpu.memref_slice %arg2[%dma_start3A_378, %dma_start3A_379] : memref<10240x128xf32, #tpu.memory_space<hbm>> -> memref<10240x128xf32, #tpu.memory_space<hbm>>
          tpu.enqueue_indirect_dma source(%dma_start3A_380 : memref<10240x128xf32, #tpu.memory_space<hbm>>) target(%dma_start3A_374 : memref<128x128xf32, #tpu.memory_space<vmem>>) offsets(%dma_start3A_377 : memref<128xi32, #tpu.memory_space<vmem>>) semaphore(%arg11 : memref<!tpu.dma_semaphore, #tpu.memory_space<semaphore_mem>>)
        } else {
        }
        %dma_wait3A_264 = arith.constant 2 : i32
        %dma_wait3A_265 = arith.constant 0 : i32
        %dma_wait3A_266 = arith.constant 0 : i32
        %dma_wait3A_267 = arith.constant 0 : i32
        %dma_wait3A_268 = tpu.memref_slice %arg8[%dma_wait3A_265, %dma_wait3A_266, %dma_wait3A_267] : memref<2x128x128xf32, #tpu.memory_space<vmem>> -> memref<1x128x128xf32, #tpu.memory_space<vmem>>
        %dma_wait3A_269 = tpu.memref_squeeze %dma_wait3A_268 : memref<1x128x128xf32, #tpu.memory_space<vmem>> -> memref<128x128xf32, #tpu.memory_space<vmem>>
        %dma_wait3A_270 = arith.constant 0 : i32
        %dma_wait3A_271 = tpu.memref_slice %arg6[%dma_wait3A_264, %dma_wait3A_270] : memref<4x128xi32, #tpu.memory_space<vmem>> -> memref<1x128xi32, #tpu.memory_space<vmem>>
        %dma_wait3A_272 = tpu.memref_squeeze %dma_wait3A_271 : memref<1x128xi32, #tpu.memory_space<vmem>> -> memref<128xi32, #tpu.memory_space<vmem>>
        %dma_wait3A_273 = arith.constant 0 : i32
        %dma_wait3A_274 = arith.constant 0 : i32
        %dma_wait3A_275 = tpu.memref_slice %arg2[%dma_wait3A_273, %dma_wait3A_274] : memref<10240x128xf32, #tpu.memory_space<hbm>> -> memref<10240x128xf32, #tpu.memory_space<hbm>>
        tpu.wait_indirect_dma semaphore(%arg10 : memref<!tpu.dma_semaphore, #tpu.memory_space<semaphore_mem>>) src(%dma_wait3A_275 : memref<10240x128xf32, #tpu.memory_space<hbm>>) dst(%dma_wait3A_269 : memref<128x128xf32, #tpu.memory_space<vmem>>)
        %add3A_276 = arith.constant 2 : i32
        %add3A_277 = arith.addi %add3A_256, %add3A_276 : i32
        %lt3A_278 = arith.constant 80 : i32
        %lt3A_279 = arith.cmpi slt, %add3A_277, %lt3A_278 : i32
        %convert_element_type3A_280 = arith.extui %lt3A_279 : i1 to i32
        %cond3A_281 = arith.constant 0 : i32
        %cond3A_282 = arith.cmpi ne, %convert_element_type3A_280, %cond3A_281 : i32
        scf.if %cond3A_282 {
          %add3A_338 = arith.addi %mul3A_42, %add3A_256 : i32
          %add3A_339 = arith.constant 2 : i32
          %add3A_340 = arith.addi %add3A_338, %add3A_339 : i32
          %dma_start3A_341 = arith.constant 0 : i32
          %dma_start3A_342 = arith.constant 0 : i32
          %dma_start3A_343 = tpu.memref_slice %arg6[%dma_start3A_341, %dma_start3A_342] : memref<4x128xi32, #tpu.memory_space<vmem>> -> memref<1x128xi32, #tpu.memory_space<vmem>>
          %dma_start3A_344 = tpu.memref_squeeze %dma_start3A_343 : memref<1x128xi32, #tpu.memory_space<vmem>> -> memref<128xi32, #tpu.memory_space<vmem>>
          %dma_start3A_345 = arith.constant 0 : i32
          %dma_start3A_346 = tpu.memref_slice %arg3[%add3A_340, %dma_start3A_345] : memref<2560x128xi32, #tpu.memory_space<hbm>> -> memref<1x128xi32, #tpu.memory_space<hbm>>
          %dma_start3A_347 = tpu.memref_squeeze %dma_start3A_346 : memref<1x128xi32, #tpu.memory_space<hbm>> -> memref<128xi32, #tpu.memory_space<hbm>>
          %dma_start3A_348 = arith.constant 0 : i32
          %dma_start3A_349 = tpu.memref_slice %arg6[%dma_start3A_341, %dma_start3A_348] : memref<4x128xi32, #tpu.memory_space<vmem>> -> memref<1x128xi32, #tpu.memory_space<vmem>>
          %dma_start3A_350 = tpu.memref_squeeze %dma_start3A_349 : memref<1x128xi32, #tpu.memory_space<vmem>> -> memref<128xi32, #tpu.memory_space<vmem>>
          %dma_start3A_351 = arith.constant 0 : i32
          %dma_start3A_352 = tpu.memref_slice %arg3[%add3A_340, %dma_start3A_351] : memref<2560x128xi32, #tpu.memory_space<hbm>> -> memref<1x128xi32, #tpu.memory_space<hbm>>
          %dma_start3A_353 = tpu.memref_squeeze %dma_start3A_352 : memref<1x128xi32, #tpu.memory_space<hbm>> -> memref<128xi32, #tpu.memory_space<hbm>>
          tpu.enqueue_dma source(%dma_start3A_353 : memref<128xi32, #tpu.memory_space<hbm>>) target(%dma_start3A_350 : memref<128xi32, #tpu.memory_space<vmem>>) target_semaphore(%arg14 : memref<!tpu.dma_semaphore, #tpu.memory_space<semaphore_mem>>)
          %dma_start3A_354 = arith.constant 0 : i32
          %dma_start3A_355 = arith.constant 0 : i32
          %dma_start3A_356 = tpu.memref_slice %arg7[%dma_start3A_354, %dma_start3A_355] : memref<4x128xi32, #tpu.memory_space<vmem>> -> memref<1x128xi32, #tpu.memory_space<vmem>>
          %dma_start3A_357 = tpu.memref_squeeze %dma_start3A_356 : memref<1x128xi32, #tpu.memory_space<vmem>> -> memref<128xi32, #tpu.memory_space<vmem>>
          %dma_start3A_358 = arith.constant 0 : i32
          %dma_start3A_359 = tpu.memref_slice %arg4[%add3A_340, %dma_start3A_358] : memref<2560x128xi32, #tpu.memory_space<hbm>> -> memref<1x128xi32, #tpu.memory_space<hbm>>
          %dma_start3A_360 = tpu.memref_squeeze %dma_start3A_359 : memref<1x128xi32, #tpu.memory_space<hbm>> -> memref<128xi32, #tpu.memory_space<hbm>>
          %dma_start3A_361 = arith.constant 0 : i32
          %dma_start3A_362 = tpu.memref_slice %arg7[%dma_start3A_354, %dma_start3A_361] : memref<4x128xi32, #tpu.memory_space<vmem>> -> memref<1x128xi32, #tpu.memory_space<vmem>>
          %dma_start3A_363 = tpu.memref_squeeze %dma_start3A_362 : memref<1x128xi32, #tpu.memory_space<vmem>> -> memref<128xi32, #tpu.memory_space<vmem>>
          %dma_start3A_364 = arith.constant 0 : i32
          %dma_start3A_365 = tpu.memref_slice %arg4[%add3A_340, %dma_start3A_364] : memref<2560x128xi32, #tpu.memory_space<hbm>> -> memref<1x128xi32, #tpu.memory_space<hbm>>
          %dma_start3A_366 = tpu.memref_squeeze %dma_start3A_365 : memref<1x128xi32, #tpu.memory_space<hbm>> -> memref<128xi32, #tpu.memory_space<hbm>>
          tpu.enqueue_dma source(%dma_start3A_366 : memref<128xi32, #tpu.memory_space<hbm>>) target(%dma_start3A_363 : memref<128xi32, #tpu.memory_space<vmem>>) target_semaphore(%arg14 : memref<!tpu.dma_semaphore, #tpu.memory_space<semaphore_mem>>)
        } else {
        }
        %dma_start3A_283 = arith.constant 0 : i32
        %dma_start3A_284 = arith.constant 2 : i32
        %dma_start3A_285 = arith.constant 0 : i32
        %dma_start3A_286 = arith.constant 0 : i32
        %dma_start3A_287 = tpu.memref_slice %arg8[%dma_start3A_283, %dma_start3A_285, %dma_start3A_286] : memref<2x128x128xf32, #tpu.memory_space<vmem>> -> memref<1x128x128xf32, #tpu.memory_space<vmem>>
        %dma_start3A_288 = tpu.memref_squeeze %dma_start3A_287 : memref<1x128x128xf32, #tpu.memory_space<vmem>> -> memref<128x128xf32, #tpu.memory_space<vmem>>
        %dma_start3A_289 = arith.constant 0 : i32
        %dma_start3A_290 = tpu.memref_slice %arg7[%dma_start3A_284, %dma_start3A_289] : memref<4x128xi32, #tpu.memory_space<vmem>> -> memref<1x128xi32, #tpu.memory_space<vmem>>
        %dma_start3A_291 = tpu.memref_squeeze %dma_start3A_290 : memref<1x128xi32, #tpu.memory_space<vmem>> -> memref<128xi32, #tpu.memory_space<vmem>>
        %dma_start3A_292 = arith.constant 0 : i32
        %dma_start3A_293 = arith.constant 0 : i32
        %dma_start3A_294 = tpu.memref_slice %arg9[%dma_start3A_292, %dma_start3A_293] : memref<10240x128xf32, #tpu.memory_space<vmem_shared>> -> memref<10240x128xf32, #tpu.memory_space<vmem_shared>>
        tpu.enqueue_indirect_dma source(%dma_start3A_288 : memref<128x128xf32, #tpu.memory_space<vmem>>) target(%dma_start3A_294 : memref<10240x128xf32, #tpu.memory_space<vmem_shared>>) offsets(%dma_start3A_291 : memref<128xi32, #tpu.memory_space<vmem>>) semaphore(%arg12 : memref<!tpu.dma_semaphore, #tpu.memory_space<semaphore_mem>>) {add = true}
        %mul3A_295 = arith.constant 4 : i32
        %mul3A_296 = arith.muli %scan3A_168, %mul3A_295 : i32
        %add3A_297 = arith.constant 3 : i32
        %add3A_298 = arith.addi %mul3A_296, %add3A_297 : i32
        %add3A_299 = arith.constant 1 : i32
        %add3A_300 = arith.addi %add3A_298, %add3A_299 : i32
        %lt3A_301 = arith.constant 80 : i32
        %lt3A_302 = arith.cmpi slt, %add3A_300, %lt3A_301 : i32
        %convert_element_type3A_303 = arith.extui %lt3A_302 : i1 to i32
        %cond3A_304 = arith.constant 0 : i32
        %cond3A_305 = arith.cmpi ne, %convert_element_type3A_303, %cond3A_304 : i32
        scf.if %cond3A_305 {
          %add3A_338 = arith.addi %mul3A_42, %add3A_300 : i32
          %dma_wait3A_339 = arith.constant 0 : i32
          %dma_wait3A_340 = arith.constant 0 : i32
          %dma_wait3A_341 = tpu.memref_slice %arg6[%dma_wait3A_339, %dma_wait3A_340] : memref<4x128xi32, #tpu.memory_space<vmem>> -> memref<1x128xi32, #tpu.memory_space<vmem>>
          %dma_wait3A_342 = tpu.memref_squeeze %dma_wait3A_341 : memref<1x128xi32, #tpu.memory_space<vmem>> -> memref<128xi32, #tpu.memory_space<vmem>>
          %dma_wait3A_343 = arith.constant 0 : i32
          %dma_wait3A_344 = tpu.memref_slice %arg3[%add3A_338, %dma_wait3A_343] : memref<2560x128xi32, #tpu.memory_space<hbm>> -> memref<1x128xi32, #tpu.memory_space<hbm>>
          %dma_wait3A_345 = tpu.memref_squeeze %dma_wait3A_344 : memref<1x128xi32, #tpu.memory_space<hbm>> -> memref<128xi32, #tpu.memory_space<hbm>>
          %dma_wait3A_346 = arith.constant 0 : i32
          %dma_wait3A_347 = tpu.memref_slice %arg6[%dma_wait3A_339, %dma_wait3A_346] : memref<4x128xi32, #tpu.memory_space<vmem>> -> memref<1x128xi32, #tpu.memory_space<vmem>>
          %dma_wait3A_348 = tpu.memref_squeeze %dma_wait3A_347 : memref<1x128xi32, #tpu.memory_space<vmem>> -> memref<128xi32, #tpu.memory_space<vmem>>
          %dma_wait3A_349 = arith.constant 0 : i32
          %dma_wait3A_350 = tpu.memref_slice %arg3[%add3A_338, %dma_wait3A_349] : memref<2560x128xi32, #tpu.memory_space<hbm>> -> memref<1x128xi32, #tpu.memory_space<hbm>>
          %dma_wait3A_351 = tpu.memref_squeeze %dma_wait3A_350 : memref<1x128xi32, #tpu.memory_space<hbm>> -> memref<128xi32, #tpu.memory_space<hbm>>
          tpu.wait_dma2 semaphore(%arg14 : memref<!tpu.dma_semaphore, #tpu.memory_space<semaphore_mem>>) src(%dma_wait3A_351 : memref<128xi32, #tpu.memory_space<hbm>>) dst(%dma_wait3A_348 : memref<128xi32, #tpu.memory_space<vmem>>)
          %dma_wait3A_352 = arith.constant 0 : i32
          %dma_wait3A_353 = arith.constant 0 : i32
          %dma_wait3A_354 = tpu.memref_slice %arg7[%dma_wait3A_352, %dma_wait3A_353] : memref<4x128xi32, #tpu.memory_space<vmem>> -> memref<1x128xi32, #tpu.memory_space<vmem>>
          %dma_wait3A_355 = tpu.memref_squeeze %dma_wait3A_354 : memref<1x128xi32, #tpu.memory_space<vmem>> -> memref<128xi32, #tpu.memory_space<vmem>>
          %dma_wait3A_356 = arith.constant 0 : i32
          %dma_wait3A_357 = tpu.memref_slice %arg4[%add3A_338, %dma_wait3A_356] : memref<2560x128xi32, #tpu.memory_space<hbm>> -> memref<1x128xi32, #tpu.memory_space<hbm>>
          %dma_wait3A_358 = tpu.memref_squeeze %dma_wait3A_357 : memref<1x128xi32, #tpu.memory_space<hbm>> -> memref<128xi32, #tpu.memory_space<hbm>>
          %dma_wait3A_359 = arith.constant 0 : i32
          %dma_wait3A_360 = tpu.memref_slice %arg7[%dma_wait3A_352, %dma_wait3A_359] : memref<4x128xi32, #tpu.memory_space<vmem>> -> memref<1x128xi32, #tpu.memory_space<vmem>>
          %dma_wait3A_361 = tpu.memref_squeeze %dma_wait3A_360 : memref<1x128xi32, #tpu.memory_space<vmem>> -> memref<128xi32, #tpu.memory_space<vmem>>
          %dma_wait3A_362 = arith.constant 0 : i32
          %dma_wait3A_363 = tpu.memref_slice %arg4[%add3A_338, %dma_wait3A_362] : memref<2560x128xi32, #tpu.memory_space<hbm>> -> memref<1x128xi32, #tpu.memory_space<hbm>>
          %dma_wait3A_364 = tpu.memref_squeeze %dma_wait3A_363 : memref<1x128xi32, #tpu.memory_space<hbm>> -> memref<128xi32, #tpu.memory_space<hbm>>
          tpu.wait_dma2 semaphore(%arg14 : memref<!tpu.dma_semaphore, #tpu.memory_space<semaphore_mem>>) src(%dma_wait3A_364 : memref<128xi32, #tpu.memory_space<hbm>>) dst(%dma_wait3A_361 : memref<128xi32, #tpu.memory_space<vmem>>)
          %ge3A = arith.constant 1 : i32
          %ge3A_365 = arith.cmpi sge, %add3A_298, %ge3A : i32
          %convert_element_type3A_366 = arith.extui %ge3A_365 : i1 to i32
          %cond3A_367 = arith.constant 0 : i32
          %cond3A_368 = arith.cmpi ne, %convert_element_type3A_366, %cond3A_367 : i32
          scf.if %cond3A_368 {
            %dma_wait3A_381 = arith.constant 0 : i32
            %dma_wait3A_382 = arith.constant 2 : i32
            %dma_wait3A_383 = arith.constant 0 : i32
            %dma_wait3A_384 = arith.constant 0 : i32
            %dma_wait3A_385 = tpu.memref_slice %arg8[%dma_wait3A_381, %dma_wait3A_383, %dma_wait3A_384] : memref<2x128x128xf32, #tpu.memory_space<vmem>> -> memref<1x128x128xf32, #tpu.memory_space<vmem>>
            %dma_wait3A_386 = tpu.memref_squeeze %dma_wait3A_385 : memref<1x128x128xf32, #tpu.memory_space<vmem>> -> memref<128x128xf32, #tpu.memory_space<vmem>>
            %dma_wait3A_387 = arith.constant 0 : i32
            %dma_wait3A_388 = tpu.memref_slice %arg7[%dma_wait3A_382, %dma_wait3A_387] : memref<4x128xi32, #tpu.memory_space<vmem>> -> memref<1x128xi32, #tpu.memory_space<vmem>>
            %dma_wait3A_389 = tpu.memref_squeeze %dma_wait3A_388 : memref<1x128xi32, #tpu.memory_space<vmem>> -> memref<128xi32, #tpu.memory_space<vmem>>
            %dma_wait3A_390 = arith.constant 0 : i32
            %dma_wait3A_391 = arith.constant 0 : i32
            %dma_wait3A_392 = tpu.memref_slice %arg9[%dma_wait3A_390, %dma_wait3A_391] : memref<10240x128xf32, #tpu.memory_space<vmem_shared>> -> memref<10240x128xf32, #tpu.memory_space<vmem_shared>>
            tpu.wait_indirect_dma semaphore(%arg12 : memref<!tpu.dma_semaphore, #tpu.memory_space<semaphore_mem>>) src(%dma_wait3A_386 : memref<128x128xf32, #tpu.memory_space<vmem>>) dst(%dma_wait3A_392 : memref<10240x128xf32, #tpu.memory_space<vmem_shared>>)
          } else {
          }
          %dma_start3A_369 = arith.constant 0 : i32
          %dma_start3A_370 = arith.constant 0 : i32
          %dma_start3A_371 = arith.constant 0 : i32
          %dma_start3A_372 = arith.constant 0 : i32
          %dma_start3A_373 = tpu.memref_slice %arg8[%dma_start3A_370, %dma_start3A_371, %dma_start3A_372] : memref<2x128x128xf32, #tpu.memory_space<vmem>> -> memref<1x128x128xf32, #tpu.memory_space<vmem>>
          %dma_start3A_374 = tpu.memref_squeeze %dma_start3A_373 : memref<1x128x128xf32, #tpu.memory_space<vmem>> -> memref<128x128xf32, #tpu.memory_space<vmem>>
          %dma_start3A_375 = arith.constant 0 : i32
          %dma_start3A_376 = tpu.memref_slice %arg6[%dma_start3A_369, %dma_start3A_375] : memref<4x128xi32, #tpu.memory_space<vmem>> -> memref<1x128xi32, #tpu.memory_space<vmem>>
          %dma_start3A_377 = tpu.memref_squeeze %dma_start3A_376 : memref<1x128xi32, #tpu.memory_space<vmem>> -> memref<128xi32, #tpu.memory_space<vmem>>
          %dma_start3A_378 = arith.constant 0 : i32
          %dma_start3A_379 = arith.constant 0 : i32
          %dma_start3A_380 = tpu.memref_slice %arg2[%dma_start3A_378, %dma_start3A_379] : memref<10240x128xf32, #tpu.memory_space<hbm>> -> memref<10240x128xf32, #tpu.memory_space<hbm>>
          tpu.enqueue_indirect_dma source(%dma_start3A_380 : memref<10240x128xf32, #tpu.memory_space<hbm>>) target(%dma_start3A_374 : memref<128x128xf32, #tpu.memory_space<vmem>>) offsets(%dma_start3A_377 : memref<128xi32, #tpu.memory_space<vmem>>) semaphore(%arg10 : memref<!tpu.dma_semaphore, #tpu.memory_space<semaphore_mem>>)
        } else {
        }
        %dma_wait3A_306 = arith.constant 3 : i32
        %dma_wait3A_307 = arith.constant 1 : i32
        %dma_wait3A_308 = arith.constant 0 : i32
        %dma_wait3A_309 = arith.constant 0 : i32
        %dma_wait3A_310 = tpu.memref_slice %arg8[%dma_wait3A_307, %dma_wait3A_308, %dma_wait3A_309] : memref<2x128x128xf32, #tpu.memory_space<vmem>> -> memref<1x128x128xf32, #tpu.memory_space<vmem>>
        %dma_wait3A_311 = tpu.memref_squeeze %dma_wait3A_310 : memref<1x128x128xf32, #tpu.memory_space<vmem>> -> memref<128x128xf32, #tpu.memory_space<vmem>>
        %dma_wait3A_312 = arith.constant 0 : i32
        %dma_wait3A_313 = tpu.memref_slice %arg6[%dma_wait3A_306, %dma_wait3A_312] : memref<4x128xi32, #tpu.memory_space<vmem>> -> memref<1x128xi32, #tpu.memory_space<vmem>>
        %dma_wait3A_314 = tpu.memref_squeeze %dma_wait3A_313 : memref<1x128xi32, #tpu.memory_space<vmem>> -> memref<128xi32, #tpu.memory_space<vmem>>
        %dma_wait3A_315 = arith.constant 0 : i32
        %dma_wait3A_316 = arith.constant 0 : i32
        %dma_wait3A_317 = tpu.memref_slice %arg2[%dma_wait3A_315, %dma_wait3A_316] : memref<10240x128xf32, #tpu.memory_space<hbm>> -> memref<10240x128xf32, #tpu.memory_space<hbm>>
        tpu.wait_indirect_dma semaphore(%arg11 : memref<!tpu.dma_semaphore, #tpu.memory_space<semaphore_mem>>) src(%dma_wait3A_317 : memref<10240x128xf32, #tpu.memory_space<hbm>>) dst(%dma_wait3A_311 : memref<128x128xf32, #tpu.memory_space<vmem>>)
        %add3A_318 = arith.constant 2 : i32
        %add3A_319 = arith.addi %add3A_298, %add3A_318 : i32
        %lt3A_320 = arith.constant 80 : i32
        %lt3A_321 = arith.cmpi slt, %add3A_319, %lt3A_320 : i32
        %convert_element_type3A_322 = arith.extui %lt3A_321 : i1 to i32
        %cond3A_323 = arith.constant 0 : i32
        %cond3A_324 = arith.cmpi ne, %convert_element_type3A_322, %cond3A_323 : i32
        scf.if %cond3A_324 {
          %add3A_338 = arith.addi %mul3A_42, %add3A_298 : i32
          %add3A_339 = arith.constant 2 : i32
          %add3A_340 = arith.addi %add3A_338, %add3A_339 : i32
          %dma_start3A_341 = arith.constant 1 : i32
          %dma_start3A_342 = arith.constant 0 : i32
          %dma_start3A_343 = tpu.memref_slice %arg6[%dma_start3A_341, %dma_start3A_342] : memref<4x128xi32, #tpu.memory_space<vmem>> -> memref<1x128xi32, #tpu.memory_space<vmem>>
          %dma_start3A_344 = tpu.memref_squeeze %dma_start3A_343 : memref<1x128xi32, #tpu.memory_space<vmem>> -> memref<128xi32, #tpu.memory_space<vmem>>
          %dma_start3A_345 = arith.constant 0 : i32
          %dma_start3A_346 = tpu.memref_slice %arg3[%add3A_340, %dma_start3A_345] : memref<2560x128xi32, #tpu.memory_space<hbm>> -> memref<1x128xi32, #tpu.memory_space<hbm>>
          %dma_start3A_347 = tpu.memref_squeeze %dma_start3A_346 : memref<1x128xi32, #tpu.memory_space<hbm>> -> memref<128xi32, #tpu.memory_space<hbm>>
          %dma_start3A_348 = arith.constant 0 : i32
          %dma_start3A_349 = tpu.memref_slice %arg6[%dma_start3A_341, %dma_start3A_348] : memref<4x128xi32, #tpu.memory_space<vmem>> -> memref<1x128xi32, #tpu.memory_space<vmem>>
          %dma_start3A_350 = tpu.memref_squeeze %dma_start3A_349 : memref<1x128xi32, #tpu.memory_space<vmem>> -> memref<128xi32, #tpu.memory_space<vmem>>
          %dma_start3A_351 = arith.constant 0 : i32
          %dma_start3A_352 = tpu.memref_slice %arg3[%add3A_340, %dma_start3A_351] : memref<2560x128xi32, #tpu.memory_space<hbm>> -> memref<1x128xi32, #tpu.memory_space<hbm>>
          %dma_start3A_353 = tpu.memref_squeeze %dma_start3A_352 : memref<1x128xi32, #tpu.memory_space<hbm>> -> memref<128xi32, #tpu.memory_space<hbm>>
          tpu.enqueue_dma source(%dma_start3A_353 : memref<128xi32, #tpu.memory_space<hbm>>) target(%dma_start3A_350 : memref<128xi32, #tpu.memory_space<vmem>>) target_semaphore(%arg15 : memref<!tpu.dma_semaphore, #tpu.memory_space<semaphore_mem>>)
          %dma_start3A_354 = arith.constant 1 : i32
          %dma_start3A_355 = arith.constant 0 : i32
          %dma_start3A_356 = tpu.memref_slice %arg7[%dma_start3A_354, %dma_start3A_355] : memref<4x128xi32, #tpu.memory_space<vmem>> -> memref<1x128xi32, #tpu.memory_space<vmem>>
          %dma_start3A_357 = tpu.memref_squeeze %dma_start3A_356 : memref<1x128xi32, #tpu.memory_space<vmem>> -> memref<128xi32, #tpu.memory_space<vmem>>
          %dma_start3A_358 = arith.constant 0 : i32
          %dma_start3A_359 = tpu.memref_slice %arg4[%add3A_340, %dma_start3A_358] : memref<2560x128xi32, #tpu.memory_space<hbm>> -> memref<1x128xi32, #tpu.memory_space<hbm>>
          %dma_start3A_360 = tpu.memref_squeeze %dma_start3A_359 : memref<1x128xi32, #tpu.memory_space<hbm>> -> memref<128xi32, #tpu.memory_space<hbm>>
          %dma_start3A_361 = arith.constant 0 : i32
          %dma_start3A_362 = tpu.memref_slice %arg7[%dma_start3A_354, %dma_start3A_361] : memref<4x128xi32, #tpu.memory_space<vmem>> -> memref<1x128xi32, #tpu.memory_space<vmem>>
          %dma_start3A_363 = tpu.memref_squeeze %dma_start3A_362 : memref<1x128xi32, #tpu.memory_space<vmem>> -> memref<128xi32, #tpu.memory_space<vmem>>
          %dma_start3A_364 = arith.constant 0 : i32
          %dma_start3A_365 = tpu.memref_slice %arg4[%add3A_340, %dma_start3A_364] : memref<2560x128xi32, #tpu.memory_space<hbm>> -> memref<1x128xi32, #tpu.memory_space<hbm>>
          %dma_start3A_366 = tpu.memref_squeeze %dma_start3A_365 : memref<1x128xi32, #tpu.memory_space<hbm>> -> memref<128xi32, #tpu.memory_space<hbm>>
          tpu.enqueue_dma source(%dma_start3A_366 : memref<128xi32, #tpu.memory_space<hbm>>) target(%dma_start3A_363 : memref<128xi32, #tpu.memory_space<vmem>>) target_semaphore(%arg15 : memref<!tpu.dma_semaphore, #tpu.memory_space<semaphore_mem>>)
        } else {
        }
        %dma_start3A_325 = arith.constant 1 : i32
        %dma_start3A_326 = arith.constant 3 : i32
        %dma_start3A_327 = arith.constant 0 : i32
        %dma_start3A_328 = arith.constant 0 : i32
        %dma_start3A_329 = tpu.memref_slice %arg8[%dma_start3A_325, %dma_start3A_327, %dma_start3A_328] : memref<2x128x128xf32, #tpu.memory_space<vmem>> -> memref<1x128x128xf32, #tpu.memory_space<vmem>>
        %dma_start3A_330 = tpu.memref_squeeze %dma_start3A_329 : memref<1x128x128xf32, #tpu.memory_space<vmem>> -> memref<128x128xf32, #tpu.memory_space<vmem>>
        %dma_start3A_331 = arith.constant 0 : i32
        %dma_start3A_332 = tpu.memref_slice %arg7[%dma_start3A_326, %dma_start3A_331] : memref<4x128xi32, #tpu.memory_space<vmem>> -> memref<1x128xi32, #tpu.memory_space<vmem>>
        %dma_start3A_333 = tpu.memref_squeeze %dma_start3A_332 : memref<1x128xi32, #tpu.memory_space<vmem>> -> memref<128xi32, #tpu.memory_space<vmem>>
        %dma_start3A_334 = arith.constant 0 : i32
        %dma_start3A_335 = arith.constant 0 : i32
        %dma_start3A_336 = tpu.memref_slice %arg9[%dma_start3A_334, %dma_start3A_335] : memref<10240x128xf32, #tpu.memory_space<vmem_shared>> -> memref<10240x128xf32, #tpu.memory_space<vmem_shared>>
        tpu.enqueue_indirect_dma source(%dma_start3A_330 : memref<128x128xf32, #tpu.memory_space<vmem>>) target(%dma_start3A_336 : memref<10240x128xf32, #tpu.memory_space<vmem_shared>>) offsets(%dma_start3A_333 : memref<128xi32, #tpu.memory_space<vmem>>) semaphore(%arg13 : memref<!tpu.dma_semaphore, #tpu.memory_space<semaphore_mem>>) {add = true}
        %scan3A_337 = arith.constant 0 : i32
        scf.yield %scan3A_337 : i32
      }
      %scan3A_143 = arith.constant 20 : i32
      %dma_wait3A_144 = arith.constant 0 : i32
      %dma_wait3A_145 = arith.constant 2 : i32
      %dma_wait3A_146 = arith.constant 0 : i32
      %dma_wait3A_147 = arith.constant 0 : i32
      %dma_wait3A_148 = tpu.memref_slice %arg8[%dma_wait3A_144, %dma_wait3A_146, %dma_wait3A_147] : memref<2x128x128xf32, #tpu.memory_space<vmem>> -> memref<1x128x128xf32, #tpu.memory_space<vmem>>
      %dma_wait3A_149 = tpu.memref_squeeze %dma_wait3A_148 : memref<1x128x128xf32, #tpu.memory_space<vmem>> -> memref<128x128xf32, #tpu.memory_space<vmem>>
      %dma_wait3A_150 = arith.constant 0 : i32
      %dma_wait3A_151 = tpu.memref_slice %arg7[%dma_wait3A_145, %dma_wait3A_150] : memref<4x128xi32, #tpu.memory_space<vmem>> -> memref<1x128xi32, #tpu.memory_space<vmem>>
      %dma_wait3A_152 = tpu.memref_squeeze %dma_wait3A_151 : memref<1x128xi32, #tpu.memory_space<vmem>> -> memref<128xi32, #tpu.memory_space<vmem>>
      %dma_wait3A_153 = arith.constant 0 : i32
      %dma_wait3A_154 = arith.constant 0 : i32
      %dma_wait3A_155 = tpu.memref_slice %arg9[%dma_wait3A_153, %dma_wait3A_154] : memref<10240x128xf32, #tpu.memory_space<vmem_shared>> -> memref<10240x128xf32, #tpu.memory_space<vmem_shared>>
      tpu.wait_indirect_dma semaphore(%arg12 : memref<!tpu.dma_semaphore, #tpu.memory_space<semaphore_mem>>) src(%dma_wait3A_149 : memref<128x128xf32, #tpu.memory_space<vmem>>) dst(%dma_wait3A_155 : memref<10240x128xf32, #tpu.memory_space<vmem_shared>>)
      %dma_wait3A_156 = arith.constant 1 : i32
      %dma_wait3A_157 = arith.constant 3 : i32
      %dma_wait3A_158 = arith.constant 0 : i32
      %dma_wait3A_159 = arith.constant 0 : i32
      %dma_wait3A_160 = tpu.memref_slice %arg8[%dma_wait3A_156, %dma_wait3A_158, %dma_wait3A_159] : memref<2x128x128xf32, #tpu.memory_space<vmem>> -> memref<1x128x128xf32, #tpu.memory_space<vmem>>
      %dma_wait3A_161 = tpu.memref_squeeze %dma_wait3A_160 : memref<1x128x128xf32, #tpu.memory_space<vmem>> -> memref<128x128xf32, #tpu.memory_space<vmem>>
      %dma_wait3A_162 = arith.constant 0 : i32
      %dma_wait3A_163 = tpu.memref_slice %arg7[%dma_wait3A_157, %dma_wait3A_162] : memref<4x128xi32, #tpu.memory_space<vmem>> -> memref<1x128xi32, #tpu.memory_space<vmem>>
      %dma_wait3A_164 = tpu.memref_squeeze %dma_wait3A_163 : memref<1x128xi32, #tpu.memory_space<vmem>> -> memref<128xi32, #tpu.memory_space<vmem>>
      %dma_wait3A_165 = arith.constant 0 : i32
      %dma_wait3A_166 = arith.constant 0 : i32
      %dma_wait3A_167 = tpu.memref_slice %arg9[%dma_wait3A_165, %dma_wait3A_166] : memref<10240x128xf32, #tpu.memory_space<vmem_shared>> -> memref<10240x128xf32, #tpu.memory_space<vmem_shared>>
      tpu.wait_indirect_dma semaphore(%arg13 : memref<!tpu.dma_semaphore, #tpu.memory_space<semaphore_mem>>) src(%dma_wait3A_161 : memref<128x128xf32, #tpu.memory_space<vmem>>) dst(%dma_wait3A_167 : memref<10240x128xf32, #tpu.memory_space<vmem_shared>>)
    } else {
    }
    %eq3A_31 = arith.constant 1 : i32
    %eq3A_32 = arith.cmpi eq, %arg0, %eq3A_31 : i32
    %convert_element_type3A_33 = arith.extui %eq3A_32 : i1 to i32
    %cond3A_34 = arith.constant 0 : i32
    %cond3A_35 = arith.cmpi ne, %convert_element_type3A_33, %cond3A_34 : i32
    scf.if %cond3A_35 {
      %mul3A_41 = arith.constant 80 : i32
      %mul3A_42 = arith.muli %arg1, %mul3A_41 : i32
      %add3A_43 = arith.constant 1280 : i32
      %add3A_44 = arith.addi %add3A_43, %mul3A_42 : i32
      %add3A_45 = arith.constant 0 : i32
      %add3A_46 = arith.addi %add3A_44, %add3A_45 : i32
      %dma_start3A = arith.constant 0 : i32
      %dma_start3A_47 = arith.constant 0 : i32
      %dma_start3A_48 = tpu.memref_slice %arg6[%dma_start3A, %dma_start3A_47] : memref<4x128xi32, #tpu.memory_space<vmem>> -> memref<1x128xi32, #tpu.memory_space<vmem>>
      %dma_start3A_49 = tpu.memref_squeeze %dma_start3A_48 : memref<1x128xi32, #tpu.memory_space<vmem>> -> memref<128xi32, #tpu.memory_space<vmem>>
      %dma_start3A_50 = arith.constant 0 : i32
      %dma_start3A_51 = tpu.memref_slice %arg3[%add3A_46, %dma_start3A_50] : memref<2560x128xi32, #tpu.memory_space<hbm>> -> memref<1x128xi32, #tpu.memory_space<hbm>>
      %dma_start3A_52 = tpu.memref_squeeze %dma_start3A_51 : memref<1x128xi32, #tpu.memory_space<hbm>> -> memref<128xi32, #tpu.memory_space<hbm>>
      %dma_start3A_53 = arith.constant 0 : i32
      %dma_start3A_54 = tpu.memref_slice %arg6[%dma_start3A, %dma_start3A_53] : memref<4x128xi32, #tpu.memory_space<vmem>> -> memref<1x128xi32, #tpu.memory_space<vmem>>
      %dma_start3A_55 = tpu.memref_squeeze %dma_start3A_54 : memref<1x128xi32, #tpu.memory_space<vmem>> -> memref<128xi32, #tpu.memory_space<vmem>>
      %dma_start3A_56 = arith.constant 0 : i32
      %dma_start3A_57 = tpu.memref_slice %arg3[%add3A_46, %dma_start3A_56] : memref<2560x128xi32, #tpu.memory_space<hbm>> -> memref<1x128xi32, #tpu.memory_space<hbm>>
      %dma_start3A_58 = tpu.memref_squeeze %dma_start3A_57 : memref<1x128xi32, #tpu.memory_space<hbm>> -> memref<128xi32, #tpu.memory_space<hbm>>
      tpu.enqueue_dma source(%dma_start3A_58 : memref<128xi32, #tpu.memory_space<hbm>>) target(%dma_start3A_55 : memref<128xi32, #tpu.memory_space<vmem>>) target_semaphore(%arg14 : memref<!tpu.dma_semaphore, #tpu.memory_space<semaphore_mem>>)
      %dma_start3A_59 = arith.constant 0 : i32
      %dma_start3A_60 = arith.constant 0 : i32
      %dma_start3A_61 = tpu.memref_slice %arg7[%dma_start3A_59, %dma_start3A_60] : memref<4x128xi32, #tpu.memory_space<vmem>> -> memref<1x128xi32, #tpu.memory_space<vmem>>
      %dma_start3A_62 = tpu.memref_squeeze %dma_start3A_61 : memref<1x128xi32, #tpu.memory_space<vmem>> -> memref<128xi32, #tpu.memory_space<vmem>>
      %dma_start3A_63 = arith.constant 0 : i32
      %dma_start3A_64 = tpu.memref_slice %arg4[%add3A_46, %dma_start3A_63] : memref<2560x128xi32, #tpu.memory_space<hbm>> -> memref<1x128xi32, #tpu.memory_space<hbm>>
      %dma_start3A_65 = tpu.memref_squeeze %dma_start3A_64 : memref<1x128xi32, #tpu.memory_space<hbm>> -> memref<128xi32, #tpu.memory_space<hbm>>
      %dma_start3A_66 = arith.constant 0 : i32
      %dma_start3A_67 = tpu.memref_slice %arg7[%dma_start3A_59, %dma_start3A_66] : memref<4x128xi32, #tpu.memory_space<vmem>> -> memref<1x128xi32, #tpu.memory_space<vmem>>
      %dma_start3A_68 = tpu.memref_squeeze %dma_start3A_67 : memref<1x128xi32, #tpu.memory_space<vmem>> -> memref<128xi32, #tpu.memory_space<vmem>>
      %dma_start3A_69 = arith.constant 0 : i32
      %dma_start3A_70 = tpu.memref_slice %arg4[%add3A_46, %dma_start3A_69] : memref<2560x128xi32, #tpu.memory_space<hbm>> -> memref<1x128xi32, #tpu.memory_space<hbm>>
      %dma_start3A_71 = tpu.memref_squeeze %dma_start3A_70 : memref<1x128xi32, #tpu.memory_space<hbm>> -> memref<128xi32, #tpu.memory_space<hbm>>
      tpu.enqueue_dma source(%dma_start3A_71 : memref<128xi32, #tpu.memory_space<hbm>>) target(%dma_start3A_68 : memref<128xi32, #tpu.memory_space<vmem>>) target_semaphore(%arg14 : memref<!tpu.dma_semaphore, #tpu.memory_space<semaphore_mem>>)
      %add3A_72 = arith.constant 1 : i32
      %add3A_73 = arith.addi %add3A_44, %add3A_72 : i32
      %dma_start3A_74 = arith.constant 1 : i32
      %dma_start3A_75 = arith.constant 0 : i32
      %dma_start3A_76 = tpu.memref_slice %arg6[%dma_start3A_74, %dma_start3A_75] : memref<4x128xi32, #tpu.memory_space<vmem>> -> memref<1x128xi32, #tpu.memory_space<vmem>>
      %dma_start3A_77 = tpu.memref_squeeze %dma_start3A_76 : memref<1x128xi32, #tpu.memory_space<vmem>> -> memref<128xi32, #tpu.memory_space<vmem>>
      %dma_start3A_78 = arith.constant 0 : i32
      %dma_start3A_79 = tpu.memref_slice %arg3[%add3A_73, %dma_start3A_78] : memref<2560x128xi32, #tpu.memory_space<hbm>> -> memref<1x128xi32, #tpu.memory_space<hbm>>
      %dma_start3A_80 = tpu.memref_squeeze %dma_start3A_79 : memref<1x128xi32, #tpu.memory_space<hbm>> -> memref<128xi32, #tpu.memory_space<hbm>>
      %dma_start3A_81 = arith.constant 0 : i32
      %dma_start3A_82 = tpu.memref_slice %arg6[%dma_start3A_74, %dma_start3A_81] : memref<4x128xi32, #tpu.memory_space<vmem>> -> memref<1x128xi32, #tpu.memory_space<vmem>>
      %dma_start3A_83 = tpu.memref_squeeze %dma_start3A_82 : memref<1x128xi32, #tpu.memory_space<vmem>> -> memref<128xi32, #tpu.memory_space<vmem>>
      %dma_start3A_84 = arith.constant 0 : i32
      %dma_start3A_85 = tpu.memref_slice %arg3[%add3A_73, %dma_start3A_84] : memref<2560x128xi32, #tpu.memory_space<hbm>> -> memref<1x128xi32, #tpu.memory_space<hbm>>
      %dma_start3A_86 = tpu.memref_squeeze %dma_start3A_85 : memref<1x128xi32, #tpu.memory_space<hbm>> -> memref<128xi32, #tpu.memory_space<hbm>>
      tpu.enqueue_dma source(%dma_start3A_86 : memref<128xi32, #tpu.memory_space<hbm>>) target(%dma_start3A_83 : memref<128xi32, #tpu.memory_space<vmem>>) target_semaphore(%arg15 : memref<!tpu.dma_semaphore, #tpu.memory_space<semaphore_mem>>)
      %dma_start3A_87 = arith.constant 1 : i32
      %dma_start3A_88 = arith.constant 0 : i32
      %dma_start3A_89 = tpu.memref_slice %arg7[%dma_start3A_87, %dma_start3A_88] : memref<4x128xi32, #tpu.memory_space<vmem>> -> memref<1x128xi32, #tpu.memory_space<vmem>>
      %dma_start3A_90 = tpu.memref_squeeze %dma_start3A_89 : memref<1x128xi32, #tpu.memory_space<vmem>> -> memref<128xi32, #tpu.memory_space<vmem>>
      %dma_start3A_91 = arith.constant 0 : i32
      %dma_start3A_92 = tpu.memref_slice %arg4[%add3A_73, %dma_start3A_91] : memref<2560x128xi32, #tpu.memory_space<hbm>> -> memref<1x128xi32, #tpu.memory_space<hbm>>
      %dma_start3A_93 = tpu.memref_squeeze %dma_start3A_92 : memref<1x128xi32, #tpu.memory_space<hbm>> -> memref<128xi32, #tpu.memory_space<hbm>>
      %dma_start3A_94 = arith.constant 0 : i32
      %dma_start3A_95 = tpu.memref_slice %arg7[%dma_start3A_87, %dma_start3A_94] : memref<4x128xi32, #tpu.memory_space<vmem>> -> memref<1x128xi32, #tpu.memory_space<vmem>>
      %dma_start3A_96 = tpu.memref_squeeze %dma_start3A_95 : memref<1x128xi32, #tpu.memory_space<vmem>> -> memref<128xi32, #tpu.memory_space<vmem>>
      %dma_start3A_97 = arith.constant 0 : i32
      %dma_start3A_98 = tpu.memref_slice %arg4[%add3A_73, %dma_start3A_97] : memref<2560x128xi32, #tpu.memory_space<hbm>> -> memref<1x128xi32, #tpu.memory_space<hbm>>
      %dma_start3A_99 = tpu.memref_squeeze %dma_start3A_98 : memref<1x128xi32, #tpu.memory_space<hbm>> -> memref<128xi32, #tpu.memory_space<hbm>>
      tpu.enqueue_dma source(%dma_start3A_99 : memref<128xi32, #tpu.memory_space<hbm>>) target(%dma_start3A_96 : memref<128xi32, #tpu.memory_space<vmem>>) target_semaphore(%arg15 : memref<!tpu.dma_semaphore, #tpu.memory_space<semaphore_mem>>)
      %add3A_100 = arith.constant 0 : i32
      %add3A_101 = arith.addi %add3A_44, %add3A_100 : i32
      %dma_wait3A = arith.constant 0 : i32
      %dma_wait3A_102 = arith.constant 0 : i32
      %dma_wait3A_103 = tpu.memref_slice %arg6[%dma_wait3A, %dma_wait3A_102] : memref<4x128xi32, #tpu.memory_space<vmem>> -> memref<1x128xi32, #tpu.memory_space<vmem>>
      %dma_wait3A_104 = tpu.memref_squeeze %dma_wait3A_103 : memref<1x128xi32, #tpu.memory_space<vmem>> -> memref<128xi32, #tpu.memory_space<vmem>>
      %dma_wait3A_105 = arith.constant 0 : i32
      %dma_wait3A_106 = tpu.memref_slice %arg3[%add3A_101, %dma_wait3A_105] : memref<2560x128xi32, #tpu.memory_space<hbm>> -> memref<1x128xi32, #tpu.memory_space<hbm>>
      %dma_wait3A_107 = tpu.memref_squeeze %dma_wait3A_106 : memref<1x128xi32, #tpu.memory_space<hbm>> -> memref<128xi32, #tpu.memory_space<hbm>>
      %dma_wait3A_108 = arith.constant 0 : i32
      %dma_wait3A_109 = tpu.memref_slice %arg6[%dma_wait3A, %dma_wait3A_108] : memref<4x128xi32, #tpu.memory_space<vmem>> -> memref<1x128xi32, #tpu.memory_space<vmem>>
      %dma_wait3A_110 = tpu.memref_squeeze %dma_wait3A_109 : memref<1x128xi32, #tpu.memory_space<vmem>> -> memref<128xi32, #tpu.memory_space<vmem>>
      %dma_wait3A_111 = arith.constant 0 : i32
      %dma_wait3A_112 = tpu.memref_slice %arg3[%add3A_101, %dma_wait3A_111] : memref<2560x128xi32, #tpu.memory_space<hbm>> -> memref<1x128xi32, #tpu.memory_space<hbm>>
      %dma_wait3A_113 = tpu.memref_squeeze %dma_wait3A_112 : memref<1x128xi32, #tpu.memory_space<hbm>> -> memref<128xi32, #tpu.memory_space<hbm>>
      tpu.wait_dma2 semaphore(%arg14 : memref<!tpu.dma_semaphore, #tpu.memory_space<semaphore_mem>>) src(%dma_wait3A_113 : memref<128xi32, #tpu.memory_space<hbm>>) dst(%dma_wait3A_110 : memref<128xi32, #tpu.memory_space<vmem>>)
      %dma_wait3A_114 = arith.constant 0 : i32
      %dma_wait3A_115 = arith.constant 0 : i32
      %dma_wait3A_116 = tpu.memref_slice %arg7[%dma_wait3A_114, %dma_wait3A_115] : memref<4x128xi32, #tpu.memory_space<vmem>> -> memref<1x128xi32, #tpu.memory_space<vmem>>
      %dma_wait3A_117 = tpu.memref_squeeze %dma_wait3A_116 : memref<1x128xi32, #tpu.memory_space<vmem>> -> memref<128xi32, #tpu.memory_space<vmem>>
      %dma_wait3A_118 = arith.constant 0 : i32
      %dma_wait3A_119 = tpu.memref_slice %arg4[%add3A_101, %dma_wait3A_118] : memref<2560x128xi32, #tpu.memory_space<hbm>> -> memref<1x128xi32, #tpu.memory_space<hbm>>
      %dma_wait3A_120 = tpu.memref_squeeze %dma_wait3A_119 : memref<1x128xi32, #tpu.memory_space<hbm>> -> memref<128xi32, #tpu.memory_space<hbm>>
      %dma_wait3A_121 = arith.constant 0 : i32
      %dma_wait3A_122 = tpu.memref_slice %arg7[%dma_wait3A_114, %dma_wait3A_121] : memref<4x128xi32, #tpu.memory_space<vmem>> -> memref<1x128xi32, #tpu.memory_space<vmem>>
      %dma_wait3A_123 = tpu.memref_squeeze %dma_wait3A_122 : memref<1x128xi32, #tpu.memory_space<vmem>> -> memref<128xi32, #tpu.memory_space<vmem>>
      %dma_wait3A_124 = arith.constant 0 : i32
      %dma_wait3A_125 = tpu.memref_slice %arg4[%add3A_101, %dma_wait3A_124] : memref<2560x128xi32, #tpu.memory_space<hbm>> -> memref<1x128xi32, #tpu.memory_space<hbm>>
      %dma_wait3A_126 = tpu.memref_squeeze %dma_wait3A_125 : memref<1x128xi32, #tpu.memory_space<hbm>> -> memref<128xi32, #tpu.memory_space<hbm>>
      tpu.wait_dma2 semaphore(%arg14 : memref<!tpu.dma_semaphore, #tpu.memory_space<semaphore_mem>>) src(%dma_wait3A_126 : memref<128xi32, #tpu.memory_space<hbm>>) dst(%dma_wait3A_123 : memref<128xi32, #tpu.memory_space<vmem>>)
      %dma_start3A_127 = arith.constant 0 : i32
      %dma_start3A_128 = arith.constant 0 : i32
      %dma_start3A_129 = arith.constant 0 : i32
      %dma_start3A_130 = arith.constant 0 : i32
      %dma_start3A_131 = tpu.memref_slice %arg8[%dma_start3A_128, %dma_start3A_129, %dma_start3A_130] : memref<2x128x128xf32, #tpu.memory_space<vmem>> -> memref<1x128x128xf32, #tpu.memory_space<vmem>>
      %dma_start3A_132 = tpu.memref_squeeze %dma_start3A_131 : memref<1x128x128xf32, #tpu.memory_space<vmem>> -> memref<128x128xf32, #tpu.memory_space<vmem>>
      %dma_start3A_133 = arith.constant 0 : i32
      %dma_start3A_134 = tpu.memref_slice %arg6[%dma_start3A_127, %dma_start3A_133] : memref<4x128xi32, #tpu.memory_space<vmem>> -> memref<1x128xi32, #tpu.memory_space<vmem>>
      %dma_start3A_135 = tpu.memref_squeeze %dma_start3A_134 : memref<1x128xi32, #tpu.memory_space<vmem>> -> memref<128xi32, #tpu.memory_space<vmem>>
      %dma_start3A_136 = arith.constant 0 : i32
      %dma_start3A_137 = arith.constant 0 : i32
      %dma_start3A_138 = tpu.memref_slice %arg2[%dma_start3A_136, %dma_start3A_137] : memref<10240x128xf32, #tpu.memory_space<hbm>> -> memref<10240x128xf32, #tpu.memory_space<hbm>>
      tpu.enqueue_indirect_dma source(%dma_start3A_138 : memref<10240x128xf32, #tpu.memory_space<hbm>>) target(%dma_start3A_132 : memref<128x128xf32, #tpu.memory_space<vmem>>) offsets(%dma_start3A_135 : memref<128xi32, #tpu.memory_space<vmem>>) semaphore(%arg10 : memref<!tpu.dma_semaphore, #tpu.memory_space<semaphore_mem>>)
      %scan3A_139 = arith.constant 0 : i32
      %scan3A_140 = arith.constant 0 : i32
      %scan3A_141 = arith.constant 20 : i32
      %scan3A_142 = arith.addi %scan3A_140, %scan3A_141 : i32
      %scan3A_143 = arith.constant 1 : i32
      %scan3A_144 = scf.for %scan3A_170 = %scan3A_140 to %scan3A_142 step %scan3A_143 iter_args(%scan3A_171 = %scan3A_139) -> (i32)  : i32 {
        %mul3A_172 = arith.constant 4 : i32
        %mul3A_173 = arith.muli %scan3A_170, %mul3A_172 : i32
        %add3A_174 = arith.constant 0 : i32
        %add3A_175 = arith.addi %mul3A_173, %add3A_174 : i32
        %add3A_176 = arith.constant 1 : i32
        %add3A_177 = arith.addi %add3A_175, %add3A_176 : i32
        %lt3A = arith.constant 80 : i32
        %lt3A_178 = arith.cmpi slt, %add3A_177, %lt3A : i32
        %convert_element_type3A_179 = arith.extui %lt3A_178 : i1 to i32
        %cond3A_180 = arith.constant 0 : i32
        %cond3A_181 = arith.cmpi ne, %convert_element_type3A_179, %cond3A_180 : i32
        scf.if %cond3A_181 {
          %add3A_340 = arith.addi %add3A_44, %add3A_177 : i32
          %dma_wait3A_341 = arith.constant 1 : i32
          %dma_wait3A_342 = arith.constant 0 : i32
          %dma_wait3A_343 = tpu.memref_slice %arg6[%dma_wait3A_341, %dma_wait3A_342] : memref<4x128xi32, #tpu.memory_space<vmem>> -> memref<1x128xi32, #tpu.memory_space<vmem>>
          %dma_wait3A_344 = tpu.memref_squeeze %dma_wait3A_343 : memref<1x128xi32, #tpu.memory_space<vmem>> -> memref<128xi32, #tpu.memory_space<vmem>>
          %dma_wait3A_345 = arith.constant 0 : i32
          %dma_wait3A_346 = tpu.memref_slice %arg3[%add3A_340, %dma_wait3A_345] : memref<2560x128xi32, #tpu.memory_space<hbm>> -> memref<1x128xi32, #tpu.memory_space<hbm>>
          %dma_wait3A_347 = tpu.memref_squeeze %dma_wait3A_346 : memref<1x128xi32, #tpu.memory_space<hbm>> -> memref<128xi32, #tpu.memory_space<hbm>>
          %dma_wait3A_348 = arith.constant 0 : i32
          %dma_wait3A_349 = tpu.memref_slice %arg6[%dma_wait3A_341, %dma_wait3A_348] : memref<4x128xi32, #tpu.memory_space<vmem>> -> memref<1x128xi32, #tpu.memory_space<vmem>>
          %dma_wait3A_350 = tpu.memref_squeeze %dma_wait3A_349 : memref<1x128xi32, #tpu.memory_space<vmem>> -> memref<128xi32, #tpu.memory_space<vmem>>
          %dma_wait3A_351 = arith.constant 0 : i32
          %dma_wait3A_352 = tpu.memref_slice %arg3[%add3A_340, %dma_wait3A_351] : memref<2560x128xi32, #tpu.memory_space<hbm>> -> memref<1x128xi32, #tpu.memory_space<hbm>>
          %dma_wait3A_353 = tpu.memref_squeeze %dma_wait3A_352 : memref<1x128xi32, #tpu.memory_space<hbm>> -> memref<128xi32, #tpu.memory_space<hbm>>
          tpu.wait_dma2 semaphore(%arg15 : memref<!tpu.dma_semaphore, #tpu.memory_space<semaphore_mem>>) src(%dma_wait3A_353 : memref<128xi32, #tpu.memory_space<hbm>>) dst(%dma_wait3A_350 : memref<128xi32, #tpu.memory_space<vmem>>)
          %dma_wait3A_354 = arith.constant 1 : i32
          %dma_wait3A_355 = arith.constant 0 : i32
          %dma_wait3A_356 = tpu.memref_slice %arg7[%dma_wait3A_354, %dma_wait3A_355] : memref<4x128xi32, #tpu.memory_space<vmem>> -> memref<1x128xi32, #tpu.memory_space<vmem>>
          %dma_wait3A_357 = tpu.memref_squeeze %dma_wait3A_356 : memref<1x128xi32, #tpu.memory_space<vmem>> -> memref<128xi32, #tpu.memory_space<vmem>>
          %dma_wait3A_358 = arith.constant 0 : i32
          %dma_wait3A_359 = tpu.memref_slice %arg4[%add3A_340, %dma_wait3A_358] : memref<2560x128xi32, #tpu.memory_space<hbm>> -> memref<1x128xi32, #tpu.memory_space<hbm>>
          %dma_wait3A_360 = tpu.memref_squeeze %dma_wait3A_359 : memref<1x128xi32, #tpu.memory_space<hbm>> -> memref<128xi32, #tpu.memory_space<hbm>>
          %dma_wait3A_361 = arith.constant 0 : i32
          %dma_wait3A_362 = tpu.memref_slice %arg7[%dma_wait3A_354, %dma_wait3A_361] : memref<4x128xi32, #tpu.memory_space<vmem>> -> memref<1x128xi32, #tpu.memory_space<vmem>>
          %dma_wait3A_363 = tpu.memref_squeeze %dma_wait3A_362 : memref<1x128xi32, #tpu.memory_space<vmem>> -> memref<128xi32, #tpu.memory_space<vmem>>
          %dma_wait3A_364 = arith.constant 0 : i32
          %dma_wait3A_365 = tpu.memref_slice %arg4[%add3A_340, %dma_wait3A_364] : memref<2560x128xi32, #tpu.memory_space<hbm>> -> memref<1x128xi32, #tpu.memory_space<hbm>>
          %dma_wait3A_366 = tpu.memref_squeeze %dma_wait3A_365 : memref<1x128xi32, #tpu.memory_space<hbm>> -> memref<128xi32, #tpu.memory_space<hbm>>
          tpu.wait_dma2 semaphore(%arg15 : memref<!tpu.dma_semaphore, #tpu.memory_space<semaphore_mem>>) src(%dma_wait3A_366 : memref<128xi32, #tpu.memory_space<hbm>>) dst(%dma_wait3A_363 : memref<128xi32, #tpu.memory_space<vmem>>)
          %ge3A = arith.constant 1 : i32
          %ge3A_367 = arith.cmpi sge, %add3A_175, %ge3A : i32
          %convert_element_type3A_368 = arith.extui %ge3A_367 : i1 to i32
          %cond3A_369 = arith.constant 0 : i32
          %cond3A_370 = arith.cmpi ne, %convert_element_type3A_368, %cond3A_369 : i32
          scf.if %cond3A_370 {
            %dma_wait3A_383 = arith.constant 1 : i32
            %dma_wait3A_384 = arith.constant 3 : i32
            %dma_wait3A_385 = arith.constant 0 : i32
            %dma_wait3A_386 = arith.constant 0 : i32
            %dma_wait3A_387 = tpu.memref_slice %arg8[%dma_wait3A_383, %dma_wait3A_385, %dma_wait3A_386] : memref<2x128x128xf32, #tpu.memory_space<vmem>> -> memref<1x128x128xf32, #tpu.memory_space<vmem>>
            %dma_wait3A_388 = tpu.memref_squeeze %dma_wait3A_387 : memref<1x128x128xf32, #tpu.memory_space<vmem>> -> memref<128x128xf32, #tpu.memory_space<vmem>>
            %dma_wait3A_389 = arith.constant 0 : i32
            %dma_wait3A_390 = tpu.memref_slice %arg7[%dma_wait3A_384, %dma_wait3A_389] : memref<4x128xi32, #tpu.memory_space<vmem>> -> memref<1x128xi32, #tpu.memory_space<vmem>>
            %dma_wait3A_391 = tpu.memref_squeeze %dma_wait3A_390 : memref<1x128xi32, #tpu.memory_space<vmem>> -> memref<128xi32, #tpu.memory_space<vmem>>
            %dma_wait3A_392 = arith.constant 0 : i32
            %dma_wait3A_393 = arith.constant 0 : i32
            %dma_wait3A_394 = tpu.memref_slice %arg9[%dma_wait3A_392, %dma_wait3A_393] : memref<10240x128xf32, #tpu.memory_space<vmem_shared>> -> memref<10240x128xf32, #tpu.memory_space<vmem_shared>>
            tpu.wait_indirect_dma semaphore(%arg13 : memref<!tpu.dma_semaphore, #tpu.memory_space<semaphore_mem>>) src(%dma_wait3A_388 : memref<128x128xf32, #tpu.memory_space<vmem>>) dst(%dma_wait3A_394 : memref<10240x128xf32, #tpu.memory_space<vmem_shared>>)
          } else {
          }
          %dma_start3A_371 = arith.constant 1 : i32
          %dma_start3A_372 = arith.constant 1 : i32
          %dma_start3A_373 = arith.constant 0 : i32
          %dma_start3A_374 = arith.constant 0 : i32
          %dma_start3A_375 = tpu.memref_slice %arg8[%dma_start3A_372, %dma_start3A_373, %dma_start3A_374] : memref<2x128x128xf32, #tpu.memory_space<vmem>> -> memref<1x128x128xf32, #tpu.memory_space<vmem>>
          %dma_start3A_376 = tpu.memref_squeeze %dma_start3A_375 : memref<1x128x128xf32, #tpu.memory_space<vmem>> -> memref<128x128xf32, #tpu.memory_space<vmem>>
          %dma_start3A_377 = arith.constant 0 : i32
          %dma_start3A_378 = tpu.memref_slice %arg6[%dma_start3A_371, %dma_start3A_377] : memref<4x128xi32, #tpu.memory_space<vmem>> -> memref<1x128xi32, #tpu.memory_space<vmem>>
          %dma_start3A_379 = tpu.memref_squeeze %dma_start3A_378 : memref<1x128xi32, #tpu.memory_space<vmem>> -> memref<128xi32, #tpu.memory_space<vmem>>
          %dma_start3A_380 = arith.constant 0 : i32
          %dma_start3A_381 = arith.constant 0 : i32
          %dma_start3A_382 = tpu.memref_slice %arg2[%dma_start3A_380, %dma_start3A_381] : memref<10240x128xf32, #tpu.memory_space<hbm>> -> memref<10240x128xf32, #tpu.memory_space<hbm>>
          tpu.enqueue_indirect_dma source(%dma_start3A_382 : memref<10240x128xf32, #tpu.memory_space<hbm>>) target(%dma_start3A_376 : memref<128x128xf32, #tpu.memory_space<vmem>>) offsets(%dma_start3A_379 : memref<128xi32, #tpu.memory_space<vmem>>) semaphore(%arg11 : memref<!tpu.dma_semaphore, #tpu.memory_space<semaphore_mem>>)
        } else {
        }
        %dma_wait3A_182 = arith.constant 0 : i32
        %dma_wait3A_183 = arith.constant 0 : i32
        %dma_wait3A_184 = arith.constant 0 : i32
        %dma_wait3A_185 = arith.constant 0 : i32
        %dma_wait3A_186 = tpu.memref_slice %arg8[%dma_wait3A_183, %dma_wait3A_184, %dma_wait3A_185] : memref<2x128x128xf32, #tpu.memory_space<vmem>> -> memref<1x128x128xf32, #tpu.memory_space<vmem>>
        %dma_wait3A_187 = tpu.memref_squeeze %dma_wait3A_186 : memref<1x128x128xf32, #tpu.memory_space<vmem>> -> memref<128x128xf32, #tpu.memory_space<vmem>>
        %dma_wait3A_188 = arith.constant 0 : i32
        %dma_wait3A_189 = tpu.memref_slice %arg6[%dma_wait3A_182, %dma_wait3A_188] : memref<4x128xi32, #tpu.memory_space<vmem>> -> memref<1x128xi32, #tpu.memory_space<vmem>>
        %dma_wait3A_190 = tpu.memref_squeeze %dma_wait3A_189 : memref<1x128xi32, #tpu.memory_space<vmem>> -> memref<128xi32, #tpu.memory_space<vmem>>
        %dma_wait3A_191 = arith.constant 0 : i32
        %dma_wait3A_192 = arith.constant 0 : i32
        %dma_wait3A_193 = tpu.memref_slice %arg2[%dma_wait3A_191, %dma_wait3A_192] : memref<10240x128xf32, #tpu.memory_space<hbm>> -> memref<10240x128xf32, #tpu.memory_space<hbm>>
        tpu.wait_indirect_dma semaphore(%arg10 : memref<!tpu.dma_semaphore, #tpu.memory_space<semaphore_mem>>) src(%dma_wait3A_193 : memref<10240x128xf32, #tpu.memory_space<hbm>>) dst(%dma_wait3A_187 : memref<128x128xf32, #tpu.memory_space<vmem>>)
        %add3A_194 = arith.constant 2 : i32
        %add3A_195 = arith.addi %add3A_175, %add3A_194 : i32
        %lt3A_196 = arith.constant 80 : i32
        %lt3A_197 = arith.cmpi slt, %add3A_195, %lt3A_196 : i32
        %convert_element_type3A_198 = arith.extui %lt3A_197 : i1 to i32
        %cond3A_199 = arith.constant 0 : i32
        %cond3A_200 = arith.cmpi ne, %convert_element_type3A_198, %cond3A_199 : i32
        scf.if %cond3A_200 {
          %add3A_340 = arith.addi %add3A_44, %add3A_175 : i32
          %add3A_341 = arith.constant 2 : i32
          %add3A_342 = arith.addi %add3A_340, %add3A_341 : i32
          %dma_start3A_343 = arith.constant 2 : i32
          %dma_start3A_344 = arith.constant 0 : i32
          %dma_start3A_345 = tpu.memref_slice %arg6[%dma_start3A_343, %dma_start3A_344] : memref<4x128xi32, #tpu.memory_space<vmem>> -> memref<1x128xi32, #tpu.memory_space<vmem>>
          %dma_start3A_346 = tpu.memref_squeeze %dma_start3A_345 : memref<1x128xi32, #tpu.memory_space<vmem>> -> memref<128xi32, #tpu.memory_space<vmem>>
          %dma_start3A_347 = arith.constant 0 : i32
          %dma_start3A_348 = tpu.memref_slice %arg3[%add3A_342, %dma_start3A_347] : memref<2560x128xi32, #tpu.memory_space<hbm>> -> memref<1x128xi32, #tpu.memory_space<hbm>>
          %dma_start3A_349 = tpu.memref_squeeze %dma_start3A_348 : memref<1x128xi32, #tpu.memory_space<hbm>> -> memref<128xi32, #tpu.memory_space<hbm>>
          %dma_start3A_350 = arith.constant 0 : i32
          %dma_start3A_351 = tpu.memref_slice %arg6[%dma_start3A_343, %dma_start3A_350] : memref<4x128xi32, #tpu.memory_space<vmem>> -> memref<1x128xi32, #tpu.memory_space<vmem>>
          %dma_start3A_352 = tpu.memref_squeeze %dma_start3A_351 : memref<1x128xi32, #tpu.memory_space<vmem>> -> memref<128xi32, #tpu.memory_space<vmem>>
          %dma_start3A_353 = arith.constant 0 : i32
          %dma_start3A_354 = tpu.memref_slice %arg3[%add3A_342, %dma_start3A_353] : memref<2560x128xi32, #tpu.memory_space<hbm>> -> memref<1x128xi32, #tpu.memory_space<hbm>>
          %dma_start3A_355 = tpu.memref_squeeze %dma_start3A_354 : memref<1x128xi32, #tpu.memory_space<hbm>> -> memref<128xi32, #tpu.memory_space<hbm>>
          tpu.enqueue_dma source(%dma_start3A_355 : memref<128xi32, #tpu.memory_space<hbm>>) target(%dma_start3A_352 : memref<128xi32, #tpu.memory_space<vmem>>) target_semaphore(%arg16 : memref<!tpu.dma_semaphore, #tpu.memory_space<semaphore_mem>>)
          %dma_start3A_356 = arith.constant 2 : i32
          %dma_start3A_357 = arith.constant 0 : i32
          %dma_start3A_358 = tpu.memref_slice %arg7[%dma_start3A_356, %dma_start3A_357] : memref<4x128xi32, #tpu.memory_space<vmem>> -> memref<1x128xi32, #tpu.memory_space<vmem>>
          %dma_start3A_359 = tpu.memref_squeeze %dma_start3A_358 : memref<1x128xi32, #tpu.memory_space<vmem>> -> memref<128xi32, #tpu.memory_space<vmem>>
          %dma_start3A_360 = arith.constant 0 : i32
          %dma_start3A_361 = tpu.memref_slice %arg4[%add3A_342, %dma_start3A_360] : memref<2560x128xi32, #tpu.memory_space<hbm>> -> memref<1x128xi32, #tpu.memory_space<hbm>>
          %dma_start3A_362 = tpu.memref_squeeze %dma_start3A_361 : memref<1x128xi32, #tpu.memory_space<hbm>> -> memref<128xi32, #tpu.memory_space<hbm>>
          %dma_start3A_363 = arith.constant 0 : i32
          %dma_start3A_364 = tpu.memref_slice %arg7[%dma_start3A_356, %dma_start3A_363] : memref<4x128xi32, #tpu.memory_space<vmem>> -> memref<1x128xi32, #tpu.memory_space<vmem>>
          %dma_start3A_365 = tpu.memref_squeeze %dma_start3A_364 : memref<1x128xi32, #tpu.memory_space<vmem>> -> memref<128xi32, #tpu.memory_space<vmem>>
          %dma_start3A_366 = arith.constant 0 : i32
          %dma_start3A_367 = tpu.memref_slice %arg4[%add3A_342, %dma_start3A_366] : memref<2560x128xi32, #tpu.memory_space<hbm>> -> memref<1x128xi32, #tpu.memory_space<hbm>>
          %dma_start3A_368 = tpu.memref_squeeze %dma_start3A_367 : memref<1x128xi32, #tpu.memory_space<hbm>> -> memref<128xi32, #tpu.memory_space<hbm>>
          tpu.enqueue_dma source(%dma_start3A_368 : memref<128xi32, #tpu.memory_space<hbm>>) target(%dma_start3A_365 : memref<128xi32, #tpu.memory_space<vmem>>) target_semaphore(%arg16 : memref<!tpu.dma_semaphore, #tpu.memory_space<semaphore_mem>>)
        } else {
        }
        %dma_start3A_201 = arith.constant 0 : i32
        %dma_start3A_202 = arith.constant 0 : i32
        %dma_start3A_203 = arith.constant 0 : i32
        %dma_start3A_204 = arith.constant 0 : i32
        %dma_start3A_205 = tpu.memref_slice %arg8[%dma_start3A_201, %dma_start3A_203, %dma_start3A_204] : memref<2x128x128xf32, #tpu.memory_space<vmem>> -> memref<1x128x128xf32, #tpu.memory_space<vmem>>
        %dma_start3A_206 = tpu.memref_squeeze %dma_start3A_205 : memref<1x128x128xf32, #tpu.memory_space<vmem>> -> memref<128x128xf32, #tpu.memory_space<vmem>>
        %dma_start3A_207 = arith.constant 0 : i32
        %dma_start3A_208 = tpu.memref_slice %arg7[%dma_start3A_202, %dma_start3A_207] : memref<4x128xi32, #tpu.memory_space<vmem>> -> memref<1x128xi32, #tpu.memory_space<vmem>>
        %dma_start3A_209 = tpu.memref_squeeze %dma_start3A_208 : memref<1x128xi32, #tpu.memory_space<vmem>> -> memref<128xi32, #tpu.memory_space<vmem>>
        %dma_start3A_210 = arith.constant 0 : i32
        %dma_start3A_211 = arith.constant 0 : i32
        %dma_start3A_212 = tpu.memref_slice %arg9[%dma_start3A_210, %dma_start3A_211] : memref<10240x128xf32, #tpu.memory_space<vmem_shared>> -> memref<10240x128xf32, #tpu.memory_space<vmem_shared>>
        tpu.enqueue_indirect_dma source(%dma_start3A_206 : memref<128x128xf32, #tpu.memory_space<vmem>>) target(%dma_start3A_212 : memref<10240x128xf32, #tpu.memory_space<vmem_shared>>) offsets(%dma_start3A_209 : memref<128xi32, #tpu.memory_space<vmem>>) semaphore(%arg12 : memref<!tpu.dma_semaphore, #tpu.memory_space<semaphore_mem>>) {add = true}
        %mul3A_213 = arith.constant 4 : i32
        %mul3A_214 = arith.muli %scan3A_170, %mul3A_213 : i32
        %add3A_215 = arith.constant 1 : i32
        %add3A_216 = arith.addi %mul3A_214, %add3A_215 : i32
        %add3A_217 = arith.constant 1 : i32
        %add3A_218 = arith.addi %add3A_216, %add3A_217 : i32
        %lt3A_219 = arith.constant 80 : i32
        %lt3A_220 = arith.cmpi slt, %add3A_218, %lt3A_219 : i32
        %convert_element_type3A_221 = arith.extui %lt3A_220 : i1 to i32
        %cond3A_222 = arith.constant 0 : i32
        %cond3A_223 = arith.cmpi ne, %convert_element_type3A_221, %cond3A_222 : i32
        scf.if %cond3A_223 {
          %add3A_340 = arith.addi %add3A_44, %add3A_218 : i32
          %dma_wait3A_341 = arith.constant 2 : i32
          %dma_wait3A_342 = arith.constant 0 : i32
          %dma_wait3A_343 = tpu.memref_slice %arg6[%dma_wait3A_341, %dma_wait3A_342] : memref<4x128xi32, #tpu.memory_space<vmem>> -> memref<1x128xi32, #tpu.memory_space<vmem>>
          %dma_wait3A_344 = tpu.memref_squeeze %dma_wait3A_343 : memref<1x128xi32, #tpu.memory_space<vmem>> -> memref<128xi32, #tpu.memory_space<vmem>>
          %dma_wait3A_345 = arith.constant 0 : i32
          %dma_wait3A_346 = tpu.memref_slice %arg3[%add3A_340, %dma_wait3A_345] : memref<2560x128xi32, #tpu.memory_space<hbm>> -> memref<1x128xi32, #tpu.memory_space<hbm>>
          %dma_wait3A_347 = tpu.memref_squeeze %dma_wait3A_346 : memref<1x128xi32, #tpu.memory_space<hbm>> -> memref<128xi32, #tpu.memory_space<hbm>>
          %dma_wait3A_348 = arith.constant 0 : i32
          %dma_wait3A_349 = tpu.memref_slice %arg6[%dma_wait3A_341, %dma_wait3A_348] : memref<4x128xi32, #tpu.memory_space<vmem>> -> memref<1x128xi32, #tpu.memory_space<vmem>>
          %dma_wait3A_350 = tpu.memref_squeeze %dma_wait3A_349 : memref<1x128xi32, #tpu.memory_space<vmem>> -> memref<128xi32, #tpu.memory_space<vmem>>
          %dma_wait3A_351 = arith.constant 0 : i32
          %dma_wait3A_352 = tpu.memref_slice %arg3[%add3A_340, %dma_wait3A_351] : memref<2560x128xi32, #tpu.memory_space<hbm>> -> memref<1x128xi32, #tpu.memory_space<hbm>>
          %dma_wait3A_353 = tpu.memref_squeeze %dma_wait3A_352 : memref<1x128xi32, #tpu.memory_space<hbm>> -> memref<128xi32, #tpu.memory_space<hbm>>
          tpu.wait_dma2 semaphore(%arg16 : memref<!tpu.dma_semaphore, #tpu.memory_space<semaphore_mem>>) src(%dma_wait3A_353 : memref<128xi32, #tpu.memory_space<hbm>>) dst(%dma_wait3A_350 : memref<128xi32, #tpu.memory_space<vmem>>)
          %dma_wait3A_354 = arith.constant 2 : i32
          %dma_wait3A_355 = arith.constant 0 : i32
          %dma_wait3A_356 = tpu.memref_slice %arg7[%dma_wait3A_354, %dma_wait3A_355] : memref<4x128xi32, #tpu.memory_space<vmem>> -> memref<1x128xi32, #tpu.memory_space<vmem>>
          %dma_wait3A_357 = tpu.memref_squeeze %dma_wait3A_356 : memref<1x128xi32, #tpu.memory_space<vmem>> -> memref<128xi32, #tpu.memory_space<vmem>>
          %dma_wait3A_358 = arith.constant 0 : i32
          %dma_wait3A_359 = tpu.memref_slice %arg4[%add3A_340, %dma_wait3A_358] : memref<2560x128xi32, #tpu.memory_space<hbm>> -> memref<1x128xi32, #tpu.memory_space<hbm>>
          %dma_wait3A_360 = tpu.memref_squeeze %dma_wait3A_359 : memref<1x128xi32, #tpu.memory_space<hbm>> -> memref<128xi32, #tpu.memory_space<hbm>>
          %dma_wait3A_361 = arith.constant 0 : i32
          %dma_wait3A_362 = tpu.memref_slice %arg7[%dma_wait3A_354, %dma_wait3A_361] : memref<4x128xi32, #tpu.memory_space<vmem>> -> memref<1x128xi32, #tpu.memory_space<vmem>>
          %dma_wait3A_363 = tpu.memref_squeeze %dma_wait3A_362 : memref<1x128xi32, #tpu.memory_space<vmem>> -> memref<128xi32, #tpu.memory_space<vmem>>
          %dma_wait3A_364 = arith.constant 0 : i32
          %dma_wait3A_365 = tpu.memref_slice %arg4[%add3A_340, %dma_wait3A_364] : memref<2560x128xi32, #tpu.memory_space<hbm>> -> memref<1x128xi32, #tpu.memory_space<hbm>>
          %dma_wait3A_366 = tpu.memref_squeeze %dma_wait3A_365 : memref<1x128xi32, #tpu.memory_space<hbm>> -> memref<128xi32, #tpu.memory_space<hbm>>
          tpu.wait_dma2 semaphore(%arg16 : memref<!tpu.dma_semaphore, #tpu.memory_space<semaphore_mem>>) src(%dma_wait3A_366 : memref<128xi32, #tpu.memory_space<hbm>>) dst(%dma_wait3A_363 : memref<128xi32, #tpu.memory_space<vmem>>)
          %ge3A = arith.constant 1 : i32
          %ge3A_367 = arith.cmpi sge, %add3A_216, %ge3A : i32
          %convert_element_type3A_368 = arith.extui %ge3A_367 : i1 to i32
          %cond3A_369 = arith.constant 0 : i32
          %cond3A_370 = arith.cmpi ne, %convert_element_type3A_368, %cond3A_369 : i32
          scf.if %cond3A_370 {
            %dma_wait3A_383 = arith.constant 0 : i32
            %dma_wait3A_384 = arith.constant 0 : i32
            %dma_wait3A_385 = arith.constant 0 : i32
            %dma_wait3A_386 = arith.constant 0 : i32
            %dma_wait3A_387 = tpu.memref_slice %arg8[%dma_wait3A_383, %dma_wait3A_385, %dma_wait3A_386] : memref<2x128x128xf32, #tpu.memory_space<vmem>> -> memref<1x128x128xf32, #tpu.memory_space<vmem>>
            %dma_wait3A_388 = tpu.memref_squeeze %dma_wait3A_387 : memref<1x128x128xf32, #tpu.memory_space<vmem>> -> memref<128x128xf32, #tpu.memory_space<vmem>>
            %dma_wait3A_389 = arith.constant 0 : i32
            %dma_wait3A_390 = tpu.memref_slice %arg7[%dma_wait3A_384, %dma_wait3A_389] : memref<4x128xi32, #tpu.memory_space<vmem>> -> memref<1x128xi32, #tpu.memory_space<vmem>>
            %dma_wait3A_391 = tpu.memref_squeeze %dma_wait3A_390 : memref<1x128xi32, #tpu.memory_space<vmem>> -> memref<128xi32, #tpu.memory_space<vmem>>
            %dma_wait3A_392 = arith.constant 0 : i32
            %dma_wait3A_393 = arith.constant 0 : i32
            %dma_wait3A_394 = tpu.memref_slice %arg9[%dma_wait3A_392, %dma_wait3A_393] : memref<10240x128xf32, #tpu.memory_space<vmem_shared>> -> memref<10240x128xf32, #tpu.memory_space<vmem_shared>>
            tpu.wait_indirect_dma semaphore(%arg12 : memref<!tpu.dma_semaphore, #tpu.memory_space<semaphore_mem>>) src(%dma_wait3A_388 : memref<128x128xf32, #tpu.memory_space<vmem>>) dst(%dma_wait3A_394 : memref<10240x128xf32, #tpu.memory_space<vmem_shared>>)
          } else {
          }
          %dma_start3A_371 = arith.constant 2 : i32
          %dma_start3A_372 = arith.constant 0 : i32
          %dma_start3A_373 = arith.constant 0 : i32
          %dma_start3A_374 = arith.constant 0 : i32
          %dma_start3A_375 = tpu.memref_slice %arg8[%dma_start3A_372, %dma_start3A_373, %dma_start3A_374] : memref<2x128x128xf32, #tpu.memory_space<vmem>> -> memref<1x128x128xf32, #tpu.memory_space<vmem>>
          %dma_start3A_376 = tpu.memref_squeeze %dma_start3A_375 : memref<1x128x128xf32, #tpu.memory_space<vmem>> -> memref<128x128xf32, #tpu.memory_space<vmem>>
          %dma_start3A_377 = arith.constant 0 : i32
          %dma_start3A_378 = tpu.memref_slice %arg6[%dma_start3A_371, %dma_start3A_377] : memref<4x128xi32, #tpu.memory_space<vmem>> -> memref<1x128xi32, #tpu.memory_space<vmem>>
          %dma_start3A_379 = tpu.memref_squeeze %dma_start3A_378 : memref<1x128xi32, #tpu.memory_space<vmem>> -> memref<128xi32, #tpu.memory_space<vmem>>
          %dma_start3A_380 = arith.constant 0 : i32
          %dma_start3A_381 = arith.constant 0 : i32
          %dma_start3A_382 = tpu.memref_slice %arg2[%dma_start3A_380, %dma_start3A_381] : memref<10240x128xf32, #tpu.memory_space<hbm>> -> memref<10240x128xf32, #tpu.memory_space<hbm>>
          tpu.enqueue_indirect_dma source(%dma_start3A_382 : memref<10240x128xf32, #tpu.memory_space<hbm>>) target(%dma_start3A_376 : memref<128x128xf32, #tpu.memory_space<vmem>>) offsets(%dma_start3A_379 : memref<128xi32, #tpu.memory_space<vmem>>) semaphore(%arg10 : memref<!tpu.dma_semaphore, #tpu.memory_space<semaphore_mem>>)
        } else {
        }
        %dma_wait3A_224 = arith.constant 1 : i32
        %dma_wait3A_225 = arith.constant 1 : i32
        %dma_wait3A_226 = arith.constant 0 : i32
        %dma_wait3A_227 = arith.constant 0 : i32
        %dma_wait3A_228 = tpu.memref_slice %arg8[%dma_wait3A_225, %dma_wait3A_226, %dma_wait3A_227] : memref<2x128x128xf32, #tpu.memory_space<vmem>> -> memref<1x128x128xf32, #tpu.memory_space<vmem>>
        %dma_wait3A_229 = tpu.memref_squeeze %dma_wait3A_228 : memref<1x128x128xf32, #tpu.memory_space<vmem>> -> memref<128x128xf32, #tpu.memory_space<vmem>>
        %dma_wait3A_230 = arith.constant 0 : i32
        %dma_wait3A_231 = tpu.memref_slice %arg6[%dma_wait3A_224, %dma_wait3A_230] : memref<4x128xi32, #tpu.memory_space<vmem>> -> memref<1x128xi32, #tpu.memory_space<vmem>>
        %dma_wait3A_232 = tpu.memref_squeeze %dma_wait3A_231 : memref<1x128xi32, #tpu.memory_space<vmem>> -> memref<128xi32, #tpu.memory_space<vmem>>
        %dma_wait3A_233 = arith.constant 0 : i32
        %dma_wait3A_234 = arith.constant 0 : i32
        %dma_wait3A_235 = tpu.memref_slice %arg2[%dma_wait3A_233, %dma_wait3A_234] : memref<10240x128xf32, #tpu.memory_space<hbm>> -> memref<10240x128xf32, #tpu.memory_space<hbm>>
        tpu.wait_indirect_dma semaphore(%arg11 : memref<!tpu.dma_semaphore, #tpu.memory_space<semaphore_mem>>) src(%dma_wait3A_235 : memref<10240x128xf32, #tpu.memory_space<hbm>>) dst(%dma_wait3A_229 : memref<128x128xf32, #tpu.memory_space<vmem>>)
        %add3A_236 = arith.constant 2 : i32
        %add3A_237 = arith.addi %add3A_216, %add3A_236 : i32
        %lt3A_238 = arith.constant 80 : i32
        %lt3A_239 = arith.cmpi slt, %add3A_237, %lt3A_238 : i32
        %convert_element_type3A_240 = arith.extui %lt3A_239 : i1 to i32
        %cond3A_241 = arith.constant 0 : i32
        %cond3A_242 = arith.cmpi ne, %convert_element_type3A_240, %cond3A_241 : i32
        scf.if %cond3A_242 {
          %add3A_340 = arith.addi %add3A_44, %add3A_216 : i32
          %add3A_341 = arith.constant 2 : i32
          %add3A_342 = arith.addi %add3A_340, %add3A_341 : i32
          %dma_start3A_343 = arith.constant 3 : i32
          %dma_start3A_344 = arith.constant 0 : i32
          %dma_start3A_345 = tpu.memref_slice %arg6[%dma_start3A_343, %dma_start3A_344] : memref<4x128xi32, #tpu.memory_space<vmem>> -> memref<1x128xi32, #tpu.memory_space<vmem>>
          %dma_start3A_346 = tpu.memref_squeeze %dma_start3A_345 : memref<1x128xi32, #tpu.memory_space<vmem>> -> memref<128xi32, #tpu.memory_space<vmem>>
          %dma_start3A_347 = arith.constant 0 : i32
          %dma_start3A_348 = tpu.memref_slice %arg3[%add3A_342, %dma_start3A_347] : memref<2560x128xi32, #tpu.memory_space<hbm>> -> memref<1x128xi32, #tpu.memory_space<hbm>>
          %dma_start3A_349 = tpu.memref_squeeze %dma_start3A_348 : memref<1x128xi32, #tpu.memory_space<hbm>> -> memref<128xi32, #tpu.memory_space<hbm>>
          %dma_start3A_350 = arith.constant 0 : i32
          %dma_start3A_351 = tpu.memref_slice %arg6[%dma_start3A_343, %dma_start3A_350] : memref<4x128xi32, #tpu.memory_space<vmem>> -> memref<1x128xi32, #tpu.memory_space<vmem>>
          %dma_start3A_352 = tpu.memref_squeeze %dma_start3A_351 : memref<1x128xi32, #tpu.memory_space<vmem>> -> memref<128xi32, #tpu.memory_space<vmem>>
          %dma_start3A_353 = arith.constant 0 : i32
          %dma_start3A_354 = tpu.memref_slice %arg3[%add3A_342, %dma_start3A_353] : memref<2560x128xi32, #tpu.memory_space<hbm>> -> memref<1x128xi32, #tpu.memory_space<hbm>>
          %dma_start3A_355 = tpu.memref_squeeze %dma_start3A_354 : memref<1x128xi32, #tpu.memory_space<hbm>> -> memref<128xi32, #tpu.memory_space<hbm>>
          tpu.enqueue_dma source(%dma_start3A_355 : memref<128xi32, #tpu.memory_space<hbm>>) target(%dma_start3A_352 : memref<128xi32, #tpu.memory_space<vmem>>) target_semaphore(%arg17 : memref<!tpu.dma_semaphore, #tpu.memory_space<semaphore_mem>>)
          %dma_start3A_356 = arith.constant 3 : i32
          %dma_start3A_357 = arith.constant 0 : i32
          %dma_start3A_358 = tpu.memref_slice %arg7[%dma_start3A_356, %dma_start3A_357] : memref<4x128xi32, #tpu.memory_space<vmem>> -> memref<1x128xi32, #tpu.memory_space<vmem>>
          %dma_start3A_359 = tpu.memref_squeeze %dma_start3A_358 : memref<1x128xi32, #tpu.memory_space<vmem>> -> memref<128xi32, #tpu.memory_space<vmem>>
          %dma_start3A_360 = arith.constant 0 : i32
          %dma_start3A_361 = tpu.memref_slice %arg4[%add3A_342, %dma_start3A_360] : memref<2560x128xi32, #tpu.memory_space<hbm>> -> memref<1x128xi32, #tpu.memory_space<hbm>>
          %dma_start3A_362 = tpu.memref_squeeze %dma_start3A_361 : memref<1x128xi32, #tpu.memory_space<hbm>> -> memref<128xi32, #tpu.memory_space<hbm>>
          %dma_start3A_363 = arith.constant 0 : i32
          %dma_start3A_364 = tpu.memref_slice %arg7[%dma_start3A_356, %dma_start3A_363] : memref<4x128xi32, #tpu.memory_space<vmem>> -> memref<1x128xi32, #tpu.memory_space<vmem>>
          %dma_start3A_365 = tpu.memref_squeeze %dma_start3A_364 : memref<1x128xi32, #tpu.memory_space<vmem>> -> memref<128xi32, #tpu.memory_space<vmem>>
          %dma_start3A_366 = arith.constant 0 : i32
          %dma_start3A_367 = tpu.memref_slice %arg4[%add3A_342, %dma_start3A_366] : memref<2560x128xi32, #tpu.memory_space<hbm>> -> memref<1x128xi32, #tpu.memory_space<hbm>>
          %dma_start3A_368 = tpu.memref_squeeze %dma_start3A_367 : memref<1x128xi32, #tpu.memory_space<hbm>> -> memref<128xi32, #tpu.memory_space<hbm>>
          tpu.enqueue_dma source(%dma_start3A_368 : memref<128xi32, #tpu.memory_space<hbm>>) target(%dma_start3A_365 : memref<128xi32, #tpu.memory_space<vmem>>) target_semaphore(%arg17 : memref<!tpu.dma_semaphore, #tpu.memory_space<semaphore_mem>>)
        } else {
        }
        %dma_start3A_243 = arith.constant 1 : i32
        %dma_start3A_244 = arith.constant 1 : i32
        %dma_start3A_245 = arith.constant 0 : i32
        %dma_start3A_246 = arith.constant 0 : i32
        %dma_start3A_247 = tpu.memref_slice %arg8[%dma_start3A_243, %dma_start3A_245, %dma_start3A_246] : memref<2x128x128xf32, #tpu.memory_space<vmem>> -> memref<1x128x128xf32, #tpu.memory_space<vmem>>
        %dma_start3A_248 = tpu.memref_squeeze %dma_start3A_247 : memref<1x128x128xf32, #tpu.memory_space<vmem>> -> memref<128x128xf32, #tpu.memory_space<vmem>>
        %dma_start3A_249 = arith.constant 0 : i32
        %dma_start3A_250 = tpu.memref_slice %arg7[%dma_start3A_244, %dma_start3A_249] : memref<4x128xi32, #tpu.memory_space<vmem>> -> memref<1x128xi32, #tpu.memory_space<vmem>>
        %dma_start3A_251 = tpu.memref_squeeze %dma_start3A_250 : memref<1x128xi32, #tpu.memory_space<vmem>> -> memref<128xi32, #tpu.memory_space<vmem>>
        %dma_start3A_252 = arith.constant 0 : i32
        %dma_start3A_253 = arith.constant 0 : i32
        %dma_start3A_254 = tpu.memref_slice %arg9[%dma_start3A_252, %dma_start3A_253] : memref<10240x128xf32, #tpu.memory_space<vmem_shared>> -> memref<10240x128xf32, #tpu.memory_space<vmem_shared>>
        tpu.enqueue_indirect_dma source(%dma_start3A_248 : memref<128x128xf32, #tpu.memory_space<vmem>>) target(%dma_start3A_254 : memref<10240x128xf32, #tpu.memory_space<vmem_shared>>) offsets(%dma_start3A_251 : memref<128xi32, #tpu.memory_space<vmem>>) semaphore(%arg13 : memref<!tpu.dma_semaphore, #tpu.memory_space<semaphore_mem>>) {add = true}
        %mul3A_255 = arith.constant 4 : i32
        %mul3A_256 = arith.muli %scan3A_170, %mul3A_255 : i32
        %add3A_257 = arith.constant 2 : i32
        %add3A_258 = arith.addi %mul3A_256, %add3A_257 : i32
        %add3A_259 = arith.constant 1 : i32
        %add3A_260 = arith.addi %add3A_258, %add3A_259 : i32
        %lt3A_261 = arith.constant 80 : i32
        %lt3A_262 = arith.cmpi slt, %add3A_260, %lt3A_261 : i32
        %convert_element_type3A_263 = arith.extui %lt3A_262 : i1 to i32
        %cond3A_264 = arith.constant 0 : i32
        %cond3A_265 = arith.cmpi ne, %convert_element_type3A_263, %cond3A_264 : i32
        scf.if %cond3A_265 {
          %add3A_340 = arith.addi %add3A_44, %add3A_260 : i32
          %dma_wait3A_341 = arith.constant 3 : i32
          %dma_wait3A_342 = arith.constant 0 : i32
          %dma_wait3A_343 = tpu.memref_slice %arg6[%dma_wait3A_341, %dma_wait3A_342] : memref<4x128xi32, #tpu.memory_space<vmem>> -> memref<1x128xi32, #tpu.memory_space<vmem>>
          %dma_wait3A_344 = tpu.memref_squeeze %dma_wait3A_343 : memref<1x128xi32, #tpu.memory_space<vmem>> -> memref<128xi32, #tpu.memory_space<vmem>>
          %dma_wait3A_345 = arith.constant 0 : i32
          %dma_wait3A_346 = tpu.memref_slice %arg3[%add3A_340, %dma_wait3A_345] : memref<2560x128xi32, #tpu.memory_space<hbm>> -> memref<1x128xi32, #tpu.memory_space<hbm>>
          %dma_wait3A_347 = tpu.memref_squeeze %dma_wait3A_346 : memref<1x128xi32, #tpu.memory_space<hbm>> -> memref<128xi32, #tpu.memory_space<hbm>>
          %dma_wait3A_348 = arith.constant 0 : i32
          %dma_wait3A_349 = tpu.memref_slice %arg6[%dma_wait3A_341, %dma_wait3A_348] : memref<4x128xi32, #tpu.memory_space<vmem>> -> memref<1x128xi32, #tpu.memory_space<vmem>>
          %dma_wait3A_350 = tpu.memref_squeeze %dma_wait3A_349 : memref<1x128xi32, #tpu.memory_space<vmem>> -> memref<128xi32, #tpu.memory_space<vmem>>
          %dma_wait3A_351 = arith.constant 0 : i32
          %dma_wait3A_352 = tpu.memref_slice %arg3[%add3A_340, %dma_wait3A_351] : memref<2560x128xi32, #tpu.memory_space<hbm>> -> memref<1x128xi32, #tpu.memory_space<hbm>>
          %dma_wait3A_353 = tpu.memref_squeeze %dma_wait3A_352 : memref<1x128xi32, #tpu.memory_space<hbm>> -> memref<128xi32, #tpu.memory_space<hbm>>
          tpu.wait_dma2 semaphore(%arg17 : memref<!tpu.dma_semaphore, #tpu.memory_space<semaphore_mem>>) src(%dma_wait3A_353 : memref<128xi32, #tpu.memory_space<hbm>>) dst(%dma_wait3A_350 : memref<128xi32, #tpu.memory_space<vmem>>)
          %dma_wait3A_354 = arith.constant 3 : i32
          %dma_wait3A_355 = arith.constant 0 : i32
          %dma_wait3A_356 = tpu.memref_slice %arg7[%dma_wait3A_354, %dma_wait3A_355] : memref<4x128xi32, #tpu.memory_space<vmem>> -> memref<1x128xi32, #tpu.memory_space<vmem>>
          %dma_wait3A_357 = tpu.memref_squeeze %dma_wait3A_356 : memref<1x128xi32, #tpu.memory_space<vmem>> -> memref<128xi32, #tpu.memory_space<vmem>>
          %dma_wait3A_358 = arith.constant 0 : i32
          %dma_wait3A_359 = tpu.memref_slice %arg4[%add3A_340, %dma_wait3A_358] : memref<2560x128xi32, #tpu.memory_space<hbm>> -> memref<1x128xi32, #tpu.memory_space<hbm>>
          %dma_wait3A_360 = tpu.memref_squeeze %dma_wait3A_359 : memref<1x128xi32, #tpu.memory_space<hbm>> -> memref<128xi32, #tpu.memory_space<hbm>>
          %dma_wait3A_361 = arith.constant 0 : i32
          %dma_wait3A_362 = tpu.memref_slice %arg7[%dma_wait3A_354, %dma_wait3A_361] : memref<4x128xi32, #tpu.memory_space<vmem>> -> memref<1x128xi32, #tpu.memory_space<vmem>>
          %dma_wait3A_363 = tpu.memref_squeeze %dma_wait3A_362 : memref<1x128xi32, #tpu.memory_space<vmem>> -> memref<128xi32, #tpu.memory_space<vmem>>
          %dma_wait3A_364 = arith.constant 0 : i32
          %dma_wait3A_365 = tpu.memref_slice %arg4[%add3A_340, %dma_wait3A_364] : memref<2560x128xi32, #tpu.memory_space<hbm>> -> memref<1x128xi32, #tpu.memory_space<hbm>>
          %dma_wait3A_366 = tpu.memref_squeeze %dma_wait3A_365 : memref<1x128xi32, #tpu.memory_space<hbm>> -> memref<128xi32, #tpu.memory_space<hbm>>
          tpu.wait_dma2 semaphore(%arg17 : memref<!tpu.dma_semaphore, #tpu.memory_space<semaphore_mem>>) src(%dma_wait3A_366 : memref<128xi32, #tpu.memory_space<hbm>>) dst(%dma_wait3A_363 : memref<128xi32, #tpu.memory_space<vmem>>)
          %ge3A = arith.constant 1 : i32
          %ge3A_367 = arith.cmpi sge, %add3A_258, %ge3A : i32
          %convert_element_type3A_368 = arith.extui %ge3A_367 : i1 to i32
          %cond3A_369 = arith.constant 0 : i32
          %cond3A_370 = arith.cmpi ne, %convert_element_type3A_368, %cond3A_369 : i32
          scf.if %cond3A_370 {
            %dma_wait3A_383 = arith.constant 1 : i32
            %dma_wait3A_384 = arith.constant 1 : i32
            %dma_wait3A_385 = arith.constant 0 : i32
            %dma_wait3A_386 = arith.constant 0 : i32
            %dma_wait3A_387 = tpu.memref_slice %arg8[%dma_wait3A_383, %dma_wait3A_385, %dma_wait3A_386] : memref<2x128x128xf32, #tpu.memory_space<vmem>> -> memref<1x128x128xf32, #tpu.memory_space<vmem>>
            %dma_wait3A_388 = tpu.memref_squeeze %dma_wait3A_387 : memref<1x128x128xf32, #tpu.memory_space<vmem>> -> memref<128x128xf32, #tpu.memory_space<vmem>>
            %dma_wait3A_389 = arith.constant 0 : i32
            %dma_wait3A_390 = tpu.memref_slice %arg7[%dma_wait3A_384, %dma_wait3A_389] : memref<4x128xi32, #tpu.memory_space<vmem>> -> memref<1x128xi32, #tpu.memory_space<vmem>>
            %dma_wait3A_391 = tpu.memref_squeeze %dma_wait3A_390 : memref<1x128xi32, #tpu.memory_space<vmem>> -> memref<128xi32, #tpu.memory_space<vmem>>
            %dma_wait3A_392 = arith.constant 0 : i32
            %dma_wait3A_393 = arith.constant 0 : i32
            %dma_wait3A_394 = tpu.memref_slice %arg9[%dma_wait3A_392, %dma_wait3A_393] : memref<10240x128xf32, #tpu.memory_space<vmem_shared>> -> memref<10240x128xf32, #tpu.memory_space<vmem_shared>>
            tpu.wait_indirect_dma semaphore(%arg13 : memref<!tpu.dma_semaphore, #tpu.memory_space<semaphore_mem>>) src(%dma_wait3A_388 : memref<128x128xf32, #tpu.memory_space<vmem>>) dst(%dma_wait3A_394 : memref<10240x128xf32, #tpu.memory_space<vmem_shared>>)
          } else {
          }
          %dma_start3A_371 = arith.constant 3 : i32
          %dma_start3A_372 = arith.constant 1 : i32
          %dma_start3A_373 = arith.constant 0 : i32
          %dma_start3A_374 = arith.constant 0 : i32
          %dma_start3A_375 = tpu.memref_slice %arg8[%dma_start3A_372, %dma_start3A_373, %dma_start3A_374] : memref<2x128x128xf32, #tpu.memory_space<vmem>> -> memref<1x128x128xf32, #tpu.memory_space<vmem>>
          %dma_start3A_376 = tpu.memref_squeeze %dma_start3A_375 : memref<1x128x128xf32, #tpu.memory_space<vmem>> -> memref<128x128xf32, #tpu.memory_space<vmem>>
          %dma_start3A_377 = arith.constant 0 : i32
          %dma_start3A_378 = tpu.memref_slice %arg6[%dma_start3A_371, %dma_start3A_377] : memref<4x128xi32, #tpu.memory_space<vmem>> -> memref<1x128xi32, #tpu.memory_space<vmem>>
          %dma_start3A_379 = tpu.memref_squeeze %dma_start3A_378 : memref<1x128xi32, #tpu.memory_space<vmem>> -> memref<128xi32, #tpu.memory_space<vmem>>
          %dma_start3A_380 = arith.constant 0 : i32
          %dma_start3A_381 = arith.constant 0 : i32
          %dma_start3A_382 = tpu.memref_slice %arg2[%dma_start3A_380, %dma_start3A_381] : memref<10240x128xf32, #tpu.memory_space<hbm>> -> memref<10240x128xf32, #tpu.memory_space<hbm>>
          tpu.enqueue_indirect_dma source(%dma_start3A_382 : memref<10240x128xf32, #tpu.memory_space<hbm>>) target(%dma_start3A_376 : memref<128x128xf32, #tpu.memory_space<vmem>>) offsets(%dma_start3A_379 : memref<128xi32, #tpu.memory_space<vmem>>) semaphore(%arg11 : memref<!tpu.dma_semaphore, #tpu.memory_space<semaphore_mem>>)
        } else {
        }
        %dma_wait3A_266 = arith.constant 2 : i32
        %dma_wait3A_267 = arith.constant 0 : i32
        %dma_wait3A_268 = arith.constant 0 : i32
        %dma_wait3A_269 = arith.constant 0 : i32
        %dma_wait3A_270 = tpu.memref_slice %arg8[%dma_wait3A_267, %dma_wait3A_268, %dma_wait3A_269] : memref<2x128x128xf32, #tpu.memory_space<vmem>> -> memref<1x128x128xf32, #tpu.memory_space<vmem>>
        %dma_wait3A_271 = tpu.memref_squeeze %dma_wait3A_270 : memref<1x128x128xf32, #tpu.memory_space<vmem>> -> memref<128x128xf32, #tpu.memory_space<vmem>>
        %dma_wait3A_272 = arith.constant 0 : i32
        %dma_wait3A_273 = tpu.memref_slice %arg6[%dma_wait3A_266, %dma_wait3A_272] : memref<4x128xi32, #tpu.memory_space<vmem>> -> memref<1x128xi32, #tpu.memory_space<vmem>>
        %dma_wait3A_274 = tpu.memref_squeeze %dma_wait3A_273 : memref<1x128xi32, #tpu.memory_space<vmem>> -> memref<128xi32, #tpu.memory_space<vmem>>
        %dma_wait3A_275 = arith.constant 0 : i32
        %dma_wait3A_276 = arith.constant 0 : i32
        %dma_wait3A_277 = tpu.memref_slice %arg2[%dma_wait3A_275, %dma_wait3A_276] : memref<10240x128xf32, #tpu.memory_space<hbm>> -> memref<10240x128xf32, #tpu.memory_space<hbm>>
        tpu.wait_indirect_dma semaphore(%arg10 : memref<!tpu.dma_semaphore, #tpu.memory_space<semaphore_mem>>) src(%dma_wait3A_277 : memref<10240x128xf32, #tpu.memory_space<hbm>>) dst(%dma_wait3A_271 : memref<128x128xf32, #tpu.memory_space<vmem>>)
        %add3A_278 = arith.constant 2 : i32
        %add3A_279 = arith.addi %add3A_258, %add3A_278 : i32
        %lt3A_280 = arith.constant 80 : i32
        %lt3A_281 = arith.cmpi slt, %add3A_279, %lt3A_280 : i32
        %convert_element_type3A_282 = arith.extui %lt3A_281 : i1 to i32
        %cond3A_283 = arith.constant 0 : i32
        %cond3A_284 = arith.cmpi ne, %convert_element_type3A_282, %cond3A_283 : i32
        scf.if %cond3A_284 {
          %add3A_340 = arith.addi %add3A_44, %add3A_258 : i32
          %add3A_341 = arith.constant 2 : i32
          %add3A_342 = arith.addi %add3A_340, %add3A_341 : i32
          %dma_start3A_343 = arith.constant 0 : i32
          %dma_start3A_344 = arith.constant 0 : i32
          %dma_start3A_345 = tpu.memref_slice %arg6[%dma_start3A_343, %dma_start3A_344] : memref<4x128xi32, #tpu.memory_space<vmem>> -> memref<1x128xi32, #tpu.memory_space<vmem>>
          %dma_start3A_346 = tpu.memref_squeeze %dma_start3A_345 : memref<1x128xi32, #tpu.memory_space<vmem>> -> memref<128xi32, #tpu.memory_space<vmem>>
          %dma_start3A_347 = arith.constant 0 : i32
          %dma_start3A_348 = tpu.memref_slice %arg3[%add3A_342, %dma_start3A_347] : memref<2560x128xi32, #tpu.memory_space<hbm>> -> memref<1x128xi32, #tpu.memory_space<hbm>>
          %dma_start3A_349 = tpu.memref_squeeze %dma_start3A_348 : memref<1x128xi32, #tpu.memory_space<hbm>> -> memref<128xi32, #tpu.memory_space<hbm>>
          %dma_start3A_350 = arith.constant 0 : i32
          %dma_start3A_351 = tpu.memref_slice %arg6[%dma_start3A_343, %dma_start3A_350] : memref<4x128xi32, #tpu.memory_space<vmem>> -> memref<1x128xi32, #tpu.memory_space<vmem>>
          %dma_start3A_352 = tpu.memref_squeeze %dma_start3A_351 : memref<1x128xi32, #tpu.memory_space<vmem>> -> memref<128xi32, #tpu.memory_space<vmem>>
          %dma_start3A_353 = arith.constant 0 : i32
          %dma_start3A_354 = tpu.memref_slice %arg3[%add3A_342, %dma_start3A_353] : memref<2560x128xi32, #tpu.memory_space<hbm>> -> memref<1x128xi32, #tpu.memory_space<hbm>>
          %dma_start3A_355 = tpu.memref_squeeze %dma_start3A_354 : memref<1x128xi32, #tpu.memory_space<hbm>> -> memref<128xi32, #tpu.memory_space<hbm>>
          tpu.enqueue_dma source(%dma_start3A_355 : memref<128xi32, #tpu.memory_space<hbm>>) target(%dma_start3A_352 : memref<128xi32, #tpu.memory_space<vmem>>) target_semaphore(%arg14 : memref<!tpu.dma_semaphore, #tpu.memory_space<semaphore_mem>>)
          %dma_start3A_356 = arith.constant 0 : i32
          %dma_start3A_357 = arith.constant 0 : i32
          %dma_start3A_358 = tpu.memref_slice %arg7[%dma_start3A_356, %dma_start3A_357] : memref<4x128xi32, #tpu.memory_space<vmem>> -> memref<1x128xi32, #tpu.memory_space<vmem>>
          %dma_start3A_359 = tpu.memref_squeeze %dma_start3A_358 : memref<1x128xi32, #tpu.memory_space<vmem>> -> memref<128xi32, #tpu.memory_space<vmem>>
          %dma_start3A_360 = arith.constant 0 : i32
          %dma_start3A_361 = tpu.memref_slice %arg4[%add3A_342, %dma_start3A_360] : memref<2560x128xi32, #tpu.memory_space<hbm>> -> memref<1x128xi32, #tpu.memory_space<hbm>>
          %dma_start3A_362 = tpu.memref_squeeze %dma_start3A_361 : memref<1x128xi32, #tpu.memory_space<hbm>> -> memref<128xi32, #tpu.memory_space<hbm>>
          %dma_start3A_363 = arith.constant 0 : i32
          %dma_start3A_364 = tpu.memref_slice %arg7[%dma_start3A_356, %dma_start3A_363] : memref<4x128xi32, #tpu.memory_space<vmem>> -> memref<1x128xi32, #tpu.memory_space<vmem>>
          %dma_start3A_365 = tpu.memref_squeeze %dma_start3A_364 : memref<1x128xi32, #tpu.memory_space<vmem>> -> memref<128xi32, #tpu.memory_space<vmem>>
          %dma_start3A_366 = arith.constant 0 : i32
          %dma_start3A_367 = tpu.memref_slice %arg4[%add3A_342, %dma_start3A_366] : memref<2560x128xi32, #tpu.memory_space<hbm>> -> memref<1x128xi32, #tpu.memory_space<hbm>>
          %dma_start3A_368 = tpu.memref_squeeze %dma_start3A_367 : memref<1x128xi32, #tpu.memory_space<hbm>> -> memref<128xi32, #tpu.memory_space<hbm>>
          tpu.enqueue_dma source(%dma_start3A_368 : memref<128xi32, #tpu.memory_space<hbm>>) target(%dma_start3A_365 : memref<128xi32, #tpu.memory_space<vmem>>) target_semaphore(%arg14 : memref<!tpu.dma_semaphore, #tpu.memory_space<semaphore_mem>>)
        } else {
        }
        %dma_start3A_285 = arith.constant 0 : i32
        %dma_start3A_286 = arith.constant 2 : i32
        %dma_start3A_287 = arith.constant 0 : i32
        %dma_start3A_288 = arith.constant 0 : i32
        %dma_start3A_289 = tpu.memref_slice %arg8[%dma_start3A_285, %dma_start3A_287, %dma_start3A_288] : memref<2x128x128xf32, #tpu.memory_space<vmem>> -> memref<1x128x128xf32, #tpu.memory_space<vmem>>
        %dma_start3A_290 = tpu.memref_squeeze %dma_start3A_289 : memref<1x128x128xf32, #tpu.memory_space<vmem>> -> memref<128x128xf32, #tpu.memory_space<vmem>>
        %dma_start3A_291 = arith.constant 0 : i32
        %dma_start3A_292 = tpu.memref_slice %arg7[%dma_start3A_286, %dma_start3A_291] : memref<4x128xi32, #tpu.memory_space<vmem>> -> memref<1x128xi32, #tpu.memory_space<vmem>>
        %dma_start3A_293 = tpu.memref_squeeze %dma_start3A_292 : memref<1x128xi32, #tpu.memory_space<vmem>> -> memref<128xi32, #tpu.memory_space<vmem>>
        %dma_start3A_294 = arith.constant 0 : i32
        %dma_start3A_295 = arith.constant 0 : i32
        %dma_start3A_296 = tpu.memref_slice %arg9[%dma_start3A_294, %dma_start3A_295] : memref<10240x128xf32, #tpu.memory_space<vmem_shared>> -> memref<10240x128xf32, #tpu.memory_space<vmem_shared>>
        tpu.enqueue_indirect_dma source(%dma_start3A_290 : memref<128x128xf32, #tpu.memory_space<vmem>>) target(%dma_start3A_296 : memref<10240x128xf32, #tpu.memory_space<vmem_shared>>) offsets(%dma_start3A_293 : memref<128xi32, #tpu.memory_space<vmem>>) semaphore(%arg12 : memref<!tpu.dma_semaphore, #tpu.memory_space<semaphore_mem>>) {add = true}
        %mul3A_297 = arith.constant 4 : i32
        %mul3A_298 = arith.muli %scan3A_170, %mul3A_297 : i32
        %add3A_299 = arith.constant 3 : i32
        %add3A_300 = arith.addi %mul3A_298, %add3A_299 : i32
        %add3A_301 = arith.constant 1 : i32
        %add3A_302 = arith.addi %add3A_300, %add3A_301 : i32
        %lt3A_303 = arith.constant 80 : i32
        %lt3A_304 = arith.cmpi slt, %add3A_302, %lt3A_303 : i32
        %convert_element_type3A_305 = arith.extui %lt3A_304 : i1 to i32
        %cond3A_306 = arith.constant 0 : i32
        %cond3A_307 = arith.cmpi ne, %convert_element_type3A_305, %cond3A_306 : i32
        scf.if %cond3A_307 {
          %add3A_340 = arith.addi %add3A_44, %add3A_302 : i32
          %dma_wait3A_341 = arith.constant 0 : i32
          %dma_wait3A_342 = arith.constant 0 : i32
          %dma_wait3A_343 = tpu.memref_slice %arg6[%dma_wait3A_341, %dma_wait3A_342] : memref<4x128xi32, #tpu.memory_space<vmem>> -> memref<1x128xi32, #tpu.memory_space<vmem>>
          %dma_wait3A_344 = tpu.memref_squeeze %dma_wait3A_343 : memref<1x128xi32, #tpu.memory_space<vmem>> -> memref<128xi32, #tpu.memory_space<vmem>>
          %dma_wait3A_345 = arith.constant 0 : i32
          %dma_wait3A_346 = tpu.memref_slice %arg3[%add3A_340, %dma_wait3A_345] : memref<2560x128xi32, #tpu.memory_space<hbm>> -> memref<1x128xi32, #tpu.memory_space<hbm>>
          %dma_wait3A_347 = tpu.memref_squeeze %dma_wait3A_346 : memref<1x128xi32, #tpu.memory_space<hbm>> -> memref<128xi32, #tpu.memory_space<hbm>>
          %dma_wait3A_348 = arith.constant 0 : i32
          %dma_wait3A_349 = tpu.memref_slice %arg6[%dma_wait3A_341, %dma_wait3A_348] : memref<4x128xi32, #tpu.memory_space<vmem>> -> memref<1x128xi32, #tpu.memory_space<vmem>>
          %dma_wait3A_350 = tpu.memref_squeeze %dma_wait3A_349 : memref<1x128xi32, #tpu.memory_space<vmem>> -> memref<128xi32, #tpu.memory_space<vmem>>
          %dma_wait3A_351 = arith.constant 0 : i32
          %dma_wait3A_352 = tpu.memref_slice %arg3[%add3A_340, %dma_wait3A_351] : memref<2560x128xi32, #tpu.memory_space<hbm>> -> memref<1x128xi32, #tpu.memory_space<hbm>>
          %dma_wait3A_353 = tpu.memref_squeeze %dma_wait3A_352 : memref<1x128xi32, #tpu.memory_space<hbm>> -> memref<128xi32, #tpu.memory_space<hbm>>
          tpu.wait_dma2 semaphore(%arg14 : memref<!tpu.dma_semaphore, #tpu.memory_space<semaphore_mem>>) src(%dma_wait3A_353 : memref<128xi32, #tpu.memory_space<hbm>>) dst(%dma_wait3A_350 : memref<128xi32, #tpu.memory_space<vmem>>)
          %dma_wait3A_354 = arith.constant 0 : i32
          %dma_wait3A_355 = arith.constant 0 : i32
          %dma_wait3A_356 = tpu.memref_slice %arg7[%dma_wait3A_354, %dma_wait3A_355] : memref<4x128xi32, #tpu.memory_space<vmem>> -> memref<1x128xi32, #tpu.memory_space<vmem>>
          %dma_wait3A_357 = tpu.memref_squeeze %dma_wait3A_356 : memref<1x128xi32, #tpu.memory_space<vmem>> -> memref<128xi32, #tpu.memory_space<vmem>>
          %dma_wait3A_358 = arith.constant 0 : i32
          %dma_wait3A_359 = tpu.memref_slice %arg4[%add3A_340, %dma_wait3A_358] : memref<2560x128xi32, #tpu.memory_space<hbm>> -> memref<1x128xi32, #tpu.memory_space<hbm>>
          %dma_wait3A_360 = tpu.memref_squeeze %dma_wait3A_359 : memref<1x128xi32, #tpu.memory_space<hbm>> -> memref<128xi32, #tpu.memory_space<hbm>>
          %dma_wait3A_361 = arith.constant 0 : i32
          %dma_wait3A_362 = tpu.memref_slice %arg7[%dma_wait3A_354, %dma_wait3A_361] : memref<4x128xi32, #tpu.memory_space<vmem>> -> memref<1x128xi32, #tpu.memory_space<vmem>>
          %dma_wait3A_363 = tpu.memref_squeeze %dma_wait3A_362 : memref<1x128xi32, #tpu.memory_space<vmem>> -> memref<128xi32, #tpu.memory_space<vmem>>
          %dma_wait3A_364 = arith.constant 0 : i32
          %dma_wait3A_365 = tpu.memref_slice %arg4[%add3A_340, %dma_wait3A_364] : memref<2560x128xi32, #tpu.memory_space<hbm>> -> memref<1x128xi32, #tpu.memory_space<hbm>>
          %dma_wait3A_366 = tpu.memref_squeeze %dma_wait3A_365 : memref<1x128xi32, #tpu.memory_space<hbm>> -> memref<128xi32, #tpu.memory_space<hbm>>
          tpu.wait_dma2 semaphore(%arg14 : memref<!tpu.dma_semaphore, #tpu.memory_space<semaphore_mem>>) src(%dma_wait3A_366 : memref<128xi32, #tpu.memory_space<hbm>>) dst(%dma_wait3A_363 : memref<128xi32, #tpu.memory_space<vmem>>)
          %ge3A = arith.constant 1 : i32
          %ge3A_367 = arith.cmpi sge, %add3A_300, %ge3A : i32
          %convert_element_type3A_368 = arith.extui %ge3A_367 : i1 to i32
          %cond3A_369 = arith.constant 0 : i32
          %cond3A_370 = arith.cmpi ne, %convert_element_type3A_368, %cond3A_369 : i32
          scf.if %cond3A_370 {
            %dma_wait3A_383 = arith.constant 0 : i32
            %dma_wait3A_384 = arith.constant 2 : i32
            %dma_wait3A_385 = arith.constant 0 : i32
            %dma_wait3A_386 = arith.constant 0 : i32
            %dma_wait3A_387 = tpu.memref_slice %arg8[%dma_wait3A_383, %dma_wait3A_385, %dma_wait3A_386] : memref<2x128x128xf32, #tpu.memory_space<vmem>> -> memref<1x128x128xf32, #tpu.memory_space<vmem>>
            %dma_wait3A_388 = tpu.memref_squeeze %dma_wait3A_387 : memref<1x128x128xf32, #tpu.memory_space<vmem>> -> memref<128x128xf32, #tpu.memory_space<vmem>>
            %dma_wait3A_389 = arith.constant 0 : i32
            %dma_wait3A_390 = tpu.memref_slice %arg7[%dma_wait3A_384, %dma_wait3A_389] : memref<4x128xi32, #tpu.memory_space<vmem>> -> memref<1x128xi32, #tpu.memory_space<vmem>>
            %dma_wait3A_391 = tpu.memref_squeeze %dma_wait3A_390 : memref<1x128xi32, #tpu.memory_space<vmem>> -> memref<128xi32, #tpu.memory_space<vmem>>
            %dma_wait3A_392 = arith.constant 0 : i32
            %dma_wait3A_393 = arith.constant 0 : i32
            %dma_wait3A_394 = tpu.memref_slice %arg9[%dma_wait3A_392, %dma_wait3A_393] : memref<10240x128xf32, #tpu.memory_space<vmem_shared>> -> memref<10240x128xf32, #tpu.memory_space<vmem_shared>>
            tpu.wait_indirect_dma semaphore(%arg12 : memref<!tpu.dma_semaphore, #tpu.memory_space<semaphore_mem>>) src(%dma_wait3A_388 : memref<128x128xf32, #tpu.memory_space<vmem>>) dst(%dma_wait3A_394 : memref<10240x128xf32, #tpu.memory_space<vmem_shared>>)
          } else {
          }
          %dma_start3A_371 = arith.constant 0 : i32
          %dma_start3A_372 = arith.constant 0 : i32
          %dma_start3A_373 = arith.constant 0 : i32
          %dma_start3A_374 = arith.constant 0 : i32
          %dma_start3A_375 = tpu.memref_slice %arg8[%dma_start3A_372, %dma_start3A_373, %dma_start3A_374] : memref<2x128x128xf32, #tpu.memory_space<vmem>> -> memref<1x128x128xf32, #tpu.memory_space<vmem>>
          %dma_start3A_376 = tpu.memref_squeeze %dma_start3A_375 : memref<1x128x128xf32, #tpu.memory_space<vmem>> -> memref<128x128xf32, #tpu.memory_space<vmem>>
          %dma_start3A_377 = arith.constant 0 : i32
          %dma_start3A_378 = tpu.memref_slice %arg6[%dma_start3A_371, %dma_start3A_377] : memref<4x128xi32, #tpu.memory_space<vmem>> -> memref<1x128xi32, #tpu.memory_space<vmem>>
          %dma_start3A_379 = tpu.memref_squeeze %dma_start3A_378 : memref<1x128xi32, #tpu.memory_space<vmem>> -> memref<128xi32, #tpu.memory_space<vmem>>
          %dma_start3A_380 = arith.constant 0 : i32
          %dma_start3A_381 = arith.constant 0 : i32
          %dma_start3A_382 = tpu.memref_slice %arg2[%dma_start3A_380, %dma_start3A_381] : memref<10240x128xf32, #tpu.memory_space<hbm>> -> memref<10240x128xf32, #tpu.memory_space<hbm>>
          tpu.enqueue_indirect_dma source(%dma_start3A_382 : memref<10240x128xf32, #tpu.memory_space<hbm>>) target(%dma_start3A_376 : memref<128x128xf32, #tpu.memory_space<vmem>>) offsets(%dma_start3A_379 : memref<128xi32, #tpu.memory_space<vmem>>) semaphore(%arg10 : memref<!tpu.dma_semaphore, #tpu.memory_space<semaphore_mem>>)
        } else {
        }
        %dma_wait3A_308 = arith.constant 3 : i32
        %dma_wait3A_309 = arith.constant 1 : i32
        %dma_wait3A_310 = arith.constant 0 : i32
        %dma_wait3A_311 = arith.constant 0 : i32
        %dma_wait3A_312 = tpu.memref_slice %arg8[%dma_wait3A_309, %dma_wait3A_310, %dma_wait3A_311] : memref<2x128x128xf32, #tpu.memory_space<vmem>> -> memref<1x128x128xf32, #tpu.memory_space<vmem>>
        %dma_wait3A_313 = tpu.memref_squeeze %dma_wait3A_312 : memref<1x128x128xf32, #tpu.memory_space<vmem>> -> memref<128x128xf32, #tpu.memory_space<vmem>>
        %dma_wait3A_314 = arith.constant 0 : i32
        %dma_wait3A_315 = tpu.memref_slice %arg6[%dma_wait3A_308, %dma_wait3A_314] : memref<4x128xi32, #tpu.memory_space<vmem>> -> memref<1x128xi32, #tpu.memory_space<vmem>>
        %dma_wait3A_316 = tpu.memref_squeeze %dma_wait3A_315 : memref<1x128xi32, #tpu.memory_space<vmem>> -> memref<128xi32, #tpu.memory_space<vmem>>
        %dma_wait3A_317 = arith.constant 0 : i32
        %dma_wait3A_318 = arith.constant 0 : i32
        %dma_wait3A_319 = tpu.memref_slice %arg2[%dma_wait3A_317, %dma_wait3A_318] : memref<10240x128xf32, #tpu.memory_space<hbm>> -> memref<10240x128xf32, #tpu.memory_space<hbm>>
        tpu.wait_indirect_dma semaphore(%arg11 : memref<!tpu.dma_semaphore, #tpu.memory_space<semaphore_mem>>) src(%dma_wait3A_319 : memref<10240x128xf32, #tpu.memory_space<hbm>>) dst(%dma_wait3A_313 : memref<128x128xf32, #tpu.memory_space<vmem>>)
        %add3A_320 = arith.constant 2 : i32
        %add3A_321 = arith.addi %add3A_300, %add3A_320 : i32
        %lt3A_322 = arith.constant 80 : i32
        %lt3A_323 = arith.cmpi slt, %add3A_321, %lt3A_322 : i32
        %convert_element_type3A_324 = arith.extui %lt3A_323 : i1 to i32
        %cond3A_325 = arith.constant 0 : i32
        %cond3A_326 = arith.cmpi ne, %convert_element_type3A_324, %cond3A_325 : i32
        scf.if %cond3A_326 {
          %add3A_340 = arith.addi %add3A_44, %add3A_300 : i32
          %add3A_341 = arith.constant 2 : i32
          %add3A_342 = arith.addi %add3A_340, %add3A_341 : i32
          %dma_start3A_343 = arith.constant 1 : i32
          %dma_start3A_344 = arith.constant 0 : i32
          %dma_start3A_345 = tpu.memref_slice %arg6[%dma_start3A_343, %dma_start3A_344] : memref<4x128xi32, #tpu.memory_space<vmem>> -> memref<1x128xi32, #tpu.memory_space<vmem>>
          %dma_start3A_346 = tpu.memref_squeeze %dma_start3A_345 : memref<1x128xi32, #tpu.memory_space<vmem>> -> memref<128xi32, #tpu.memory_space<vmem>>
          %dma_start3A_347 = arith.constant 0 : i32
          %dma_start3A_348 = tpu.memref_slice %arg3[%add3A_342, %dma_start3A_347] : memref<2560x128xi32, #tpu.memory_space<hbm>> -> memref<1x128xi32, #tpu.memory_space<hbm>>
          %dma_start3A_349 = tpu.memref_squeeze %dma_start3A_348 : memref<1x128xi32, #tpu.memory_space<hbm>> -> memref<128xi32, #tpu.memory_space<hbm>>
          %dma_start3A_350 = arith.constant 0 : i32
          %dma_start3A_351 = tpu.memref_slice %arg6[%dma_start3A_343, %dma_start3A_350] : memref<4x128xi32, #tpu.memory_space<vmem>> -> memref<1x128xi32, #tpu.memory_space<vmem>>
          %dma_start3A_352 = tpu.memref_squeeze %dma_start3A_351 : memref<1x128xi32, #tpu.memory_space<vmem>> -> memref<128xi32, #tpu.memory_space<vmem>>
          %dma_start3A_353 = arith.constant 0 : i32
          %dma_start3A_354 = tpu.memref_slice %arg3[%add3A_342, %dma_start3A_353] : memref<2560x128xi32, #tpu.memory_space<hbm>> -> memref<1x128xi32, #tpu.memory_space<hbm>>
          %dma_start3A_355 = tpu.memref_squeeze %dma_start3A_354 : memref<1x128xi32, #tpu.memory_space<hbm>> -> memref<128xi32, #tpu.memory_space<hbm>>
          tpu.enqueue_dma source(%dma_start3A_355 : memref<128xi32, #tpu.memory_space<hbm>>) target(%dma_start3A_352 : memref<128xi32, #tpu.memory_space<vmem>>) target_semaphore(%arg15 : memref<!tpu.dma_semaphore, #tpu.memory_space<semaphore_mem>>)
          %dma_start3A_356 = arith.constant 1 : i32
          %dma_start3A_357 = arith.constant 0 : i32
          %dma_start3A_358 = tpu.memref_slice %arg7[%dma_start3A_356, %dma_start3A_357] : memref<4x128xi32, #tpu.memory_space<vmem>> -> memref<1x128xi32, #tpu.memory_space<vmem>>
          %dma_start3A_359 = tpu.memref_squeeze %dma_start3A_358 : memref<1x128xi32, #tpu.memory_space<vmem>> -> memref<128xi32, #tpu.memory_space<vmem>>
          %dma_start3A_360 = arith.constant 0 : i32
          %dma_start3A_361 = tpu.memref_slice %arg4[%add3A_342, %dma_start3A_360] : memref<2560x128xi32, #tpu.memory_space<hbm>> -> memref<1x128xi32, #tpu.memory_space<hbm>>
          %dma_start3A_362 = tpu.memref_squeeze %dma_start3A_361 : memref<1x128xi32, #tpu.memory_space<hbm>> -> memref<128xi32, #tpu.memory_space<hbm>>
          %dma_start3A_363 = arith.constant 0 : i32
          %dma_start3A_364 = tpu.memref_slice %arg7[%dma_start3A_356, %dma_start3A_363] : memref<4x128xi32, #tpu.memory_space<vmem>> -> memref<1x128xi32, #tpu.memory_space<vmem>>
          %dma_start3A_365 = tpu.memref_squeeze %dma_start3A_364 : memref<1x128xi32, #tpu.memory_space<vmem>> -> memref<128xi32, #tpu.memory_space<vmem>>
          %dma_start3A_366 = arith.constant 0 : i32
          %dma_start3A_367 = tpu.memref_slice %arg4[%add3A_342, %dma_start3A_366] : memref<2560x128xi32, #tpu.memory_space<hbm>> -> memref<1x128xi32, #tpu.memory_space<hbm>>
          %dma_start3A_368 = tpu.memref_squeeze %dma_start3A_367 : memref<1x128xi32, #tpu.memory_space<hbm>> -> memref<128xi32, #tpu.memory_space<hbm>>
          tpu.enqueue_dma source(%dma_start3A_368 : memref<128xi32, #tpu.memory_space<hbm>>) target(%dma_start3A_365 : memref<128xi32, #tpu.memory_space<vmem>>) target_semaphore(%arg15 : memref<!tpu.dma_semaphore, #tpu.memory_space<semaphore_mem>>)
        } else {
        }
        %dma_start3A_327 = arith.constant 1 : i32
        %dma_start3A_328 = arith.constant 3 : i32
        %dma_start3A_329 = arith.constant 0 : i32
        %dma_start3A_330 = arith.constant 0 : i32
        %dma_start3A_331 = tpu.memref_slice %arg8[%dma_start3A_327, %dma_start3A_329, %dma_start3A_330] : memref<2x128x128xf32, #tpu.memory_space<vmem>> -> memref<1x128x128xf32, #tpu.memory_space<vmem>>
        %dma_start3A_332 = tpu.memref_squeeze %dma_start3A_331 : memref<1x128x128xf32, #tpu.memory_space<vmem>> -> memref<128x128xf32, #tpu.memory_space<vmem>>
        %dma_start3A_333 = arith.constant 0 : i32
        %dma_start3A_334 = tpu.memref_slice %arg7[%dma_start3A_328, %dma_start3A_333] : memref<4x128xi32, #tpu.memory_space<vmem>> -> memref<1x128xi32, #tpu.memory_space<vmem>>
        %dma_start3A_335 = tpu.memref_squeeze %dma_start3A_334 : memref<1x128xi32, #tpu.memory_space<vmem>> -> memref<128xi32, #tpu.memory_space<vmem>>
        %dma_start3A_336 = arith.constant 0 : i32
        %dma_start3A_337 = arith.constant 0 : i32
        %dma_start3A_338 = tpu.memref_slice %arg9[%dma_start3A_336, %dma_start3A_337] : memref<10240x128xf32, #tpu.memory_space<vmem_shared>> -> memref<10240x128xf32, #tpu.memory_space<vmem_shared>>
        tpu.enqueue_indirect_dma source(%dma_start3A_332 : memref<128x128xf32, #tpu.memory_space<vmem>>) target(%dma_start3A_338 : memref<10240x128xf32, #tpu.memory_space<vmem_shared>>) offsets(%dma_start3A_335 : memref<128xi32, #tpu.memory_space<vmem>>) semaphore(%arg13 : memref<!tpu.dma_semaphore, #tpu.memory_space<semaphore_mem>>) {add = true}
        %scan3A_339 = arith.constant 0 : i32
        scf.yield %scan3A_339 : i32
      }
      %scan3A_145 = arith.constant 20 : i32
      %dma_wait3A_146 = arith.constant 0 : i32
      %dma_wait3A_147 = arith.constant 2 : i32
      %dma_wait3A_148 = arith.constant 0 : i32
      %dma_wait3A_149 = arith.constant 0 : i32
      %dma_wait3A_150 = tpu.memref_slice %arg8[%dma_wait3A_146, %dma_wait3A_148, %dma_wait3A_149] : memref<2x128x128xf32, #tpu.memory_space<vmem>> -> memref<1x128x128xf32, #tpu.memory_space<vmem>>
      %dma_wait3A_151 = tpu.memref_squeeze %dma_wait3A_150 : memref<1x128x128xf32, #tpu.memory_space<vmem>> -> memref<128x128xf32, #tpu.memory_space<vmem>>
      %dma_wait3A_152 = arith.constant 0 : i32
      %dma_wait3A_153 = tpu.memref_slice %arg7[%dma_wait3A_147, %dma_wait3A_152] : memref<4x128xi32, #tpu.memory_space<vmem>> -> memref<1x128xi32, #tpu.memory_space<vmem>>
      %dma_wait3A_154 = tpu.memref_squeeze %dma_wait3A_153 : memref<1x128xi32, #tpu.memory_space<vmem>> -> memref<128xi32, #tpu.memory_space<vmem>>
      %dma_wait3A_155 = arith.constant 0 : i32
      %dma_wait3A_156 = arith.constant 0 : i32
      %dma_wait3A_157 = tpu.memref_slice %arg9[%dma_wait3A_155, %dma_wait3A_156] : memref<10240x128xf32, #tpu.memory_space<vmem_shared>> -> memref<10240x128xf32, #tpu.memory_space<vmem_shared>>
      tpu.wait_indirect_dma semaphore(%arg12 : memref<!tpu.dma_semaphore, #tpu.memory_space<semaphore_mem>>) src(%dma_wait3A_151 : memref<128x128xf32, #tpu.memory_space<vmem>>) dst(%dma_wait3A_157 : memref<10240x128xf32, #tpu.memory_space<vmem_shared>>)
      %dma_wait3A_158 = arith.constant 1 : i32
      %dma_wait3A_159 = arith.constant 3 : i32
      %dma_wait3A_160 = arith.constant 0 : i32
      %dma_wait3A_161 = arith.constant 0 : i32
      %dma_wait3A_162 = tpu.memref_slice %arg8[%dma_wait3A_158, %dma_wait3A_160, %dma_wait3A_161] : memref<2x128x128xf32, #tpu.memory_space<vmem>> -> memref<1x128x128xf32, #tpu.memory_space<vmem>>
      %dma_wait3A_163 = tpu.memref_squeeze %dma_wait3A_162 : memref<1x128x128xf32, #tpu.memory_space<vmem>> -> memref<128x128xf32, #tpu.memory_space<vmem>>
      %dma_wait3A_164 = arith.constant 0 : i32
      %dma_wait3A_165 = tpu.memref_slice %arg7[%dma_wait3A_159, %dma_wait3A_164] : memref<4x128xi32, #tpu.memory_space<vmem>> -> memref<1x128xi32, #tpu.memory_space<vmem>>
      %dma_wait3A_166 = tpu.memref_squeeze %dma_wait3A_165 : memref<1x128xi32, #tpu.memory_space<vmem>> -> memref<128xi32, #tpu.memory_space<vmem>>
      %dma_wait3A_167 = arith.constant 0 : i32
      %dma_wait3A_168 = arith.constant 0 : i32
      %dma_wait3A_169 = tpu.memref_slice %arg9[%dma_wait3A_167, %dma_wait3A_168] : memref<10240x128xf32, #tpu.memory_space<vmem_shared>> -> memref<10240x128xf32, #tpu.memory_space<vmem_shared>>
      tpu.wait_indirect_dma semaphore(%arg13 : memref<!tpu.dma_semaphore, #tpu.memory_space<semaphore_mem>>) src(%dma_wait3A_163 : memref<128x128xf32, #tpu.memory_space<vmem>>) dst(%dma_wait3A_169 : memref<10240x128xf32, #tpu.memory_space<vmem_shared>>)
    } else {
    }
    %barrier3A_36 = arith.constant 0 : index
    tpu.barrier barrier_id(%barrier3A_36)
    %mul3A_37 = arith.constant 640 : i32
    %mul3A_38 = arith.muli %arg1, %mul3A_37 : i32
    %mul3A_39 = arith.constant 640 : i32
    %mul3A_40 = arith.muli %arg1, %mul3A_39 : i32
    "tpu.region"() ({
      %run_scoped3A_41 = tpu.sem_alloc : memref<!tpu.dma_semaphore, #tpu.memory_space<semaphore_mem>>
      %dma_start3A = arith.constant 0 : i32
      %dma_start3A_42 = tpu.memref_slice %arg5[%arg0, %mul3A_40, %dma_start3A] : memref<2x10240x128xf32, #tpu.memory_space<hbm>> -> memref<1x640x128xf32, #tpu.memory_space<hbm>>
      %dma_start3A_43 = tpu.memref_squeeze %dma_start3A_42 : memref<1x640x128xf32, #tpu.memory_space<hbm>> -> memref<640x128xf32, #tpu.memory_space<hbm>>
      %dma_start3A_44 = arith.constant 0 : i32
      %dma_start3A_45 = tpu.memref_slice %arg9[%mul3A_38, %dma_start3A_44] : memref<10240x128xf32, #tpu.memory_space<vmem_shared>> -> memref<640x128xf32, #tpu.memory_space<vmem_shared>>
      tpu.enqueue_dma source(%dma_start3A_45 : memref<640x128xf32, #tpu.memory_space<vmem_shared>>) target(%dma_start3A_43 : memref<640x128xf32, #tpu.memory_space<hbm>>) target_semaphore(%run_scoped3A_41 : memref<!tpu.dma_semaphore, #tpu.memory_space<semaphore_mem>>)
      %dma_wait3A = arith.constant 0 : i32
      %dma_wait3A_46 = tpu.memref_slice %arg5[%arg0, %mul3A_40, %dma_wait3A] : memref<2x10240x128xf32, #tpu.memory_space<hbm>> -> memref<1x640x128xf32, #tpu.memory_space<hbm>>
      %dma_wait3A_47 = tpu.memref_squeeze %dma_wait3A_46 : memref<1x640x128xf32, #tpu.memory_space<hbm>> -> memref<640x128xf32, #tpu.memory_space<hbm>>
      %dma_wait3A_48 = arith.constant 0 : i32
      %dma_wait3A_49 = tpu.memref_slice %arg9[%mul3A_38, %dma_wait3A_48] : memref<10240x128xf32, #tpu.memory_space<vmem_shared>> -> memref<640x128xf32, #tpu.memory_space<vmem_shared>>
      tpu.wait_dma2 semaphore(%run_scoped3A_41 : memref<!tpu.dma_semaphore, #tpu.memory_space<semaphore_mem>>) src(%dma_wait3A_49 : memref<640x128xf32, #tpu.memory_space<vmem_shared>>) dst(%dma_wait3A_47 : memref<640x128xf32, #tpu.memory_space<hbm>>)
      tpu.yield
    }) : () -> ()
    return
  }
}

#map = affine_map<(d0, d1) -> (0, 0)>
#map1 = affine_map<(d0, d1) -> (0, 0, 0)>
module attributes {stable_mosaic.version = 14 : i64} {
  func.func @_sc_spmm(%arg0: i32, %arg1: i32, %arg2: memref<10240x128xf32, #tpu.memory_space<hbm>>, %arg3: memref<2560x128xi32, #tpu.memory_space<hbm>>, %arg4: memref<2560x128xi32, #tpu.memory_space<hbm>>, %arg5: memref<2x10240x128xf32, #tpu.memory_space<hbm>>, %arg6: memref<4x128xi32, #tpu.memory_space<vmem>>, %arg7: memref<4x128xi32, #tpu.memory_space<vmem>>, %arg8: memref<2x128x128xf32, #tpu.memory_space<vmem>>, %arg9: memref<10240x128xf32, #tpu.memory_space<vmem_shared>>, %arg10: memref<!tpu.dma_semaphore, #tpu.memory_space<semaphore_mem>>, %arg11: memref<!tpu.dma_semaphore, #tpu.memory_space<semaphore_mem>>, %arg12: memref<!tpu.dma_semaphore, #tpu.memory_space<semaphore_mem>>, %arg13: memref<!tpu.dma_semaphore, #tpu.memory_space<semaphore_mem>>, %arg14: memref<!tpu.dma_semaphore, #tpu.memory_space<semaphore_mem>>, %arg15: memref<!tpu.dma_semaphore, #tpu.memory_space<semaphore_mem>>, %arg16: memref<!tpu.dma_semaphore, #tpu.memory_space<semaphore_mem>>, %arg17: memref<!tpu.dma_semaphore, #tpu.memory_space<semaphore_mem>>) attributes {dimension_semantics = [#tpu.dimension_semantics<core_parallel>, #tpu.dimension_semantics<subcore_parallel>], iteration_bounds = array<i64: 2, 16>, scalar_prefetch = 0 : i64, scratch_operands = 12 : i64, tpu.core_type = #tpu.core_type<sc_vector_subcore>, window_params = [{transform_indices = #map}, {transform_indices = #map}, {transform_indices = #map}, {transform_indices = #map1}]} {
    %scan3A = arith.constant 0 : i32
    %scan3A_0 = arith.constant 0 : i32
    %scan3A_1 = arith.constant 0 : i32
    %scan3A_2 = arith.constant 128 : i32
    %scan3A_3 = arith.addi %scan3A_1, %scan3A_2 : i32
    %scan3A_4 = arith.constant 1 : i32
    %scan3A_5 = scf.for %scan3A_41 = %scan3A_1 to %scan3A_3 step %scan3A_4 iter_args(%scan3A_42 = %scan3A_0) -> (i32)  : i32 {
      %broadcast_in_dim3A = arith.constant 0.000000e+00 : f32
      %broadcast_in_dim3A_43 = vector.broadcast %broadcast_in_dim3A : f32 to vector<16xf32>
      %swap3A = arith.constant 0 : i32
      %swap3A_44 = arith.constant 0 : i32
      %swap3A_45 = tpu.memref_slice %arg8[%scan3A, %swap3A, %swap3A_44] : memref<2x128x128xf32, #tpu.memory_space<vmem>> -> memref<1x128x128xf32, #tpu.memory_space<vmem>>
      %swap3A_46 = tpu.memref_squeeze %swap3A_45 : memref<1x128x128xf32, #tpu.memory_space<vmem>> -> memref<128x128xf32, #tpu.memory_space<vmem>>
      %swap3A_47 = arith.index_cast %scan3A_41 : i32 to index
      %swap3A_48 = arith.constant 0 : index
      %swap3A_49 = tpu.vector_load %swap3A_46[%swap3A_47, %swap3A_48] {strides = array<i32>} : memref<128x128xf32, #tpu.memory_space<vmem>>, vector<1x16xf32>,
      %swap3A_50 = vector.shape_cast %swap3A_49 : vector<1x16xf32> to vector<16xf32>
      %swap3A_51 = vector.shape_cast %broadcast_in_dim3A_43 : vector<16xf32> to vector<1x16xf32>
      tpu.vector_store %swap3A_46[%swap3A_47, %swap3A_48], %swap3A_51 {strides = array<i32>} : memref<128x128xf32, #tpu.memory_space<vmem>>, vector<1x16xf32>,
      %broadcast_in_dim3A_52 = arith.constant 0.000000e+00 : f32
      %broadcast_in_dim3A_53 = vector.broadcast %broadcast_in_dim3A_52 : f32 to vector<16xf32>
      %swap3A_54 = arith.constant 0 : i32
      %swap3A_55 = arith.constant 0 : i32
      %swap3A_56 = tpu.memref_slice %arg8[%scan3A, %swap3A_54, %swap3A_55] : memref<2x128x128xf32, #tpu.memory_space<vmem>> -> memref<1x128x128xf32, #tpu.memory_space<vmem>>
      %swap3A_57 = tpu.memref_squeeze %swap3A_56 : memref<1x128x128xf32, #tpu.memory_space<vmem>> -> memref<128x128xf32, #tpu.memory_space<vmem>>
      %swap3A_58 = arith.index_cast %scan3A_41 : i32 to index
      %swap3A_59 = arith.constant 16 : index
      %swap3A_60 = tpu.vector_load %swap3A_57[%swap3A_58, %swap3A_59] {strides = array<i32>} : memref<128x128xf32, #tpu.memory_space<vmem>>, vector<1x16xf32>,
      %swap3A_61 = vector.shape_cast %swap3A_60 : vector<1x16xf32> to vector<16xf32>
      %swap3A_62 = vector.shape_cast %broadcast_in_dim3A_53 : vector<16xf32> to vector<1x16xf32>
      tpu.vector_store %swap3A_57[%swap3A_58, %swap3A_59], %swap3A_62 {strides = array<i32>} : memref<128x128xf32, #tpu.memory_space<vmem>>, vector<1x16xf32>,
      %broadcast_in_dim3A_63 = arith.constant 0.000000e+00 : f32
      %broadcast_in_dim3A_64 = vector.broadcast %broadcast_in_dim3A_63 : f32 to vector<16xf32>
      %swap3A_65 = arith.constant 0 : i32
      %swap3A_66 = arith.constant 0 : i32
      %swap3A_67 = tpu.memref_slice %arg8[%scan3A, %swap3A_65, %swap3A_66] : memref<2x128x128xf32, #tpu.memory_space<vmem>> -> memref<1x128x128xf32, #tpu.memory_space<vmem>>
      %swap3A_68 = tpu.memref_squeeze %swap3A_67 : memref<1x128x128xf32, #tpu.memory_space<vmem>> -> memref<128x128xf32, #tpu.memory_space<vmem>>
      %swap3A_69 = arith.index_cast %scan3A_41 : i32 to index
      %swap3A_70 = arith.constant 32 : index
      %swap3A_71 = tpu.vector_load %swap3A_68[%swap3A_69, %swap3A_70] {strides = array<i32>} : memref<128x128xf32, #tpu.memory_space<vmem>>, vector<1x16xf32>,
      %swap3A_72 = vector.shape_cast %swap3A_71 : vector<1x16xf32> to vector<16xf32>
      %swap3A_73 = vector.shape_cast %broadcast_in_dim3A_64 : vector<16xf32> to vector<1x16xf32>
      tpu.vector_store %swap3A_68[%swap3A_69, %swap3A_70], %swap3A_73 {strides = array<i32>} : memref<128x128xf32, #tpu.memory_space<vmem>>, vector<1x16xf32>,
      %broadcast_in_dim3A_74 = arith.constant 0.000000e+00 : f32
      %broadcast_in_dim3A_75 = vector.broadcast %broadcast_in_dim3A_74 : f32 to vector<16xf32>
      %swap3A_76 = arith.constant 0 : i32
      %swap3A_77 = arith.constant 0 : i32
      %swap3A_78 = tpu.memref_slice %arg8[%scan3A, %swap3A_76, %swap3A_77] : memref<2x128x128xf32, #tpu.memory_space<vmem>> -> memref<1x128x128xf32, #tpu.memory_space<vmem>>
      %swap3A_79 = tpu.memref_squeeze %swap3A_78 : memref<1x128x128xf32, #tpu.memory_space<vmem>> -> memref<128x128xf32, #tpu.memory_space<vmem>>
      %swap3A_80 = arith.index_cast %scan3A_41 : i32 to index
      %swap3A_81 = arith.constant 48 : index
      %swap3A_82 = tpu.vector_load %swap3A_79[%swap3A_80, %swap3A_81] {strides = array<i32>} : memref<128x128xf32, #tpu.memory_space<vmem>>, vector<1x16xf32>,
      %swap3A_83 = vector.shape_cast %swap3A_82 : vector<1x16xf32> to vector<16xf32>
      %swap3A_84 = vector.shape_cast %broadcast_in_dim3A_75 : vector<16xf32> to vector<1x16xf32>
      tpu.vector_store %swap3A_79[%swap3A_80, %swap3A_81], %swap3A_84 {strides = array<i32>} : memref<128x128xf32, #tpu.memory_space<vmem>>, vector<1x16xf32>,
      %broadcast_in_dim3A_85 = arith.constant 0.000000e+00 : f32
      %broadcast_in_dim3A_86 = vector.broadcast %broadcast_in_dim3A_85 : f32 to vector<16xf32>
      %swap3A_87 = arith.constant 0 : i32
      %swap3A_88 = arith.constant 0 : i32
      %swap3A_89 = tpu.memref_slice %arg8[%scan3A, %swap3A_87, %swap3A_88] : memref<2x128x128xf32, #tpu.memory_space<vmem>> -> memref<1x128x128xf32, #tpu.memory_space<vmem>>
      %swap3A_90 = tpu.memref_squeeze %swap3A_89 : memref<1x128x128xf32, #tpu.memory_space<vmem>> -> memref<128x128xf32, #tpu.memory_space<vmem>>
      %swap3A_91 = arith.index_cast %scan3A_41 : i32 to index
      %swap3A_92 = arith.constant 64 : index
      %swap3A_93 = tpu.vector_load %swap3A_90[%swap3A_91, %swap3A_92] {strides = array<i32>} : memref<128x128xf32, #tpu.memory_space<vmem>>, vector<1x16xf32>,
      %swap3A_94 = vector.shape_cast %swap3A_93 : vector<1x16xf32> to vector<16xf32>
      %swap3A_95 = vector.shape_cast %broadcast_in_dim3A_86 : vector<16xf32> to vector<1x16xf32>
      tpu.vector_store %swap3A_90[%swap3A_91, %swap3A_92], %swap3A_95 {strides = array<i32>} : memref<128x128xf32, #tpu.memory_space<vmem>>, vector<1x16xf32>,
      %broadcast_in_dim3A_96 = arith.constant 0.000000e+00 : f32
      %broadcast_in_dim3A_97 = vector.broadcast %broadcast_in_dim3A_96 : f32 to vector<16xf32>
      %swap3A_98 = arith.constant 0 : i32
      %swap3A_99 = arith.constant 0 : i32
      %swap3A_100 = tpu.memref_slice %arg8[%scan3A, %swap3A_98, %swap3A_99] : memref<2x128x128xf32, #tpu.memory_space<vmem>> -> memref<1x128x128xf32, #tpu.memory_space<vmem>>
      %swap3A_101 = tpu.memref_squeeze %swap3A_100 : memref<1x128x128xf32, #tpu.memory_space<vmem>> -> memref<128x128xf32, #tpu.memory_space<vmem>>
      %swap3A_102 = arith.index_cast %scan3A_41 : i32 to index
      %swap3A_103 = arith.constant 80 : index
      %swap3A_104 = tpu.vector_load %swap3A_101[%swap3A_102, %swap3A_103] {strides = array<i32>} : memref<128x128xf32, #tpu.memory_space<vmem>>, vector<1x16xf32>,
      %swap3A_105 = vector.shape_cast %swap3A_104 : vector<1x16xf32> to vector<16xf32>
      %swap3A_106 = vector.shape_cast %broadcast_in_dim3A_97 : vector<16xf32> to vector<1x16xf32>
      tpu.vector_store %swap3A_101[%swap3A_102, %swap3A_103], %swap3A_106 {strides = array<i32>} : memref<128x128xf32, #tpu.memory_space<vmem>>, vector<1x16xf32>,
      %broadcast_in_dim3A_107 = arith.constant 0.000000e+00 : f32
      %broadcast_in_dim3A_108 = vector.broadcast %broadcast_in_dim3A_107 : f32 to vector<16xf32>
      %swap3A_109 = arith.constant 0 : i32
      %swap3A_110 = arith.constant 0 : i32
      %swap3A_111 = tpu.memref_slice %arg8[%scan3A, %swap3A_109, %swap3A_110] : memref<2x128x128xf32, #tpu.memory_space<vmem>> -> memref<1x128x128xf32, #tpu.memory_space<vmem>>
      %swap3A_112 = tpu.memref_squeeze %swap3A_111 : memref<1x128x128xf32, #tpu.memory_space<vmem>> -> memref<128x128xf32, #tpu.memory_space<vmem>>
      %swap3A_113 = arith.index_cast %scan3A_41 : i32 to index
      %swap3A_114 = arith.constant 96 : index
      %swap3A_115 = tpu.vector_load %swap3A_112[%swap3A_113, %swap3A_114] {strides = array<i32>} : memref<128x128xf32, #tpu.memory_space<vmem>>, vector<1x16xf32>,
      %swap3A_116 = vector.shape_cast %swap3A_115 : vector<1x16xf32> to vector<16xf32>
      %swap3A_117 = vector.shape_cast %broadcast_in_dim3A_108 : vector<16xf32> to vector<1x16xf32>
      tpu.vector_store %swap3A_112[%swap3A_113, %swap3A_114], %swap3A_117 {strides = array<i32>} : memref<128x128xf32, #tpu.memory_space<vmem>>, vector<1x16xf32>,
      %broadcast_in_dim3A_118 = arith.constant 0.000000e+00 : f32
      %broadcast_in_dim3A_119 = vector.broadcast %broadcast_in_dim3A_118 : f32 to vector<16xf32>
      %swap3A_120 = arith.constant 0 : i32
      %swap3A_121 = arith.constant 0 : i32
      %swap3A_122 = tpu.memref_slice %arg8[%scan3A, %swap3A_120, %swap3A_121] : memref<2x128x128xf32, #tpu.memory_space<vmem>> -> memref<1x128x128xf32, #tpu.memory_space<vmem>>
      %swap3A_123 = tpu.memref_squeeze %swap3A_122 : memref<1x128x128xf32, #tpu.memory_space<vmem>> -> memref<128x128xf32, #tpu.memory_space<vmem>>
      %swap3A_124 = arith.index_cast %scan3A_41 : i32 to index
      %swap3A_125 = arith.constant 112 : index
      %swap3A_126 = tpu.vector_load %swap3A_123[%swap3A_124, %swap3A_125] {strides = array<i32>} : memref<128x128xf32, #tpu.memory_space<vmem>>, vector<1x16xf32>,
      %swap3A_127 = vector.shape_cast %swap3A_126 : vector<1x16xf32> to vector<16xf32>
      %swap3A_128 = vector.shape_cast %broadcast_in_dim3A_119 : vector<16xf32> to vector<1x16xf32>
      tpu.vector_store %swap3A_123[%swap3A_124, %swap3A_125], %swap3A_128 {strides = array<i32>} : memref<128x128xf32, #tpu.memory_space<vmem>>, vector<1x16xf32>,
      %scan3A_129 = arith.constant 0 : i32
      scf.yield %scan3A_129 : i32
    }
    %scan3A_6 = arith.constant 128 : i32
    %mul3A = arith.constant 640 : i32
    %mul3A_7 = arith.muli %arg1, %mul3A : i32
    %add3A = arith.constant 0 : i32
    %add3A_8 = arith.addi %mul3A_7, %add3A : i32
    %run_scoped3A = arith.constant 0 : i32
    "tpu.region"() ({
      %run_scoped3A_41 = tpu.sem_alloc : memref<!tpu.dma_semaphore, #tpu.memory_space<semaphore_mem>>
      %dma_start3A = arith.constant 0 : i32
      %dma_start3A_42 = arith.constant 0 : i32
      %dma_start3A_43 = tpu.memref_slice %arg8[%run_scoped3A, %dma_start3A, %dma_start3A_42] : memref<2x128x128xf32, #tpu.memory_space<vmem>> -> memref<1x128x128xf32, #tpu.memory_space<vmem>>
      %dma_start3A_44 = tpu.memref_squeeze %dma_start3A_43 : memref<1x128x128xf32, #tpu.memory_space<vmem>> -> memref<128x128xf32, #tpu.memory_space<vmem>>
      %dma_start3A_45 = arith.constant 0 : i32
      %dma_start3A_46 = tpu.memref_slice %arg9[%add3A_8, %dma_start3A_45] : memref<10240x128xf32, #tpu.memory_space<vmem_shared>> -> memref<128x128xf32, #tpu.memory_space<vmem_shared>>
      %dma_start3A_47 = arith.constant 0 : i32
      %dma_start3A_48 = tpu.memref_slice %arg9[%add3A_8, %dma_start3A_47] : memref<10240x128xf32, #tpu.memory_space<vmem_shared>> -> memref<128x128xf32, #tpu.memory_space<vmem_shared>>
      %dma_start3A_49 = arith.constant 0 : i32
      %dma_start3A_50 = arith.constant 0 : i32
      %dma_start3A_51 = tpu.memref_slice %arg8[%run_scoped3A, %dma_start3A_49, %dma_start3A_50] : memref<2x128x128xf32, #tpu.memory_space<vmem>> -> memref<1x128x128xf32, #tpu.memory_space<vmem>>
      %dma_start3A_52 = tpu.memref_squeeze %dma_start3A_51 : memref<1x128x128xf32, #tpu.memory_space<vmem>> -> memref<128x128xf32, #tpu.memory_space<vmem>>
      tpu.enqueue_dma source(%dma_start3A_52 : memref<128x128xf32, #tpu.memory_space<vmem>>) target(%dma_start3A_48 : memref<128x128xf32, #tpu.memory_space<vmem_shared>>) target_semaphore(%run_scoped3A_41 : memref<!tpu.dma_semaphore, #tpu.memory_space<semaphore_mem>>)
      %dma_wait3A = arith.constant 0 : i32
      %dma_wait3A_53 = arith.constant 0 : i32
      %dma_wait3A_54 = tpu.memref_slice %arg8[%run_scoped3A, %dma_wait3A, %dma_wait3A_53] : memref<2x128x128xf32, #tpu.memory_space<vmem>> -> memref<1x128x128xf32, #tpu.memory_space<vmem>>
      %dma_wait3A_55 = tpu.memref_squeeze %dma_wait3A_54 : memref<1x128x128xf32, #tpu.memory_space<vmem>> -> memref<128x128xf32, #tpu.memory_space<vmem>>
      %dma_wait3A_56 = arith.constant 0 : i32
      %dma_wait3A_57 = tpu.memref_slice %arg9[%add3A_8, %dma_wait3A_56] : memref<10240x128xf32, #tpu.memory_space<vmem_shared>> -> memref<128x128xf32, #tpu.memory_space<vmem_shared>>
      %dma_wait3A_58 = arith.constant 0 : i32
      %dma_wait3A_59 = tpu.memref_slice %arg9[%add3A_8, %dma_wait3A_58] : memref<10240x128xf32, #tpu.memory_space<vmem_shared>> -> memref<128x128xf32, #tpu.memory_space<vmem_shared>>
      %dma_wait3A_60 = arith.constant 0 : i32
      %dma_wait3A_61 = arith.constant 0 : i32
      %dma_wait3A_62 = tpu.memref_slice %arg8[%run_scoped3A, %dma_wait3A_60, %dma_wait3A_61] : memref<2x128x128xf32, #tpu.memory_space<vmem>> -> memref<1x128x128xf32, #tpu.memory_space<vmem>>
      %dma_wait3A_63 = tpu.memref_squeeze %dma_wait3A_62 : memref<1x128x128xf32, #tpu.memory_space<vmem>> -> memref<128x128xf32, #tpu.memory_space<vmem>>
      tpu.wait_dma2 semaphore(%run_scoped3A_41 : memref<!tpu.dma_semaphore, #tpu.memory_space<semaphore_mem>>) src(%dma_wait3A_63 : memref<128x128xf32, #tpu.memory_space<vmem>>) dst(%dma_wait3A_59 : memref<128x128xf32, #tpu.memory_space<vmem_shared>>)
      tpu.yield
    }) : () -> ()
    %mul3A_9 = arith.constant 640 : i32
    %mul3A_10 = arith.muli %arg1, %mul3A_9 : i32
    %add3A_11 = arith.constant 128 : i32
    %add3A_12 = arith.addi %mul3A_10, %add3A_11 : i32
    %run_scoped3A_13 = arith.constant 0 : i32
    "tpu.region"() ({
      %run_scoped3A_41 = tpu.sem_alloc : memref<!tpu.dma_semaphore, #tpu.memory_space<semaphore_mem>>
      %dma_start3A = arith.constant 0 : i32
      %dma_start3A_42 = arith.constant 0 : i32
      %dma_start3A_43 = tpu.memref_slice %arg8[%run_scoped3A_13, %dma_start3A, %dma_start3A_42] : memref<2x128x128xf32, #tpu.memory_space<vmem>> -> memref<1x128x128xf32, #tpu.memory_space<vmem>>
      %dma_start3A_44 = tpu.memref_squeeze %dma_start3A_43 : memref<1x128x128xf32, #tpu.memory_space<vmem>> -> memref<128x128xf32, #tpu.memory_space<vmem>>
      %dma_start3A_45 = arith.constant 0 : i32
      %dma_start3A_46 = tpu.memref_slice %arg9[%add3A_12, %dma_start3A_45] : memref<10240x128xf32, #tpu.memory_space<vmem_shared>> -> memref<128x128xf32, #tpu.memory_space<vmem_shared>>
      %dma_start3A_47 = arith.constant 0 : i32
      %dma_start3A_48 = tpu.memref_slice %arg9[%add3A_12, %dma_start3A_47] : memref<10240x128xf32, #tpu.memory_space<vmem_shared>> -> memref<128x128xf32, #tpu.memory_space<vmem_shared>>
      %dma_start3A_49 = arith.constant 0 : i32
      %dma_start3A_50 = arith.constant 0 : i32
      %dma_start3A_51 = tpu.memref_slice %arg8[%run_scoped3A_13, %dma_start3A_49, %dma_start3A_50] : memref<2x128x128xf32, #tpu.memory_space<vmem>> -> memref<1x128x128xf32, #tpu.memory_space<vmem>>
      %dma_start3A_52 = tpu.memref_squeeze %dma_start3A_51 : memref<1x128x128xf32, #tpu.memory_space<vmem>> -> memref<128x128xf32, #tpu.memory_space<vmem>>
      tpu.enqueue_dma source(%dma_start3A_52 : memref<128x128xf32, #tpu.memory_space<vmem>>) target(%dma_start3A_48 : memref<128x128xf32, #tpu.memory_space<vmem_shared>>) target_semaphore(%run_scoped3A_41 : memref<!tpu.dma_semaphore, #tpu.memory_space<semaphore_mem>>)
      %dma_wait3A = arith.constant 0 : i32
      %dma_wait3A_53 = arith.constant 0 : i32
      %dma_wait3A_54 = tpu.memref_slice %arg8[%run_scoped3A_13, %dma_wait3A, %dma_wait3A_53] : memref<2x128x128xf32, #tpu.memory_space<vmem>> -> memref<1x128x128xf32, #tpu.memory_space<vmem>>
      %dma_wait3A_55 = tpu.memref_squeeze %dma_wait3A_54 : memref<1x128x128xf32, #tpu.memory_space<vmem>> -> memref<128x128xf32, #tpu.memory_space<vmem>>
      %dma_wait3A_56 = arith.constant 0 : i32
      %dma_wait3A_57 = tpu.memref_slice %arg9[%add3A_12, %dma_wait3A_56] : memref<10240x128xf32, #tpu.memory_space<vmem_shared>> -> memref<128x128xf32, #tpu.memory_space<vmem_shared>>
      %dma_wait3A_58 = arith.constant 0 : i32
      %dma_wait3A_59 = tpu.memref_slice %arg9[%add3A_12, %dma_wait3A_58] : memref<10240x128xf32, #tpu.memory_space<vmem_shared>> -> memref<128x128xf32, #tpu.memory_space<vmem_shared>>
      %dma_wait3A_60 = arith.constant 0 : i32
      %dma_wait3A_61 = arith.constant 0 : i32
      %dma_wait3A_62 = tpu.memref_slice %arg8[%run_scoped3A_13, %dma_wait3A_60, %dma_wait3A_61] : memref<2x128x128xf32, #tpu.memory_space<vmem>> -> memref<1x128x128xf32, #tpu.memory_space<vmem>>
      %dma_wait3A_63 = tpu.memref_squeeze %dma_wait3A_62 : memref<1x128x128xf32, #tpu.memory_space<vmem>> -> memref<128x128xf32, #tpu.memory_space<vmem>>
      tpu.wait_dma2 semaphore(%run_scoped3A_41 : memref<!tpu.dma_semaphore, #tpu.memory_space<semaphore_mem>>) src(%dma_wait3A_63 : memref<128x128xf32, #tpu.memory_space<vmem>>) dst(%dma_wait3A_59 : memref<128x128xf32, #tpu.memory_space<vmem_shared>>)
      tpu.yield
    }) : () -> ()
    %mul3A_14 = arith.constant 640 : i32
    %mul3A_15 = arith.muli %arg1, %mul3A_14 : i32
    %add3A_16 = arith.constant 256 : i32
    %add3A_17 = arith.addi %mul3A_15, %add3A_16 : i32
    %run_scoped3A_18 = arith.constant 0 : i32
    "tpu.region"() ({
      %run_scoped3A_41 = tpu.sem_alloc : memref<!tpu.dma_semaphore, #tpu.memory_space<semaphore_mem>>
      %dma_start3A = arith.constant 0 : i32
      %dma_start3A_42 = arith.constant 0 : i32
      %dma_start3A_43 = tpu.memref_slice %arg8[%run_scoped3A_18, %dma_start3A, %dma_start3A_42] : memref<2x128x128xf32, #tpu.memory_space<vmem>> -> memref<1x128x128xf32, #tpu.memory_space<vmem>>
      %dma_start3A_44 = tpu.memref_squeeze %dma_start3A_43 : memref<1x128x128xf32, #tpu.memory_space<vmem>> -> memref<128x128xf32, #tpu.memory_space<vmem>>
      %dma_start3A_45 = arith.constant 0 : i32
      %dma_start3A_46 = tpu.memref_slice %arg9[%add3A_17, %dma_start3A_45] : memref<10240x128xf32, #tpu.memory_space<vmem_shared>> -> memref<128x128xf32, #tpu.memory_space<vmem_shared>>
      %dma_start3A_47 = arith.constant 0 : i32
      %dma_start3A_48 = tpu.memref_slice %arg9[%add3A_17, %dma_start3A_47] : memref<10240x128xf32, #tpu.memory_space<vmem_shared>> -> memref<128x128xf32, #tpu.memory_space<vmem_shared>>
      %dma_start3A_49 = arith.constant 0 : i32
      %dma_start3A_50 = arith.constant 0 : i32
      %dma_start3A_51 = tpu.memref_slice %arg8[%run_scoped3A_18, %dma_start3A_49, %dma_start3A_50] : memref<2x128x128xf32, #tpu.memory_space<vmem>> -> memref<1x128x128xf32, #tpu.memory_space<vmem>>
      %dma_start3A_52 = tpu.memref_squeeze %dma_start3A_51 : memref<1x128x128xf32, #tpu.memory_space<vmem>> -> memref<128x128xf32, #tpu.memory_space<vmem>>
      tpu.enqueue_dma source(%dma_start3A_52 : memref<128x128xf32, #tpu.memory_space<vmem>>) target(%dma_start3A_48 : memref<128x128xf32, #tpu.memory_space<vmem_shared>>) target_semaphore(%run_scoped3A_41 : memref<!tpu.dma_semaphore, #tpu.memory_space<semaphore_mem>>)
      %dma_wait3A = arith.constant 0 : i32
      %dma_wait3A_53 = arith.constant 0 : i32
      %dma_wait3A_54 = tpu.memref_slice %arg8[%run_scoped3A_18, %dma_wait3A, %dma_wait3A_53] : memref<2x128x128xf32, #tpu.memory_space<vmem>> -> memref<1x128x128xf32, #tpu.memory_space<vmem>>
      %dma_wait3A_55 = tpu.memref_squeeze %dma_wait3A_54 : memref<1x128x128xf32, #tpu.memory_space<vmem>> -> memref<128x128xf32, #tpu.memory_space<vmem>>
      %dma_wait3A_56 = arith.constant 0 : i32
      %dma_wait3A_57 = tpu.memref_slice %arg9[%add3A_17, %dma_wait3A_56] : memref<10240x128xf32, #tpu.memory_space<vmem_shared>> -> memref<128x128xf32, #tpu.memory_space<vmem_shared>>
      %dma_wait3A_58 = arith.constant 0 : i32
      %dma_wait3A_59 = tpu.memref_slice %arg9[%add3A_17, %dma_wait3A_58] : memref<10240x128xf32, #tpu.memory_space<vmem_shared>> -> memref<128x128xf32, #tpu.memory_space<vmem_shared>>
      %dma_wait3A_60 = arith.constant 0 : i32
      %dma_wait3A_61 = arith.constant 0 : i32
      %dma_wait3A_62 = tpu.memref_slice %arg8[%run_scoped3A_18, %dma_wait3A_60, %dma_wait3A_61] : memref<2x128x128xf32, #tpu.memory_space<vmem>> -> memref<1x128x128xf32, #tpu.memory_space<vmem>>
      %dma_wait3A_63 = tpu.memref_squeeze %dma_wait3A_62 : memref<1x128x128xf32, #tpu.memory_space<vmem>> -> memref<128x128xf32, #tpu.memory_space<vmem>>
      tpu.wait_dma2 semaphore(%run_scoped3A_41 : memref<!tpu.dma_semaphore, #tpu.memory_space<semaphore_mem>>) src(%dma_wait3A_63 : memref<128x128xf32, #tpu.memory_space<vmem>>) dst(%dma_wait3A_59 : memref<128x128xf32, #tpu.memory_space<vmem_shared>>)
      tpu.yield
    }) : () -> ()
    %mul3A_19 = arith.constant 640 : i32
    %mul3A_20 = arith.muli %arg1, %mul3A_19 : i32
    %add3A_21 = arith.constant 384 : i32
    %add3A_22 = arith.addi %mul3A_20, %add3A_21 : i32
    %run_scoped3A_23 = arith.constant 0 : i32
    "tpu.region"() ({
      %run_scoped3A_41 = tpu.sem_alloc : memref<!tpu.dma_semaphore, #tpu.memory_space<semaphore_mem>>
      %dma_start3A = arith.constant 0 : i32
      %dma_start3A_42 = arith.constant 0 : i32
      %dma_start3A_43 = tpu.memref_slice %arg8[%run_scoped3A_23, %dma_start3A, %dma_start3A_42] : memref<2x128x128xf32, #tpu.memory_space<vmem>> -> memref<1x128x128xf32, #tpu.memory_space<vmem>>
      %dma_start3A_44 = tpu.memref_squeeze %dma_start3A_43 : memref<1x128x128xf32, #tpu.memory_space<vmem>> -> memref<128x128xf32, #tpu.memory_space<vmem>>
      %dma_start3A_45 = arith.constant 0 : i32
      %dma_start3A_46 = tpu.memref_slice %arg9[%add3A_22, %dma_start3A_45] : memref<10240x128xf32, #tpu.memory_space<vmem_shared>> -> memref<128x128xf32, #tpu.memory_space<vmem_shared>>
      %dma_start3A_47 = arith.constant 0 : i32
      %dma_start3A_48 = tpu.memref_slice %arg9[%add3A_22, %dma_start3A_47] : memref<10240x128xf32, #tpu.memory_space<vmem_shared>> -> memref<128x128xf32, #tpu.memory_space<vmem_shared>>
      %dma_start3A_49 = arith.constant 0 : i32
      %dma_start3A_50 = arith.constant 0 : i32
      %dma_start3A_51 = tpu.memref_slice %arg8[%run_scoped3A_23, %dma_start3A_49, %dma_start3A_50] : memref<2x128x128xf32, #tpu.memory_space<vmem>> -> memref<1x128x128xf32, #tpu.memory_space<vmem>>
      %dma_start3A_52 = tpu.memref_squeeze %dma_start3A_51 : memref<1x128x128xf32, #tpu.memory_space<vmem>> -> memref<128x128xf32, #tpu.memory_space<vmem>>
      tpu.enqueue_dma source(%dma_start3A_52 : memref<128x128xf32, #tpu.memory_space<vmem>>) target(%dma_start3A_48 : memref<128x128xf32, #tpu.memory_space<vmem_shared>>) target_semaphore(%run_scoped3A_41 : memref<!tpu.dma_semaphore, #tpu.memory_space<semaphore_mem>>)
      %dma_wait3A = arith.constant 0 : i32
      %dma_wait3A_53 = arith.constant 0 : i32
      %dma_wait3A_54 = tpu.memref_slice %arg8[%run_scoped3A_23, %dma_wait3A, %dma_wait3A_53] : memref<2x128x128xf32, #tpu.memory_space<vmem>> -> memref<1x128x128xf32, #tpu.memory_space<vmem>>
      %dma_wait3A_55 = tpu.memref_squeeze %dma_wait3A_54 : memref<1x128x128xf32, #tpu.memory_space<vmem>> -> memref<128x128xf32, #tpu.memory_space<vmem>>
      %dma_wait3A_56 = arith.constant 0 : i32
      %dma_wait3A_57 = tpu.memref_slice %arg9[%add3A_22, %dma_wait3A_56] : memref<10240x128xf32, #tpu.memory_space<vmem_shared>> -> memref<128x128xf32, #tpu.memory_space<vmem_shared>>
      %dma_wait3A_58 = arith.constant 0 : i32
      %dma_wait3A_59 = tpu.memref_slice %arg9[%add3A_22, %dma_wait3A_58] : memref<10240x128xf32, #tpu.memory_space<vmem_shared>> -> memref<128x128xf32, #tpu.memory_space<vmem_shared>>
      %dma_wait3A_60 = arith.constant 0 : i32
      %dma_wait3A_61 = arith.constant 0 : i32
      %dma_wait3A_62 = tpu.memref_slice %arg8[%run_scoped3A_23, %dma_wait3A_60, %dma_wait3A_61] : memref<2x128x128xf32, #tpu.memory_space<vmem>> -> memref<1x128x128xf32, #tpu.memory_space<vmem>>
      %dma_wait3A_63 = tpu.memref_squeeze %dma_wait3A_62 : memref<1x128x128xf32, #tpu.memory_space<vmem>> -> memref<128x128xf32, #tpu.memory_space<vmem>>
      tpu.wait_dma2 semaphore(%run_scoped3A_41 : memref<!tpu.dma_semaphore, #tpu.memory_space<semaphore_mem>>) src(%dma_wait3A_63 : memref<128x128xf32, #tpu.memory_space<vmem>>) dst(%dma_wait3A_59 : memref<128x128xf32, #tpu.memory_space<vmem_shared>>)
      tpu.yield
    }) : () -> ()
    %mul3A_24 = arith.constant 640 : i32
    %mul3A_25 = arith.muli %arg1, %mul3A_24 : i32
    %add3A_26 = arith.constant 512 : i32
    %add3A_27 = arith.addi %mul3A_25, %add3A_26 : i32
    %run_scoped3A_28 = arith.constant 0 : i32
    "tpu.region"() ({
      %run_scoped3A_41 = tpu.sem_alloc : memref<!tpu.dma_semaphore, #tpu.memory_space<semaphore_mem>>
      %dma_start3A = arith.constant 0 : i32
      %dma_start3A_42 = arith.constant 0 : i32
      %dma_start3A_43 = tpu.memref_slice %arg8[%run_scoped3A_28, %dma_start3A, %dma_start3A_42] : memref<2x128x128xf32, #tpu.memory_space<vmem>> -> memref<1x128x128xf32, #tpu.memory_space<vmem>>
      %dma_start3A_44 = tpu.memref_squeeze %dma_start3A_43 : memref<1x128x128xf32, #tpu.memory_space<vmem>> -> memref<128x128xf32, #tpu.memory_space<vmem>>
      %dma_start3A_45 = arith.constant 0 : i32
      %dma_start3A_46 = tpu.memref_slice %arg9[%add3A_27, %dma_start3A_45] : memref<10240x128xf32, #tpu.memory_space<vmem_shared>> -> memref<128x128xf32, #tpu.memory_space<vmem_shared>>
      %dma_start3A_47 = arith.constant 0 : i32
      %dma_start3A_48 = tpu.memref_slice %arg9[%add3A_27, %dma_start3A_47] : memref<10240x128xf32, #tpu.memory_space<vmem_shared>> -> memref<128x128xf32, #tpu.memory_space<vmem_shared>>
      %dma_start3A_49 = arith.constant 0 : i32
      %dma_start3A_50 = arith.constant 0 : i32
      %dma_start3A_51 = tpu.memref_slice %arg8[%run_scoped3A_28, %dma_start3A_49, %dma_start3A_50] : memref<2x128x128xf32, #tpu.memory_space<vmem>> -> memref<1x128x128xf32, #tpu.memory_space<vmem>>
      %dma_start3A_52 = tpu.memref_squeeze %dma_start3A_51 : memref<1x128x128xf32, #tpu.memory_space<vmem>> -> memref<128x128xf32, #tpu.memory_space<vmem>>
      tpu.enqueue_dma source(%dma_start3A_52 : memref<128x128xf32, #tpu.memory_space<vmem>>) target(%dma_start3A_48 : memref<128x128xf32, #tpu.memory_space<vmem_shared>>) target_semaphore(%run_scoped3A_41 : memref<!tpu.dma_semaphore, #tpu.memory_space<semaphore_mem>>)
      %dma_wait3A = arith.constant 0 : i32
      %dma_wait3A_53 = arith.constant 0 : i32
      %dma_wait3A_54 = tpu.memref_slice %arg8[%run_scoped3A_28, %dma_wait3A, %dma_wait3A_53] : memref<2x128x128xf32, #tpu.memory_space<vmem>> -> memref<1x128x128xf32, #tpu.memory_space<vmem>>
      %dma_wait3A_55 = tpu.memref_squeeze %dma_wait3A_54 : memref<1x128x128xf32, #tpu.memory_space<vmem>> -> memref<128x128xf32, #tpu.memory_space<vmem>>
      %dma_wait3A_56 = arith.constant 0 : i32
      %dma_wait3A_57 = tpu.memref_slice %arg9[%add3A_27, %dma_wait3A_56] : memref<10240x128xf32, #tpu.memory_space<vmem_shared>> -> memref<128x128xf32, #tpu.memory_space<vmem_shared>>
      %dma_wait3A_58 = arith.constant 0 : i32
      %dma_wait3A_59 = tpu.memref_slice %arg9[%add3A_27, %dma_wait3A_58] : memref<10240x128xf32, #tpu.memory_space<vmem_shared>> -> memref<128x128xf32, #tpu.memory_space<vmem_shared>>
      %dma_wait3A_60 = arith.constant 0 : i32
      %dma_wait3A_61 = arith.constant 0 : i32
      %dma_wait3A_62 = tpu.memref_slice %arg8[%run_scoped3A_28, %dma_wait3A_60, %dma_wait3A_61] : memref<2x128x128xf32, #tpu.memory_space<vmem>> -> memref<1x128x128xf32, #tpu.memory_space<vmem>>
      %dma_wait3A_63 = tpu.memref_squeeze %dma_wait3A_62 : memref<1x128x128xf32, #tpu.memory_space<vmem>> -> memref<128x128xf32, #tpu.memory_space<vmem>>
      tpu.wait_dma2 semaphore(%run_scoped3A_41 : memref<!tpu.dma_semaphore, #tpu.memory_space<semaphore_mem>>) src(%dma_wait3A_63 : memref<128x128xf32, #tpu.memory_space<vmem>>) dst(%dma_wait3A_59 : memref<128x128xf32, #tpu.memory_space<vmem_shared>>)
      tpu.yield
    }) : () -> ()
    %barrier3A = arith.constant 0 : index
    tpu.barrier barrier_id(%barrier3A)
    %eq3A = arith.constant 0 : i32
    %eq3A_29 = arith.cmpi eq, %arg0, %eq3A : i32
    %convert_element_type3A = arith.extui %eq3A_29 : i1 to i32
    %cond3A = arith.constant 0 : i32
    %cond3A_30 = arith.cmpi ne, %convert_element_type3A, %cond3A : i32
    scf.if %cond3A_30 {
      %mul3A_41 = arith.constant 80 : i32
      %mul3A_42 = arith.muli %arg1, %mul3A_41 : i32
      %add3A_43 = arith.constant 0 : i32
      %add3A_44 = arith.addi %mul3A_42, %add3A_43 : i32
      %dma_start3A = arith.constant 0 : i32
      %dma_start3A_45 = arith.constant 0 : i32
      %dma_start3A_46 = tpu.memref_slice %arg6[%dma_start3A, %dma_start3A_45] : memref<4x128xi32, #tpu.memory_space<vmem>> -> memref<1x128xi32, #tpu.memory_space<vmem>>
      %dma_start3A_47 = tpu.memref_squeeze %dma_start3A_46 : memref<1x128xi32, #tpu.memory_space<vmem>> -> memref<128xi32, #tpu.memory_space<vmem>>
      %dma_start3A_48 = arith.constant 0 : i32
      %dma_start3A_49 = tpu.memref_slice %arg3[%add3A_44, %dma_start3A_48] : memref<2560x128xi32, #tpu.memory_space<hbm>> -> memref<1x128xi32, #tpu.memory_space<hbm>>
      %dma_start3A_50 = tpu.memref_squeeze %dma_start3A_49 : memref<1x128xi32, #tpu.memory_space<hbm>> -> memref<128xi32, #tpu.memory_space<hbm>>
      %dma_start3A_51 = arith.constant 0 : i32
      %dma_start3A_52 = tpu.memref_slice %arg6[%dma_start3A, %dma_start3A_51] : memref<4x128xi32, #tpu.memory_space<vmem>> -> memref<1x128xi32, #tpu.memory_space<vmem>>
      %dma_start3A_53 = tpu.memref_squeeze %dma_start3A_52 : memref<1x128xi32, #tpu.memory_space<vmem>> -> memref<128xi32, #tpu.memory_space<vmem>>
      %dma_start3A_54 = arith.constant 0 : i32
      %dma_start3A_55 = tpu.memref_slice %arg3[%add3A_44, %dma_start3A_54] : memref<2560x128xi32, #tpu.memory_space<hbm>> -> memref<1x128xi32, #tpu.memory_space<hbm>>
      %dma_start3A_56 = tpu.memref_squeeze %dma_start3A_55 : memref<1x128xi32, #tpu.memory_space<hbm>> -> memref<128xi32, #tpu.memory_space<hbm>>
      tpu.enqueue_dma source(%dma_start3A_56 : memref<128xi32, #tpu.memory_space<hbm>>) target(%dma_start3A_53 : memref<128xi32, #tpu.memory_space<vmem>>) target_semaphore(%arg14 : memref<!tpu.dma_semaphore, #tpu.memory_space<semaphore_mem>>)
      %dma_start3A_57 = arith.constant 0 : i32
      %dma_start3A_58 = arith.constant 0 : i32
      %dma_start3A_59 = tpu.memref_slice %arg7[%dma_start3A_57, %dma_start3A_58] : memref<4x128xi32, #tpu.memory_space<vmem>> -> memref<1x128xi32, #tpu.memory_space<vmem>>
      %dma_start3A_60 = tpu.memref_squeeze %dma_start3A_59 : memref<1x128xi32, #tpu.memory_space<vmem>> -> memref<128xi32, #tpu.memory_space<vmem>>
      %dma_start3A_61 = arith.constant 0 : i32
      %dma_start3A_62 = tpu.memref_slice %arg4[%add3A_44, %dma_start3A_61] : memref<2560x128xi32, #tpu.memory_space<hbm>> -> memref<1x128xi32, #tpu.memory_space<hbm>>
      %dma_start3A_63 = tpu.memref_squeeze %dma_start3A_62 : memref<1x128xi32, #tpu.memory_space<hbm>> -> memref<128xi32, #tpu.memory_space<hbm>>
      %dma_start3A_64 = arith.constant 0 : i32
      %dma_start3A_65 = tpu.memref_slice %arg7[%dma_start3A_57, %dma_start3A_64] : memref<4x128xi32, #tpu.memory_space<vmem>> -> memref<1x128xi32, #tpu.memory_space<vmem>>
      %dma_start3A_66 = tpu.memref_squeeze %dma_start3A_65 : memref<1x128xi32, #tpu.memory_space<vmem>> -> memref<128xi32, #tpu.memory_space<vmem>>
      %dma_start3A_67 = arith.constant 0 : i32
      %dma_start3A_68 = tpu.memref_slice %arg4[%add3A_44, %dma_start3A_67] : memref<2560x128xi32, #tpu.memory_space<hbm>> -> memref<1x128xi32, #tpu.memory_space<hbm>>
      %dma_start3A_69 = tpu.memref_squeeze %dma_start3A_68 : memref<1x128xi32, #tpu.memory_space<hbm>> -> memref<128xi32, #tpu.memory_space<hbm>>
      tpu.enqueue_dma source(%dma_start3A_69 : memref<128xi32, #tpu.memory_space<hbm>>) target(%dma_start3A_66 : memref<128xi32, #tpu.memory_space<vmem>>) target_semaphore(%arg14 : memref<!tpu.dma_semaphore, #tpu.memory_space<semaphore_mem>>)
      %add3A_70 = arith.constant 1 : i32
      %add3A_71 = arith.addi %mul3A_42, %add3A_70 : i32
      %dma_start3A_72 = arith.constant 1 : i32
      %dma_start3A_73 = arith.constant 0 : i32
      %dma_start3A_74 = tpu.memref_slice %arg6[%dma_start3A_72, %dma_start3A_73] : memref<4x128xi32, #tpu.memory_space<vmem>> -> memref<1x128xi32, #tpu.memory_space<vmem>>
      %dma_start3A_75 = tpu.memref_squeeze %dma_start3A_74 : memref<1x128xi32, #tpu.memory_space<vmem>> -> memref<128xi32, #tpu.memory_space<vmem>>
      %dma_start3A_76 = arith.constant 0 : i32
      %dma_start3A_77 = tpu.memref_slice %arg3[%add3A_71, %dma_start3A_76] : memref<2560x128xi32, #tpu.memory_space<hbm>> -> memref<1x128xi32, #tpu.memory_space<hbm>>
      %dma_start3A_78 = tpu.memref_squeeze %dma_start3A_77 : memref<1x128xi32, #tpu.memory_space<hbm>> -> memref<128xi32, #tpu.memory_space<hbm>>
      %dma_start3A_79 = arith.constant 0 : i32
      %dma_start3A_80 = tpu.memref_slice %arg6[%dma_start3A_72, %dma_start3A_79] : memref<4x128xi32, #tpu.memory_space<vmem>> -> memref<1x128xi32, #tpu.memory_space<vmem>>
      %dma_start3A_81 = tpu.memref_squeeze %dma_start3A_80 : memref<1x128xi32, #tpu.memory_space<vmem>> -> memref<128xi32, #tpu.memory_space<vmem>>
      %dma_start3A_82 = arith.constant 0 : i32
      %dma_start3A_83 = tpu.memref_slice %arg3[%add3A_71, %dma_start3A_82] : memref<2560x128xi32, #tpu.memory_space<hbm>> -> memref<1x128xi32, #tpu.memory_space<hbm>>
      %dma_start3A_84 = tpu.memref_squeeze %dma_start3A_83 : memref<1x128xi32, #tpu.memory_space<hbm>> -> memref<128xi32, #tpu.memory_space<hbm>>
      tpu.enqueue_dma source(%dma_start3A_84 : memref<128xi32, #tpu.memory_space<hbm>>) target(%dma_start3A_81 : memref<128xi32, #tpu.memory_space<vmem>>) target_semaphore(%arg15 : memref<!tpu.dma_semaphore, #tpu.memory_space<semaphore_mem>>)
      %dma_start3A_85 = arith.constant 1 : i32
      %dma_start3A_86 = arith.constant 0 : i32
      %dma_start3A_87 = tpu.memref_slice %arg7[%dma_start3A_85, %dma_start3A_86] : memref<4x128xi32, #tpu.memory_space<vmem>> -> memref<1x128xi32, #tpu.memory_space<vmem>>
      %dma_start3A_88 = tpu.memref_squeeze %dma_start3A_87 : memref<1x128xi32, #tpu.memory_space<vmem>> -> memref<128xi32, #tpu.memory_space<vmem>>
      %dma_start3A_89 = arith.constant 0 : i32
      %dma_start3A_90 = tpu.memref_slice %arg4[%add3A_71, %dma_start3A_89] : memref<2560x128xi32, #tpu.memory_space<hbm>> -> memref<1x128xi32, #tpu.memory_space<hbm>>
      %dma_start3A_91 = tpu.memref_squeeze %dma_start3A_90 : memref<1x128xi32, #tpu.memory_space<hbm>> -> memref<128xi32, #tpu.memory_space<hbm>>
      %dma_start3A_92 = arith.constant 0 : i32
      %dma_start3A_93 = tpu.memref_slice %arg7[%dma_start3A_85, %dma_start3A_92] : memref<4x128xi32, #tpu.memory_space<vmem>> -> memref<1x128xi32, #tpu.memory_space<vmem>>
      %dma_start3A_94 = tpu.memref_squeeze %dma_start3A_93 : memref<1x128xi32, #tpu.memory_space<vmem>> -> memref<128xi32, #tpu.memory_space<vmem>>
      %dma_start3A_95 = arith.constant 0 : i32
      %dma_start3A_96 = tpu.memref_slice %arg4[%add3A_71, %dma_start3A_95] : memref<2560x128xi32, #tpu.memory_space<hbm>> -> memref<1x128xi32, #tpu.memory_space<hbm>>
      %dma_start3A_97 = tpu.memref_squeeze %dma_start3A_96 : memref<1x128xi32, #tpu.memory_space<hbm>> -> memref<128xi32, #tpu.memory_space<hbm>>
      tpu.enqueue_dma source(%dma_start3A_97 : memref<128xi32, #tpu.memory_space<hbm>>) target(%dma_start3A_94 : memref<128xi32, #tpu.memory_space<vmem>>) target_semaphore(%arg15 : memref<!tpu.dma_semaphore, #tpu.memory_space<semaphore_mem>>)
      %add3A_98 = arith.constant 0 : i32
      %add3A_99 = arith.addi %mul3A_42, %add3A_98 : i32
      %dma_wait3A = arith.constant 0 : i32
      %dma_wait3A_100 = arith.constant 0 : i32
      %dma_wait3A_101 = tpu.memref_slice %arg6[%dma_wait3A, %dma_wait3A_100] : memref<4x128xi32, #tpu.memory_space<vmem>> -> memref<1x128xi32, #tpu.memory_space<vmem>>
      %dma_wait3A_102 = tpu.memref_squeeze %dma_wait3A_101 : memref<1x128xi32, #tpu.memory_space<vmem>> -> memref<128xi32, #tpu.memory_space<vmem>>
      %dma_wait3A_103 = arith.constant 0 : i32
      %dma_wait3A_104 = tpu.memref_slice %arg3[%add3A_99, %dma_wait3A_103] : memref<2560x128xi32, #tpu.memory_space<hbm>> -> memref<1x128xi32, #tpu.memory_space<hbm>>
      %dma_wait3A_105 = tpu.memref_squeeze %dma_wait3A_104 : memref<1x128xi32, #tpu.memory_space<hbm>> -> memref<128xi32, #tpu.memory_space<hbm>>
      %dma_wait3A_106 = arith.constant 0 : i32
      %dma_wait3A_107 = tpu.memref_slice %arg6[%dma_wait3A, %dma_wait3A_106] : memref<4x128xi32, #tpu.memory_space<vmem>> -> memref<1x128xi32, #tpu.memory_space<vmem>>
      %dma_wait3A_108 = tpu.memref_squeeze %dma_wait3A_107 : memref<1x128xi32, #tpu.memory_space<vmem>> -> memref<128xi32, #tpu.memory_space<vmem>>
      %dma_wait3A_109 = arith.constant 0 : i32
      %dma_wait3A_110 = tpu.memref_slice %arg3[%add3A_99, %dma_wait3A_109] : memref<2560x128xi32, #tpu.memory_space<hbm>> -> memref<1x128xi32, #tpu.memory_space<hbm>>
      %dma_wait3A_111 = tpu.memref_squeeze %dma_wait3A_110 : memref<1x128xi32, #tpu.memory_space<hbm>> -> memref<128xi32, #tpu.memory_space<hbm>>
      tpu.wait_dma2 semaphore(%arg14 : memref<!tpu.dma_semaphore, #tpu.memory_space<semaphore_mem>>) src(%dma_wait3A_111 : memref<128xi32, #tpu.memory_space<hbm>>) dst(%dma_wait3A_108 : memref<128xi32, #tpu.memory_space<vmem>>)
      %dma_wait3A_112 = arith.constant 0 : i32
      %dma_wait3A_113 = arith.constant 0 : i32
      %dma_wait3A_114 = tpu.memref_slice %arg7[%dma_wait3A_112, %dma_wait3A_113] : memref<4x128xi32, #tpu.memory_space<vmem>> -> memref<1x128xi32, #tpu.memory_space<vmem>>
      %dma_wait3A_115 = tpu.memref_squeeze %dma_wait3A_114 : memref<1x128xi32, #tpu.memory_space<vmem>> -> memref<128xi32, #tpu.memory_space<vmem>>
      %dma_wait3A_116 = arith.constant 0 : i32
      %dma_wait3A_117 = tpu.memref_slice %arg4[%add3A_99, %dma_wait3A_116] : memref<2560x128xi32, #tpu.memory_space<hbm>> -> memref<1x128xi32, #tpu.memory_space<hbm>>
      %dma_wait3A_118 = tpu.memref_squeeze %dma_wait3A_117 : memref<1x128xi32, #tpu.memory_space<hbm>> -> memref<128xi32, #tpu.memory_space<hbm>>
      %dma_wait3A_119 = arith.constant 0 : i32
      %dma_wait3A_120 = tpu.memref_slice %arg7[%dma_wait3A_112, %dma_wait3A_119] : memref<4x128xi32, #tpu.memory_space<vmem>> -> memref<1x128xi32, #tpu.memory_space<vmem>>
      %dma_wait3A_121 = tpu.memref_squeeze %dma_wait3A_120 : memref<1x128xi32, #tpu.memory_space<vmem>> -> memref<128xi32, #tpu.memory_space<vmem>>
      %dma_wait3A_122 = arith.constant 0 : i32
      %dma_wait3A_123 = tpu.memref_slice %arg4[%add3A_99, %dma_wait3A_122] : memref<2560x128xi32, #tpu.memory_space<hbm>> -> memref<1x128xi32, #tpu.memory_space<hbm>>
      %dma_wait3A_124 = tpu.memref_squeeze %dma_wait3A_123 : memref<1x128xi32, #tpu.memory_space<hbm>> -> memref<128xi32, #tpu.memory_space<hbm>>
      tpu.wait_dma2 semaphore(%arg14 : memref<!tpu.dma_semaphore, #tpu.memory_space<semaphore_mem>>) src(%dma_wait3A_124 : memref<128xi32, #tpu.memory_space<hbm>>) dst(%dma_wait3A_121 : memref<128xi32, #tpu.memory_space<vmem>>)
      %dma_start3A_125 = arith.constant 0 : i32
      %dma_start3A_126 = arith.constant 0 : i32
      %dma_start3A_127 = arith.constant 0 : i32
      %dma_start3A_128 = arith.constant 0 : i32
      %dma_start3A_129 = tpu.memref_slice %arg8[%dma_start3A_126, %dma_start3A_127, %dma_start3A_128] : memref<2x128x128xf32, #tpu.memory_space<vmem>> -> memref<1x128x128xf32, #tpu.memory_space<vmem>>
      %dma_start3A_130 = tpu.memref_squeeze %dma_start3A_129 : memref<1x128x128xf32, #tpu.memory_space<vmem>> -> memref<128x128xf32, #tpu.memory_space<vmem>>
      %dma_start3A_131 = arith.constant 0 : i32
      %dma_start3A_132 = tpu.memref_slice %arg6[%dma_start3A_125, %dma_start3A_131] : memref<4x128xi32, #tpu.memory_space<vmem>> -> memref<1x128xi32, #tpu.memory_space<vmem>>
      %dma_start3A_133 = tpu.memref_squeeze %dma_start3A_132 : memref<1x128xi32, #tpu.memory_space<vmem>> -> memref<128xi32, #tpu.memory_space<vmem>>
      %dma_start3A_134 = arith.constant 0 : i32
      %dma_start3A_135 = arith.constant 0 : i32
      %dma_start3A_136 = tpu.memref_slice %arg2[%dma_start3A_134, %dma_start3A_135] : memref<10240x128xf32, #tpu.memory_space<hbm>> -> memref<10240x128xf32, #tpu.memory_space<hbm>>
      tpu.enqueue_indirect_dma source(%dma_start3A_136 : memref<10240x128xf32, #tpu.memory_space<hbm>>) target(%dma_start3A_130 : memref<128x128xf32, #tpu.memory_space<vmem>>) offsets(%dma_start3A_133 : memref<128xi32, #tpu.memory_space<vmem>>) semaphore(%arg10 : memref<!tpu.dma_semaphore, #tpu.memory_space<semaphore_mem>>)
      %scan3A_137 = arith.constant 0 : i32
      %scan3A_138 = arith.constant 0 : i32
      %scan3A_139 = arith.constant 20 : i32
      %scan3A_140 = arith.addi %scan3A_138, %scan3A_139 : i32
      %scan3A_141 = arith.constant 1 : i32
      %scan3A_142 = scf.for %scan3A_168 = %scan3A_138 to %scan3A_140 step %scan3A_141 iter_args(%scan3A_169 = %scan3A_137) -> (i32)  : i32 {
        %mul3A_170 = arith.constant 4 : i32
        %mul3A_171 = arith.muli %scan3A_168, %mul3A_170 : i32
        %add3A_172 = arith.constant 0 : i32
        %add3A_173 = arith.addi %mul3A_171, %add3A_172 : i32
        %add3A_174 = arith.constant 1 : i32
        %add3A_175 = arith.addi %add3A_173, %add3A_174 : i32
        %lt3A = arith.constant 80 : i32
        %lt3A_176 = arith.cmpi slt, %add3A_175, %lt3A : i32
        %convert_element_type3A_177 = arith.extui %lt3A_176 : i1 to i32
        %cond3A_178 = arith.constant 0 : i32
        %cond3A_179 = arith.cmpi ne, %convert_element_type3A_177, %cond3A_178 : i32
        scf.if %cond3A_179 {
          %add3A_338 = arith.addi %mul3A_42, %add3A_175 : i32
          %dma_wait3A_339 = arith.constant 1 : i32
          %dma_wait3A_340 = arith.constant 0 : i32
          %dma_wait3A_341 = tpu.memref_slice %arg6[%dma_wait3A_339, %dma_wait3A_340] : memref<4x128xi32, #tpu.memory_space<vmem>> -> memref<1x128xi32, #tpu.memory_space<vmem>>
          %dma_wait3A_342 = tpu.memref_squeeze %dma_wait3A_341 : memref<1x128xi32, #tpu.memory_space<vmem>> -> memref<128xi32, #tpu.memory_space<vmem>>
          %dma_wait3A_343 = arith.constant 0 : i32
          %dma_wait3A_344 = tpu.memref_slice %arg3[%add3A_338, %dma_wait3A_343] : memref<2560x128xi32, #tpu.memory_space<hbm>> -> memref<1x128xi32, #tpu.memory_space<hbm>>
          %dma_wait3A_345 = tpu.memref_squeeze %dma_wait3A_344 : memref<1x128xi32, #tpu.memory_space<hbm>> -> memref<128xi32, #tpu.memory_space<hbm>>
          %dma_wait3A_346 = arith.constant 0 : i32
          %dma_wait3A_347 = tpu.memref_slice %arg6[%dma_wait3A_339, %dma_wait3A_346] : memref<4x128xi32, #tpu.memory_space<vmem>> -> memref<1x128xi32, #tpu.memory_space<vmem>>
          %dma_wait3A_348 = tpu.memref_squeeze %dma_wait3A_347 : memref<1x128xi32, #tpu.memory_space<vmem>> -> memref<128xi32, #tpu.memory_space<vmem>>
          %dma_wait3A_349 = arith.constant 0 : i32
          %dma_wait3A_350 = tpu.memref_slice %arg3[%add3A_338, %dma_wait3A_349] : memref<2560x128xi32, #tpu.memory_space<hbm>> -> memref<1x128xi32, #tpu.memory_space<hbm>>
          %dma_wait3A_351 = tpu.memref_squeeze %dma_wait3A_350 : memref<1x128xi32, #tpu.memory_space<hbm>> -> memref<128xi32, #tpu.memory_space<hbm>>
          tpu.wait_dma2 semaphore(%arg15 : memref<!tpu.dma_semaphore, #tpu.memory_space<semaphore_mem>>) src(%dma_wait3A_351 : memref<128xi32, #tpu.memory_space<hbm>>) dst(%dma_wait3A_348 : memref<128xi32, #tpu.memory_space<vmem>>)
          %dma_wait3A_352 = arith.constant 1 : i32
          %dma_wait3A_353 = arith.constant 0 : i32
          %dma_wait3A_354 = tpu.memref_slice %arg7[%dma_wait3A_352, %dma_wait3A_353] : memref<4x128xi32, #tpu.memory_space<vmem>> -> memref<1x128xi32, #tpu.memory_space<vmem>>
          %dma_wait3A_355 = tpu.memref_squeeze %dma_wait3A_354 : memref<1x128xi32, #tpu.memory_space<vmem>> -> memref<128xi32, #tpu.memory_space<vmem>>
          %dma_wait3A_356 = arith.constant 0 : i32
          %dma_wait3A_357 = tpu.memref_slice %arg4[%add3A_338, %dma_wait3A_356] : memref<2560x128xi32, #tpu.memory_space<hbm>> -> memref<1x128xi32, #tpu.memory_space<hbm>>
          %dma_wait3A_358 = tpu.memref_squeeze %dma_wait3A_357 : memref<1x128xi32, #tpu.memory_space<hbm>> -> memref<128xi32, #tpu.memory_space<hbm>>
          %dma_wait3A_359 = arith.constant 0 : i32
          %dma_wait3A_360 = tpu.memref_slice %arg7[%dma_wait3A_352, %dma_wait3A_359] : memref<4x128xi32, #tpu.memory_space<vmem>> -> memref<1x128xi32, #tpu.memory_space<vmem>>
          %dma_wait3A_361 = tpu.memref_squeeze %dma_wait3A_360 : memref<1x128xi32, #tpu.memory_space<vmem>> -> memref<128xi32, #tpu.memory_space<vmem>>
          %dma_wait3A_362 = arith.constant 0 : i32
          %dma_wait3A_363 = tpu.memref_slice %arg4[%add3A_338, %dma_wait3A_362] : memref<2560x128xi32, #tpu.memory_space<hbm>> -> memref<1x128xi32, #tpu.memory_space<hbm>>
          %dma_wait3A_364 = tpu.memref_squeeze %dma_wait3A_363 : memref<1x128xi32, #tpu.memory_space<hbm>> -> memref<128xi32, #tpu.memory_space<hbm>>
          tpu.wait_dma2 semaphore(%arg15 : memref<!tpu.dma_semaphore, #tpu.memory_space<semaphore_mem>>) src(%dma_wait3A_364 : memref<128xi32, #tpu.memory_space<hbm>>) dst(%dma_wait3A_361 : memref<128xi32, #tpu.memory_space<vmem>>)
          %ge3A = arith.constant 1 : i32
          %ge3A_365 = arith.cmpi sge, %add3A_173, %ge3A : i32
          %convert_element_type3A_366 = arith.extui %ge3A_365 : i1 to i32
          %cond3A_367 = arith.constant 0 : i32
          %cond3A_368 = arith.cmpi ne, %convert_element_type3A_366, %cond3A_367 : i32
          scf.if %cond3A_368 {
            %dma_wait3A_381 = arith.constant 1 : i32
            %dma_wait3A_382 = arith.constant 3 : i32
            %dma_wait3A_383 = arith.constant 0 : i32
            %dma_wait3A_384 = arith.constant 0 : i32
            %dma_wait3A_385 = tpu.memref_slice %arg8[%dma_wait3A_381, %dma_wait3A_383, %dma_wait3A_384] : memref<2x128x128xf32, #tpu.memory_space<vmem>> -> memref<1x128x128xf32, #tpu.memory_space<vmem>>
            %dma_wait3A_386 = tpu.memref_squeeze %dma_wait3A_385 : memref<1x128x128xf32, #tpu.memory_space<vmem>> -> memref<128x128xf32, #tpu.memory_space<vmem>>
            %dma_wait3A_387 = arith.constant 0 : i32
            %dma_wait3A_388 = tpu.memref_slice %arg7[%dma_wait3A_382, %dma_wait3A_387] : memref<4x128xi32, #tpu.memory_space<vmem>> -> memref<1x128xi32, #tpu.memory_space<vmem>>
            %dma_wait3A_389 = tpu.memref_squeeze %dma_wait3A_388 : memref<1x128xi32, #tpu.memory_space<vmem>> -> memref<128xi32, #tpu.memory_space<vmem>>
            %dma_wait3A_390 = arith.constant 0 : i32
            %dma_wait3A_391 = arith.constant 0 : i32
            %dma_wait3A_392 = tpu.memref_slice %arg9[%dma_wait3A_390, %dma_wait3A_391] : memref<10240x128xf32, #tpu.memory_space<vmem_shared>> -> memref<10240x128xf32, #tpu.memory_space<vmem_shared>>
            tpu.wait_indirect_dma semaphore(%arg13 : memref<!tpu.dma_semaphore, #tpu.memory_space<semaphore_mem>>) src(%dma_wait3A_386 : memref<128x128xf32, #tpu.memory_space<vmem>>) dst(%dma_wait3A_392 : memref<10240x128xf32, #tpu.memory_space<vmem_shared>>)
          } else {
          }
          %dma_start3A_369 = arith.constant 1 : i32
          %dma_start3A_370 = arith.constant 1 : i32
          %dma_start3A_371 = arith.constant 0 : i32
          %dma_start3A_372 = arith.constant 0 : i32
          %dma_start3A_373 = tpu.memref_slice %arg8[%dma_start3A_370, %dma_start3A_371, %dma_start3A_372] : memref<2x128x128xf32, #tpu.memory_space<vmem>> -> memref<1x128x128xf32, #tpu.memory_space<vmem>>
          %dma_start3A_374 = tpu.memref_squeeze %dma_start3A_373 : memref<1x128x128xf32, #tpu.memory_space<vmem>> -> memref<128x128xf32, #tpu.memory_space<vmem>>
          %dma_start3A_375 = arith.constant 0 : i32
          %dma_start3A_376 = tpu.memref_slice %arg6[%dma_start3A_369, %dma_start3A_375] : memref<4x128xi32, #tpu.memory_space<vmem>> -> memref<1x128xi32, #tpu.memory_space<vmem>>
          %dma_start3A_377 = tpu.memref_squeeze %dma_start3A_376 : memref<1x128xi32, #tpu.memory_space<vmem>> -> memref<128xi32, #tpu.memory_space<vmem>>
          %dma_start3A_378 = arith.constant 0 : i32
          %dma_start3A_379 = arith.constant 0 : i32
          %dma_start3A_380 = tpu.memref_slice %arg2[%dma_start3A_378, %dma_start3A_379] : memref<10240x128xf32, #tpu.memory_space<hbm>> -> memref<10240x128xf32, #tpu.memory_space<hbm>>
          tpu.enqueue_indirect_dma source(%dma_start3A_380 : memref<10240x128xf32, #tpu.memory_space<hbm>>) target(%dma_start3A_374 : memref<128x128xf32, #tpu.memory_space<vmem>>) offsets(%dma_start3A_377 : memref<128xi32, #tpu.memory_space<vmem>>) semaphore(%arg11 : memref<!tpu.dma_semaphore, #tpu.memory_space<semaphore_mem>>)
        } else {
        }
        %dma_wait3A_180 = arith.constant 0 : i32
        %dma_wait3A_181 = arith.constant 0 : i32
        %dma_wait3A_182 = arith.constant 0 : i32
        %dma_wait3A_183 = arith.constant 0 : i32
        %dma_wait3A_184 = tpu.memref_slice %arg8[%dma_wait3A_181, %dma_wait3A_182, %dma_wait3A_183] : memref<2x128x128xf32, #tpu.memory_space<vmem>> -> memref<1x128x128xf32, #tpu.memory_space<vmem>>
        %dma_wait3A_185 = tpu.memref_squeeze %dma_wait3A_184 : memref<1x128x128xf32, #tpu.memory_space<vmem>> -> memref<128x128xf32, #tpu.memory_space<vmem>>
        %dma_wait3A_186 = arith.constant 0 : i32
        %dma_wait3A_187 = tpu.memref_slice %arg6[%dma_wait3A_180, %dma_wait3A_186] : memref<4x128xi32, #tpu.memory_space<vmem>> -> memref<1x128xi32, #tpu.memory_space<vmem>>
        %dma_wait3A_188 = tpu.memref_squeeze %dma_wait3A_187 : memref<1x128xi32, #tpu.memory_space<vmem>> -> memref<128xi32, #tpu.memory_space<vmem>>
        %dma_wait3A_189 = arith.constant 0 : i32
        %dma_wait3A_190 = arith.constant 0 : i32
        %dma_wait3A_191 = tpu.memref_slice %arg2[%dma_wait3A_189, %dma_wait3A_190] : memref<10240x128xf32, #tpu.memory_space<hbm>> -> memref<10240x128xf32, #tpu.memory_space<hbm>>
        tpu.wait_indirect_dma semaphore(%arg10 : memref<!tpu.dma_semaphore, #tpu.memory_space<semaphore_mem>>) src(%dma_wait3A_191 : memref<10240x128xf32, #tpu.memory_space<hbm>>) dst(%dma_wait3A_185 : memref<128x128xf32, #tpu.memory_space<vmem>>)
        %add3A_192 = arith.constant 2 : i32
        %add3A_193 = arith.addi %add3A_173, %add3A_192 : i32
        %lt3A_194 = arith.constant 80 : i32
        %lt3A_195 = arith.cmpi slt, %add3A_193, %lt3A_194 : i32
        %convert_element_type3A_196 = arith.extui %lt3A_195 : i1 to i32
        %cond3A_197 = arith.constant 0 : i32
        %cond3A_198 = arith.cmpi ne, %convert_element_type3A_196, %cond3A_197 : i32
        scf.if %cond3A_198 {
          %add3A_338 = arith.addi %mul3A_42, %add3A_173 : i32
          %add3A_339 = arith.constant 2 : i32
          %add3A_340 = arith.addi %add3A_338, %add3A_339 : i32
          %dma_start3A_341 = arith.constant 2 : i32
          %dma_start3A_342 = arith.constant 0 : i32
          %dma_start3A_343 = tpu.memref_slice %arg6[%dma_start3A_341, %dma_start3A_342] : memref<4x128xi32, #tpu.memory_space<vmem>> -> memref<1x128xi32, #tpu.memory_space<vmem>>
          %dma_start3A_344 = tpu.memref_squeeze %dma_start3A_343 : memref<1x128xi32, #tpu.memory_space<vmem>> -> memref<128xi32, #tpu.memory_space<vmem>>
          %dma_start3A_345 = arith.constant 0 : i32
          %dma_start3A_346 = tpu.memref_slice %arg3[%add3A_340, %dma_start3A_345] : memref<2560x128xi32, #tpu.memory_space<hbm>> -> memref<1x128xi32, #tpu.memory_space<hbm>>
          %dma_start3A_347 = tpu.memref_squeeze %dma_start3A_346 : memref<1x128xi32, #tpu.memory_space<hbm>> -> memref<128xi32, #tpu.memory_space<hbm>>
          %dma_start3A_348 = arith.constant 0 : i32
          %dma_start3A_349 = tpu.memref_slice %arg6[%dma_start3A_341, %dma_start3A_348] : memref<4x128xi32, #tpu.memory_space<vmem>> -> memref<1x128xi32, #tpu.memory_space<vmem>>
          %dma_start3A_350 = tpu.memref_squeeze %dma_start3A_349 : memref<1x128xi32, #tpu.memory_space<vmem>> -> memref<128xi32, #tpu.memory_space<vmem>>
          %dma_start3A_351 = arith.constant 0 : i32
          %dma_start3A_352 = tpu.memref_slice %arg3[%add3A_340, %dma_start3A_351] : memref<2560x128xi32, #tpu.memory_space<hbm>> -> memref<1x128xi32, #tpu.memory_space<hbm>>
          %dma_start3A_353 = tpu.memref_squeeze %dma_start3A_352 : memref<1x128xi32, #tpu.memory_space<hbm>> -> memref<128xi32, #tpu.memory_space<hbm>>
          tpu.enqueue_dma source(%dma_start3A_353 : memref<128xi32, #tpu.memory_space<hbm>>) target(%dma_start3A_350 : memref<128xi32, #tpu.memory_space<vmem>>) target_semaphore(%arg16 : memref<!tpu.dma_semaphore, #tpu.memory_space<semaphore_mem>>)
          %dma_start3A_354 = arith.constant 2 : i32
          %dma_start3A_355 = arith.constant 0 : i32
          %dma_start3A_356 = tpu.memref_slice %arg7[%dma_start3A_354, %dma_start3A_355] : memref<4x128xi32, #tpu.memory_space<vmem>> -> memref<1x128xi32, #tpu.memory_space<vmem>>
          %dma_start3A_357 = tpu.memref_squeeze %dma_start3A_356 : memref<1x128xi32, #tpu.memory_space<vmem>> -> memref<128xi32, #tpu.memory_space<vmem>>
          %dma_start3A_358 = arith.constant 0 : i32
          %dma_start3A_359 = tpu.memref_slice %arg4[%add3A_340, %dma_start3A_358] : memref<2560x128xi32, #tpu.memory_space<hbm>> -> memref<1x128xi32, #tpu.memory_space<hbm>>
          %dma_start3A_360 = tpu.memref_squeeze %dma_start3A_359 : memref<1x128xi32, #tpu.memory_space<hbm>> -> memref<128xi32, #tpu.memory_space<hbm>>
          %dma_start3A_361 = arith.constant 0 : i32
          %dma_start3A_362 = tpu.memref_slice %arg7[%dma_start3A_354, %dma_start3A_361] : memref<4x128xi32, #tpu.memory_space<vmem>> -> memref<1x128xi32, #tpu.memory_space<vmem>>
          %dma_start3A_363 = tpu.memref_squeeze %dma_start3A_362 : memref<1x128xi32, #tpu.memory_space<vmem>> -> memref<128xi32, #tpu.memory_space<vmem>>
          %dma_start3A_364 = arith.constant 0 : i32
          %dma_start3A_365 = tpu.memref_slice %arg4[%add3A_340, %dma_start3A_364] : memref<2560x128xi32, #tpu.memory_space<hbm>> -> memref<1x128xi32, #tpu.memory_space<hbm>>
          %dma_start3A_366 = tpu.memref_squeeze %dma_start3A_365 : memref<1x128xi32, #tpu.memory_space<hbm>> -> memref<128xi32, #tpu.memory_space<hbm>>
          tpu.enqueue_dma source(%dma_start3A_366 : memref<128xi32, #tpu.memory_space<hbm>>) target(%dma_start3A_363 : memref<128xi32, #tpu.memory_space<vmem>>) target_semaphore(%arg16 : memref<!tpu.dma_semaphore, #tpu.memory_space<semaphore_mem>>)
        } else {
        }
        %dma_start3A_199 = arith.constant 0 : i32
        %dma_start3A_200 = arith.constant 0 : i32
        %dma_start3A_201 = arith.constant 0 : i32
        %dma_start3A_202 = arith.constant 0 : i32
        %dma_start3A_203 = tpu.memref_slice %arg8[%dma_start3A_199, %dma_start3A_201, %dma_start3A_202] : memref<2x128x128xf32, #tpu.memory_space<vmem>> -> memref<1x128x128xf32, #tpu.memory_space<vmem>>
        %dma_start3A_204 = tpu.memref_squeeze %dma_start3A_203 : memref<1x128x128xf32, #tpu.memory_space<vmem>> -> memref<128x128xf32, #tpu.memory_space<vmem>>
        %dma_start3A_205 = arith.constant 0 : i32
        %dma_start3A_206 = tpu.memref_slice %arg7[%dma_start3A_200, %dma_start3A_205] : memref<4x128xi32, #tpu.memory_space<vmem>> -> memref<1x128xi32, #tpu.memory_space<vmem>>
        %dma_start3A_207 = tpu.memref_squeeze %dma_start3A_206 : memref<1x128xi32, #tpu.memory_space<vmem>> -> memref<128xi32, #tpu.memory_space<vmem>>
        %dma_start3A_208 = arith.constant 0 : i32
        %dma_start3A_209 = arith.constant 0 : i32
        %dma_start3A_210 = tpu.memref_slice %arg9[%dma_start3A_208, %dma_start3A_209] : memref<10240x128xf32, #tpu.memory_space<vmem_shared>> -> memref<10240x128xf32, #tpu.memory_space<vmem_shared>>
        tpu.enqueue_indirect_dma source(%dma_start3A_204 : memref<128x128xf32, #tpu.memory_space<vmem>>) target(%dma_start3A_210 : memref<10240x128xf32, #tpu.memory_space<vmem_shared>>) offsets(%dma_start3A_207 : memref<128xi32, #tpu.memory_space<vmem>>) semaphore(%arg12 : memref<!tpu.dma_semaphore, #tpu.memory_space<semaphore_mem>>) {add = true}
        %mul3A_211 = arith.constant 4 : i32
        %mul3A_212 = arith.muli %scan3A_168, %mul3A_211 : i32
        %add3A_213 = arith.constant 1 : i32
        %add3A_214 = arith.addi %mul3A_212, %add3A_213 : i32
        %add3A_215 = arith.constant 1 : i32
        %add3A_216 = arith.addi %add3A_214, %add3A_215 : i32
        %lt3A_217 = arith.constant 80 : i32
        %lt3A_218 = arith.cmpi slt, %add3A_216, %lt3A_217 : i32
        %convert_element_type3A_219 = arith.extui %lt3A_218 : i1 to i32
        %cond3A_220 = arith.constant 0 : i32
        %cond3A_221 = arith.cmpi ne, %convert_element_type3A_219, %cond3A_220 : i32
        scf.if %cond3A_221 {
          %add3A_338 = arith.addi %mul3A_42, %add3A_216 : i32
          %dma_wait3A_339 = arith.constant 2 : i32
          %dma_wait3A_340 = arith.constant 0 : i32
          %dma_wait3A_341 = tpu.memref_slice %arg6[%dma_wait3A_339, %dma_wait3A_340] : memref<4x128xi32, #tpu.memory_space<vmem>> -> memref<1x128xi32, #tpu.memory_space<vmem>>
          %dma_wait3A_342 = tpu.memref_squeeze %dma_wait3A_341 : memref<1x128xi32, #tpu.memory_space<vmem>> -> memref<128xi32, #tpu.memory_space<vmem>>
          %dma_wait3A_343 = arith.constant 0 : i32
          %dma_wait3A_344 = tpu.memref_slice %arg3[%add3A_338, %dma_wait3A_343] : memref<2560x128xi32, #tpu.memory_space<hbm>> -> memref<1x128xi32, #tpu.memory_space<hbm>>
          %dma_wait3A_345 = tpu.memref_squeeze %dma_wait3A_344 : memref<1x128xi32, #tpu.memory_space<hbm>> -> memref<128xi32, #tpu.memory_space<hbm>>
          %dma_wait3A_346 = arith.constant 0 : i32
          %dma_wait3A_347 = tpu.memref_slice %arg6[%dma_wait3A_339, %dma_wait3A_346] : memref<4x128xi32, #tpu.memory_space<vmem>> -> memref<1x128xi32, #tpu.memory_space<vmem>>
          %dma_wait3A_348 = tpu.memref_squeeze %dma_wait3A_347 : memref<1x128xi32, #tpu.memory_space<vmem>> -> memref<128xi32, #tpu.memory_space<vmem>>
          %dma_wait3A_349 = arith.constant 0 : i32
          %dma_wait3A_350 = tpu.memref_slice %arg3[%add3A_338, %dma_wait3A_349] : memref<2560x128xi32, #tpu.memory_space<hbm>> -> memref<1x128xi32, #tpu.memory_space<hbm>>
          %dma_wait3A_351 = tpu.memref_squeeze %dma_wait3A_350 : memref<1x128xi32, #tpu.memory_space<hbm>> -> memref<128xi32, #tpu.memory_space<hbm>>
          tpu.wait_dma2 semaphore(%arg16 : memref<!tpu.dma_semaphore, #tpu.memory_space<semaphore_mem>>) src(%dma_wait3A_351 : memref<128xi32, #tpu.memory_space<hbm>>) dst(%dma_wait3A_348 : memref<128xi32, #tpu.memory_space<vmem>>)
          %dma_wait3A_352 = arith.constant 2 : i32
          %dma_wait3A_353 = arith.constant 0 : i32
          %dma_wait3A_354 = tpu.memref_slice %arg7[%dma_wait3A_352, %dma_wait3A_353] : memref<4x128xi32, #tpu.memory_space<vmem>> -> memref<1x128xi32, #tpu.memory_space<vmem>>
          %dma_wait3A_355 = tpu.memref_squeeze %dma_wait3A_354 : memref<1x128xi32, #tpu.memory_space<vmem>> -> memref<128xi32, #tpu.memory_space<vmem>>
          %dma_wait3A_356 = arith.constant 0 : i32
          %dma_wait3A_357 = tpu.memref_slice %arg4[%add3A_338, %dma_wait3A_356] : memref<2560x128xi32, #tpu.memory_space<hbm>> -> memref<1x128xi32, #tpu.memory_space<hbm>>
          %dma_wait3A_358 = tpu.memref_squeeze %dma_wait3A_357 : memref<1x128xi32, #tpu.memory_space<hbm>> -> memref<128xi32, #tpu.memory_space<hbm>>
          %dma_wait3A_359 = arith.constant 0 : i32
          %dma_wait3A_360 = tpu.memref_slice %arg7[%dma_wait3A_352, %dma_wait3A_359] : memref<4x128xi32, #tpu.memory_space<vmem>> -> memref<1x128xi32, #tpu.memory_space<vmem>>
          %dma_wait3A_361 = tpu.memref_squeeze %dma_wait3A_360 : memref<1x128xi32, #tpu.memory_space<vmem>> -> memref<128xi32, #tpu.memory_space<vmem>>
          %dma_wait3A_362 = arith.constant 0 : i32
          %dma_wait3A_363 = tpu.memref_slice %arg4[%add3A_338, %dma_wait3A_362] : memref<2560x128xi32, #tpu.memory_space<hbm>> -> memref<1x128xi32, #tpu.memory_space<hbm>>
          %dma_wait3A_364 = tpu.memref_squeeze %dma_wait3A_363 : memref<1x128xi32, #tpu.memory_space<hbm>> -> memref<128xi32, #tpu.memory_space<hbm>>
          tpu.wait_dma2 semaphore(%arg16 : memref<!tpu.dma_semaphore, #tpu.memory_space<semaphore_mem>>) src(%dma_wait3A_364 : memref<128xi32, #tpu.memory_space<hbm>>) dst(%dma_wait3A_361 : memref<128xi32, #tpu.memory_space<vmem>>)
          %ge3A = arith.constant 1 : i32
          %ge3A_365 = arith.cmpi sge, %add3A_214, %ge3A : i32
          %convert_element_type3A_366 = arith.extui %ge3A_365 : i1 to i32
          %cond3A_367 = arith.constant 0 : i32
          %cond3A_368 = arith.cmpi ne, %convert_element_type3A_366, %cond3A_367 : i32
          scf.if %cond3A_368 {
            %dma_wait3A_381 = arith.constant 0 : i32
            %dma_wait3A_382 = arith.constant 0 : i32
            %dma_wait3A_383 = arith.constant 0 : i32
            %dma_wait3A_384 = arith.constant 0 : i32
            %dma_wait3A_385 = tpu.memref_slice %arg8[%dma_wait3A_381, %dma_wait3A_383, %dma_wait3A_384] : memref<2x128x128xf32, #tpu.memory_space<vmem>> -> memref<1x128x128xf32, #tpu.memory_space<vmem>>
            %dma_wait3A_386 = tpu.memref_squeeze %dma_wait3A_385 : memref<1x128x128xf32, #tpu.memory_space<vmem>> -> memref<128x128xf32, #tpu.memory_space<vmem>>
            %dma_wait3A_387 = arith.constant 0 : i32
            %dma_wait3A_388 = tpu.memref_slice %arg7[%dma_wait3A_382, %dma_wait3A_387] : memref<4x128xi32, #tpu.memory_space<vmem>> -> memref<1x128xi32, #tpu.memory_space<vmem>>
            %dma_wait3A_389 = tpu.memref_squeeze %dma_wait3A_388 : memref<1x128xi32, #tpu.memory_space<vmem>> -> memref<128xi32, #tpu.memory_space<vmem>>
            %dma_wait3A_390 = arith.constant 0 : i32
            %dma_wait3A_391 = arith.constant 0 : i32
            %dma_wait3A_392 = tpu.memref_slice %arg9[%dma_wait3A_390, %dma_wait3A_391] : memref<10240x128xf32, #tpu.memory_space<vmem_shared>> -> memref<10240x128xf32, #tpu.memory_space<vmem_shared>>
            tpu.wait_indirect_dma semaphore(%arg12 : memref<!tpu.dma_semaphore, #tpu.memory_space<semaphore_mem>>) src(%dma_wait3A_386 : memref<128x128xf32, #tpu.memory_space<vmem>>) dst(%dma_wait3A_392 : memref<10240x128xf32, #tpu.memory_space<vmem_shared>>)
          } else {
          }
          %dma_start3A_369 = arith.constant 2 : i32
          %dma_start3A_370 = arith.constant 0 : i32
          %dma_start3A_371 = arith.constant 0 : i32
          %dma_start3A_372 = arith.constant 0 : i32
          %dma_start3A_373 = tpu.memref_slice %arg8[%dma_start3A_370, %dma_start3A_371, %dma_start3A_372] : memref<2x128x128xf32, #tpu.memory_space<vmem>> -> memref<1x128x128xf32, #tpu.memory_space<vmem>>
          %dma_start3A_374 = tpu.memref_squeeze %dma_start3A_373 : memref<1x128x128xf32, #tpu.memory_space<vmem>> -> memref<128x128xf32, #tpu.memory_space<vmem>>
          %dma_start3A_375 = arith.constant 0 : i32
          %dma_start3A_376 = tpu.memref_slice %arg6[%dma_start3A_369, %dma_start3A_375] : memref<4x128xi32, #tpu.memory_space<vmem>> -> memref<1x128xi32, #tpu.memory_space<vmem>>
          %dma_start3A_377 = tpu.memref_squeeze %dma_start3A_376 : memref<1x128xi32, #tpu.memory_space<vmem>> -> memref<128xi32, #tpu.memory_space<vmem>>
          %dma_start3A_378 = arith.constant 0 : i32
          %dma_start3A_379 = arith.constant 0 : i32
          %dma_start3A_380 = tpu.memref_slice %arg2[%dma_start3A_378, %dma_start3A_379] : memref<10240x128xf32, #tpu.memory_space<hbm>> -> memref<10240x128xf32, #tpu.memory_space<hbm>>
          tpu.enqueue_indirect_dma source(%dma_start3A_380 : memref<10240x128xf32, #tpu.memory_space<hbm>>) target(%dma_start3A_374 : memref<128x128xf32, #tpu.memory_space<vmem>>) offsets(%dma_start3A_377 : memref<128xi32, #tpu.memory_space<vmem>>) semaphore(%arg10 : memref<!tpu.dma_semaphore, #tpu.memory_space<semaphore_mem>>)
        } else {
        }
        %dma_wait3A_222 = arith.constant 1 : i32
        %dma_wait3A_223 = arith.constant 1 : i32
        %dma_wait3A_224 = arith.constant 0 : i32
        %dma_wait3A_225 = arith.constant 0 : i32
        %dma_wait3A_226 = tpu.memref_slice %arg8[%dma_wait3A_223, %dma_wait3A_224, %dma_wait3A_225] : memref<2x128x128xf32, #tpu.memory_space<vmem>> -> memref<1x128x128xf32, #tpu.memory_space<vmem>>
        %dma_wait3A_227 = tpu.memref_squeeze %dma_wait3A_226 : memref<1x128x128xf32, #tpu.memory_space<vmem>> -> memref<128x128xf32, #tpu.memory_space<vmem>>
        %dma_wait3A_228 = arith.constant 0 : i32
        %dma_wait3A_229 = tpu.memref_slice %arg6[%dma_wait3A_222, %dma_wait3A_228] : memref<4x128xi32, #tpu.memory_space<vmem>> -> memref<1x128xi32, #tpu.memory_space<vmem>>
        %dma_wait3A_230 = tpu.memref_squeeze %dma_wait3A_229 : memref<1x128xi32, #tpu.memory_space<vmem>> -> memref<128xi32, #tpu.memory_space<vmem>>
        %dma_wait3A_231 = arith.constant 0 : i32
        %dma_wait3A_232 = arith.constant 0 : i32
        %dma_wait3A_233 = tpu.memref_slice %arg2[%dma_wait3A_231, %dma_wait3A_232] : memref<10240x128xf32, #tpu.memory_space<hbm>> -> memref<10240x128xf32, #tpu.memory_space<hbm>>
        tpu.wait_indirect_dma semaphore(%arg11 : memref<!tpu.dma_semaphore, #tpu.memory_space<semaphore_mem>>) src(%dma_wait3A_233 : memref<10240x128xf32, #tpu.memory_space<hbm>>) dst(%dma_wait3A_227 : memref<128x128xf32, #tpu.memory_space<vmem>>)
        %add3A_234 = arith.constant 2 : i32
        %add3A_235 = arith.addi %add3A_214, %add3A_234 : i32
        %lt3A_236 = arith.constant 80 : i32
        %lt3A_237 = arith.cmpi slt, %add3A_235, %lt3A_236 : i32
        %convert_element_type3A_238 = arith.extui %lt3A_237 : i1 to i32
        %cond3A_239 = arith.constant 0 : i32
        %cond3A_240 = arith.cmpi ne, %convert_element_type3A_238, %cond3A_239 : i32
        scf.if %cond3A_240 {
          %add3A_338 = arith.addi %mul3A_42, %add3A_214 : i32
          %add3A_339 = arith.constant 2 : i32
          %add3A_340 = arith.addi %add3A_338, %add3A_339 : i32
          %dma_start3A_341 = arith.constant 3 : i32
          %dma_start3A_342 = arith.constant 0 : i32
          %dma_start3A_343 = tpu.memref_slice %arg6[%dma_start3A_341, %dma_start3A_342] : memref<4x128xi32, #tpu.memory_space<vmem>> -> memref<1x128xi32, #tpu.memory_space<vmem>>
          %dma_start3A_344 = tpu.memref_squeeze %dma_start3A_343 : memref<1x128xi32, #tpu.memory_space<vmem>> -> memref<128xi32, #tpu.memory_space<vmem>>
          %dma_start3A_345 = arith.constant 0 : i32
          %dma_start3A_346 = tpu.memref_slice %arg3[%add3A_340, %dma_start3A_345] : memref<2560x128xi32, #tpu.memory_space<hbm>> -> memref<1x128xi32, #tpu.memory_space<hbm>>
          %dma_start3A_347 = tpu.memref_squeeze %dma_start3A_346 : memref<1x128xi32, #tpu.memory_space<hbm>> -> memref<128xi32, #tpu.memory_space<hbm>>
          %dma_start3A_348 = arith.constant 0 : i32
          %dma_start3A_349 = tpu.memref_slice %arg6[%dma_start3A_341, %dma_start3A_348] : memref<4x128xi32, #tpu.memory_space<vmem>> -> memref<1x128xi32, #tpu.memory_space<vmem>>
          %dma_start3A_350 = tpu.memref_squeeze %dma_start3A_349 : memref<1x128xi32, #tpu.memory_space<vmem>> -> memref<128xi32, #tpu.memory_space<vmem>>
          %dma_start3A_351 = arith.constant 0 : i32
          %dma_start3A_352 = tpu.memref_slice %arg3[%add3A_340, %dma_start3A_351] : memref<2560x128xi32, #tpu.memory_space<hbm>> -> memref<1x128xi32, #tpu.memory_space<hbm>>
          %dma_start3A_353 = tpu.memref_squeeze %dma_start3A_352 : memref<1x128xi32, #tpu.memory_space<hbm>> -> memref<128xi32, #tpu.memory_space<hbm>>
          tpu.enqueue_dma source(%dma_start3A_353 : memref<128xi32, #tpu.memory_space<hbm>>) target(%dma_start3A_350 : memref<128xi32, #tpu.memory_space<vmem>>) target_semaphore(%arg17 : memref<!tpu.dma_semaphore, #tpu.memory_space<semaphore_mem>>)
          %dma_start3A_354 = arith.constant 3 : i32
          %dma_start3A_355 = arith.constant 0 : i32
          %dma_start3A_356 = tpu.memref_slice %arg7[%dma_start3A_354, %dma_start3A_355] : memref<4x128xi32, #tpu.memory_space<vmem>> -> memref<1x128xi32, #tpu.memory_space<vmem>>
          %dma_start3A_357 = tpu.memref_squeeze %dma_start3A_356 : memref<1x128xi32, #tpu.memory_space<vmem>> -> memref<128xi32, #tpu.memory_space<vmem>>
          %dma_start3A_358 = arith.constant 0 : i32
          %dma_start3A_359 = tpu.memref_slice %arg4[%add3A_340, %dma_start3A_358] : memref<2560x128xi32, #tpu.memory_space<hbm>> -> memref<1x128xi32, #tpu.memory_space<hbm>>
          %dma_start3A_360 = tpu.memref_squeeze %dma_start3A_359 : memref<1x128xi32, #tpu.memory_space<hbm>> -> memref<128xi32, #tpu.memory_space<hbm>>
          %dma_start3A_361 = arith.constant 0 : i32
          %dma_start3A_362 = tpu.memref_slice %arg7[%dma_start3A_354, %dma_start3A_361] : memref<4x128xi32, #tpu.memory_space<vmem>> -> memref<1x128xi32, #tpu.memory_space<vmem>>
          %dma_start3A_363 = tpu.memref_squeeze %dma_start3A_362 : memref<1x128xi32, #tpu.memory_space<vmem>> -> memref<128xi32, #tpu.memory_space<vmem>>
          %dma_start3A_364 = arith.constant 0 : i32
          %dma_start3A_365 = tpu.memref_slice %arg4[%add3A_340, %dma_start3A_364] : memref<2560x128xi32, #tpu.memory_space<hbm>> -> memref<1x128xi32, #tpu.memory_space<hbm>>
          %dma_start3A_366 = tpu.memref_squeeze %dma_start3A_365 : memref<1x128xi32, #tpu.memory_space<hbm>> -> memref<128xi32, #tpu.memory_space<hbm>>
          tpu.enqueue_dma source(%dma_start3A_366 : memref<128xi32, #tpu.memory_space<hbm>>) target(%dma_start3A_363 : memref<128xi32, #tpu.memory_space<vmem>>) target_semaphore(%arg17 : memref<!tpu.dma_semaphore, #tpu.memory_space<semaphore_mem>>)
        } else {
        }
        %dma_start3A_241 = arith.constant 1 : i32
        %dma_start3A_242 = arith.constant 1 : i32
        %dma_start3A_243 = arith.constant 0 : i32
        %dma_start3A_244 = arith.constant 0 : i32
        %dma_start3A_245 = tpu.memref_slice %arg8[%dma_start3A_241, %dma_start3A_243, %dma_start3A_244] : memref<2x128x128xf32, #tpu.memory_space<vmem>> -> memref<1x128x128xf32, #tpu.memory_space<vmem>>
        %dma_start3A_246 = tpu.memref_squeeze %dma_start3A_245 : memref<1x128x128xf32, #tpu.memory_space<vmem>> -> memref<128x128xf32, #tpu.memory_space<vmem>>
        %dma_start3A_247 = arith.constant 0 : i32
        %dma_start3A_248 = tpu.memref_slice %arg7[%dma_start3A_242, %dma_start3A_247] : memref<4x128xi32, #tpu.memory_space<vmem>> -> memref<1x128xi32, #tpu.memory_space<vmem>>
        %dma_start3A_249 = tpu.memref_squeeze %dma_start3A_248 : memref<1x128xi32, #tpu.memory_space<vmem>> -> memref<128xi32, #tpu.memory_space<vmem>>
        %dma_start3A_250 = arith.constant 0 : i32
        %dma_start3A_251 = arith.constant 0 : i32
        %dma_start3A_252 = tpu.memref_slice %arg9[%dma_start3A_250, %dma_start3A_251] : memref<10240x128xf32, #tpu.memory_space<vmem_shared>> -> memref<10240x128xf32, #tpu.memory_space<vmem_shared>>
        tpu.enqueue_indirect_dma source(%dma_start3A_246 : memref<128x128xf32, #tpu.memory_space<vmem>>) target(%dma_start3A_252 : memref<10240x128xf32, #tpu.memory_space<vmem_shared>>) offsets(%dma_start3A_249 : memref<128xi32, #tpu.memory_space<vmem>>) semaphore(%arg13 : memref<!tpu.dma_semaphore, #tpu.memory_space<semaphore_mem>>) {add = true}
        %mul3A_253 = arith.constant 4 : i32
        %mul3A_254 = arith.muli %scan3A_168, %mul3A_253 : i32
        %add3A_255 = arith.constant 2 : i32
        %add3A_256 = arith.addi %mul3A_254, %add3A_255 : i32
        %add3A_257 = arith.constant 1 : i32
        %add3A_258 = arith.addi %add3A_256, %add3A_257 : i32
        %lt3A_259 = arith.constant 80 : i32
        %lt3A_260 = arith.cmpi slt, %add3A_258, %lt3A_259 : i32
        %convert_element_type3A_261 = arith.extui %lt3A_260 : i1 to i32
        %cond3A_262 = arith.constant 0 : i32
        %cond3A_263 = arith.cmpi ne, %convert_element_type3A_261, %cond3A_262 : i32
        scf.if %cond3A_263 {
          %add3A_338 = arith.addi %mul3A_42, %add3A_258 : i32
          %dma_wait3A_339 = arith.constant 3 : i32
          %dma_wait3A_340 = arith.constant 0 : i32
          %dma_wait3A_341 = tpu.memref_slice %arg6[%dma_wait3A_339, %dma_wait3A_340] : memref<4x128xi32, #tpu.memory_space<vmem>> -> memref<1x128xi32, #tpu.memory_space<vmem>>
          %dma_wait3A_342 = tpu.memref_squeeze %dma_wait3A_341 : memref<1x128xi32, #tpu.memory_space<vmem>> -> memref<128xi32, #tpu.memory_space<vmem>>
          %dma_wait3A_343 = arith.constant 0 : i32
          %dma_wait3A_344 = tpu.memref_slice %arg3[%add3A_338, %dma_wait3A_343] : memref<2560x128xi32, #tpu.memory_space<hbm>> -> memref<1x128xi32, #tpu.memory_space<hbm>>
          %dma_wait3A_345 = tpu.memref_squeeze %dma_wait3A_344 : memref<1x128xi32, #tpu.memory_space<hbm>> -> memref<128xi32, #tpu.memory_space<hbm>>
          %dma_wait3A_346 = arith.constant 0 : i32
          %dma_wait3A_347 = tpu.memref_slice %arg6[%dma_wait3A_339, %dma_wait3A_346] : memref<4x128xi32, #tpu.memory_space<vmem>> -> memref<1x128xi32, #tpu.memory_space<vmem>>
          %dma_wait3A_348 = tpu.memref_squeeze %dma_wait3A_347 : memref<1x128xi32, #tpu.memory_space<vmem>> -> memref<128xi32, #tpu.memory_space<vmem>>
          %dma_wait3A_349 = arith.constant 0 : i32
          %dma_wait3A_350 = tpu.memref_slice %arg3[%add3A_338, %dma_wait3A_349] : memref<2560x128xi32, #tpu.memory_space<hbm>> -> memref<1x128xi32, #tpu.memory_space<hbm>>
          %dma_wait3A_351 = tpu.memref_squeeze %dma_wait3A_350 : memref<1x128xi32, #tpu.memory_space<hbm>> -> memref<128xi32, #tpu.memory_space<hbm>>
          tpu.wait_dma2 semaphore(%arg17 : memref<!tpu.dma_semaphore, #tpu.memory_space<semaphore_mem>>) src(%dma_wait3A_351 : memref<128xi32, #tpu.memory_space<hbm>>) dst(%dma_wait3A_348 : memref<128xi32, #tpu.memory_space<vmem>>)
          %dma_wait3A_352 = arith.constant 3 : i32
          %dma_wait3A_353 = arith.constant 0 : i32
          %dma_wait3A_354 = tpu.memref_slice %arg7[%dma_wait3A_352, %dma_wait3A_353] : memref<4x128xi32, #tpu.memory_space<vmem>> -> memref<1x128xi32, #tpu.memory_space<vmem>>
          %dma_wait3A_355 = tpu.memref_squeeze %dma_wait3A_354 : memref<1x128xi32, #tpu.memory_space<vmem>> -> memref<128xi32, #tpu.memory_space<vmem>>
          %dma_wait3A_356 = arith.constant 0 : i32
          %dma_wait3A_357 = tpu.memref_slice %arg4[%add3A_338, %dma_wait3A_356] : memref<2560x128xi32, #tpu.memory_space<hbm>> -> memref<1x128xi32, #tpu.memory_space<hbm>>
          %dma_wait3A_358 = tpu.memref_squeeze %dma_wait3A_357 : memref<1x128xi32, #tpu.memory_space<hbm>> -> memref<128xi32, #tpu.memory_space<hbm>>
          %dma_wait3A_359 = arith.constant 0 : i32
          %dma_wait3A_360 = tpu.memref_slice %arg7[%dma_wait3A_352, %dma_wait3A_359] : memref<4x128xi32, #tpu.memory_space<vmem>> -> memref<1x128xi32, #tpu.memory_space<vmem>>
          %dma_wait3A_361 = tpu.memref_squeeze %dma_wait3A_360 : memref<1x128xi32, #tpu.memory_space<vmem>> -> memref<128xi32, #tpu.memory_space<vmem>>
          %dma_wait3A_362 = arith.constant 0 : i32
          %dma_wait3A_363 = tpu.memref_slice %arg4[%add3A_338, %dma_wait3A_362] : memref<2560x128xi32, #tpu.memory_space<hbm>> -> memref<1x128xi32, #tpu.memory_space<hbm>>
          %dma_wait3A_364 = tpu.memref_squeeze %dma_wait3A_363 : memref<1x128xi32, #tpu.memory_space<hbm>> -> memref<128xi32, #tpu.memory_space<hbm>>
          tpu.wait_dma2 semaphore(%arg17 : memref<!tpu.dma_semaphore, #tpu.memory_space<semaphore_mem>>) src(%dma_wait3A_364 : memref<128xi32, #tpu.memory_space<hbm>>) dst(%dma_wait3A_361 : memref<128xi32, #tpu.memory_space<vmem>>)
          %ge3A = arith.constant 1 : i32
          %ge3A_365 = arith.cmpi sge, %add3A_256, %ge3A : i32
          %convert_element_type3A_366 = arith.extui %ge3A_365 : i1 to i32
          %cond3A_367 = arith.constant 0 : i32
          %cond3A_368 = arith.cmpi ne, %convert_element_type3A_366, %cond3A_367 : i32
          scf.if %cond3A_368 {
            %dma_wait3A_381 = arith.constant 1 : i32
            %dma_wait3A_382 = arith.constant 1 : i32
            %dma_wait3A_383 = arith.constant 0 : i32
            %dma_wait3A_384 = arith.constant 0 : i32
            %dma_wait3A_385 = tpu.memref_slice %arg8[%dma_wait3A_381, %dma_wait3A_383, %dma_wait3A_384] : memref<2x128x128xf32, #tpu.memory_space<vmem>> -> memref<1x128x128xf32, #tpu.memory_space<vmem>>
            %dma_wait3A_386 = tpu.memref_squeeze %dma_wait3A_385 : memref<1x128x128xf32, #tpu.memory_space<vmem>> -> memref<128x128xf32, #tpu.memory_space<vmem>>
            %dma_wait3A_387 = arith.constant 0 : i32
            %dma_wait3A_388 = tpu.memref_slice %arg7[%dma_wait3A_382, %dma_wait3A_387] : memref<4x128xi32, #tpu.memory_space<vmem>> -> memref<1x128xi32, #tpu.memory_space<vmem>>
            %dma_wait3A_389 = tpu.memref_squeeze %dma_wait3A_388 : memref<1x128xi32, #tpu.memory_space<vmem>> -> memref<128xi32, #tpu.memory_space<vmem>>
            %dma_wait3A_390 = arith.constant 0 : i32
            %dma_wait3A_391 = arith.constant 0 : i32
            %dma_wait3A_392 = tpu.memref_slice %arg9[%dma_wait3A_390, %dma_wait3A_391] : memref<10240x128xf32, #tpu.memory_space<vmem_shared>> -> memref<10240x128xf32, #tpu.memory_space<vmem_shared>>
            tpu.wait_indirect_dma semaphore(%arg13 : memref<!tpu.dma_semaphore, #tpu.memory_space<semaphore_mem>>) src(%dma_wait3A_386 : memref<128x128xf32, #tpu.memory_space<vmem>>) dst(%dma_wait3A_392 : memref<10240x128xf32, #tpu.memory_space<vmem_shared>>)
          } else {
          }
          %dma_start3A_369 = arith.constant 3 : i32
          %dma_start3A_370 = arith.constant 1 : i32
          %dma_start3A_371 = arith.constant 0 : i32
          %dma_start3A_372 = arith.constant 0 : i32
          %dma_start3A_373 = tpu.memref_slice %arg8[%dma_start3A_370, %dma_start3A_371, %dma_start3A_372] : memref<2x128x128xf32, #tpu.memory_space<vmem>> -> memref<1x128x128xf32, #tpu.memory_space<vmem>>
          %dma_start3A_374 = tpu.memref_squeeze %dma_start3A_373 : memref<1x128x128xf32, #tpu.memory_space<vmem>> -> memref<128x128xf32, #tpu.memory_space<vmem>>
          %dma_start3A_375 = arith.constant 0 : i32
          %dma_start3A_376 = tpu.memref_slice %arg6[%dma_start3A_369, %dma_start3A_375] : memref<4x128xi32, #tpu.memory_space<vmem>> -> memref<1x128xi32, #tpu.memory_space<vmem>>
          %dma_start3A_377 = tpu.memref_squeeze %dma_start3A_376 : memref<1x128xi32, #tpu.memory_space<vmem>> -> memref<128xi32, #tpu.memory_space<vmem>>
          %dma_start3A_378 = arith.constant 0 : i32
          %dma_start3A_379 = arith.constant 0 : i32
          %dma_start3A_380 = tpu.memref_slice %arg2[%dma_start3A_378, %dma_start3A_379] : memref<10240x128xf32, #tpu.memory_space<hbm>> -> memref<10240x128xf32, #tpu.memory_space<hbm>>
          tpu.enqueue_indirect_dma source(%dma_start3A_380 : memref<10240x128xf32, #tpu.memory_space<hbm>>) target(%dma_start3A_374 : memref<128x128xf32, #tpu.memory_space<vmem>>) offsets(%dma_start3A_377 : memref<128xi32, #tpu.memory_space<vmem>>) semaphore(%arg11 : memref<!tpu.dma_semaphore, #tpu.memory_space<semaphore_mem>>)
        } else {
        }
        %dma_wait3A_264 = arith.constant 2 : i32
        %dma_wait3A_265 = arith.constant 0 : i32
        %dma_wait3A_266 = arith.constant 0 : i32
        %dma_wait3A_267 = arith.constant 0 : i32
        %dma_wait3A_268 = tpu.memref_slice %arg8[%dma_wait3A_265, %dma_wait3A_266, %dma_wait3A_267] : memref<2x128x128xf32, #tpu.memory_space<vmem>> -> memref<1x128x128xf32, #tpu.memory_space<vmem>>
        %dma_wait3A_269 = tpu.memref_squeeze %dma_wait3A_268 : memref<1x128x128xf32, #tpu.memory_space<vmem>> -> memref<128x128xf32, #tpu.memory_space<vmem>>
        %dma_wait3A_270 = arith.constant 0 : i32
        %dma_wait3A_271 = tpu.memref_slice %arg6[%dma_wait3A_264, %dma_wait3A_270] : memref<4x128xi32, #tpu.memory_space<vmem>> -> memref<1x128xi32, #tpu.memory_space<vmem>>
        %dma_wait3A_272 = tpu.memref_squeeze %dma_wait3A_271 : memref<1x128xi32, #tpu.memory_space<vmem>> -> memref<128xi32, #tpu.memory_space<vmem>>
        %dma_wait3A_273 = arith.constant 0 : i32
        %dma_wait3A_274 = arith.constant 0 : i32
        %dma_wait3A_275 = tpu.memref_slice %arg2[%dma_wait3A_273, %dma_wait3A_274] : memref<10240x128xf32, #tpu.memory_space<hbm>> -> memref<10240x128xf32, #tpu.memory_space<hbm>>
        tpu.wait_indirect_dma semaphore(%arg10 : memref<!tpu.dma_semaphore, #tpu.memory_space<semaphore_mem>>) src(%dma_wait3A_275 : memref<10240x128xf32, #tpu.memory_space<hbm>>) dst(%dma_wait3A_269 : memref<128x128xf32, #tpu.memory_space<vmem>>)
        %add3A_276 = arith.constant 2 : i32
        %add3A_277 = arith.addi %add3A_256, %add3A_276 : i32
        %lt3A_278 = arith.constant 80 : i32
        %lt3A_279 = arith.cmpi slt, %add3A_277, %lt3A_278 : i32
        %convert_element_type3A_280 = arith.extui %lt3A_279 : i1 to i32
        %cond3A_281 = arith.constant 0 : i32
        %cond3A_282 = arith.cmpi ne, %convert_element_type3A_280, %cond3A_281 : i32
        scf.if %cond3A_282 {
          %add3A_338 = arith.addi %mul3A_42, %add3A_256 : i32
          %add3A_339 = arith.constant 2 : i32
          %add3A_340 = arith.addi %add3A_338, %add3A_339 : i32
          %dma_start3A_341 = arith.constant 0 : i32
          %dma_start3A_342 = arith.constant 0 : i32
          %dma_start3A_343 = tpu.memref_slice %arg6[%dma_start3A_341, %dma_start3A_342] : memref<4x128xi32, #tpu.memory_space<vmem>> -> memref<1x128xi32, #tpu.memory_space<vmem>>
          %dma_start3A_344 = tpu.memref_squeeze %dma_start3A_343 : memref<1x128xi32, #tpu.memory_space<vmem>> -> memref<128xi32, #tpu.memory_space<vmem>>
          %dma_start3A_345 = arith.constant 0 : i32
          %dma_start3A_346 = tpu.memref_slice %arg3[%add3A_340, %dma_start3A_345] : memref<2560x128xi32, #tpu.memory_space<hbm>> -> memref<1x128xi32, #tpu.memory_space<hbm>>
          %dma_start3A_347 = tpu.memref_squeeze %dma_start3A_346 : memref<1x128xi32, #tpu.memory_space<hbm>> -> memref<128xi32, #tpu.memory_space<hbm>>
          %dma_start3A_348 = arith.constant 0 : i32
          %dma_start3A_349 = tpu.memref_slice %arg6[%dma_start3A_341, %dma_start3A_348] : memref<4x128xi32, #tpu.memory_space<vmem>> -> memref<1x128xi32, #tpu.memory_space<vmem>>
          %dma_start3A_350 = tpu.memref_squeeze %dma_start3A_349 : memref<1x128xi32, #tpu.memory_space<vmem>> -> memref<128xi32, #tpu.memory_space<vmem>>
          %dma_start3A_351 = arith.constant 0 : i32
          %dma_start3A_352 = tpu.memref_slice %arg3[%add3A_340, %dma_start3A_351] : memref<2560x128xi32, #tpu.memory_space<hbm>> -> memref<1x128xi32, #tpu.memory_space<hbm>>
          %dma_start3A_353 = tpu.memref_squeeze %dma_start3A_352 : memref<1x128xi32, #tpu.memory_space<hbm>> -> memref<128xi32, #tpu.memory_space<hbm>>
          tpu.enqueue_dma source(%dma_start3A_353 : memref<128xi32, #tpu.memory_space<hbm>>) target(%dma_start3A_350 : memref<128xi32, #tpu.memory_space<vmem>>) target_semaphore(%arg14 : memref<!tpu.dma_semaphore, #tpu.memory_space<semaphore_mem>>)
          %dma_start3A_354 = arith.constant 0 : i32
          %dma_start3A_355 = arith.constant 0 : i32
          %dma_start3A_356 = tpu.memref_slice %arg7[%dma_start3A_354, %dma_start3A_355] : memref<4x128xi32, #tpu.memory_space<vmem>> -> memref<1x128xi32, #tpu.memory_space<vmem>>
          %dma_start3A_357 = tpu.memref_squeeze %dma_start3A_356 : memref<1x128xi32, #tpu.memory_space<vmem>> -> memref<128xi32, #tpu.memory_space<vmem>>
          %dma_start3A_358 = arith.constant 0 : i32
          %dma_start3A_359 = tpu.memref_slice %arg4[%add3A_340, %dma_start3A_358] : memref<2560x128xi32, #tpu.memory_space<hbm>> -> memref<1x128xi32, #tpu.memory_space<hbm>>
          %dma_start3A_360 = tpu.memref_squeeze %dma_start3A_359 : memref<1x128xi32, #tpu.memory_space<hbm>> -> memref<128xi32, #tpu.memory_space<hbm>>
          %dma_start3A_361 = arith.constant 0 : i32
          %dma_start3A_362 = tpu.memref_slice %arg7[%dma_start3A_354, %dma_start3A_361] : memref<4x128xi32, #tpu.memory_space<vmem>> -> memref<1x128xi32, #tpu.memory_space<vmem>>
          %dma_start3A_363 = tpu.memref_squeeze %dma_start3A_362 : memref<1x128xi32, #tpu.memory_space<vmem>> -> memref<128xi32, #tpu.memory_space<vmem>>
          %dma_start3A_364 = arith.constant 0 : i32
          %dma_start3A_365 = tpu.memref_slice %arg4[%add3A_340, %dma_start3A_364] : memref<2560x128xi32, #tpu.memory_space<hbm>> -> memref<1x128xi32, #tpu.memory_space<hbm>>
          %dma_start3A_366 = tpu.memref_squeeze %dma_start3A_365 : memref<1x128xi32, #tpu.memory_space<hbm>> -> memref<128xi32, #tpu.memory_space<hbm>>
          tpu.enqueue_dma source(%dma_start3A_366 : memref<128xi32, #tpu.memory_space<hbm>>) target(%dma_start3A_363 : memref<128xi32, #tpu.memory_space<vmem>>) target_semaphore(%arg14 : memref<!tpu.dma_semaphore, #tpu.memory_space<semaphore_mem>>)
        } else {
        }
        %dma_start3A_283 = arith.constant 0 : i32
        %dma_start3A_284 = arith.constant 2 : i32
        %dma_start3A_285 = arith.constant 0 : i32
        %dma_start3A_286 = arith.constant 0 : i32
        %dma_start3A_287 = tpu.memref_slice %arg8[%dma_start3A_283, %dma_start3A_285, %dma_start3A_286] : memref<2x128x128xf32, #tpu.memory_space<vmem>> -> memref<1x128x128xf32, #tpu.memory_space<vmem>>
        %dma_start3A_288 = tpu.memref_squeeze %dma_start3A_287 : memref<1x128x128xf32, #tpu.memory_space<vmem>> -> memref<128x128xf32, #tpu.memory_space<vmem>>
        %dma_start3A_289 = arith.constant 0 : i32
        %dma_start3A_290 = tpu.memref_slice %arg7[%dma_start3A_284, %dma_start3A_289] : memref<4x128xi32, #tpu.memory_space<vmem>> -> memref<1x128xi32, #tpu.memory_space<vmem>>
        %dma_start3A_291 = tpu.memref_squeeze %dma_start3A_290 : memref<1x128xi32, #tpu.memory_space<vmem>> -> memref<128xi32, #tpu.memory_space<vmem>>
        %dma_start3A_292 = arith.constant 0 : i32
        %dma_start3A_293 = arith.constant 0 : i32
        %dma_start3A_294 = tpu.memref_slice %arg9[%dma_start3A_292, %dma_start3A_293] : memref<10240x128xf32, #tpu.memory_space<vmem_shared>> -> memref<10240x128xf32, #tpu.memory_space<vmem_shared>>
        tpu.enqueue_indirect_dma source(%dma_start3A_288 : memref<128x128xf32, #tpu.memory_space<vmem>>) target(%dma_start3A_294 : memref<10240x128xf32, #tpu.memory_space<vmem_shared>>) offsets(%dma_start3A_291 : memref<128xi32, #tpu.memory_space<vmem>>) semaphore(%arg12 : memref<!tpu.dma_semaphore, #tpu.memory_space<semaphore_mem>>) {add = true}
        %mul3A_295 = arith.constant 4 : i32
        %mul3A_296 = arith.muli %scan3A_168, %mul3A_295 : i32
        %add3A_297 = arith.constant 3 : i32
        %add3A_298 = arith.addi %mul3A_296, %add3A_297 : i32
        %add3A_299 = arith.constant 1 : i32
        %add3A_300 = arith.addi %add3A_298, %add3A_299 : i32
        %lt3A_301 = arith.constant 80 : i32
        %lt3A_302 = arith.cmpi slt, %add3A_300, %lt3A_301 : i32
        %convert_element_type3A_303 = arith.extui %lt3A_302 : i1 to i32
        %cond3A_304 = arith.constant 0 : i32
        %cond3A_305 = arith.cmpi ne, %convert_element_type3A_303, %cond3A_304 : i32
        scf.if %cond3A_305 {
          %add3A_338 = arith.addi %mul3A_42, %add3A_300 : i32
          %dma_wait3A_339 = arith.constant 0 : i32
          %dma_wait3A_340 = arith.constant 0 : i32
          %dma_wait3A_341 = tpu.memref_slice %arg6[%dma_wait3A_339, %dma_wait3A_340] : memref<4x128xi32, #tpu.memory_space<vmem>> -> memref<1x128xi32, #tpu.memory_space<vmem>>
          %dma_wait3A_342 = tpu.memref_squeeze %dma_wait3A_341 : memref<1x128xi32, #tpu.memory_space<vmem>> -> memref<128xi32, #tpu.memory_space<vmem>>
          %dma_wait3A_343 = arith.constant 0 : i32
          %dma_wait3A_344 = tpu.memref_slice %arg3[%add3A_338, %dma_wait3A_343] : memref<2560x128xi32, #tpu.memory_space<hbm>> -> memref<1x128xi32, #tpu.memory_space<hbm>>
          %dma_wait3A_345 = tpu.memref_squeeze %dma_wait3A_344 : memref<1x128xi32, #tpu.memory_space<hbm>> -> memref<128xi32, #tpu.memory_space<hbm>>
          %dma_wait3A_346 = arith.constant 0 : i32
          %dma_wait3A_347 = tpu.memref_slice %arg6[%dma_wait3A_339, %dma_wait3A_346] : memref<4x128xi32, #tpu.memory_space<vmem>> -> memref<1x128xi32, #tpu.memory_space<vmem>>
          %dma_wait3A_348 = tpu.memref_squeeze %dma_wait3A_347 : memref<1x128xi32, #tpu.memory_space<vmem>> -> memref<128xi32, #tpu.memory_space<vmem>>
          %dma_wait3A_349 = arith.constant 0 : i32
          %dma_wait3A_350 = tpu.memref_slice %arg3[%add3A_338, %dma_wait3A_349] : memref<2560x128xi32, #tpu.memory_space<hbm>> -> memref<1x128xi32, #tpu.memory_space<hbm>>
          %dma_wait3A_351 = tpu.memref_squeeze %dma_wait3A_350 : memref<1x128xi32, #tpu.memory_space<hbm>> -> memref<128xi32, #tpu.memory_space<hbm>>
          tpu.wait_dma2 semaphore(%arg14 : memref<!tpu.dma_semaphore, #tpu.memory_space<semaphore_mem>>) src(%dma_wait3A_351 : memref<128xi32, #tpu.memory_space<hbm>>) dst(%dma_wait3A_348 : memref<128xi32, #tpu.memory_space<vmem>>)
          %dma_wait3A_352 = arith.constant 0 : i32
          %dma_wait3A_353 = arith.constant 0 : i32
          %dma_wait3A_354 = tpu.memref_slice %arg7[%dma_wait3A_352, %dma_wait3A_353] : memref<4x128xi32, #tpu.memory_space<vmem>> -> memref<1x128xi32, #tpu.memory_space<vmem>>
          %dma_wait3A_355 = tpu.memref_squeeze %dma_wait3A_354 : memref<1x128xi32, #tpu.memory_space<vmem>> -> memref<128xi32, #tpu.memory_space<vmem>>
          %dma_wait3A_356 = arith.constant 0 : i32
          %dma_wait3A_357 = tpu.memref_slice %arg4[%add3A_338, %dma_wait3A_356] : memref<2560x128xi32, #tpu.memory_space<hbm>> -> memref<1x128xi32, #tpu.memory_space<hbm>>
          %dma_wait3A_358 = tpu.memref_squeeze %dma_wait3A_357 : memref<1x128xi32, #tpu.memory_space<hbm>> -> memref<128xi32, #tpu.memory_space<hbm>>
          %dma_wait3A_359 = arith.constant 0 : i32
          %dma_wait3A_360 = tpu.memref_slice %arg7[%dma_wait3A_352, %dma_wait3A_359] : memref<4x128xi32, #tpu.memory_space<vmem>> -> memref<1x128xi32, #tpu.memory_space<vmem>>
          %dma_wait3A_361 = tpu.memref_squeeze %dma_wait3A_360 : memref<1x128xi32, #tpu.memory_space<vmem>> -> memref<128xi32, #tpu.memory_space<vmem>>
          %dma_wait3A_362 = arith.constant 0 : i32
          %dma_wait3A_363 = tpu.memref_slice %arg4[%add3A_338, %dma_wait3A_362] : memref<2560x128xi32, #tpu.memory_space<hbm>> -> memref<1x128xi32, #tpu.memory_space<hbm>>
          %dma_wait3A_364 = tpu.memref_squeeze %dma_wait3A_363 : memref<1x128xi32, #tpu.memory_space<hbm>> -> memref<128xi32, #tpu.memory_space<hbm>>
          tpu.wait_dma2 semaphore(%arg14 : memref<!tpu.dma_semaphore, #tpu.memory_space<semaphore_mem>>) src(%dma_wait3A_364 : memref<128xi32, #tpu.memory_space<hbm>>) dst(%dma_wait3A_361 : memref<128xi32, #tpu.memory_space<vmem>>)
          %ge3A = arith.constant 1 : i32
          %ge3A_365 = arith.cmpi sge, %add3A_298, %ge3A : i32
          %convert_element_type3A_366 = arith.extui %ge3A_365 : i1 to i32
          %cond3A_367 = arith.constant 0 : i32
          %cond3A_368 = arith.cmpi ne, %convert_element_type3A_366, %cond3A_367 : i32
          scf.if %cond3A_368 {
            %dma_wait3A_381 = arith.constant 0 : i32
            %dma_wait3A_382 = arith.constant 2 : i32
            %dma_wait3A_383 = arith.constant 0 : i32
            %dma_wait3A_384 = arith.constant 0 : i32
            %dma_wait3A_385 = tpu.memref_slice %arg8[%dma_wait3A_381, %dma_wait3A_383, %dma_wait3A_384] : memref<2x128x128xf32, #tpu.memory_space<vmem>> -> memref<1x128x128xf32, #tpu.memory_space<vmem>>
            %dma_wait3A_386 = tpu.memref_squeeze %dma_wait3A_385 : memref<1x128x128xf32, #tpu.memory_space<vmem>> -> memref<128x128xf32, #tpu.memory_space<vmem>>
            %dma_wait3A_387 = arith.constant 0 : i32
            %dma_wait3A_388 = tpu.memref_slice %arg7[%dma_wait3A_382, %dma_wait3A_387] : memref<4x128xi32, #tpu.memory_space<vmem>> -> memref<1x128xi32, #tpu.memory_space<vmem>>
            %dma_wait3A_389 = tpu.memref_squeeze %dma_wait3A_388 : memref<1x128xi32, #tpu.memory_space<vmem>> -> memref<128xi32, #tpu.memory_space<vmem>>
            %dma_wait3A_390 = arith.constant 0 : i32
            %dma_wait3A_391 = arith.constant 0 : i32
            %dma_wait3A_392 = tpu.memref_slice %arg9[%dma_wait3A_390, %dma_wait3A_391] : memref<10240x128xf32, #tpu.memory_space<vmem_shared>> -> memref<10240x128xf32, #tpu.memory_space<vmem_shared>>
            tpu.wait_indirect_dma semaphore(%arg12 : memref<!tpu.dma_semaphore, #tpu.memory_space<semaphore_mem>>) src(%dma_wait3A_386 : memref<128x128xf32, #tpu.memory_space<vmem>>) dst(%dma_wait3A_392 : memref<10240x128xf32, #tpu.memory_space<vmem_shared>>)
          } else {
          }
          %dma_start3A_369 = arith.constant 0 : i32
          %dma_start3A_370 = arith.constant 0 : i32
          %dma_start3A_371 = arith.constant 0 : i32
          %dma_start3A_372 = arith.constant 0 : i32
          %dma_start3A_373 = tpu.memref_slice %arg8[%dma_start3A_370, %dma_start3A_371, %dma_start3A_372] : memref<2x128x128xf32, #tpu.memory_space<vmem>> -> memref<1x128x128xf32, #tpu.memory_space<vmem>>
          %dma_start3A_374 = tpu.memref_squeeze %dma_start3A_373 : memref<1x128x128xf32, #tpu.memory_space<vmem>> -> memref<128x128xf32, #tpu.memory_space<vmem>>
          %dma_start3A_375 = arith.constant 0 : i32
          %dma_start3A_376 = tpu.memref_slice %arg6[%dma_start3A_369, %dma_start3A_375] : memref<4x128xi32, #tpu.memory_space<vmem>> -> memref<1x128xi32, #tpu.memory_space<vmem>>
          %dma_start3A_377 = tpu.memref_squeeze %dma_start3A_376 : memref<1x128xi32, #tpu.memory_space<vmem>> -> memref<128xi32, #tpu.memory_space<vmem>>
          %dma_start3A_378 = arith.constant 0 : i32
          %dma_start3A_379 = arith.constant 0 : i32
          %dma_start3A_380 = tpu.memref_slice %arg2[%dma_start3A_378, %dma_start3A_379] : memref<10240x128xf32, #tpu.memory_space<hbm>> -> memref<10240x128xf32, #tpu.memory_space<hbm>>
          tpu.enqueue_indirect_dma source(%dma_start3A_380 : memref<10240x128xf32, #tpu.memory_space<hbm>>) target(%dma_start3A_374 : memref<128x128xf32, #tpu.memory_space<vmem>>) offsets(%dma_start3A_377 : memref<128xi32, #tpu.memory_space<vmem>>) semaphore(%arg10 : memref<!tpu.dma_semaphore, #tpu.memory_space<semaphore_mem>>)
        } else {
        }
        %dma_wait3A_306 = arith.constant 3 : i32
        %dma_wait3A_307 = arith.constant 1 : i32
        %dma_wait3A_308 = arith.constant 0 : i32
        %dma_wait3A_309 = arith.constant 0 : i32
        %dma_wait3A_310 = tpu.memref_slice %arg8[%dma_wait3A_307, %dma_wait3A_308, %dma_wait3A_309] : memref<2x128x128xf32, #tpu.memory_space<vmem>> -> memref<1x128x128xf32, #tpu.memory_space<vmem>>
        %dma_wait3A_311 = tpu.memref_squeeze %dma_wait3A_310 : memref<1x128x128xf32, #tpu.memory_space<vmem>> -> memref<128x128xf32, #tpu.memory_space<vmem>>
        %dma_wait3A_312 = arith.constant 0 : i32
        %dma_wait3A_313 = tpu.memref_slice %arg6[%dma_wait3A_306, %dma_wait3A_312] : memref<4x128xi32, #tpu.memory_space<vmem>> -> memref<1x128xi32, #tpu.memory_space<vmem>>
        %dma_wait3A_314 = tpu.memref_squeeze %dma_wait3A_313 : memref<1x128xi32, #tpu.memory_space<vmem>> -> memref<128xi32, #tpu.memory_space<vmem>>
        %dma_wait3A_315 = arith.constant 0 : i32
        %dma_wait3A_316 = arith.constant 0 : i32
        %dma_wait3A_317 = tpu.memref_slice %arg2[%dma_wait3A_315, %dma_wait3A_316] : memref<10240x128xf32, #tpu.memory_space<hbm>> -> memref<10240x128xf32, #tpu.memory_space<hbm>>
        tpu.wait_indirect_dma semaphore(%arg11 : memref<!tpu.dma_semaphore, #tpu.memory_space<semaphore_mem>>) src(%dma_wait3A_317 : memref<10240x128xf32, #tpu.memory_space<hbm>>) dst(%dma_wait3A_311 : memref<128x128xf32, #tpu.memory_space<vmem>>)
        %add3A_318 = arith.constant 2 : i32
        %add3A_319 = arith.addi %add3A_298, %add3A_318 : i32
        %lt3A_320 = arith.constant 80 : i32
        %lt3A_321 = arith.cmpi slt, %add3A_319, %lt3A_320 : i32
        %convert_element_type3A_322 = arith.extui %lt3A_321 : i1 to i32
        %cond3A_323 = arith.constant 0 : i32
        %cond3A_324 = arith.cmpi ne, %convert_element_type3A_322, %cond3A_323 : i32
        scf.if %cond3A_324 {
          %add3A_338 = arith.addi %mul3A_42, %add3A_298 : i32
          %add3A_339 = arith.constant 2 : i32
          %add3A_340 = arith.addi %add3A_338, %add3A_339 : i32
          %dma_start3A_341 = arith.constant 1 : i32
          %dma_start3A_342 = arith.constant 0 : i32
          %dma_start3A_343 = tpu.memref_slice %arg6[%dma_start3A_341, %dma_start3A_342] : memref<4x128xi32, #tpu.memory_space<vmem>> -> memref<1x128xi32, #tpu.memory_space<vmem>>
          %dma_start3A_344 = tpu.memref_squeeze %dma_start3A_343 : memref<1x128xi32, #tpu.memory_space<vmem>> -> memref<128xi32, #tpu.memory_space<vmem>>
          %dma_start3A_345 = arith.constant 0 : i32
          %dma_start3A_346 = tpu.memref_slice %arg3[%add3A_340, %dma_start3A_345] : memref<2560x128xi32, #tpu.memory_space<hbm>> -> memref<1x128xi32, #tpu.memory_space<hbm>>
          %dma_start3A_347 = tpu.memref_squeeze %dma_start3A_346 : memref<1x128xi32, #tpu.memory_space<hbm>> -> memref<128xi32, #tpu.memory_space<hbm>>
          %dma_start3A_348 = arith.constant 0 : i32
          %dma_start3A_349 = tpu.memref_slice %arg6[%dma_start3A_341, %dma_start3A_348] : memref<4x128xi32, #tpu.memory_space<vmem>> -> memref<1x128xi32, #tpu.memory_space<vmem>>
          %dma_start3A_350 = tpu.memref_squeeze %dma_start3A_349 : memref<1x128xi32, #tpu.memory_space<vmem>> -> memref<128xi32, #tpu.memory_space<vmem>>
          %dma_start3A_351 = arith.constant 0 : i32
          %dma_start3A_352 = tpu.memref_slice %arg3[%add3A_340, %dma_start3A_351] : memref<2560x128xi32, #tpu.memory_space<hbm>> -> memref<1x128xi32, #tpu.memory_space<hbm>>
          %dma_start3A_353 = tpu.memref_squeeze %dma_start3A_352 : memref<1x128xi32, #tpu.memory_space<hbm>> -> memref<128xi32, #tpu.memory_space<hbm>>
          tpu.enqueue_dma source(%dma_start3A_353 : memref<128xi32, #tpu.memory_space<hbm>>) target(%dma_start3A_350 : memref<128xi32, #tpu.memory_space<vmem>>) target_semaphore(%arg15 : memref<!tpu.dma_semaphore, #tpu.memory_space<semaphore_mem>>)
          %dma_start3A_354 = arith.constant 1 : i32
          %dma_start3A_355 = arith.constant 0 : i32
          %dma_start3A_356 = tpu.memref_slice %arg7[%dma_start3A_354, %dma_start3A_355] : memref<4x128xi32, #tpu.memory_space<vmem>> -> memref<1x128xi32, #tpu.memory_space<vmem>>
          %dma_start3A_357 = tpu.memref_squeeze %dma_start3A_356 : memref<1x128xi32, #tpu.memory_space<vmem>> -> memref<128xi32, #tpu.memory_space<vmem>>
          %dma_start3A_358 = arith.constant 0 : i32
          %dma_start3A_359 = tpu.memref_slice %arg4[%add3A_340, %dma_start3A_358] : memref<2560x128xi32, #tpu.memory_space<hbm>> -> memref<1x128xi32, #tpu.memory_space<hbm>>
          %dma_start3A_360 = tpu.memref_squeeze %dma_start3A_359 : memref<1x128xi32, #tpu.memory_space<hbm>> -> memref<128xi32, #tpu.memory_space<hbm>>
          %dma_start3A_361 = arith.constant 0 : i32
          %dma_start3A_362 = tpu.memref_slice %arg7[%dma_start3A_354, %dma_start3A_361] : memref<4x128xi32, #tpu.memory_space<vmem>> -> memref<1x128xi32, #tpu.memory_space<vmem>>
          %dma_start3A_363 = tpu.memref_squeeze %dma_start3A_362 : memref<1x128xi32, #tpu.memory_space<vmem>> -> memref<128xi32, #tpu.memory_space<vmem>>
          %dma_start3A_364 = arith.constant 0 : i32
          %dma_start3A_365 = tpu.memref_slice %arg4[%add3A_340, %dma_start3A_364] : memref<2560x128xi32, #tpu.memory_space<hbm>> -> memref<1x128xi32, #tpu.memory_space<hbm>>
          %dma_start3A_366 = tpu.memref_squeeze %dma_start3A_365 : memref<1x128xi32, #tpu.memory_space<hbm>> -> memref<128xi32, #tpu.memory_space<hbm>>
          tpu.enqueue_dma source(%dma_start3A_366 : memref<128xi32, #tpu.memory_space<hbm>>) target(%dma_start3A_363 : memref<128xi32, #tpu.memory_space<vmem>>) target_semaphore(%arg15 : memref<!tpu.dma_semaphore, #tpu.memory_space<semaphore_mem>>)
        } else {
        }
        %dma_start3A_325 = arith.constant 1 : i32
        %dma_start3A_326 = arith.constant 3 : i32
        %dma_start3A_327 = arith.constant 0 : i32
        %dma_start3A_328 = arith.constant 0 : i32
        %dma_start3A_329 = tpu.memref_slice %arg8[%dma_start3A_325, %dma_start3A_327, %dma_start3A_328] : memref<2x128x128xf32, #tpu.memory_space<vmem>> -> memref<1x128x128xf32, #tpu.memory_space<vmem>>
        %dma_start3A_330 = tpu.memref_squeeze %dma_start3A_329 : memref<1x128x128xf32, #tpu.memory_space<vmem>> -> memref<128x128xf32, #tpu.memory_space<vmem>>
        %dma_start3A_331 = arith.constant 0 : i32
        %dma_start3A_332 = tpu.memref_slice %arg7[%dma_start3A_326, %dma_start3A_331] : memref<4x128xi32, #tpu.memory_space<vmem>> -> memref<1x128xi32, #tpu.memory_space<vmem>>
        %dma_start3A_333 = tpu.memref_squeeze %dma_start3A_332 : memref<1x128xi32, #tpu.memory_space<vmem>> -> memref<128xi32, #tpu.memory_space<vmem>>
        %dma_start3A_334 = arith.constant 0 : i32
        %dma_start3A_335 = arith.constant 0 : i32
        %dma_start3A_336 = tpu.memref_slice %arg9[%dma_start3A_334, %dma_start3A_335] : memref<10240x128xf32, #tpu.memory_space<vmem_shared>> -> memref<10240x128xf32, #tpu.memory_space<vmem_shared>>
        tpu.enqueue_indirect_dma source(%dma_start3A_330 : memref<128x128xf32, #tpu.memory_space<vmem>>) target(%dma_start3A_336 : memref<10240x128xf32, #tpu.memory_space<vmem_shared>>) offsets(%dma_start3A_333 : memref<128xi32, #tpu.memory_space<vmem>>) semaphore(%arg13 : memref<!tpu.dma_semaphore, #tpu.memory_space<semaphore_mem>>) {add = true}
        %scan3A_337 = arith.constant 0 : i32
        scf.yield %scan3A_337 : i32
      }
      %scan3A_143 = arith.constant 20 : i32
      %dma_wait3A_144 = arith.constant 0 : i32
      %dma_wait3A_145 = arith.constant 2 : i32
      %dma_wait3A_146 = arith.constant 0 : i32
      %dma_wait3A_147 = arith.constant 0 : i32
      %dma_wait3A_148 = tpu.memref_slice %arg8[%dma_wait3A_144, %dma_wait3A_146, %dma_wait3A_147] : memref<2x128x128xf32, #tpu.memory_space<vmem>> -> memref<1x128x128xf32, #tpu.memory_space<vmem>>
      %dma_wait3A_149 = tpu.memref_squeeze %dma_wait3A_148 : memref<1x128x128xf32, #tpu.memory_space<vmem>> -> memref<128x128xf32, #tpu.memory_space<vmem>>
      %dma_wait3A_150 = arith.constant 0 : i32
      %dma_wait3A_151 = tpu.memref_slice %arg7[%dma_wait3A_145, %dma_wait3A_150] : memref<4x128xi32, #tpu.memory_space<vmem>> -> memref<1x128xi32, #tpu.memory_space<vmem>>
      %dma_wait3A_152 = tpu.memref_squeeze %dma_wait3A_151 : memref<1x128xi32, #tpu.memory_space<vmem>> -> memref<128xi32, #tpu.memory_space<vmem>>
      %dma_wait3A_153 = arith.constant 0 : i32
      %dma_wait3A_154 = arith.constant 0 : i32
      %dma_wait3A_155 = tpu.memref_slice %arg9[%dma_wait3A_153, %dma_wait3A_154] : memref<10240x128xf32, #tpu.memory_space<vmem_shared>> -> memref<10240x128xf32, #tpu.memory_space<vmem_shared>>
      tpu.wait_indirect_dma semaphore(%arg12 : memref<!tpu.dma_semaphore, #tpu.memory_space<semaphore_mem>>) src(%dma_wait3A_149 : memref<128x128xf32, #tpu.memory_space<vmem>>) dst(%dma_wait3A_155 : memref<10240x128xf32, #tpu.memory_space<vmem_shared>>)
      %dma_wait3A_156 = arith.constant 1 : i32
      %dma_wait3A_157 = arith.constant 3 : i32
      %dma_wait3A_158 = arith.constant 0 : i32
      %dma_wait3A_159 = arith.constant 0 : i32
      %dma_wait3A_160 = tpu.memref_slice %arg8[%dma_wait3A_156, %dma_wait3A_158, %dma_wait3A_159] : memref<2x128x128xf32, #tpu.memory_space<vmem>> -> memref<1x128x128xf32, #tpu.memory_space<vmem>>
      %dma_wait3A_161 = tpu.memref_squeeze %dma_wait3A_160 : memref<1x128x128xf32, #tpu.memory_space<vmem>> -> memref<128x128xf32, #tpu.memory_space<vmem>>
      %dma_wait3A_162 = arith.constant 0 : i32
      %dma_wait3A_163 = tpu.memref_slice %arg7[%dma_wait3A_157, %dma_wait3A_162] : memref<4x128xi32, #tpu.memory_space<vmem>> -> memref<1x128xi32, #tpu.memory_space<vmem>>
      %dma_wait3A_164 = tpu.memref_squeeze %dma_wait3A_163 : memref<1x128xi32, #tpu.memory_space<vmem>> -> memref<128xi32, #tpu.memory_space<vmem>>
      %dma_wait3A_165 = arith.constant 0 : i32
      %dma_wait3A_166 = arith.constant 0 : i32
      %dma_wait3A_167 = tpu.memref_slice %arg9[%dma_wait3A_165, %dma_wait3A_166] : memref<10240x128xf32, #tpu.memory_space<vmem_shared>> -> memref<10240x128xf32, #tpu.memory_space<vmem_shared>>
      tpu.wait_indirect_dma semaphore(%arg13 : memref<!tpu.dma_semaphore, #tpu.memory_space<semaphore_mem>>) src(%dma_wait3A_161 : memref<128x128xf32, #tpu.memory_space<vmem>>) dst(%dma_wait3A_167 : memref<10240x128xf32, #tpu.memory_space<vmem_shared>>)
    } else {
    }
    %eq3A_31 = arith.constant 1 : i32
    %eq3A_32 = arith.cmpi eq, %arg0, %eq3A_31 : i32
    %convert_element_type3A_33 = arith.extui %eq3A_32 : i1 to i32
    %cond3A_34 = arith.constant 0 : i32
    %cond3A_35 = arith.cmpi ne, %convert_element_type3A_33, %cond3A_34 : i32
    scf.if %cond3A_35 {
      %mul3A_41 = arith.constant 80 : i32
      %mul3A_42 = arith.muli %arg1, %mul3A_41 : i32
      %add3A_43 = arith.constant 1280 : i32
      %add3A_44 = arith.addi %add3A_43, %mul3A_42 : i32
      %add3A_45 = arith.constant 0 : i32
      %add3A_46 = arith.addi %add3A_44, %add3A_45 : i32
      %dma_start3A = arith.constant 0 : i32
      %dma_start3A_47 = arith.constant 0 : i32
      %dma_start3A_48 = tpu.memref_slice %arg6[%dma_start3A, %dma_start3A_47] : memref<4x128xi32, #tpu.memory_space<vmem>> -> memref<1x128xi32, #tpu.memory_space<vmem>>
      %dma_start3A_49 = tpu.memref_squeeze %dma_start3A_48 : memref<1x128xi32, #tpu.memory_space<vmem>> -> memref<128xi32, #tpu.memory_space<vmem>>
      %dma_start3A_50 = arith.constant 0 : i32
      %dma_start3A_51 = tpu.memref_slice %arg3[%add3A_46, %dma_start3A_50] : memref<2560x128xi32, #tpu.memory_space<hbm>> -> memref<1x128xi32, #tpu.memory_space<hbm>>
      %dma_start3A_52 = tpu.memref_squeeze %dma_start3A_51 : memref<1x128xi32, #tpu.memory_space<hbm>> -> memref<128xi32, #tpu.memory_space<hbm>>
      %dma_start3A_53 = arith.constant 0 : i32
      %dma_start3A_54 = tpu.memref_slice %arg6[%dma_start3A, %dma_start3A_53] : memref<4x128xi32, #tpu.memory_space<vmem>> -> memref<1x128xi32, #tpu.memory_space<vmem>>
      %dma_start3A_55 = tpu.memref_squeeze %dma_start3A_54 : memref<1x128xi32, #tpu.memory_space<vmem>> -> memref<128xi32, #tpu.memory_space<vmem>>
      %dma_start3A_56 = arith.constant 0 : i32
      %dma_start3A_57 = tpu.memref_slice %arg3[%add3A_46, %dma_start3A_56] : memref<2560x128xi32, #tpu.memory_space<hbm>> -> memref<1x128xi32, #tpu.memory_space<hbm>>
      %dma_start3A_58 = tpu.memref_squeeze %dma_start3A_57 : memref<1x128xi32, #tpu.memory_space<hbm>> -> memref<128xi32, #tpu.memory_space<hbm>>
      tpu.enqueue_dma source(%dma_start3A_58 : memref<128xi32, #tpu.memory_space<hbm>>) target(%dma_start3A_55 : memref<128xi32, #tpu.memory_space<vmem>>) target_semaphore(%arg14 : memref<!tpu.dma_semaphore, #tpu.memory_space<semaphore_mem>>)
      %dma_start3A_59 = arith.constant 0 : i32
      %dma_start3A_60 = arith.constant 0 : i32
      %dma_start3A_61 = tpu.memref_slice %arg7[%dma_start3A_59, %dma_start3A_60] : memref<4x128xi32, #tpu.memory_space<vmem>> -> memref<1x128xi32, #tpu.memory_space<vmem>>
      %dma_start3A_62 = tpu.memref_squeeze %dma_start3A_61 : memref<1x128xi32, #tpu.memory_space<vmem>> -> memref<128xi32, #tpu.memory_space<vmem>>
      %dma_start3A_63 = arith.constant 0 : i32
      %dma_start3A_64 = tpu.memref_slice %arg4[%add3A_46, %dma_start3A_63] : memref<2560x128xi32, #tpu.memory_space<hbm>> -> memref<1x128xi32, #tpu.memory_space<hbm>>
      %dma_start3A_65 = tpu.memref_squeeze %dma_start3A_64 : memref<1x128xi32, #tpu.memory_space<hbm>> -> memref<128xi32, #tpu.memory_space<hbm>>
      %dma_start3A_66 = arith.constant 0 : i32
      %dma_start3A_67 = tpu.memref_slice %arg7[%dma_start3A_59, %dma_start3A_66] : memref<4x128xi32, #tpu.memory_space<vmem>> -> memref<1x128xi32, #tpu.memory_space<vmem>>
      %dma_start3A_68 = tpu.memref_squeeze %dma_start3A_67 : memref<1x128xi32, #tpu.memory_space<vmem>> -> memref<128xi32, #tpu.memory_space<vmem>>
      %dma_start3A_69 = arith.constant 0 : i32
      %dma_start3A_70 = tpu.memref_slice %arg4[%add3A_46, %dma_start3A_69] : memref<2560x128xi32, #tpu.memory_space<hbm>> -> memref<1x128xi32, #tpu.memory_space<hbm>>
      %dma_start3A_71 = tpu.memref_squeeze %dma_start3A_70 : memref<1x128xi32, #tpu.memory_space<hbm>> -> memref<128xi32, #tpu.memory_space<hbm>>
      tpu.enqueue_dma source(%dma_start3A_71 : memref<128xi32, #tpu.memory_space<hbm>>) target(%dma_start3A_68 : memref<128xi32, #tpu.memory_space<vmem>>) target_semaphore(%arg14 : memref<!tpu.dma_semaphore, #tpu.memory_space<semaphore_mem>>)
      %add3A_72 = arith.constant 1 : i32
      %add3A_73 = arith.addi %add3A_44, %add3A_72 : i32
      %dma_start3A_74 = arith.constant 1 : i32
      %dma_start3A_75 = arith.constant 0 : i32
      %dma_start3A_76 = tpu.memref_slice %arg6[%dma_start3A_74, %dma_start3A_75] : memref<4x128xi32, #tpu.memory_space<vmem>> -> memref<1x128xi32, #tpu.memory_space<vmem>>
      %dma_start3A_77 = tpu.memref_squeeze %dma_start3A_76 : memref<1x128xi32, #tpu.memory_space<vmem>> -> memref<128xi32, #tpu.memory_space<vmem>>
      %dma_start3A_78 = arith.constant 0 : i32
      %dma_start3A_79 = tpu.memref_slice %arg3[%add3A_73, %dma_start3A_78] : memref<2560x128xi32, #tpu.memory_space<hbm>> -> memref<1x128xi32, #tpu.memory_space<hbm>>
      %dma_start3A_80 = tpu.memref_squeeze %dma_start3A_79 : memref<1x128xi32, #tpu.memory_space<hbm>> -> memref<128xi32, #tpu.memory_space<hbm>>
      %dma_start3A_81 = arith.constant 0 : i32
      %dma_start3A_82 = tpu.memref_slice %arg6[%dma_start3A_74, %dma_start3A_81] : memref<4x128xi32, #tpu.memory_space<vmem>> -> memref<1x128xi32, #tpu.memory_space<vmem>>
      %dma_start3A_83 = tpu.memref_squeeze %dma_start3A_82 : memref<1x128xi32, #tpu.memory_space<vmem>> -> memref<128xi32, #tpu.memory_space<vmem>>
      %dma_start3A_84 = arith.constant 0 : i32
      %dma_start3A_85 = tpu.memref_slice %arg3[%add3A_73, %dma_start3A_84] : memref<2560x128xi32, #tpu.memory_space<hbm>> -> memref<1x128xi32, #tpu.memory_space<hbm>>
      %dma_start3A_86 = tpu.memref_squeeze %dma_start3A_85 : memref<1x128xi32, #tpu.memory_space<hbm>> -> memref<128xi32, #tpu.memory_space<hbm>>
      tpu.enqueue_dma source(%dma_start3A_86 : memref<128xi32, #tpu.memory_space<hbm>>) target(%dma_start3A_83 : memref<128xi32, #tpu.memory_space<vmem>>) target_semaphore(%arg15 : memref<!tpu.dma_semaphore, #tpu.memory_space<semaphore_mem>>)
      %dma_start3A_87 = arith.constant 1 : i32
      %dma_start3A_88 = arith.constant 0 : i32
      %dma_start3A_89 = tpu.memref_slice %arg7[%dma_start3A_87, %dma_start3A_88] : memref<4x128xi32, #tpu.memory_space<vmem>> -> memref<1x128xi32, #tpu.memory_space<vmem>>
      %dma_start3A_90 = tpu.memref_squeeze %dma_start3A_89 : memref<1x128xi32, #tpu.memory_space<vmem>> -> memref<128xi32, #tpu.memory_space<vmem>>
      %dma_start3A_91 = arith.constant 0 : i32
      %dma_start3A_92 = tpu.memref_slice %arg4[%add3A_73, %dma_start3A_91] : memref<2560x128xi32, #tpu.memory_space<hbm>> -> memref<1x128xi32, #tpu.memory_space<hbm>>
      %dma_start3A_93 = tpu.memref_squeeze %dma_start3A_92 : memref<1x128xi32, #tpu.memory_space<hbm>> -> memref<128xi32, #tpu.memory_space<hbm>>
      %dma_start3A_94 = arith.constant 0 : i32
      %dma_start3A_95 = tpu.memref_slice %arg7[%dma_start3A_87, %dma_start3A_94] : memref<4x128xi32, #tpu.memory_space<vmem>> -> memref<1x128xi32, #tpu.memory_space<vmem>>
      %dma_start3A_96 = tpu.memref_squeeze %dma_start3A_95 : memref<1x128xi32, #tpu.memory_space<vmem>> -> memref<128xi32, #tpu.memory_space<vmem>>
      %dma_start3A_97 = arith.constant 0 : i32
      %dma_start3A_98 = tpu.memref_slice %arg4[%add3A_73, %dma_start3A_97] : memref<2560x128xi32, #tpu.memory_space<hbm>> -> memref<1x128xi32, #tpu.memory_space<hbm>>
      %dma_start3A_99 = tpu.memref_squeeze %dma_start3A_98 : memref<1x128xi32, #tpu.memory_space<hbm>> -> memref<128xi32, #tpu.memory_space<hbm>>
      tpu.enqueue_dma source(%dma_start3A_99 : memref<128xi32, #tpu.memory_space<hbm>>) target(%dma_start3A_96 : memref<128xi32, #tpu.memory_space<vmem>>) target_semaphore(%arg15 : memref<!tpu.dma_semaphore, #tpu.memory_space<semaphore_mem>>)
      %add3A_100 = arith.constant 0 : i32
      %add3A_101 = arith.addi %add3A_44, %add3A_100 : i32
      %dma_wait3A = arith.constant 0 : i32
      %dma_wait3A_102 = arith.constant 0 : i32
      %dma_wait3A_103 = tpu.memref_slice %arg6[%dma_wait3A, %dma_wait3A_102] : memref<4x128xi32, #tpu.memory_space<vmem>> -> memref<1x128xi32, #tpu.memory_space<vmem>>
      %dma_wait3A_104 = tpu.memref_squeeze %dma_wait3A_103 : memref<1x128xi32, #tpu.memory_space<vmem>> -> memref<128xi32, #tpu.memory_space<vmem>>
      %dma_wait3A_105 = arith.constant 0 : i32
      %dma_wait3A_106 = tpu.memref_slice %arg3[%add3A_101, %dma_wait3A_105] : memref<2560x128xi32, #tpu.memory_space<hbm>> -> memref<1x128xi32, #tpu.memory_space<hbm>>
      %dma_wait3A_107 = tpu.memref_squeeze %dma_wait3A_106 : memref<1x128xi32, #tpu.memory_space<hbm>> -> memref<128xi32, #tpu.memory_space<hbm>>
      %dma_wait3A_108 = arith.constant 0 : i32
      %dma_wait3A_109 = tpu.memref_slice %arg6[%dma_wait3A, %dma_wait3A_108] : memref<4x128xi32, #tpu.memory_space<vmem>> -> memref<1x128xi32, #tpu.memory_space<vmem>>
      %dma_wait3A_110 = tpu.memref_squeeze %dma_wait3A_109 : memref<1x128xi32, #tpu.memory_space<vmem>> -> memref<128xi32, #tpu.memory_space<vmem>>
      %dma_wait3A_111 = arith.constant 0 : i32
      %dma_wait3A_112 = tpu.memref_slice %arg3[%add3A_101, %dma_wait3A_111] : memref<2560x128xi32, #tpu.memory_space<hbm>> -> memref<1x128xi32, #tpu.memory_space<hbm>>
      %dma_wait3A_113 = tpu.memref_squeeze %dma_wait3A_112 : memref<1x128xi32, #tpu.memory_space<hbm>> -> memref<128xi32, #tpu.memory_space<hbm>>
      tpu.wait_dma2 semaphore(%arg14 : memref<!tpu.dma_semaphore, #tpu.memory_space<semaphore_mem>>) src(%dma_wait3A_113 : memref<128xi32, #tpu.memory_space<hbm>>) dst(%dma_wait3A_110 : memref<128xi32, #tpu.memory_space<vmem>>)
      %dma_wait3A_114 = arith.constant 0 : i32
      %dma_wait3A_115 = arith.constant 0 : i32
      %dma_wait3A_116 = tpu.memref_slice %arg7[%dma_wait3A_114, %dma_wait3A_115] : memref<4x128xi32, #tpu.memory_space<vmem>> -> memref<1x128xi32, #tpu.memory_space<vmem>>
      %dma_wait3A_117 = tpu.memref_squeeze %dma_wait3A_116 : memref<1x128xi32, #tpu.memory_space<vmem>> -> memref<128xi32, #tpu.memory_space<vmem>>
      %dma_wait3A_118 = arith.constant 0 : i32
      %dma_wait3A_119 = tpu.memref_slice %arg4[%add3A_101, %dma_wait3A_118] : memref<2560x128xi32, #tpu.memory_space<hbm>> -> memref<1x128xi32, #tpu.memory_space<hbm>>
      %dma_wait3A_120 = tpu.memref_squeeze %dma_wait3A_119 : memref<1x128xi32, #tpu.memory_space<hbm>> -> memref<128xi32, #tpu.memory_space<hbm>>
      %dma_wait3A_121 = arith.constant 0 : i32
      %dma_wait3A_122 = tpu.memref_slice %arg7[%dma_wait3A_114, %dma_wait3A_121] : memref<4x128xi32, #tpu.memory_space<vmem>> -> memref<1x128xi32, #tpu.memory_space<vmem>>
      %dma_wait3A_123 = tpu.memref_squeeze %dma_wait3A_122 : memref<1x128xi32, #tpu.memory_space<vmem>> -> memref<128xi32, #tpu.memory_space<vmem>>
      %dma_wait3A_124 = arith.constant 0 : i32
      %dma_wait3A_125 = tpu.memref_slice %arg4[%add3A_101, %dma_wait3A_124] : memref<2560x128xi32, #tpu.memory_space<hbm>> -> memref<1x128xi32, #tpu.memory_space<hbm>>
      %dma_wait3A_126 = tpu.memref_squeeze %dma_wait3A_125 : memref<1x128xi32, #tpu.memory_space<hbm>> -> memref<128xi32, #tpu.memory_space<hbm>>
      tpu.wait_dma2 semaphore(%arg14 : memref<!tpu.dma_semaphore, #tpu.memory_space<semaphore_mem>>) src(%dma_wait3A_126 : memref<128xi32, #tpu.memory_space<hbm>>) dst(%dma_wait3A_123 : memref<128xi32, #tpu.memory_space<vmem>>)
      %dma_start3A_127 = arith.constant 0 : i32
      %dma_start3A_128 = arith.constant 0 : i32
      %dma_start3A_129 = arith.constant 0 : i32
      %dma_start3A_130 = arith.constant 0 : i32
      %dma_start3A_131 = tpu.memref_slice %arg8[%dma_start3A_128, %dma_start3A_129, %dma_start3A_130] : memref<2x128x128xf32, #tpu.memory_space<vmem>> -> memref<1x128x128xf32, #tpu.memory_space<vmem>>
      %dma_start3A_132 = tpu.memref_squeeze %dma_start3A_131 : memref<1x128x128xf32, #tpu.memory_space<vmem>> -> memref<128x128xf32, #tpu.memory_space<vmem>>
      %dma_start3A_133 = arith.constant 0 : i32
      %dma_start3A_134 = tpu.memref_slice %arg6[%dma_start3A_127, %dma_start3A_133] : memref<4x128xi32, #tpu.memory_space<vmem>> -> memref<1x128xi32, #tpu.memory_space<vmem>>
      %dma_start3A_135 = tpu.memref_squeeze %dma_start3A_134 : memref<1x128xi32, #tpu.memory_space<vmem>> -> memref<128xi32, #tpu.memory_space<vmem>>
      %dma_start3A_136 = arith.constant 0 : i32
      %dma_start3A_137 = arith.constant 0 : i32
      %dma_start3A_138 = tpu.memref_slice %arg2[%dma_start3A_136, %dma_start3A_137] : memref<10240x128xf32, #tpu.memory_space<hbm>> -> memref<10240x128xf32, #tpu.memory_space<hbm>>
      tpu.enqueue_indirect_dma source(%dma_start3A_138 : memref<10240x128xf32, #tpu.memory_space<hbm>>) target(%dma_start3A_132 : memref<128x128xf32, #tpu.memory_space<vmem>>) offsets(%dma_start3A_135 : memref<128xi32, #tpu.memory_space<vmem>>) semaphore(%arg10 : memref<!tpu.dma_semaphore, #tpu.memory_space<semaphore_mem>>)
      %scan3A_139 = arith.constant 0 : i32
      %scan3A_140 = arith.constant 0 : i32
      %scan3A_141 = arith.constant 20 : i32
      %scan3A_142 = arith.addi %scan3A_140, %scan3A_141 : i32
      %scan3A_143 = arith.constant 1 : i32
      %scan3A_144 = scf.for %scan3A_170 = %scan3A_140 to %scan3A_142 step %scan3A_143 iter_args(%scan3A_171 = %scan3A_139) -> (i32)  : i32 {
        %mul3A_172 = arith.constant 4 : i32
        %mul3A_173 = arith.muli %scan3A_170, %mul3A_172 : i32
        %add3A_174 = arith.constant 0 : i32
        %add3A_175 = arith.addi %mul3A_173, %add3A_174 : i32
        %add3A_176 = arith.constant 1 : i32
        %add3A_177 = arith.addi %add3A_175, %add3A_176 : i32
        %lt3A = arith.constant 80 : i32
        %lt3A_178 = arith.cmpi slt, %add3A_177, %lt3A : i32
        %convert_element_type3A_179 = arith.extui %lt3A_178 : i1 to i32
        %cond3A_180 = arith.constant 0 : i32
        %cond3A_181 = arith.cmpi ne, %convert_element_type3A_179, %cond3A_180 : i32
        scf.if %cond3A_181 {
          %add3A_340 = arith.addi %add3A_44, %add3A_177 : i32
          %dma_wait3A_341 = arith.constant 1 : i32
          %dma_wait3A_342 = arith.constant 0 : i32
          %dma_wait3A_343 = tpu.memref_slice %arg6[%dma_wait3A_341, %dma_wait3A_342] : memref<4x128xi32, #tpu.memory_space<vmem>> -> memref<1x128xi32, #tpu.memory_space<vmem>>
          %dma_wait3A_344 = tpu.memref_squeeze %dma_wait3A_343 : memref<1x128xi32, #tpu.memory_space<vmem>> -> memref<128xi32, #tpu.memory_space<vmem>>
          %dma_wait3A_345 = arith.constant 0 : i32
          %dma_wait3A_346 = tpu.memref_slice %arg3[%add3A_340, %dma_wait3A_345] : memref<2560x128xi32, #tpu.memory_space<hbm>> -> memref<1x128xi32, #tpu.memory_space<hbm>>
          %dma_wait3A_347 = tpu.memref_squeeze %dma_wait3A_346 : memref<1x128xi32, #tpu.memory_space<hbm>> -> memref<128xi32, #tpu.memory_space<hbm>>
          %dma_wait3A_348 = arith.constant 0 : i32
          %dma_wait3A_349 = tpu.memref_slice %arg6[%dma_wait3A_341, %dma_wait3A_348] : memref<4x128xi32, #tpu.memory_space<vmem>> -> memref<1x128xi32, #tpu.memory_space<vmem>>
          %dma_wait3A_350 = tpu.memref_squeeze %dma_wait3A_349 : memref<1x128xi32, #tpu.memory_space<vmem>> -> memref<128xi32, #tpu.memory_space<vmem>>
          %dma_wait3A_351 = arith.constant 0 : i32
          %dma_wait3A_352 = tpu.memref_slice %arg3[%add3A_340, %dma_wait3A_351] : memref<2560x128xi32, #tpu.memory_space<hbm>> -> memref<1x128xi32, #tpu.memory_space<hbm>>
          %dma_wait3A_353 = tpu.memref_squeeze %dma_wait3A_352 : memref<1x128xi32, #tpu.memory_space<hbm>> -> memref<128xi32, #tpu.memory_space<hbm>>
          tpu.wait_dma2 semaphore(%arg15 : memref<!tpu.dma_semaphore, #tpu.memory_space<semaphore_mem>>) src(%dma_wait3A_353 : memref<128xi32, #tpu.memory_space<hbm>>) dst(%dma_wait3A_350 : memref<128xi32, #tpu.memory_space<vmem>>)
          %dma_wait3A_354 = arith.constant 1 : i32
          %dma_wait3A_355 = arith.constant 0 : i32
          %dma_wait3A_356 = tpu.memref_slice %arg7[%dma_wait3A_354, %dma_wait3A_355] : memref<4x128xi32, #tpu.memory_space<vmem>> -> memref<1x128xi32, #tpu.memory_space<vmem>>
          %dma_wait3A_357 = tpu.memref_squeeze %dma_wait3A_356 : memref<1x128xi32, #tpu.memory_space<vmem>> -> memref<128xi32, #tpu.memory_space<vmem>>
          %dma_wait3A_358 = arith.constant 0 : i32
          %dma_wait3A_359 = tpu.memref_slice %arg4[%add3A_340, %dma_wait3A_358] : memref<2560x128xi32, #tpu.memory_space<hbm>> -> memref<1x128xi32, #tpu.memory_space<hbm>>
          %dma_wait3A_360 = tpu.memref_squeeze %dma_wait3A_359 : memref<1x128xi32, #tpu.memory_space<hbm>> -> memref<128xi32, #tpu.memory_space<hbm>>
          %dma_wait3A_361 = arith.constant 0 : i32
          %dma_wait3A_362 = tpu.memref_slice %arg7[%dma_wait3A_354, %dma_wait3A_361] : memref<4x128xi32, #tpu.memory_space<vmem>> -> memref<1x128xi32, #tpu.memory_space<vmem>>
          %dma_wait3A_363 = tpu.memref_squeeze %dma_wait3A_362 : memref<1x128xi32, #tpu.memory_space<vmem>> -> memref<128xi32, #tpu.memory_space<vmem>>
          %dma_wait3A_364 = arith.constant 0 : i32
          %dma_wait3A_365 = tpu.memref_slice %arg4[%add3A_340, %dma_wait3A_364] : memref<2560x128xi32, #tpu.memory_space<hbm>> -> memref<1x128xi32, #tpu.memory_space<hbm>>
          %dma_wait3A_366 = tpu.memref_squeeze %dma_wait3A_365 : memref<1x128xi32, #tpu.memory_space<hbm>> -> memref<128xi32, #tpu.memory_space<hbm>>
          tpu.wait_dma2 semaphore(%arg15 : memref<!tpu.dma_semaphore, #tpu.memory_space<semaphore_mem>>) src(%dma_wait3A_366 : memref<128xi32, #tpu.memory_space<hbm>>) dst(%dma_wait3A_363 : memref<128xi32, #tpu.memory_space<vmem>>)
          %ge3A = arith.constant 1 : i32
          %ge3A_367 = arith.cmpi sge, %add3A_175, %ge3A : i32
          %convert_element_type3A_368 = arith.extui %ge3A_367 : i1 to i32
          %cond3A_369 = arith.constant 0 : i32
          %cond3A_370 = arith.cmpi ne, %convert_element_type3A_368, %cond3A_369 : i32
          scf.if %cond3A_370 {
            %dma_wait3A_383 = arith.constant 1 : i32
            %dma_wait3A_384 = arith.constant 3 : i32
            %dma_wait3A_385 = arith.constant 0 : i32
            %dma_wait3A_386 = arith.constant 0 : i32
            %dma_wait3A_387 = tpu.memref_slice %arg8[%dma_wait3A_383, %dma_wait3A_385, %dma_wait3A_386] : memref<2x128x128xf32, #tpu.memory_space<vmem>> -> memref<1x128x128xf32, #tpu.memory_space<vmem>>
            %dma_wait3A_388 = tpu.memref_squeeze %dma_wait3A_387 : memref<1x128x128xf32, #tpu.memory_space<vmem>> -> memref<128x128xf32, #tpu.memory_space<vmem>>
            %dma_wait3A_389 = arith.constant 0 : i32
            %dma_wait3A_390 = tpu.memref_slice %arg7[%dma_wait3A_384, %dma_wait3A_389] : memref<4x128xi32, #tpu.memory_space<vmem>> -> memref<1x128xi32, #tpu.memory_space<vmem>>
            %dma_wait3A_391 = tpu.memref_squeeze %dma_wait3A_390 : memref<1x128xi32, #tpu.memory_space<vmem>> -> memref<128xi32, #tpu.memory_space<vmem>>
            %dma_wait3A_392 = arith.constant 0 : i32
            %dma_wait3A_393 = arith.constant 0 : i32
            %dma_wait3A_394 = tpu.memref_slice %arg9[%dma_wait3A_392, %dma_wait3A_393] : memref<10240x128xf32, #tpu.memory_space<vmem_shared>> -> memref<10240x128xf32, #tpu.memory_space<vmem_shared>>
            tpu.wait_indirect_dma semaphore(%arg13 : memref<!tpu.dma_semaphore, #tpu.memory_space<semaphore_mem>>) src(%dma_wait3A_388 : memref<128x128xf32, #tpu.memory_space<vmem>>) dst(%dma_wait3A_394 : memref<10240x128xf32, #tpu.memory_space<vmem_shared>>)
          } else {
          }
          %dma_start3A_371 = arith.constant 1 : i32
          %dma_start3A_372 = arith.constant 1 : i32
          %dma_start3A_373 = arith.constant 0 : i32
          %dma_start3A_374 = arith.constant 0 : i32
          %dma_start3A_375 = tpu.memref_slice %arg8[%dma_start3A_372, %dma_start3A_373, %dma_start3A_374] : memref<2x128x128xf32, #tpu.memory_space<vmem>> -> memref<1x128x128xf32, #tpu.memory_space<vmem>>
          %dma_start3A_376 = tpu.memref_squeeze %dma_start3A_375 : memref<1x128x128xf32, #tpu.memory_space<vmem>> -> memref<128x128xf32, #tpu.memory_space<vmem>>
          %dma_start3A_377 = arith.constant 0 : i32
          %dma_start3A_378 = tpu.memref_slice %arg6[%dma_start3A_371, %dma_start3A_377] : memref<4x128xi32, #tpu.memory_space<vmem>> -> memref<1x128xi32, #tpu.memory_space<vmem>>
          %dma_start3A_379 = tpu.memref_squeeze %dma_start3A_378 : memref<1x128xi32, #tpu.memory_space<vmem>> -> memref<128xi32, #tpu.memory_space<vmem>>
          %dma_start3A_380 = arith.constant 0 : i32
          %dma_start3A_381 = arith.constant 0 : i32
          %dma_start3A_382 = tpu.memref_slice %arg2[%dma_start3A_380, %dma_start3A_381] : memref<10240x128xf32, #tpu.memory_space<hbm>> -> memref<10240x128xf32, #tpu.memory_space<hbm>>
          tpu.enqueue_indirect_dma source(%dma_start3A_382 : memref<10240x128xf32, #tpu.memory_space<hbm>>) target(%dma_start3A_376 : memref<128x128xf32, #tpu.memory_space<vmem>>) offsets(%dma_start3A_379 : memref<128xi32, #tpu.memory_space<vmem>>) semaphore(%arg11 : memref<!tpu.dma_semaphore, #tpu.memory_space<semaphore_mem>>)
        } else {
        }
        %dma_wait3A_182 = arith.constant 0 : i32
        %dma_wait3A_183 = arith.constant 0 : i32
        %dma_wait3A_184 = arith.constant 0 : i32
        %dma_wait3A_185 = arith.constant 0 : i32
        %dma_wait3A_186 = tpu.memref_slice %arg8[%dma_wait3A_183, %dma_wait3A_184, %dma_wait3A_185] : memref<2x128x128xf32, #tpu.memory_space<vmem>> -> memref<1x128x128xf32, #tpu.memory_space<vmem>>
        %dma_wait3A_187 = tpu.memref_squeeze %dma_wait3A_186 : memref<1x128x128xf32, #tpu.memory_space<vmem>> -> memref<128x128xf32, #tpu.memory_space<vmem>>
        %dma_wait3A_188 = arith.constant 0 : i32
        %dma_wait3A_189 = tpu.memref_slice %arg6[%dma_wait3A_182, %dma_wait3A_188] : memref<4x128xi32, #tpu.memory_space<vmem>> -> memref<1x128xi32, #tpu.memory_space<vmem>>
        %dma_wait3A_190 = tpu.memref_squeeze %dma_wait3A_189 : memref<1x128xi32, #tpu.memory_space<vmem>> -> memref<128xi32, #tpu.memory_space<vmem>>
        %dma_wait3A_191 = arith.constant 0 : i32
        %dma_wait3A_192 = arith.constant 0 : i32
        %dma_wait3A_193 = tpu.memref_slice %arg2[%dma_wait3A_191, %dma_wait3A_192] : memref<10240x128xf32, #tpu.memory_space<hbm>> -> memref<10240x128xf32, #tpu.memory_space<hbm>>
        tpu.wait_indirect_dma semaphore(%arg10 : memref<!tpu.dma_semaphore, #tpu.memory_space<semaphore_mem>>) src(%dma_wait3A_193 : memref<10240x128xf32, #tpu.memory_space<hbm>>) dst(%dma_wait3A_187 : memref<128x128xf32, #tpu.memory_space<vmem>>)
        %add3A_194 = arith.constant 2 : i32
        %add3A_195 = arith.addi %add3A_175, %add3A_194 : i32
        %lt3A_196 = arith.constant 80 : i32
        %lt3A_197 = arith.cmpi slt, %add3A_195, %lt3A_196 : i32
        %convert_element_type3A_198 = arith.extui %lt3A_197 : i1 to i32
        %cond3A_199 = arith.constant 0 : i32
        %cond3A_200 = arith.cmpi ne, %convert_element_type3A_198, %cond3A_199 : i32
        scf.if %cond3A_200 {
          %add3A_340 = arith.addi %add3A_44, %add3A_175 : i32
          %add3A_341 = arith.constant 2 : i32
          %add3A_342 = arith.addi %add3A_340, %add3A_341 : i32
          %dma_start3A_343 = arith.constant 2 : i32
          %dma_start3A_344 = arith.constant 0 : i32
          %dma_start3A_345 = tpu.memref_slice %arg6[%dma_start3A_343, %dma_start3A_344] : memref<4x128xi32, #tpu.memory_space<vmem>> -> memref<1x128xi32, #tpu.memory_space<vmem>>
          %dma_start3A_346 = tpu.memref_squeeze %dma_start3A_345 : memref<1x128xi32, #tpu.memory_space<vmem>> -> memref<128xi32, #tpu.memory_space<vmem>>
          %dma_start3A_347 = arith.constant 0 : i32
          %dma_start3A_348 = tpu.memref_slice %arg3[%add3A_342, %dma_start3A_347] : memref<2560x128xi32, #tpu.memory_space<hbm>> -> memref<1x128xi32, #tpu.memory_space<hbm>>
          %dma_start3A_349 = tpu.memref_squeeze %dma_start3A_348 : memref<1x128xi32, #tpu.memory_space<hbm>> -> memref<128xi32, #tpu.memory_space<hbm>>
          %dma_start3A_350 = arith.constant 0 : i32
          %dma_start3A_351 = tpu.memref_slice %arg6[%dma_start3A_343, %dma_start3A_350] : memref<4x128xi32, #tpu.memory_space<vmem>> -> memref<1x128xi32, #tpu.memory_space<vmem>>
          %dma_start3A_352 = tpu.memref_squeeze %dma_start3A_351 : memref<1x128xi32, #tpu.memory_space<vmem>> -> memref<128xi32, #tpu.memory_space<vmem>>
          %dma_start3A_353 = arith.constant 0 : i32
          %dma_start3A_354 = tpu.memref_slice %arg3[%add3A_342, %dma_start3A_353] : memref<2560x128xi32, #tpu.memory_space<hbm>> -> memref<1x128xi32, #tpu.memory_space<hbm>>
          %dma_start3A_355 = tpu.memref_squeeze %dma_start3A_354 : memref<1x128xi32, #tpu.memory_space<hbm>> -> memref<128xi32, #tpu.memory_space<hbm>>
          tpu.enqueue_dma source(%dma_start3A_355 : memref<128xi32, #tpu.memory_space<hbm>>) target(%dma_start3A_352 : memref<128xi32, #tpu.memory_space<vmem>>) target_semaphore(%arg16 : memref<!tpu.dma_semaphore, #tpu.memory_space<semaphore_mem>>)
          %dma_start3A_356 = arith.constant 2 : i32
          %dma_start3A_357 = arith.constant 0 : i32
          %dma_start3A_358 = tpu.memref_slice %arg7[%dma_start3A_356, %dma_start3A_357] : memref<4x128xi32, #tpu.memory_space<vmem>> -> memref<1x128xi32, #tpu.memory_space<vmem>>
          %dma_start3A_359 = tpu.memref_squeeze %dma_start3A_358 : memref<1x128xi32, #tpu.memory_space<vmem>> -> memref<128xi32, #tpu.memory_space<vmem>>
          %dma_start3A_360 = arith.constant 0 : i32
          %dma_start3A_361 = tpu.memref_slice %arg4[%add3A_342, %dma_start3A_360] : memref<2560x128xi32, #tpu.memory_space<hbm>> -> memref<1x128xi32, #tpu.memory_space<hbm>>
          %dma_start3A_362 = tpu.memref_squeeze %dma_start3A_361 : memref<1x128xi32, #tpu.memory_space<hbm>> -> memref<128xi32, #tpu.memory_space<hbm>>
          %dma_start3A_363 = arith.constant 0 : i32
          %dma_start3A_364 = tpu.memref_slice %arg7[%dma_start3A_356, %dma_start3A_363] : memref<4x128xi32, #tpu.memory_space<vmem>> -> memref<1x128xi32, #tpu.memory_space<vmem>>
          %dma_start3A_365 = tpu.memref_squeeze %dma_start3A_364 : memref<1x128xi32, #tpu.memory_space<vmem>> -> memref<128xi32, #tpu.memory_space<vmem>>
          %dma_start3A_366 = arith.constant 0 : i32
          %dma_start3A_367 = tpu.memref_slice %arg4[%add3A_342, %dma_start3A_366] : memref<2560x128xi32, #tpu.memory_space<hbm>> -> memref<1x128xi32, #tpu.memory_space<hbm>>
          %dma_start3A_368 = tpu.memref_squeeze %dma_start3A_367 : memref<1x128xi32, #tpu.memory_space<hbm>> -> memref<128xi32, #tpu.memory_space<hbm>>
          tpu.enqueue_dma source(%dma_start3A_368 : memref<128xi32, #tpu.memory_space<hbm>>) target(%dma_start3A_365 : memref<128xi32, #tpu.memory_space<vmem>>) target_semaphore(%arg16 : memref<!tpu.dma_semaphore, #tpu.memory_space<semaphore_mem>>)
        } else {
        }
        %dma_start3A_201 = arith.constant 0 : i32
        %dma_start3A_202 = arith.constant 0 : i32
        %dma_start3A_203 = arith.constant 0 : i32
        %dma_start3A_204 = arith.constant 0 : i32
        %dma_start3A_205 = tpu.memref_slice %arg8[%dma_start3A_201, %dma_start3A_203, %dma_start3A_204] : memref<2x128x128xf32, #tpu.memory_space<vmem>> -> memref<1x128x128xf32, #tpu.memory_space<vmem>>
        %dma_start3A_206 = tpu.memref_squeeze %dma_start3A_205 : memref<1x128x128xf32, #tpu.memory_space<vmem>> -> memref<128x128xf32, #tpu.memory_space<vmem>>
        %dma_start3A_207 = arith.constant 0 : i32
        %dma_start3A_208 = tpu.memref_slice %arg7[%dma_start3A_202, %dma_start3A_207] : memref<4x128xi32, #tpu.memory_space<vmem>> -> memref<1x128xi32, #tpu.memory_space<vmem>>
        %dma_start3A_209 = tpu.memref_squeeze %dma_start3A_208 : memref<1x128xi32, #tpu.memory_space<vmem>> -> memref<128xi32, #tpu.memory_space<vmem>>
        %dma_start3A_210 = arith.constant 0 : i32
        %dma_start3A_211 = arith.constant 0 : i32
        %dma_start3A_212 = tpu.memref_slice %arg9[%dma_start3A_210, %dma_start3A_211] : memref<10240x128xf32, #tpu.memory_space<vmem_shared>> -> memref<10240x128xf32, #tpu.memory_space<vmem_shared>>
        tpu.enqueue_indirect_dma source(%dma_start3A_206 : memref<128x128xf32, #tpu.memory_space<vmem>>) target(%dma_start3A_212 : memref<10240x128xf32, #tpu.memory_space<vmem_shared>>) offsets(%dma_start3A_209 : memref<128xi32, #tpu.memory_space<vmem>>) semaphore(%arg12 : memref<!tpu.dma_semaphore, #tpu.memory_space<semaphore_mem>>) {add = true}
        %mul3A_213 = arith.constant 4 : i32
        %mul3A_214 = arith.muli %scan3A_170, %mul3A_213 : i32
        %add3A_215 = arith.constant 1 : i32
        %add3A_216 = arith.addi %mul3A_214, %add3A_215 : i32
        %add3A_217 = arith.constant 1 : i32
        %add3A_218 = arith.addi %add3A_216, %add3A_217 : i32
        %lt3A_219 = arith.constant 80 : i32
        %lt3A_220 = arith.cmpi slt, %add3A_218, %lt3A_219 : i32
        %convert_element_type3A_221 = arith.extui %lt3A_220 : i1 to i32
        %cond3A_222 = arith.constant 0 : i32
        %cond3A_223 = arith.cmpi ne, %convert_element_type3A_221, %cond3A_222 : i32
        scf.if %cond3A_223 {
          %add3A_340 = arith.addi %add3A_44, %add3A_218 : i32
          %dma_wait3A_341 = arith.constant 2 : i32
          %dma_wait3A_342 = arith.constant 0 : i32
          %dma_wait3A_343 = tpu.memref_slice %arg6[%dma_wait3A_341, %dma_wait3A_342] : memref<4x128xi32, #tpu.memory_space<vmem>> -> memref<1x128xi32, #tpu.memory_space<vmem>>
          %dma_wait3A_344 = tpu.memref_squeeze %dma_wait3A_343 : memref<1x128xi32, #tpu.memory_space<vmem>> -> memref<128xi32, #tpu.memory_space<vmem>>
          %dma_wait3A_345 = arith.constant 0 : i32
          %dma_wait3A_346 = tpu.memref_slice %arg3[%add3A_340, %dma_wait3A_345] : memref<2560x128xi32, #tpu.memory_space<hbm>> -> memref<1x128xi32, #tpu.memory_space<hbm>>
          %dma_wait3A_347 = tpu.memref_squeeze %dma_wait3A_346 : memref<1x128xi32, #tpu.memory_space<hbm>> -> memref<128xi32, #tpu.memory_space<hbm>>
          %dma_wait3A_348 = arith.constant 0 : i32
          %dma_wait3A_349 = tpu.memref_slice %arg6[%dma_wait3A_341, %dma_wait3A_348] : memref<4x128xi32, #tpu.memory_space<vmem>> -> memref<1x128xi32, #tpu.memory_space<vmem>>
          %dma_wait3A_350 = tpu.memref_squeeze %dma_wait3A_349 : memref<1x128xi32, #tpu.memory_space<vmem>> -> memref<128xi32, #tpu.memory_space<vmem>>
          %dma_wait3A_351 = arith.constant 0 : i32
          %dma_wait3A_352 = tpu.memref_slice %arg3[%add3A_340, %dma_wait3A_351] : memref<2560x128xi32, #tpu.memory_space<hbm>> -> memref<1x128xi32, #tpu.memory_space<hbm>>
          %dma_wait3A_353 = tpu.memref_squeeze %dma_wait3A_352 : memref<1x128xi32, #tpu.memory_space<hbm>> -> memref<128xi32, #tpu.memory_space<hbm>>
          tpu.wait_dma2 semaphore(%arg16 : memref<!tpu.dma_semaphore, #tpu.memory_space<semaphore_mem>>) src(%dma_wait3A_353 : memref<128xi32, #tpu.memory_space<hbm>>) dst(%dma_wait3A_350 : memref<128xi32, #tpu.memory_space<vmem>>)
          %dma_wait3A_354 = arith.constant 2 : i32
          %dma_wait3A_355 = arith.constant 0 : i32
          %dma_wait3A_356 = tpu.memref_slice %arg7[%dma_wait3A_354, %dma_wait3A_355] : memref<4x128xi32, #tpu.memory_space<vmem>> -> memref<1x128xi32, #tpu.memory_space<vmem>>
          %dma_wait3A_357 = tpu.memref_squeeze %dma_wait3A_356 : memref<1x128xi32, #tpu.memory_space<vmem>> -> memref<128xi32, #tpu.memory_space<vmem>>
          %dma_wait3A_358 = arith.constant 0 : i32
          %dma_wait3A_359 = tpu.memref_slice %arg4[%add3A_340, %dma_wait3A_358] : memref<2560x128xi32, #tpu.memory_space<hbm>> -> memref<1x128xi32, #tpu.memory_space<hbm>>
          %dma_wait3A_360 = tpu.memref_squeeze %dma_wait3A_359 : memref<1x128xi32, #tpu.memory_space<hbm>> -> memref<128xi32, #tpu.memory_space<hbm>>
          %dma_wait3A_361 = arith.constant 0 : i32
          %dma_wait3A_362 = tpu.memref_slice %arg7[%dma_wait3A_354, %dma_wait3A_361] : memref<4x128xi32, #tpu.memory_space<vmem>> -> memref<1x128xi32, #tpu.memory_space<vmem>>
          %dma_wait3A_363 = tpu.memref_squeeze %dma_wait3A_362 : memref<1x128xi32, #tpu.memory_space<vmem>> -> memref<128xi32, #tpu.memory_space<vmem>>
          %dma_wait3A_364 = arith.constant 0 : i32
          %dma_wait3A_365 = tpu.memref_slice %arg4[%add3A_340, %dma_wait3A_364] : memref<2560x128xi32, #tpu.memory_space<hbm>> -> memref<1x128xi32, #tpu.memory_space<hbm>>
          %dma_wait3A_366 = tpu.memref_squeeze %dma_wait3A_365 : memref<1x128xi32, #tpu.memory_space<hbm>> -> memref<128xi32, #tpu.memory_space<hbm>>
          tpu.wait_dma2 semaphore(%arg16 : memref<!tpu.dma_semaphore, #tpu.memory_space<semaphore_mem>>) src(%dma_wait3A_366 : memref<128xi32, #tpu.memory_space<hbm>>) dst(%dma_wait3A_363 : memref<128xi32, #tpu.memory_space<vmem>>)
          %ge3A = arith.constant 1 : i32
          %ge3A_367 = arith.cmpi sge, %add3A_216, %ge3A : i32
          %convert_element_type3A_368 = arith.extui %ge3A_367 : i1 to i32
          %cond3A_369 = arith.constant 0 : i32
          %cond3A_370 = arith.cmpi ne, %convert_element_type3A_368, %cond3A_369 : i32
          scf.if %cond3A_370 {
            %dma_wait3A_383 = arith.constant 0 : i32
            %dma_wait3A_384 = arith.constant 0 : i32
            %dma_wait3A_385 = arith.constant 0 : i32
            %dma_wait3A_386 = arith.constant 0 : i32
            %dma_wait3A_387 = tpu.memref_slice %arg8[%dma_wait3A_383, %dma_wait3A_385, %dma_wait3A_386] : memref<2x128x128xf32, #tpu.memory_space<vmem>> -> memref<1x128x128xf32, #tpu.memory_space<vmem>>
            %dma_wait3A_388 = tpu.memref_squeeze %dma_wait3A_387 : memref<1x128x128xf32, #tpu.memory_space<vmem>> -> memref<128x128xf32, #tpu.memory_space<vmem>>
            %dma_wait3A_389 = arith.constant 0 : i32
            %dma_wait3A_390 = tpu.memref_slice %arg7[%dma_wait3A_384, %dma_wait3A_389] : memref<4x128xi32, #tpu.memory_space<vmem>> -> memref<1x128xi32, #tpu.memory_space<vmem>>
            %dma_wait3A_391 = tpu.memref_squeeze %dma_wait3A_390 : memref<1x128xi32, #tpu.memory_space<vmem>> -> memref<128xi32, #tpu.memory_space<vmem>>
            %dma_wait3A_392 = arith.constant 0 : i32
            %dma_wait3A_393 = arith.constant 0 : i32
            %dma_wait3A_394 = tpu.memref_slice %arg9[%dma_wait3A_392, %dma_wait3A_393] : memref<10240x128xf32, #tpu.memory_space<vmem_shared>> -> memref<10240x128xf32, #tpu.memory_space<vmem_shared>>
            tpu.wait_indirect_dma semaphore(%arg12 : memref<!tpu.dma_semaphore, #tpu.memory_space<semaphore_mem>>) src(%dma_wait3A_388 : memref<128x128xf32, #tpu.memory_space<vmem>>) dst(%dma_wait3A_394 : memref<10240x128xf32, #tpu.memory_space<vmem_shared>>)
          } else {
          }
          %dma_start3A_371 = arith.constant 2 : i32
          %dma_start3A_372 = arith.constant 0 : i32
          %dma_start3A_373 = arith.constant 0 : i32
          %dma_start3A_374 = arith.constant 0 : i32
          %dma_start3A_375 = tpu.memref_slice %arg8[%dma_start3A_372, %dma_start3A_373, %dma_start3A_374] : memref<2x128x128xf32, #tpu.memory_space<vmem>> -> memref<1x128x128xf32, #tpu.memory_space<vmem>>
          %dma_start3A_376 = tpu.memref_squeeze %dma_start3A_375 : memref<1x128x128xf32, #tpu.memory_space<vmem>> -> memref<128x128xf32, #tpu.memory_space<vmem>>
          %dma_start3A_377 = arith.constant 0 : i32
          %dma_start3A_378 = tpu.memref_slice %arg6[%dma_start3A_371, %dma_start3A_377] : memref<4x128xi32, #tpu.memory_space<vmem>> -> memref<1x128xi32, #tpu.memory_space<vmem>>
          %dma_start3A_379 = tpu.memref_squeeze %dma_start3A_378 : memref<1x128xi32, #tpu.memory_space<vmem>> -> memref<128xi32, #tpu.memory_space<vmem>>
          %dma_start3A_380 = arith.constant 0 : i32
          %dma_start3A_381 = arith.constant 0 : i32
          %dma_start3A_382 = tpu.memref_slice %arg2[%dma_start3A_380, %dma_start3A_381] : memref<10240x128xf32, #tpu.memory_space<hbm>> -> memref<10240x128xf32, #tpu.memory_space<hbm>>
          tpu.enqueue_indirect_dma source(%dma_start3A_382 : memref<10240x128xf32, #tpu.memory_space<hbm>>) target(%dma_start3A_376 : memref<128x128xf32, #tpu.memory_space<vmem>>) offsets(%dma_start3A_379 : memref<128xi32, #tpu.memory_space<vmem>>) semaphore(%arg10 : memref<!tpu.dma_semaphore, #tpu.memory_space<semaphore_mem>>)
        } else {
        }
        %dma_wait3A_224 = arith.constant 1 : i32
        %dma_wait3A_225 = arith.constant 1 : i32
        %dma_wait3A_226 = arith.constant 0 : i32
        %dma_wait3A_227 = arith.constant 0 : i32
        %dma_wait3A_228 = tpu.memref_slice %arg8[%dma_wait3A_225, %dma_wait3A_226, %dma_wait3A_227] : memref<2x128x128xf32, #tpu.memory_space<vmem>> -> memref<1x128x128xf32, #tpu.memory_space<vmem>>
        %dma_wait3A_229 = tpu.memref_squeeze %dma_wait3A_228 : memref<1x128x128xf32, #tpu.memory_space<vmem>> -> memref<128x128xf32, #tpu.memory_space<vmem>>
        %dma_wait3A_230 = arith.constant 0 : i32
        %dma_wait3A_231 = tpu.memref_slice %arg6[%dma_wait3A_224, %dma_wait3A_230] : memref<4x128xi32, #tpu.memory_space<vmem>> -> memref<1x128xi32, #tpu.memory_space<vmem>>
        %dma_wait3A_232 = tpu.memref_squeeze %dma_wait3A_231 : memref<1x128xi32, #tpu.memory_space<vmem>> -> memref<128xi32, #tpu.memory_space<vmem>>
        %dma_wait3A_233 = arith.constant 0 : i32
        %dma_wait3A_234 = arith.constant 0 : i32
        %dma_wait3A_235 = tpu.memref_slice %arg2[%dma_wait3A_233, %dma_wait3A_234] : memref<10240x128xf32, #tpu.memory_space<hbm>> -> memref<10240x128xf32, #tpu.memory_space<hbm>>
        tpu.wait_indirect_dma semaphore(%arg11 : memref<!tpu.dma_semaphore, #tpu.memory_space<semaphore_mem>>) src(%dma_wait3A_235 : memref<10240x128xf32, #tpu.memory_space<hbm>>) dst(%dma_wait3A_229 : memref<128x128xf32, #tpu.memory_space<vmem>>)
        %add3A_236 = arith.constant 2 : i32
        %add3A_237 = arith.addi %add3A_216, %add3A_236 : i32
        %lt3A_238 = arith.constant 80 : i32
        %lt3A_239 = arith.cmpi slt, %add3A_237, %lt3A_238 : i32
        %convert_element_type3A_240 = arith.extui %lt3A_239 : i1 to i32
        %cond3A_241 = arith.constant 0 : i32
        %cond3A_242 = arith.cmpi ne, %convert_element_type3A_240, %cond3A_241 : i32
        scf.if %cond3A_242 {
          %add3A_340 = arith.addi %add3A_44, %add3A_216 : i32
          %add3A_341 = arith.constant 2 : i32
          %add3A_342 = arith.addi %add3A_340, %add3A_341 : i32
          %dma_start3A_343 = arith.constant 3 : i32
          %dma_start3A_344 = arith.constant 0 : i32
          %dma_start3A_345 = tpu.memref_slice %arg6[%dma_start3A_343, %dma_start3A_344] : memref<4x128xi32, #tpu.memory_space<vmem>> -> memref<1x128xi32, #tpu.memory_space<vmem>>
          %dma_start3A_346 = tpu.memref_squeeze %dma_start3A_345 : memref<1x128xi32, #tpu.memory_space<vmem>> -> memref<128xi32, #tpu.memory_space<vmem>>
          %dma_start3A_347 = arith.constant 0 : i32
          %dma_start3A_348 = tpu.memref_slice %arg3[%add3A_342, %dma_start3A_347] : memref<2560x128xi32, #tpu.memory_space<hbm>> -> memref<1x128xi32, #tpu.memory_space<hbm>>
          %dma_start3A_349 = tpu.memref_squeeze %dma_start3A_348 : memref<1x128xi32, #tpu.memory_space<hbm>> -> memref<128xi32, #tpu.memory_space<hbm>>
          %dma_start3A_350 = arith.constant 0 : i32
          %dma_start3A_351 = tpu.memref_slice %arg6[%dma_start3A_343, %dma_start3A_350] : memref<4x128xi32, #tpu.memory_space<vmem>> -> memref<1x128xi32, #tpu.memory_space<vmem>>
          %dma_start3A_352 = tpu.memref_squeeze %dma_start3A_351 : memref<1x128xi32, #tpu.memory_space<vmem>> -> memref<128xi32, #tpu.memory_space<vmem>>
          %dma_start3A_353 = arith.constant 0 : i32
          %dma_start3A_354 = tpu.memref_slice %arg3[%add3A_342, %dma_start3A_353] : memref<2560x128xi32, #tpu.memory_space<hbm>> -> memref<1x128xi32, #tpu.memory_space<hbm>>
          %dma_start3A_355 = tpu.memref_squeeze %dma_start3A_354 : memref<1x128xi32, #tpu.memory_space<hbm>> -> memref<128xi32, #tpu.memory_space<hbm>>
          tpu.enqueue_dma source(%dma_start3A_355 : memref<128xi32, #tpu.memory_space<hbm>>) target(%dma_start3A_352 : memref<128xi32, #tpu.memory_space<vmem>>) target_semaphore(%arg17 : memref<!tpu.dma_semaphore, #tpu.memory_space<semaphore_mem>>)
          %dma_start3A_356 = arith.constant 3 : i32
          %dma_start3A_357 = arith.constant 0 : i32
          %dma_start3A_358 = tpu.memref_slice %arg7[%dma_start3A_356, %dma_start3A_357] : memref<4x128xi32, #tpu.memory_space<vmem>> -> memref<1x128xi32, #tpu.memory_space<vmem>>
          %dma_start3A_359 = tpu.memref_squeeze %dma_start3A_358 : memref<1x128xi32, #tpu.memory_space<vmem>> -> memref<128xi32, #tpu.memory_space<vmem>>
          %dma_start3A_360 = arith.constant 0 : i32
          %dma_start3A_361 = tpu.memref_slice %arg4[%add3A_342, %dma_start3A_360] : memref<2560x128xi32, #tpu.memory_space<hbm>> -> memref<1x128xi32, #tpu.memory_space<hbm>>
          %dma_start3A_362 = tpu.memref_squeeze %dma_start3A_361 : memref<1x128xi32, #tpu.memory_space<hbm>> -> memref<128xi32, #tpu.memory_space<hbm>>
          %dma_start3A_363 = arith.constant 0 : i32
          %dma_start3A_364 = tpu.memref_slice %arg7[%dma_start3A_356, %dma_start3A_363] : memref<4x128xi32, #tpu.memory_space<vmem>> -> memref<1x128xi32, #tpu.memory_space<vmem>>
          %dma_start3A_365 = tpu.memref_squeeze %dma_start3A_364 : memref<1x128xi32, #tpu.memory_space<vmem>> -> memref<128xi32, #tpu.memory_space<vmem>>
          %dma_start3A_366 = arith.constant 0 : i32
          %dma_start3A_367 = tpu.memref_slice %arg4[%add3A_342, %dma_start3A_366] : memref<2560x128xi32, #tpu.memory_space<hbm>> -> memref<1x128xi32, #tpu.memory_space<hbm>>
          %dma_start3A_368 = tpu.memref_squeeze %dma_start3A_367 : memref<1x128xi32, #tpu.memory_space<hbm>> -> memref<128xi32, #tpu.memory_space<hbm>>
          tpu.enqueue_dma source(%dma_start3A_368 : memref<128xi32, #tpu.memory_space<hbm>>) target(%dma_start3A_365 : memref<128xi32, #tpu.memory_space<vmem>>) target_semaphore(%arg17 : memref<!tpu.dma_semaphore, #tpu.memory_space<semaphore_mem>>)
        } else {
        }
        %dma_start3A_243 = arith.constant 1 : i32
        %dma_start3A_244 = arith.constant 1 : i32
        %dma_start3A_245 = arith.constant 0 : i32
        %dma_start3A_246 = arith.constant 0 : i32
        %dma_start3A_247 = tpu.memref_slice %arg8[%dma_start3A_243, %dma_start3A_245, %dma_start3A_246] : memref<2x128x128xf32, #tpu.memory_space<vmem>> -> memref<1x128x128xf32, #tpu.memory_space<vmem>>
        %dma_start3A_248 = tpu.memref_squeeze %dma_start3A_247 : memref<1x128x128xf32, #tpu.memory_space<vmem>> -> memref<128x128xf32, #tpu.memory_space<vmem>>
        %dma_start3A_249 = arith.constant 0 : i32
        %dma_start3A_250 = tpu.memref_slice %arg7[%dma_start3A_244, %dma_start3A_249] : memref<4x128xi32, #tpu.memory_space<vmem>> -> memref<1x128xi32, #tpu.memory_space<vmem>>
        %dma_start3A_251 = tpu.memref_squeeze %dma_start3A_250 : memref<1x128xi32, #tpu.memory_space<vmem>> -> memref<128xi32, #tpu.memory_space<vmem>>
        %dma_start3A_252 = arith.constant 0 : i32
        %dma_start3A_253 = arith.constant 0 : i32
        %dma_start3A_254 = tpu.memref_slice %arg9[%dma_start3A_252, %dma_start3A_253] : memref<10240x128xf32, #tpu.memory_space<vmem_shared>> -> memref<10240x128xf32, #tpu.memory_space<vmem_shared>>
        tpu.enqueue_indirect_dma source(%dma_start3A_248 : memref<128x128xf32, #tpu.memory_space<vmem>>) target(%dma_start3A_254 : memref<10240x128xf32, #tpu.memory_space<vmem_shared>>) offsets(%dma_start3A_251 : memref<128xi32, #tpu.memory_space<vmem>>) semaphore(%arg13 : memref<!tpu.dma_semaphore, #tpu.memory_space<semaphore_mem>>) {add = true}
        %mul3A_255 = arith.constant 4 : i32
        %mul3A_256 = arith.muli %scan3A_170, %mul3A_255 : i32
        %add3A_257 = arith.constant 2 : i32
        %add3A_258 = arith.addi %mul3A_256, %add3A_257 : i32
        %add3A_259 = arith.constant 1 : i32
        %add3A_260 = arith.addi %add3A_258, %add3A_259 : i32
        %lt3A_261 = arith.constant 80 : i32
        %lt3A_262 = arith.cmpi slt, %add3A_260, %lt3A_261 : i32
        %convert_element_type3A_263 = arith.extui %lt3A_262 : i1 to i32
        %cond3A_264 = arith.constant 0 : i32
        %cond3A_265 = arith.cmpi ne, %convert_element_type3A_263, %cond3A_264 : i32
        scf.if %cond3A_265 {
          %add3A_340 = arith.addi %add3A_44, %add3A_260 : i32
          %dma_wait3A_341 = arith.constant 3 : i32
          %dma_wait3A_342 = arith.constant 0 : i32
          %dma_wait3A_343 = tpu.memref_slice %arg6[%dma_wait3A_341, %dma_wait3A_342] : memref<4x128xi32, #tpu.memory_space<vmem>> -> memref<1x128xi32, #tpu.memory_space<vmem>>
          %dma_wait3A_344 = tpu.memref_squeeze %dma_wait3A_343 : memref<1x128xi32, #tpu.memory_space<vmem>> -> memref<128xi32, #tpu.memory_space<vmem>>
          %dma_wait3A_345 = arith.constant 0 : i32
          %dma_wait3A_346 = tpu.memref_slice %arg3[%add3A_340, %dma_wait3A_345] : memref<2560x128xi32, #tpu.memory_space<hbm>> -> memref<1x128xi32, #tpu.memory_space<hbm>>
          %dma_wait3A_347 = tpu.memref_squeeze %dma_wait3A_346 : memref<1x128xi32, #tpu.memory_space<hbm>> -> memref<128xi32, #tpu.memory_space<hbm>>
          %dma_wait3A_348 = arith.constant 0 : i32
          %dma_wait3A_349 = tpu.memref_slice %arg6[%dma_wait3A_341, %dma_wait3A_348] : memref<4x128xi32, #tpu.memory_space<vmem>> -> memref<1x128xi32, #tpu.memory_space<vmem>>
          %dma_wait3A_350 = tpu.memref_squeeze %dma_wait3A_349 : memref<1x128xi32, #tpu.memory_space<vmem>> -> memref<128xi32, #tpu.memory_space<vmem>>
          %dma_wait3A_351 = arith.constant 0 : i32
          %dma_wait3A_352 = tpu.memref_slice %arg3[%add3A_340, %dma_wait3A_351] : memref<2560x128xi32, #tpu.memory_space<hbm>> -> memref<1x128xi32, #tpu.memory_space<hbm>>
          %dma_wait3A_353 = tpu.memref_squeeze %dma_wait3A_352 : memref<1x128xi32, #tpu.memory_space<hbm>> -> memref<128xi32, #tpu.memory_space<hbm>>
          tpu.wait_dma2 semaphore(%arg17 : memref<!tpu.dma_semaphore, #tpu.memory_space<semaphore_mem>>) src(%dma_wait3A_353 : memref<128xi32, #tpu.memory_space<hbm>>) dst(%dma_wait3A_350 : memref<128xi32, #tpu.memory_space<vmem>>)
          %dma_wait3A_354 = arith.constant 3 : i32
          %dma_wait3A_355 = arith.constant 0 : i32
          %dma_wait3A_356 = tpu.memref_slice %arg7[%dma_wait3A_354, %dma_wait3A_355] : memref<4x128xi32, #tpu.memory_space<vmem>> -> memref<1x128xi32, #tpu.memory_space<vmem>>
          %dma_wait3A_357 = tpu.memref_squeeze %dma_wait3A_356 : memref<1x128xi32, #tpu.memory_space<vmem>> -> memref<128xi32, #tpu.memory_space<vmem>>
          %dma_wait3A_358 = arith.constant 0 : i32
          %dma_wait3A_359 = tpu.memref_slice %arg4[%add3A_340, %dma_wait3A_358] : memref<2560x128xi32, #tpu.memory_space<hbm>> -> memref<1x128xi32, #tpu.memory_space<hbm>>
          %dma_wait3A_360 = tpu.memref_squeeze %dma_wait3A_359 : memref<1x128xi32, #tpu.memory_space<hbm>> -> memref<128xi32, #tpu.memory_space<hbm>>
          %dma_wait3A_361 = arith.constant 0 : i32
          %dma_wait3A_362 = tpu.memref_slice %arg7[%dma_wait3A_354, %dma_wait3A_361] : memref<4x128xi32, #tpu.memory_space<vmem>> -> memref<1x128xi32, #tpu.memory_space<vmem>>
          %dma_wait3A_363 = tpu.memref_squeeze %dma_wait3A_362 : memref<1x128xi32, #tpu.memory_space<vmem>> -> memref<128xi32, #tpu.memory_space<vmem>>
          %dma_wait3A_364 = arith.constant 0 : i32
          %dma_wait3A_365 = tpu.memref_slice %arg4[%add3A_340, %dma_wait3A_364] : memref<2560x128xi32, #tpu.memory_space<hbm>> -> memref<1x128xi32, #tpu.memory_space<hbm>>
          %dma_wait3A_366 = tpu.memref_squeeze %dma_wait3A_365 : memref<1x128xi32, #tpu.memory_space<hbm>> -> memref<128xi32, #tpu.memory_space<hbm>>
          tpu.wait_dma2 semaphore(%arg17 : memref<!tpu.dma_semaphore, #tpu.memory_space<semaphore_mem>>) src(%dma_wait3A_366 : memref<128xi32, #tpu.memory_space<hbm>>) dst(%dma_wait3A_363 : memref<128xi32, #tpu.memory_space<vmem>>)
          %ge3A = arith.constant 1 : i32
          %ge3A_367 = arith.cmpi sge, %add3A_258, %ge3A : i32
          %convert_element_type3A_368 = arith.extui %ge3A_367 : i1 to i32
          %cond3A_369 = arith.constant 0 : i32
          %cond3A_370 = arith.cmpi ne, %convert_element_type3A_368, %cond3A_369 : i32
          scf.if %cond3A_370 {
            %dma_wait3A_383 = arith.constant 1 : i32
            %dma_wait3A_384 = arith.constant 1 : i32
            %dma_wait3A_385 = arith.constant 0 : i32
            %dma_wait3A_386 = arith.constant 0 : i32
            %dma_wait3A_387 = tpu.memref_slice %arg8[%dma_wait3A_383, %dma_wait3A_385, %dma_wait3A_386] : memref<2x128x128xf32, #tpu.memory_space<vmem>> -> memref<1x128x128xf32, #tpu.memory_space<vmem>>
            %dma_wait3A_388 = tpu.memref_squeeze %dma_wait3A_387 : memref<1x128x128xf32, #tpu.memory_space<vmem>> -> memref<128x128xf32, #tpu.memory_space<vmem>>
            %dma_wait3A_389 = arith.constant 0 : i32
            %dma_wait3A_390 = tpu.memref_slice %arg7[%dma_wait3A_384, %dma_wait3A_389] : memref<4x128xi32, #tpu.memory_space<vmem>> -> memref<1x128xi32, #tpu.memory_space<vmem>>
            %dma_wait3A_391 = tpu.memref_squeeze %dma_wait3A_390 : memref<1x128xi32, #tpu.memory_space<vmem>> -> memref<128xi32, #tpu.memory_space<vmem>>
            %dma_wait3A_392 = arith.constant 0 : i32
            %dma_wait3A_393 = arith.constant 0 : i32
            %dma_wait3A_394 = tpu.memref_slice %arg9[%dma_wait3A_392, %dma_wait3A_393] : memref<10240x128xf32, #tpu.memory_space<vmem_shared>> -> memref<10240x128xf32, #tpu.memory_space<vmem_shared>>
            tpu.wait_indirect_dma semaphore(%arg13 : memref<!tpu.dma_semaphore, #tpu.memory_space<semaphore_mem>>) src(%dma_wait3A_388 : memref<128x128xf32, #tpu.memory_space<vmem>>) dst(%dma_wait3A_394 : memref<10240x128xf32, #tpu.memory_space<vmem_shared>>)
          } else {
          }
          %dma_start3A_371 = arith.constant 3 : i32
          %dma_start3A_372 = arith.constant 1 : i32
          %dma_start3A_373 = arith.constant 0 : i32
          %dma_start3A_374 = arith.constant 0 : i32
          %dma_start3A_375 = tpu.memref_slice %arg8[%dma_start3A_372, %dma_start3A_373, %dma_start3A_374] : memref<2x128x128xf32, #tpu.memory_space<vmem>> -> memref<1x128x128xf32, #tpu.memory_space<vmem>>
          %dma_start3A_376 = tpu.memref_squeeze %dma_start3A_375 : memref<1x128x128xf32, #tpu.memory_space<vmem>> -> memref<128x128xf32, #tpu.memory_space<vmem>>
          %dma_start3A_377 = arith.constant 0 : i32
          %dma_start3A_378 = tpu.memref_slice %arg6[%dma_start3A_371, %dma_start3A_377] : memref<4x128xi32, #tpu.memory_space<vmem>> -> memref<1x128xi32, #tpu.memory_space<vmem>>
          %dma_start3A_379 = tpu.memref_squeeze %dma_start3A_378 : memref<1x128xi32, #tpu.memory_space<vmem>> -> memref<128xi32, #tpu.memory_space<vmem>>
          %dma_start3A_380 = arith.constant 0 : i32
          %dma_start3A_381 = arith.constant 0 : i32
          %dma_start3A_382 = tpu.memref_slice %arg2[%dma_start3A_380, %dma_start3A_381] : memref<10240x128xf32, #tpu.memory_space<hbm>> -> memref<10240x128xf32, #tpu.memory_space<hbm>>
          tpu.enqueue_indirect_dma source(%dma_start3A_382 : memref<10240x128xf32, #tpu.memory_space<hbm>>) target(%dma_start3A_376 : memref<128x128xf32, #tpu.memory_space<vmem>>) offsets(%dma_start3A_379 : memref<128xi32, #tpu.memory_space<vmem>>) semaphore(%arg11 : memref<!tpu.dma_semaphore, #tpu.memory_space<semaphore_mem>>)
        } else {
        }
        %dma_wait3A_266 = arith.constant 2 : i32
        %dma_wait3A_267 = arith.constant 0 : i32
        %dma_wait3A_268 = arith.constant 0 : i32
        %dma_wait3A_269 = arith.constant 0 : i32
        %dma_wait3A_270 = tpu.memref_slice %arg8[%dma_wait3A_267, %dma_wait3A_268, %dma_wait3A_269] : memref<2x128x128xf32, #tpu.memory_space<vmem>> -> memref<1x128x128xf32, #tpu.memory_space<vmem>>
        %dma_wait3A_271 = tpu.memref_squeeze %dma_wait3A_270 : memref<1x128x128xf32, #tpu.memory_space<vmem>> -> memref<128x128xf32, #tpu.memory_space<vmem>>
        %dma_wait3A_272 = arith.constant 0 : i32
        %dma_wait3A_273 = tpu.memref_slice %arg6[%dma_wait3A_266, %dma_wait3A_272] : memref<4x128xi32, #tpu.memory_space<vmem>> -> memref<1x128xi32, #tpu.memory_space<vmem>>
        %dma_wait3A_274 = tpu.memref_squeeze %dma_wait3A_273 : memref<1x128xi32, #tpu.memory_space<vmem>> -> memref<128xi32, #tpu.memory_space<vmem>>
        %dma_wait3A_275 = arith.constant 0 : i32
        %dma_wait3A_276 = arith.constant 0 : i32
        %dma_wait3A_277 = tpu.memref_slice %arg2[%dma_wait3A_275, %dma_wait3A_276] : memref<10240x128xf32, #tpu.memory_space<hbm>> -> memref<10240x128xf32, #tpu.memory_space<hbm>>
        tpu.wait_indirect_dma semaphore(%arg10 : memref<!tpu.dma_semaphore, #tpu.memory_space<semaphore_mem>>) src(%dma_wait3A_277 : memref<10240x128xf32, #tpu.memory_space<hbm>>) dst(%dma_wait3A_271 : memref<128x128xf32, #tpu.memory_space<vmem>>)
        %add3A_278 = arith.constant 2 : i32
        %add3A_279 = arith.addi %add3A_258, %add3A_278 : i32
        %lt3A_280 = arith.constant 80 : i32
        %lt3A_281 = arith.cmpi slt, %add3A_279, %lt3A_280 : i32
        %convert_element_type3A_282 = arith.extui %lt3A_281 : i1 to i32
        %cond3A_283 = arith.constant 0 : i32
        %cond3A_284 = arith.cmpi ne, %convert_element_type3A_282, %cond3A_283 : i32
        scf.if %cond3A_284 {
          %add3A_340 = arith.addi %add3A_44, %add3A_258 : i32
          %add3A_341 = arith.constant 2 : i32
          %add3A_342 = arith.addi %add3A_340, %add3A_341 : i32
          %dma_start3A_343 = arith.constant 0 : i32
          %dma_start3A_344 = arith.constant 0 : i32
          %dma_start3A_345 = tpu.memref_slice %arg6[%dma_start3A_343, %dma_start3A_344] : memref<4x128xi32, #tpu.memory_space<vmem>> -> memref<1x128xi32, #tpu.memory_space<vmem>>
          %dma_start3A_346 = tpu.memref_squeeze %dma_start3A_345 : memref<1x128xi32, #tpu.memory_space<vmem>> -> memref<128xi32, #tpu.memory_space<vmem>>
          %dma_start3A_347 = arith.constant 0 : i32
          %dma_start3A_348 = tpu.memref_slice %arg3[%add3A_342, %dma_start3A_347] : memref<2560x128xi32, #tpu.memory_space<hbm>> -> memref<1x128xi32, #tpu.memory_space<hbm>>
          %dma_start3A_349 = tpu.memref_squeeze %dma_start3A_348 : memref<1x128xi32, #tpu.memory_space<hbm>> -> memref<128xi32, #tpu.memory_space<hbm>>
          %dma_start3A_350 = arith.constant 0 : i32
          %dma_start3A_351 = tpu.memref_slice %arg6[%dma_start3A_343, %dma_start3A_350] : memref<4x128xi32, #tpu.memory_space<vmem>> -> memref<1x128xi32, #tpu.memory_space<vmem>>
          %dma_start3A_352 = tpu.memref_squeeze %dma_start3A_351 : memref<1x128xi32, #tpu.memory_space<vmem>> -> memref<128xi32, #tpu.memory_space<vmem>>
          %dma_start3A_353 = arith.constant 0 : i32
          %dma_start3A_354 = tpu.memref_slice %arg3[%add3A_342, %dma_start3A_353] : memref<2560x128xi32, #tpu.memory_space<hbm>> -> memref<1x128xi32, #tpu.memory_space<hbm>>
          %dma_start3A_355 = tpu.memref_squeeze %dma_start3A_354 : memref<1x128xi32, #tpu.memory_space<hbm>> -> memref<128xi32, #tpu.memory_space<hbm>>
          tpu.enqueue_dma source(%dma_start3A_355 : memref<128xi32, #tpu.memory_space<hbm>>) target(%dma_start3A_352 : memref<128xi32, #tpu.memory_space<vmem>>) target_semaphore(%arg14 : memref<!tpu.dma_semaphore, #tpu.memory_space<semaphore_mem>>)
          %dma_start3A_356 = arith.constant 0 : i32
          %dma_start3A_357 = arith.constant 0 : i32
          %dma_start3A_358 = tpu.memref_slice %arg7[%dma_start3A_356, %dma_start3A_357] : memref<4x128xi32, #tpu.memory_space<vmem>> -> memref<1x128xi32, #tpu.memory_space<vmem>>
          %dma_start3A_359 = tpu.memref_squeeze %dma_start3A_358 : memref<1x128xi32, #tpu.memory_space<vmem>> -> memref<128xi32, #tpu.memory_space<vmem>>
          %dma_start3A_360 = arith.constant 0 : i32
          %dma_start3A_361 = tpu.memref_slice %arg4[%add3A_342, %dma_start3A_360] : memref<2560x128xi32, #tpu.memory_space<hbm>> -> memref<1x128xi32, #tpu.memory_space<hbm>>
          %dma_start3A_362 = tpu.memref_squeeze %dma_start3A_361 : memref<1x128xi32, #tpu.memory_space<hbm>> -> memref<128xi32, #tpu.memory_space<hbm>>
          %dma_start3A_363 = arith.constant 0 : i32
          %dma_start3A_364 = tpu.memref_slice %arg7[%dma_start3A_356, %dma_start3A_363] : memref<4x128xi32, #tpu.memory_space<vmem>> -> memref<1x128xi32, #tpu.memory_space<vmem>>
          %dma_start3A_365 = tpu.memref_squeeze %dma_start3A_364 : memref<1x128xi32, #tpu.memory_space<vmem>> -> memref<128xi32, #tpu.memory_space<vmem>>
          %dma_start3A_366 = arith.constant 0 : i32
          %dma_start3A_367 = tpu.memref_slice %arg4[%add3A_342, %dma_start3A_366] : memref<2560x128xi32, #tpu.memory_space<hbm>> -> memref<1x128xi32, #tpu.memory_space<hbm>>
          %dma_start3A_368 = tpu.memref_squeeze %dma_start3A_367 : memref<1x128xi32, #tpu.memory_space<hbm>> -> memref<128xi32, #tpu.memory_space<hbm>>
          tpu.enqueue_dma source(%dma_start3A_368 : memref<128xi32, #tpu.memory_space<hbm>>) target(%dma_start3A_365 : memref<128xi32, #tpu.memory_space<vmem>>) target_semaphore(%arg14 : memref<!tpu.dma_semaphore, #tpu.memory_space<semaphore_mem>>)
        } else {
        }
        %dma_start3A_285 = arith.constant 0 : i32
        %dma_start3A_286 = arith.constant 2 : i32
        %dma_start3A_287 = arith.constant 0 : i32
        %dma_start3A_288 = arith.constant 0 : i32
        %dma_start3A_289 = tpu.memref_slice %arg8[%dma_start3A_285, %dma_start3A_287, %dma_start3A_288] : memref<2x128x128xf32, #tpu.memory_space<vmem>> -> memref<1x128x128xf32, #tpu.memory_space<vmem>>
        %dma_start3A_290 = tpu.memref_squeeze %dma_start3A_289 : memref<1x128x128xf32, #tpu.memory_space<vmem>> -> memref<128x128xf32, #tpu.memory_space<vmem>>
        %dma_start3A_291 = arith.constant 0 : i32
        %dma_start3A_292 = tpu.memref_slice %arg7[%dma_start3A_286, %dma_start3A_291] : memref<4x128xi32, #tpu.memory_space<vmem>> -> memref<1x128xi32, #tpu.memory_space<vmem>>
        %dma_start3A_293 = tpu.memref_squeeze %dma_start3A_292 : memref<1x128xi32, #tpu.memory_space<vmem>> -> memref<128xi32, #tpu.memory_space<vmem>>
        %dma_start3A_294 = arith.constant 0 : i32
        %dma_start3A_295 = arith.constant 0 : i32
        %dma_start3A_296 = tpu.memref_slice %arg9[%dma_start3A_294, %dma_start3A_295] : memref<10240x128xf32, #tpu.memory_space<vmem_shared>> -> memref<10240x128xf32, #tpu.memory_space<vmem_shared>>
        tpu.enqueue_indirect_dma source(%dma_start3A_290 : memref<128x128xf32, #tpu.memory_space<vmem>>) target(%dma_start3A_296 : memref<10240x128xf32, #tpu.memory_space<vmem_shared>>) offsets(%dma_start3A_293 : memref<128xi32, #tpu.memory_space<vmem>>) semaphore(%arg12 : memref<!tpu.dma_semaphore, #tpu.memory_space<semaphore_mem>>) {add = true}
        %mul3A_297 = arith.constant 4 : i32
        %mul3A_298 = arith.muli %scan3A_170, %mul3A_297 : i32
        %add3A_299 = arith.constant 3 : i32
        %add3A_300 = arith.addi %mul3A_298, %add3A_299 : i32
        %add3A_301 = arith.constant 1 : i32
        %add3A_302 = arith.addi %add3A_300, %add3A_301 : i32
        %lt3A_303 = arith.constant 80 : i32
        %lt3A_304 = arith.cmpi slt, %add3A_302, %lt3A_303 : i32
        %convert_element_type3A_305 = arith.extui %lt3A_304 : i1 to i32
        %cond3A_306 = arith.constant 0 : i32
        %cond3A_307 = arith.cmpi ne, %convert_element_type3A_305, %cond3A_306 : i32
        scf.if %cond3A_307 {
          %add3A_340 = arith.addi %add3A_44, %add3A_302 : i32
          %dma_wait3A_341 = arith.constant 0 : i32
          %dma_wait3A_342 = arith.constant 0 : i32
          %dma_wait3A_343 = tpu.memref_slice %arg6[%dma_wait3A_341, %dma_wait3A_342] : memref<4x128xi32, #tpu.memory_space<vmem>> -> memref<1x128xi32, #tpu.memory_space<vmem>>
          %dma_wait3A_344 = tpu.memref_squeeze %dma_wait3A_343 : memref<1x128xi32, #tpu.memory_space<vmem>> -> memref<128xi32, #tpu.memory_space<vmem>>
          %dma_wait3A_345 = arith.constant 0 : i32
          %dma_wait3A_346 = tpu.memref_slice %arg3[%add3A_340, %dma_wait3A_345] : memref<2560x128xi32, #tpu.memory_space<hbm>> -> memref<1x128xi32, #tpu.memory_space<hbm>>
          %dma_wait3A_347 = tpu.memref_squeeze %dma_wait3A_346 : memref<1x128xi32, #tpu.memory_space<hbm>> -> memref<128xi32, #tpu.memory_space<hbm>>
          %dma_wait3A_348 = arith.constant 0 : i32
          %dma_wait3A_349 = tpu.memref_slice %arg6[%dma_wait3A_341, %dma_wait3A_348] : memref<4x128xi32, #tpu.memory_space<vmem>> -> memref<1x128xi32, #tpu.memory_space<vmem>>
          %dma_wait3A_350 = tpu.memref_squeeze %dma_wait3A_349 : memref<1x128xi32, #tpu.memory_space<vmem>> -> memref<128xi32, #tpu.memory_space<vmem>>
          %dma_wait3A_351 = arith.constant 0 : i32
          %dma_wait3A_352 = tpu.memref_slice %arg3[%add3A_340, %dma_wait3A_351] : memref<2560x128xi32, #tpu.memory_space<hbm>> -> memref<1x128xi32, #tpu.memory_space<hbm>>
          %dma_wait3A_353 = tpu.memref_squeeze %dma_wait3A_352 : memref<1x128xi32, #tpu.memory_space<hbm>> -> memref<128xi32, #tpu.memory_space<hbm>>
          tpu.wait_dma2 semaphore(%arg14 : memref<!tpu.dma_semaphore, #tpu.memory_space<semaphore_mem>>) src(%dma_wait3A_353 : memref<128xi32, #tpu.memory_space<hbm>>) dst(%dma_wait3A_350 : memref<128xi32, #tpu.memory_space<vmem>>)
          %dma_wait3A_354 = arith.constant 0 : i32
          %dma_wait3A_355 = arith.constant 0 : i32
          %dma_wait3A_356 = tpu.memref_slice %arg7[%dma_wait3A_354, %dma_wait3A_355] : memref<4x128xi32, #tpu.memory_space<vmem>> -> memref<1x128xi32, #tpu.memory_space<vmem>>
          %dma_wait3A_357 = tpu.memref_squeeze %dma_wait3A_356 : memref<1x128xi32, #tpu.memory_space<vmem>> -> memref<128xi32, #tpu.memory_space<vmem>>
          %dma_wait3A_358 = arith.constant 0 : i32
          %dma_wait3A_359 = tpu.memref_slice %arg4[%add3A_340, %dma_wait3A_358] : memref<2560x128xi32, #tpu.memory_space<hbm>> -> memref<1x128xi32, #tpu.memory_space<hbm>>
          %dma_wait3A_360 = tpu.memref_squeeze %dma_wait3A_359 : memref<1x128xi32, #tpu.memory_space<hbm>> -> memref<128xi32, #tpu.memory_space<hbm>>
          %dma_wait3A_361 = arith.constant 0 : i32
          %dma_wait3A_362 = tpu.memref_slice %arg7[%dma_wait3A_354, %dma_wait3A_361] : memref<4x128xi32, #tpu.memory_space<vmem>> -> memref<1x128xi32, #tpu.memory_space<vmem>>
          %dma_wait3A_363 = tpu.memref_squeeze %dma_wait3A_362 : memref<1x128xi32, #tpu.memory_space<vmem>> -> memref<128xi32, #tpu.memory_space<vmem>>
          %dma_wait3A_364 = arith.constant 0 : i32
          %dma_wait3A_365 = tpu.memref_slice %arg4[%add3A_340, %dma_wait3A_364] : memref<2560x128xi32, #tpu.memory_space<hbm>> -> memref<1x128xi32, #tpu.memory_space<hbm>>
          %dma_wait3A_366 = tpu.memref_squeeze %dma_wait3A_365 : memref<1x128xi32, #tpu.memory_space<hbm>> -> memref<128xi32, #tpu.memory_space<hbm>>
          tpu.wait_dma2 semaphore(%arg14 : memref<!tpu.dma_semaphore, #tpu.memory_space<semaphore_mem>>) src(%dma_wait3A_366 : memref<128xi32, #tpu.memory_space<hbm>>) dst(%dma_wait3A_363 : memref<128xi32, #tpu.memory_space<vmem>>)
          %ge3A = arith.constant 1 : i32
          %ge3A_367 = arith.cmpi sge, %add3A_300, %ge3A : i32
          %convert_element_type3A_368 = arith.extui %ge3A_367 : i1 to i32
          %cond3A_369 = arith.constant 0 : i32
          %cond3A_370 = arith.cmpi ne, %convert_element_type3A_368, %cond3A_369 : i32
          scf.if %cond3A_370 {
            %dma_wait3A_383 = arith.constant 0 : i32
            %dma_wait3A_384 = arith.constant 2 : i32
            %dma_wait3A_385 = arith.constant 0 : i32
            %dma_wait3A_386 = arith.constant 0 : i32
            %dma_wait3A_387 = tpu.memref_slice %arg8[%dma_wait3A_383, %dma_wait3A_385, %dma_wait3A_386] : memref<2x128x128xf32, #tpu.memory_space<vmem>> -> memref<1x128x128xf32, #tpu.memory_space<vmem>>
            %dma_wait3A_388 = tpu.memref_squeeze %dma_wait3A_387 : memref<1x128x128xf32, #tpu.memory_space<vmem>> -> memref<128x128xf32, #tpu.memory_space<vmem>>
            %dma_wait3A_389 = arith.constant 0 : i32
            %dma_wait3A_390 = tpu.memref_slice %arg7[%dma_wait3A_384, %dma_wait3A_389] : memref<4x128xi32, #tpu.memory_space<vmem>> -> memref<1x128xi32, #tpu.memory_space<vmem>>
            %dma_wait3A_391 = tpu.memref_squeeze %dma_wait3A_390 : memref<1x128xi32, #tpu.memory_space<vmem>> -> memref<128xi32, #tpu.memory_space<vmem>>
            %dma_wait3A_392 = arith.constant 0 : i32
            %dma_wait3A_393 = arith.constant 0 : i32
            %dma_wait3A_394 = tpu.memref_slice %arg9[%dma_wait3A_392, %dma_wait3A_393] : memref<10240x128xf32, #tpu.memory_space<vmem_shared>> -> memref<10240x128xf32, #tpu.memory_space<vmem_shared>>
            tpu.wait_indirect_dma semaphore(%arg12 : memref<!tpu.dma_semaphore, #tpu.memory_space<semaphore_mem>>) src(%dma_wait3A_388 : memref<128x128xf32, #tpu.memory_space<vmem>>) dst(%dma_wait3A_394 : memref<10240x128xf32, #tpu.memory_space<vmem_shared>>)
          } else {
          }
          %dma_start3A_371 = arith.constant 0 : i32
          %dma_start3A_372 = arith.constant 0 : i32
          %dma_start3A_373 = arith.constant 0 : i32
          %dma_start3A_374 = arith.constant 0 : i32
          %dma_start3A_375 = tpu.memref_slice %arg8[%dma_start3A_372, %dma_start3A_373, %dma_start3A_374] : memref<2x128x128xf32, #tpu.memory_space<vmem>> -> memref<1x128x128xf32, #tpu.memory_space<vmem>>
          %dma_start3A_376 = tpu.memref_squeeze %dma_start3A_375 : memref<1x128x128xf32, #tpu.memory_space<vmem>> -> memref<128x128xf32, #tpu.memory_space<vmem>>
          %dma_start3A_377 = arith.constant 0 : i32
          %dma_start3A_378 = tpu.memref_slice %arg6[%dma_start3A_371, %dma_start3A_377] : memref<4x128xi32, #tpu.memory_space<vmem>> -> memref<1x128xi32, #tpu.memory_space<vmem>>
          %dma_start3A_379 = tpu.memref_squeeze %dma_start3A_378 : memref<1x128xi32, #tpu.memory_space<vmem>> -> memref<128xi32, #tpu.memory_space<vmem>>
          %dma_start3A_380 = arith.constant 0 : i32
          %dma_start3A_381 = arith.constant 0 : i32
          %dma_start3A_382 = tpu.memref_slice %arg2[%dma_start3A_380, %dma_start3A_381] : memref<10240x128xf32, #tpu.memory_space<hbm>> -> memref<10240x128xf32, #tpu.memory_space<hbm>>
          tpu.enqueue_indirect_dma source(%dma_start3A_382 : memref<10240x128xf32, #tpu.memory_space<hbm>>) target(%dma_start3A_376 : memref<128x128xf32, #tpu.memory_space<vmem>>) offsets(%dma_start3A_379 : memref<128xi32, #tpu.memory_space<vmem>>) semaphore(%arg10 : memref<!tpu.dma_semaphore, #tpu.memory_space<semaphore_mem>>)
        } else {
        }
        %dma_wait3A_308 = arith.constant 3 : i32
        %dma_wait3A_309 = arith.constant 1 : i32
        %dma_wait3A_310 = arith.constant 0 : i32
        %dma_wait3A_311 = arith.constant 0 : i32
        %dma_wait3A_312 = tpu.memref_slice %arg8[%dma_wait3A_309, %dma_wait3A_310, %dma_wait3A_311] : memref<2x128x128xf32, #tpu.memory_space<vmem>> -> memref<1x128x128xf32, #tpu.memory_space<vmem>>
        %dma_wait3A_313 = tpu.memref_squeeze %dma_wait3A_312 : memref<1x128x128xf32, #tpu.memory_space<vmem>> -> memref<128x128xf32, #tpu.memory_space<vmem>>
        %dma_wait3A_314 = arith.constant 0 : i32
        %dma_wait3A_315 = tpu.memref_slice %arg6[%dma_wait3A_308, %dma_wait3A_314] : memref<4x128xi32, #tpu.memory_space<vmem>> -> memref<1x128xi32, #tpu.memory_space<vmem>>
        %dma_wait3A_316 = tpu.memref_squeeze %dma_wait3A_315 : memref<1x128xi32, #tpu.memory_space<vmem>> -> memref<128xi32, #tpu.memory_space<vmem>>
        %dma_wait3A_317 = arith.constant 0 : i32
        %dma_wait3A_318 = arith.constant 0 : i32
        %dma_wait3A_319 = tpu.memref_slice %arg2[%dma_wait3A_317, %dma_wait3A_318] : memref<10240x128xf32, #tpu.memory_space<hbm>> -> memref<10240x128xf32, #tpu.memory_space<hbm>>
        tpu.wait_indirect_dma semaphore(%arg11 : memref<!tpu.dma_semaphore, #tpu.memory_space<semaphore_mem>>) src(%dma_wait3A_319 : memref<10240x128xf32, #tpu.memory_space<hbm>>) dst(%dma_wait3A_313 : memref<128x128xf32, #tpu.memory_space<vmem>>)
        %add3A_320 = arith.constant 2 : i32
        %add3A_321 = arith.addi %add3A_300, %add3A_320 : i32
        %lt3A_322 = arith.constant 80 : i32
        %lt3A_323 = arith.cmpi slt, %add3A_321, %lt3A_322 : i32
        %convert_element_type3A_324 = arith.extui %lt3A_323 : i1 to i32
        %cond3A_325 = arith.constant 0 : i32
        %cond3A_326 = arith.cmpi ne, %convert_element_type3A_324, %cond3A_325 : i32
        scf.if %cond3A_326 {
          %add3A_340 = arith.addi %add3A_44, %add3A_300 : i32
          %add3A_341 = arith.constant 2 : i32
          %add3A_342 = arith.addi %add3A_340, %add3A_341 : i32
          %dma_start3A_343 = arith.constant 1 : i32
          %dma_start3A_344 = arith.constant 0 : i32
          %dma_start3A_345 = tpu.memref_slice %arg6[%dma_start3A_343, %dma_start3A_344] : memref<4x128xi32, #tpu.memory_space<vmem>> -> memref<1x128xi32, #tpu.memory_space<vmem>>
          %dma_start3A_346 = tpu.memref_squeeze %dma_start3A_345 : memref<1x128xi32, #tpu.memory_space<vmem>> -> memref<128xi32, #tpu.memory_space<vmem>>
          %dma_start3A_347 = arith.constant 0 : i32
          %dma_start3A_348 = tpu.memref_slice %arg3[%add3A_342, %dma_start3A_347] : memref<2560x128xi32, #tpu.memory_space<hbm>> -> memref<1x128xi32, #tpu.memory_space<hbm>>
          %dma_start3A_349 = tpu.memref_squeeze %dma_start3A_348 : memref<1x128xi32, #tpu.memory_space<hbm>> -> memref<128xi32, #tpu.memory_space<hbm>>
          %dma_start3A_350 = arith.constant 0 : i32
          %dma_start3A_351 = tpu.memref_slice %arg6[%dma_start3A_343, %dma_start3A_350] : memref<4x128xi32, #tpu.memory_space<vmem>> -> memref<1x128xi32, #tpu.memory_space<vmem>>
          %dma_start3A_352 = tpu.memref_squeeze %dma_start3A_351 : memref<1x128xi32, #tpu.memory_space<vmem>> -> memref<128xi32, #tpu.memory_space<vmem>>
          %dma_start3A_353 = arith.constant 0 : i32
          %dma_start3A_354 = tpu.memref_slice %arg3[%add3A_342, %dma_start3A_353] : memref<2560x128xi32, #tpu.memory_space<hbm>> -> memref<1x128xi32, #tpu.memory_space<hbm>>
          %dma_start3A_355 = tpu.memref_squeeze %dma_start3A_354 : memref<1x128xi32, #tpu.memory_space<hbm>> -> memref<128xi32, #tpu.memory_space<hbm>>
          tpu.enqueue_dma source(%dma_start3A_355 : memref<128xi32, #tpu.memory_space<hbm>>) target(%dma_start3A_352 : memref<128xi32, #tpu.memory_space<vmem>>) target_semaphore(%arg15 : memref<!tpu.dma_semaphore, #tpu.memory_space<semaphore_mem>>)
          %dma_start3A_356 = arith.constant 1 : i32
          %dma_start3A_357 = arith.constant 0 : i32
          %dma_start3A_358 = tpu.memref_slice %arg7[%dma_start3A_356, %dma_start3A_357] : memref<4x128xi32, #tpu.memory_space<vmem>> -> memref<1x128xi32, #tpu.memory_space<vmem>>
          %dma_start3A_359 = tpu.memref_squeeze %dma_start3A_358 : memref<1x128xi32, #tpu.memory_space<vmem>> -> memref<128xi32, #tpu.memory_space<vmem>>
          %dma_start3A_360 = arith.constant 0 : i32
          %dma_start3A_361 = tpu.memref_slice %arg4[%add3A_342, %dma_start3A_360] : memref<2560x128xi32, #tpu.memory_space<hbm>> -> memref<1x128xi32, #tpu.memory_space<hbm>>
          %dma_start3A_362 = tpu.memref_squeeze %dma_start3A_361 : memref<1x128xi32, #tpu.memory_space<hbm>> -> memref<128xi32, #tpu.memory_space<hbm>>
          %dma_start3A_363 = arith.constant 0 : i32
          %dma_start3A_364 = tpu.memref_slice %arg7[%dma_start3A_356, %dma_start3A_363] : memref<4x128xi32, #tpu.memory_space<vmem>> -> memref<1x128xi32, #tpu.memory_space<vmem>>
          %dma_start3A_365 = tpu.memref_squeeze %dma_start3A_364 : memref<1x128xi32, #tpu.memory_space<vmem>> -> memref<128xi32, #tpu.memory_space<vmem>>
          %dma_start3A_366 = arith.constant 0 : i32
          %dma_start3A_367 = tpu.memref_slice %arg4[%add3A_342, %dma_start3A_366] : memref<2560x128xi32, #tpu.memory_space<hbm>> -> memref<1x128xi32, #tpu.memory_space<hbm>>
          %dma_start3A_368 = tpu.memref_squeeze %dma_start3A_367 : memref<1x128xi32, #tpu.memory_space<hbm>> -> memref<128xi32, #tpu.memory_space<hbm>>
          tpu.enqueue_dma source(%dma_start3A_368 : memref<128xi32, #tpu.memory_space<hbm>>) target(%dma_start3A_365 : memref<128xi32, #tpu.memory_space<vmem>>) target_semaphore(%arg15 : memref<!tpu.dma_semaphore, #tpu.memory_space<semaphore_mem>>)
        } else {
        }
        %dma_start3A_327 = arith.constant 1 : i32
        %dma_start3A_328 = arith.constant 3 : i32
        %dma_start3A_329 = arith.constant 0 : i32
        %dma_start3A_330 = arith.constant 0 : i32
        %dma_start3A_331 = tpu.memref_slice %arg8[%dma_start3A_327, %dma_start3A_329, %dma_start3A_330] : memref<2x128x128xf32, #tpu.memory_space<vmem>> -> memref<1x128x128xf32, #tpu.memory_space<vmem>>
        %dma_start3A_332 = tpu.memref_squeeze %dma_start3A_331 : memref<1x128x128xf32, #tpu.memory_space<vmem>> -> memref<128x128xf32, #tpu.memory_space<vmem>>
        %dma_start3A_333 = arith.constant 0 : i32
        %dma_start3A_334 = tpu.memref_slice %arg7[%dma_start3A_328, %dma_start3A_333] : memref<4x128xi32, #tpu.memory_space<vmem>> -> memref<1x128xi32, #tpu.memory_space<vmem>>
        %dma_start3A_335 = tpu.memref_squeeze %dma_start3A_334 : memref<1x128xi32, #tpu.memory_space<vmem>> -> memref<128xi32, #tpu.memory_space<vmem>>
        %dma_start3A_336 = arith.constant 0 : i32
        %dma_start3A_337 = arith.constant 0 : i32
        %dma_start3A_338 = tpu.memref_slice %arg9[%dma_start3A_336, %dma_start3A_337] : memref<10240x128xf32, #tpu.memory_space<vmem_shared>> -> memref<10240x128xf32, #tpu.memory_space<vmem_shared>>
        tpu.enqueue_indirect_dma source(%dma_start3A_332 : memref<128x128xf32, #tpu.memory_space<vmem>>) target(%dma_start3A_338 : memref<10240x128xf32, #tpu.memory_space<vmem_shared>>) offsets(%dma_start3A_335 : memref<128xi32, #tpu.memory_space<vmem>>) semaphore(%arg13 : memref<!tpu.dma_semaphore, #tpu.memory_space<semaphore_mem>>) {add = true}
        %scan3A_339 = arith.constant 0 : i32
        scf.yield %scan3A_339 : i32
      }
      %scan3A_145 = arith.constant 20 : i32
      %dma_wait3A_146 = arith.constant 0 : i32
      %dma_wait3A_147 = arith.constant 2 : i32
      %dma_wait3A_148 = arith.constant 0 : i32
      %dma_wait3A_149 = arith.constant 0 : i32
      %dma_wait3A_150 = tpu.memref_slice %arg8[%dma_wait3A_146, %dma_wait3A_148, %dma_wait3A_149] : memref<2x128x128xf32, #tpu.memory_space<vmem>> -> memref<1x128x128xf32, #tpu.memory_space<vmem>>
      %dma_wait3A_151 = tpu.memref_squeeze %dma_wait3A_150 : memref<1x128x128xf32, #tpu.memory_space<vmem>> -> memref<128x128xf32, #tpu.memory_space<vmem>>
      %dma_wait3A_152 = arith.constant 0 : i32
      %dma_wait3A_153 = tpu.memref_slice %arg7[%dma_wait3A_147, %dma_wait3A_152] : memref<4x128xi32, #tpu.memory_space<vmem>> -> memref<1x128xi32, #tpu.memory_space<vmem>>
      %dma_wait3A_154 = tpu.memref_squeeze %dma_wait3A_153 : memref<1x128xi32, #tpu.memory_space<vmem>> -> memref<128xi32, #tpu.memory_space<vmem>>
      %dma_wait3A_155 = arith.constant 0 : i32
      %dma_wait3A_156 = arith.constant 0 : i32
      %dma_wait3A_157 = tpu.memref_slice %arg9[%dma_wait3A_155, %dma_wait3A_156] : memref<10240x128xf32, #tpu.memory_space<vmem_shared>> -> memref<10240x128xf32, #tpu.memory_space<vmem_shared>>
      tpu.wait_indirect_dma semaphore(%arg12 : memref<!tpu.dma_semaphore, #tpu.memory_space<semaphore_mem>>) src(%dma_wait3A_151 : memref<128x128xf32, #tpu.memory_space<vmem>>) dst(%dma_wait3A_157 : memref<10240x128xf32, #tpu.memory_space<vmem_shared>>)
      %dma_wait3A_158 = arith.constant 1 : i32
      %dma_wait3A_159 = arith.constant 3 : i32
      %dma_wait3A_160 = arith.constant 0 : i32
      %dma_wait3A_161 = arith.constant 0 : i32
      %dma_wait3A_162 = tpu.memref_slice %arg8[%dma_wait3A_158, %dma_wait3A_160, %dma_wait3A_161] : memref<2x128x128xf32, #tpu.memory_space<vmem>> -> memref<1x128x128xf32, #tpu.memory_space<vmem>>
      %dma_wait3A_163 = tpu.memref_squeeze %dma_wait3A_162 : memref<1x128x128xf32, #tpu.memory_space<vmem>> -> memref<128x128xf32, #tpu.memory_space<vmem>>
      %dma_wait3A_164 = arith.constant 0 : i32
      %dma_wait3A_165 = tpu.memref_slice %arg7[%dma_wait3A_159, %dma_wait3A_164] : memref<4x128xi32, #tpu.memory_space<vmem>> -> memref<1x128xi32, #tpu.memory_space<vmem>>
      %dma_wait3A_166 = tpu.memref_squeeze %dma_wait3A_165 : memref<1x128xi32, #tpu.memory_space<vmem>> -> memref<128xi32, #tpu.memory_space<vmem>>
      %dma_wait3A_167 = arith.constant 0 : i32
      %dma_wait3A_168 = arith.constant 0 : i32
      %dma_wait3A_169 = tpu.memref_slice %arg9[%dma_wait3A_167, %dma_wait3A_168] : memref<10240x128xf32, #tpu.memory_space<vmem_shared>> -> memref<10240x128xf32, #tpu.memory_space<vmem_shared>>
      tpu.wait_indirect_dma semaphore(%arg13 : memref<!tpu.dma_semaphore, #tpu.memory_space<semaphore_mem>>) src(%dma_wait3A_163 : memref<128x128xf32, #tpu.memory_space<vmem>>) dst(%dma_wait3A_169 : memref<10240x128xf32, #tpu.memory_space<vmem_shared>>)
    } else {
    }
    %barrier3A_36 = arith.constant 0 : index
    tpu.barrier barrier_id(%barrier3A_36)
    %mul3A_37 = arith.constant 640 : i32
    %mul3A_38 = arith.muli %arg1, %mul3A_37 : i32
    %mul3A_39 = arith.constant 640 : i32
    %mul3A_40 = arith.muli %arg1, %mul3A_39 : i32
    "tpu.region"() ({
      %run_scoped3A_41 = tpu.sem_alloc : memref<!tpu.dma_semaphore, #tpu.memory_space<semaphore_mem>>
      %dma_start3A = arith.constant 0 : i32
      %dma_start3A_42 = tpu.memref_slice %arg5[%arg0, %mul3A_40, %dma_start3A] : memref<2x10240x128xf32, #tpu.memory_space<hbm>> -> memref<1x640x128xf32, #tpu.memory_space<hbm>>
      %dma_start3A_43 = tpu.memref_squeeze %dma_start3A_42 : memref<1x640x128xf32, #tpu.memory_space<hbm>> -> memref<640x128xf32, #tpu.memory_space<hbm>>
      %dma_start3A_44 = arith.constant 0 : i32
      %dma_start3A_45 = tpu.memref_slice %arg9[%mul3A_38, %dma_start3A_44] : memref<10240x128xf32, #tpu.memory_space<vmem_shared>> -> memref<640x128xf32, #tpu.memory_space<vmem_shared>>
      tpu.enqueue_dma source(%dma_start3A_45 : memref<640x128xf32, #tpu.memory_space<vmem_shared>>) target(%dma_start3A_43 : memref<640x128xf32, #tpu.memory_space<hbm>>) target_semaphore(%run_scoped3A_41 : memref<!tpu.dma_semaphore, #tpu.memory_space<semaphore_mem>>)
      %dma_wait3A = arith.constant 0 : i32
      %dma_wait3A_46 = tpu.memref_slice %arg5[%arg0, %mul3A_40, %dma_wait3A] : memref<2x10240x128xf32, #tpu.memory_space<hbm>> -> memref<1x640x128xf32, #tpu.memory_space<hbm>>
      %dma_wait3A_47 = tpu.memref_squeeze %dma_wait3A_46 : memref<1x640x128xf32, #tpu.memory_space<hbm>> -> memref<640x128xf32, #tpu.memory_space<hbm>>
      %dma_wait3A_48 = arith.constant 0 : i32
      %dma_wait3A_49 = tpu.memref_slice %arg9[%mul3A_38, %dma_wait3A_48] : memref<10240x128xf32, #tpu.memory_space<vmem_shared>> -> memref<640x128xf32, #tpu.memory_space<vmem_shared>>
      tpu.wait_dma2 semaphore(%run_scoped3A_41 : memref<!tpu.dma_semaphore, #tpu.memory_space<semaphore_mem>>) src(%dma_wait3A_49 : memref<640x128xf32, #tpu.memory_space<vmem_shared>>) dst(%dma_wait3A_47 : memref<640x128xf32, #tpu.memory_space<hbm>>)
      tpu.yield
    }) : () -> ()
    return
  }
}

module attributes {stable_mosaic.version = 14 : i64} {
  func.func @_tc2_body(%arg0: memref<2x10240x128xf32, #tpu.memory_space<vmem>>, %arg1: memref<10240x1xf32, #tpu.memory_space<vmem>>, %arg2: memref<10240x1xf32, #tpu.memory_space<vmem>>, %arg3: memref<1x128xf32, #tpu.memory_space<vmem>>, %arg4: memref<128x128xf32, #tpu.memory_space<vmem>>, %arg5: memref<10240x128xf32, #tpu.memory_space<vmem>>) attributes {dimension_semantics = [], scalar_prefetch = 0 : i64, scratch_operands = 0 : i64, tpu.core_type = #tpu.core_type<tc>} {
    %get3A = arith.constant 0 : index
    %get3A_0 = arith.constant 0 : index
    %get3A_1 = arith.constant 0 : index
    %get3A_2 = vector.load %arg0[%get3A, %get3A_0, %get3A_1] : memref<2x10240x128xf32, #tpu.memory_space<vmem>>, vector<1x10240x128xf32>
    %get3A_3 = vector.shape_cast %get3A_2 : vector<1x10240x128xf32> to vector<10240x128xf32>
    %get3A_4 = arith.constant 1 : index
    %get3A_5 = arith.constant 0 : index
    %get3A_6 = arith.constant 0 : index
    %get3A_7 = vector.load %arg0[%get3A_4, %get3A_5, %get3A_6] : memref<2x10240x128xf32, #tpu.memory_space<vmem>>, vector<1x10240x128xf32>
    %get3A_8 = vector.shape_cast %get3A_7 : vector<1x10240x128xf32> to vector<10240x128xf32>
    %add3A = arith.addf %get3A_3, %get3A_8 : vector<10240x128xf32>
    %get3A_9 = arith.constant 0 : index
    %get3A_10 = arith.constant 0 : index
    %get3A_11 = vector.load %arg1[%get3A_9, %get3A_10] : memref<10240x1xf32, #tpu.memory_space<vmem>>, vector<10240x1xf32>
    %max3A = arith.constant 1.000000e+00 : f32
    %max3A_12 = vector.broadcast %max3A : f32 to vector<10240x1xf32>
    %max3A_13 = arith.maximumf %get3A_11, %max3A_12 : vector<10240x1xf32>
    %rsqrt3A = math.rsqrt %max3A_13 : vector<10240x1xf32>
    %get3A_14 = arith.constant 0 : index
    %get3A_15 = arith.constant 0 : index
    %get3A_16 = vector.load %arg2[%get3A_14, %get3A_15] : memref<10240x1xf32, #tpu.memory_space<vmem>>, vector<10240x1xf32>
    %max3A_17 = arith.constant 1.000000e+00 : f32
    %max3A_18 = vector.broadcast %max3A_17 : f32 to vector<10240x1xf32>
    %max3A_19 = arith.maximumf %get3A_16, %max3A_18 : vector<10240x1xf32>
    %rsqrt3A_20 = math.rsqrt %max3A_19 : vector<10240x1xf32>
    %mul3A = vector.broadcast %rsqrt3A : vector<10240x1xf32> to vector<10240x128xf32>
    %mul3A_21 = arith.mulf %add3A, %mul3A : vector<10240x128xf32>
    %get3A_22 = arith.constant 0 : index
    %get3A_23 = arith.constant 0 : index
    %get3A_24 = vector.load %arg3[%get3A_22, %get3A_23] : memref<1x128xf32, #tpu.memory_space<vmem>>, vector<1x128xf32>
    %add3A_25 = vector.broadcast %get3A_24 : vector<1x128xf32> to vector<10240x128xf32>
    %add3A_26 = arith.addf %mul3A_21, %add3A_25 : vector<10240x128xf32>
    %max3A_27 = arith.constant 0.000000e+00 : f32
    %max3A_28 = vector.broadcast %max3A_27 : f32 to vector<10240x128xf32>
    %max3A_29 = arith.maximumf %add3A_26, %max3A_28 : vector<10240x128xf32>
    %mul3A_30 = vector.broadcast %rsqrt3A_20 : vector<10240x1xf32> to vector<10240x128xf32>
    %mul3A_31 = arith.mulf %max3A_29, %mul3A_30 : vector<10240x128xf32>
    %get3A_32 = arith.constant 0 : index
    %get3A_33 = arith.constant 0 : index
    %get3A_34 = vector.load %arg4[%get3A_32, %get3A_33] : memref<128x128xf32, #tpu.memory_space<vmem>>, vector<128x128xf32>
    %dot_general3A = arith.constant dense<0.000000e+00> : vector<10240x128xf32>
    %dot_general3A_35 = tpu.matmul %mul3A_31, %get3A_34, %dot_general3A {dimension_numbers = #tpu.dot_dimension_numbers<[1], [0], [0], [1], [0, 0, 1, 1], [], []>, transpose_lhs_hint = false} : vector<10240x128xf32>, vector<128x128xf32>, vector<10240x128xf32> -> vector<10240x128xf32>
    %swap3A = arith.constant 0 : index
    %swap3A_36 = arith.constant 0 : index
    %swap3A_37 = vector.load %arg5[%swap3A, %swap3A_36] : memref<10240x128xf32, #tpu.memory_space<vmem>>, vector<10240x128xf32>
    tpu.vector_store %arg5[%swap3A, %swap3A_36], %dot_general3A_35 {strides = array<i32>} : memref<10240x128xf32, #tpu.memory_space<vmem>>, vector<10240x128xf32>,
    return
  }
}

module attributes {stable_mosaic.version = 14 : i64} {
  func.func @_tc1_body(%arg0: memref<10240x128xf32, #tpu.memory_space<vmem>>, %arg1: memref<128x128xf32, #tpu.memory_space<vmem>>, %arg2: memref<10240x1xf32, #tpu.memory_space<vmem>>, %arg3: memref<10240x128xf32, #tpu.memory_space<vmem>>) attributes {dimension_semantics = [], scalar_prefetch = 0 : i64, scratch_operands = 0 : i64, tpu.core_type = #tpu.core_type<tc>} {
    %get3A = arith.constant 0 : index
    %get3A_0 = arith.constant 0 : index
    %get3A_1 = vector.load %arg2[%get3A, %get3A_0] : memref<10240x1xf32, #tpu.memory_space<vmem>>, vector<10240x1xf32>
    %max3A = arith.constant 1.000000e+00 : f32
    %max3A_2 = vector.broadcast %max3A : f32 to vector<10240x1xf32>
    %max3A_3 = arith.maximumf %get3A_1, %max3A_2 : vector<10240x1xf32>
    %rsqrt3A = math.rsqrt %max3A_3 : vector<10240x1xf32>
    %get3A_4 = arith.constant 0 : index
    %get3A_5 = arith.constant 0 : index
    %get3A_6 = vector.load %arg0[%get3A_4, %get3A_5] : memref<10240x128xf32, #tpu.memory_space<vmem>>, vector<10240x128xf32>
    %mul3A = vector.broadcast %rsqrt3A : vector<10240x1xf32> to vector<10240x128xf32>
    %mul3A_7 = arith.mulf %get3A_6, %mul3A : vector<10240x128xf32>
    %get3A_8 = arith.constant 0 : index
    %get3A_9 = arith.constant 0 : index
    %get3A_10 = vector.load %arg1[%get3A_8, %get3A_9] : memref<128x128xf32, #tpu.memory_space<vmem>>, vector<128x128xf32>
    %dot_general3A = arith.constant dense<0.000000e+00> : vector<10240x128xf32>
    %dot_general3A_11 = tpu.matmul %mul3A_7, %get3A_10, %dot_general3A {dimension_numbers = #tpu.dot_dimension_numbers<[1], [0], [0], [1], [0, 0, 1, 1], [], []>, transpose_lhs_hint = false} : vector<10240x128xf32>, vector<128x128xf32>, vector<10240x128xf32> -> vector<10240x128xf32>
    %swap3A = arith.constant 0 : index
    %swap3A_12 = arith.constant 0 : index
    %swap3A_13 = vector.load %arg3[%swap3A, %swap3A_12] : memref<10240x128xf32, #tpu.memory_space<vmem>>, vector<10240x128xf32>
    tpu.vector_store %arg3[%swap3A, %swap3A_12], %dot_general3A_11 {strides = array<i32>} : memref<10240x128xf32, #tpu.memory_space<vmem>>, vector<10240x128xf32>,
    return
  }
}

module attributes {stable_mosaic.version = 14 : i64} {
  func.func @_tc3_body(%arg0: memref<2x10240x128xf32, #tpu.memory_space<vmem>>, %arg1: memref<10240x1xf32, #tpu.memory_space<vmem>>, %arg2: memref<1x128xf32, #tpu.memory_space<vmem>>, %arg3: memref<10240x128xf32, #tpu.memory_space<vmem>>) attributes {dimension_semantics = [], scalar_prefetch = 0 : i64, scratch_operands = 0 : i64, tpu.core_type = #tpu.core_type<tc>} {
    %get3A = arith.constant 0 : index
    %get3A_0 = arith.constant 0 : index
    %get3A_1 = arith.constant 0 : index
    %get3A_2 = vector.load %arg0[%get3A, %get3A_0, %get3A_1] : memref<2x10240x128xf32, #tpu.memory_space<vmem>>, vector<1x10240x128xf32>
    %get3A_3 = vector.shape_cast %get3A_2 : vector<1x10240x128xf32> to vector<10240x128xf32>
    %get3A_4 = arith.constant 1 : index
    %get3A_5 = arith.constant 0 : index
    %get3A_6 = arith.constant 0 : index
    %get3A_7 = vector.load %arg0[%get3A_4, %get3A_5, %get3A_6] : memref<2x10240x128xf32, #tpu.memory_space<vmem>>, vector<1x10240x128xf32>
    %get3A_8 = vector.shape_cast %get3A_7 : vector<1x10240x128xf32> to vector<10240x128xf32>
    %add3A = arith.addf %get3A_3, %get3A_8 : vector<10240x128xf32>
    %get3A_9 = arith.constant 0 : index
    %get3A_10 = arith.constant 0 : index
    %get3A_11 = vector.load %arg1[%get3A_9, %get3A_10] : memref<10240x1xf32, #tpu.memory_space<vmem>>, vector<10240x1xf32>
    %max3A = arith.constant 1.000000e+00 : f32
    %max3A_12 = vector.broadcast %max3A : f32 to vector<10240x1xf32>
    %max3A_13 = arith.maximumf %get3A_11, %max3A_12 : vector<10240x1xf32>
    %rsqrt3A = math.rsqrt %max3A_13 : vector<10240x1xf32>
    %mul3A = vector.broadcast %rsqrt3A : vector<10240x1xf32> to vector<10240x128xf32>
    %mul3A_14 = arith.mulf %add3A, %mul3A : vector<10240x128xf32>
    %get3A_15 = arith.constant 0 : index
    %get3A_16 = arith.constant 0 : index
    %get3A_17 = vector.load %arg2[%get3A_15, %get3A_16] : memref<1x128xf32, #tpu.memory_space<vmem>>, vector<1x128xf32>
    %add3A_18 = vector.broadcast %get3A_17 : vector<1x128xf32> to vector<10240x128xf32>
    %add3A_19 = arith.addf %mul3A_14, %add3A_18 : vector<10240x128xf32>
    %swap3A = arith.constant 0 : index
    %swap3A_20 = arith.constant 0 : index
    %swap3A_21 = vector.load %arg3[%swap3A, %swap3A_20] : memref<10240x128xf32, #tpu.memory_space<vmem>>, vector<10240x128xf32>
    tpu.vector_store %arg3[%swap3A, %swap3A_20], %add3A_19 {strides = array<i32>} : memref<10240x128xf32, #tpu.memory_space<vmem>>, vector<10240x128xf32>,
    return
  }
}

</mosaic_0001>

<sc_bundles>
// kernel: kernel.11.cloned.1.call-start
scs
__scs_entry_jumppad:
0x0: {  	(pc) =	sbr.rel $0x88, $3  }
0x1: {  	(tag) =	ssettag $0x0;
	lr =	simm.s32 $0x1  }
0x2: {  	[smem:$0x3F9B] =	sst lr;
	_ =	strace $0xD0000000  }
0x3: {  	_ = 	snop  }
0x4: {  	_ = 	snop  }
0x5: {  	_ = 	snop  }
0x6: {  	_ = 	snop  }
0x7: {  	_ = 	snop  }
__scs_overlays_trampoline_lowered:
0x8: {  	[smem:$0x3FAA] =	sst s0  }
0x9: {  	[smem:$0x3FAB] =	sst s1  }
0xa: {  	[smem:$0x3FAC] =	sst s2  }
0xb: {  	[smem:$0x3FAD] =	sst s3  }
0xc: {  	[smem:$0x3FAE] =	sst s4  }
0xd: {  	[smem:$0x3FAF] =	sst s5  }
0xe: {  	[smem:$0x3FB0] =	sst s6  }
0xf: {  	[smem:$0x3FB1] =	sst s7  }
0x10: {  	[smem:$0x3FB2] =	sst s8  }
0x11: {  	[smem:$0x3FB3] =	sst s9;
	s0 =	simm.s32 @!p0 $0x0  }
0x12: {  	s1 =	sld [smem:$0x3F99];
	s0 =	simm.s32 @p0 $0x1  }
0x13: {  	[smem:$0x3FB4] =	sst s0;
	s0 =	simm.s32 @!p1 $0x0  }
0x14: {  	s2 =	sld [smem:$0x3F98];
	s0 =	simm.s32 @p1 $0x1  }
0x15: {  	[smem:$0x3FB5] =	sst s0;
	s0 =	simm.s32 @!p2 $0x0  }
0x16: {  	s3 =	sld [smem:$0x3FDB];
	s0 =	simm.s32 @p2 $0x1  }
0x17: {  	s4 =	simm.s32 $0x1BF5;
	[smem:$0x3FB7] =	sst s0  }
0x18: {  	s0 =	sld [smem:$0x3F9A];
	_ =	swait.ge [sflag:s4], $0x0  }
0x19: {  	s7 =	sld [smem:$0x3F9B]  }
0x1a: {  	s8 =	sadd.s32 $0xFFFFE003, lr  }
0x1b: {  	s9 =	sadd.s32 $0xFFFFFEF7, lr;
	s5 =	simm.s32 $0xFFFFFFFF;
	p2 =	slt.u32 s8, $0xFFFFF086  }
0x1c: {  	p1 =	slt.u32 s9, $0xF7A;
	s5 =	simm.s32 @!p2 $0x0  }
0x1d: {  	s5 =	simm.s32 @p1 $0x1;
	p0 =	seq.s32 s7, s2  }
0x1e: {  	s7 =	smul.u32 @!p0 $0xF7A, s2;
	p2 =	seq.s32 @!p0 s5, $0x0  }
0x1f: {  	s9 =	smul.u32 $0xF7A, s1;
	s8 =	simm.s32 @!p0 $0x1BF5;
	p2 =	por !p2, p0  }
0x20: {  	[sflag:s8] =	ssyncset.s32 @!p0 $0xFFFFF086;
	s6 =	sadd.s32 @!p0 s3, s7;
	s7 =	simm.s32 @!p0 $0x108  }
0x21: {  	s3 =	sadd.s32 s3, s9;
	s6 =	sadd.s32 @!p0 $0x88, s6;
	s7 =	simm.s32 @p2 $0x1082  }
0x22: {  	[simem:s7], [sflag:s8] =	dma.local @!p0 [hbm:s6], $0xF7A  }
0x23: {  	s9 =	sor.u32 $0xD0000000, s2;
	s6 =	simm.s32 $0x108;
	_ =	swait.ge @!p0 [sflag:s8], $0x0  }
0x24: {  	s3 =	sadd.s32 $0x88, s3;
	s6 =	simm.s32 @!p1 $0x1082;
	[sflag:s4] =	ssyncset.s32 $0xFFFFF086  }
0x25: {  	[simem:s6], [sflag:s4] =	dma.local [hbm:s3], $0xF7A  }
0x26: {  	[smem:$0x3F9B] =	sst s1;
	(tag) =	ssettag s2;
	_ =	strace s9  }
0x27: {  	s1 =	sld [smem:$0x3FAB]  }
0x28: {  	s2 =	sld [smem:$0x3FAC]  }
0x29: {  	s4 =	sld [smem:$0x3FAE]  }
0x2a: {  	p0 =	seq.s32 s5, $0x0;
	s5 =	sld [smem:$0x3FAF]  }
0x2b: {  	s6 =	sld [smem:$0x3FB0]  }
0x2c: {  	s7 =	sld [smem:$0x3FB1]  }
0x2d: {  	s3 =	simm.s32 $0x108;
	s8 =	sld [smem:$0x3FB2]  }
0x2e: {  	s3 =	simm.s32 @!p0 $0x1082;
	s9 =	sld [smem:$0x3FB3]  }
0x2f: {  	lr =	sadd.s32 s0, s3;
	s0 =	sld [smem:$0x3FAA]  }
0x30: {  	s3 =	sld [smem:$0x3FAD]  }
0x31: {  	[smem:$0x3FB6] =	sst s10  }
0x32: {  	s10 =	sld [smem:$0x3FB4];
	_ =	sdelay $0x3  }
0x33: {  	p0 =	seq.s32 s10, $0x1;
	s10 =	sld [smem:$0x3FB6];
	_ =	sdelay $0x3  }
0x34: {  	[smem:$0x3FB6] =	sst s10  }
0x35: {  	s10 =	sld [smem:$0x3FB5];
	_ =	sdelay $0x3  }
0x36: {  	p1 =	seq.s32 s10, $0x1;
	s10 =	sld [smem:$0x3FB6];
	_ =	sdelay $0x3  }
0x37: {  	[smem:$0x3FB6] =	sst s10  }
0x38: {  	s10 =	sld [smem:$0x3FB7]  }
0x39: {  	_ = 	snop;
	(pc) =	sbr.ind lr, $3  }
0x3a: {  	_ = 	snop  }
0x3b: {  	_ = 	snop  }
0x3c: {  	p2 =	seq.s32 s10, $0x1;
	s10 =	sld [smem:$0x3FB6]  }
0x3d: {  	_ =	shalt  }
0x3e: {  	_ =	shalt  }
0x3f: {  	_ =	shalt  }
0x40: {  	_ =	shalt  }
0x41: {  	_ =	shalt  }
0x42: {  	_ =	shalt  }
0x43: {  	_ =	shalt  }
0x44: {  	_ =	shalt  }
0x45: {  	_ =	shalt  }
0x46: {  	_ =	shalt  }
0x47: {  	_ =	shalt  }
0x48: {  	_ =	shalt  }
0x49: {  	_ =	shalt  }
0x4a: {  	_ =	shalt  }
0x4b: {  	_ =	shalt  }
0x4c: {  	_ =	shalt  }
0x4d: {  	_ =	shalt  }
0x4e: {  	_ =	shalt  }
0x4f: {  	_ =	shalt  }
0x50: {  	_ =	shalt  }
0x51: {  	_ =	shalt  }
0x52: {  	_ =	shalt  }
0x53: {  	_ =	shalt  }
0x54: {  	_ =	shalt  }
0x55: {  	_ =	shalt  }
0x56: {  	_ =	shalt  }
0x57: {  	_ =	shalt  }
0x58: {  	_ =	shalt  }
0x59: {  	_ =	shalt  }
0x5a: {  	_ =	shalt  }
0x5b: {  	_ =	shalt  }
0x5c: {  	_ =	shalt  }
0x5d: {  	_ =	shalt  }
0x5e: {  	_ =	shalt  }
0x5f: {  	_ =	shalt  }
0x60: {  	_ =	shalt  }
0x61: {  	_ =	shalt  }
0x62: {  	_ =	shalt  }
0x63: {  	_ =	shalt  }
0x64: {  	_ =	shalt  }
0x65: {  	_ =	shalt  }
0x66: {  	_ =	shalt  }
0x67: {  	_ =	shalt  }
0x68: {  	_ =	shalt  }
0x69: {  	_ =	shalt  }
0x6a: {  	_ =	shalt  }
0x6b: {  	_ =	shalt  }
0x6c: {  	_ =	shalt  }
0x6d: {  	_ =	shalt  }
0x6e: {  	_ =	shalt  }
0x6f: {  	_ =	shalt  }
0x70: {  	_ =	shalt  }
0x71: {  	_ =	shalt  }
0x72: {  	_ =	shalt  }
0x73: {  	_ =	shalt  }
0x74: {  	_ =	shalt  }
0x75: {  	_ =	shalt  }
0x76: {  	_ =	shalt  }
0x77: {  	_ =	shalt  }
0x78: {  	_ =	shalt  }
0x79: {  	_ =	shalt  }
0x7a: {  	_ =	shalt  }
0x7b: {  	_ =	shalt  }
0x7c: {  	_ =	shalt  }
0x7d: {  	_ =	shalt  }
0x7e: {  	_ =	shalt  }
0x7f: {  	_ =	shalt  }
0x80: {  	_ =	shalt  }
0x81: {  	_ =	shalt  }
0x82: {  	_ =	shalt  }
0x83: {  	_ =	shalt  }
0x84: {  	_ =	shalt  }
0x85: {  	_ =	shalt  }
0x86: {  	_ =	shalt  }
0x87: {  	_ =	shalt  }
.Lfunc_end0:
.L_simem_size_0:
called_computation.1_lowered:
.L_overlay_start_0:
0x88: {  	s2 =	sld [smem:$0x3FD9]  }
0x89: {  	s3 =	sld [smem:$0x3FFE];
	_ =	sdelay $0x1  }
0x8a: {  	s1 =	srdreg.scid  }
0x8b: {  	s0 =	sand.u32 $0x1, s1  }
0x8c: {  	s17 =	sshll.u32 s0, $0xA;
	s2 =	sadd.s32 s3, s2  }
0x8d: {  	s2 =	sadd.s32 s2, s17  }
0x8e: {  	[smem:$0x3FC2] =	sst s2  }
0x8f: {  	_ = 	snop  }
0x90: {  	s2 =	sld [smem:$0x3FD0];
	(tm) =	ssettm $0x1  }
0x91: {  	s18 =	sld [smem:$0x3FFB];
	_ =	sdelay $0x3  }
0x92: {  	_ =	strace s18  }
0x93: {  	s3 =	sld [smem:$0x3FFC];
	_ =	sdelay $0x3  }
0x94: {  	_ =	strace s3  }
0x95: {  	s3 =	sld [smem:$0x3FFD];
	_ =	sdelay $0x3  }
0x96: {  	_ =	strace s3  }
0x97: {  	_ =	strace $0x8FFFFFFF  }
0x98: {  	s19 =	sld [smem:$0x3FDB];
	_ =	sdelay $0x1  }
0x99: {  	s4 =	simm.s32 $_scs_section_size  }
0x9a: {  	s5 =	simm.s32 $_size__tile_overlayer_lowered;
	s6 =	simm.s32 $_tile_overlayer_lowered  }
0x9b: {  	s22 =	simm.s32 $0x1BFF;
	s21 =	sshll.u32 s6, $0x1;
	s3 =	sadd.s32 s4, s19  }
0x9c: {  	s7 =	simm.s32 $0x0;
	s20 =	sshll.u32 s5, $0x1;
	s5 =	sadd.s32 s21, s3  }
0x9d: {  	[timem:s7], [sflag:s22] =	dma.local [hbm:s5], s20  }
0x9e: {  	_ =	swait.ge [sflag:s22], s20  }
0x9f: {  	s4 =	ssub.s32 $0x0, s20;
	[sflag:s22] =	ssyncset.done $0x0  }
0xa0: {  	[sflag:s22] =	ssyncadd.s32 s4;
	_ =	sdelay $0x1  }
0xa1: {  	s23 =	simm.s32 $0x1B8B  }
0xa2: {  	_ =	swait.ge [sflag:s23], $0x1  }
0xa3: {  	[sflag:s23] =	ssyncset.done $0x0  }
0xa4: {  	s25 =	simm.s32 $0x1B8E;
	s24 =	sld [smem:$0x3FFE];
	[sflag:s23] =	ssyncadd.s32 $0xFFFFFFFF  }
0xa5: {  	s26 =	simm.s32 $execute0_lowered;
	[smem:$0x3FD2] =	sst s25  }
0xa6: {  	s5 =	sshll.u32 s26, $0x1;
	_ =	strace $0x80000049;
	[dreg:$0x1] =	wrdreg $0xFFFFFFFF  }
0xa7: {  	s28 =	simm.s32 $_size_execute0_lowered;
	s3 =	sadd.s32 s3, s5;
	[dreg:$0x0] =	wrdreg $0x0  }
0xa8: {  	s5 =	sshll.u32 s28, $0x1;
	[dreg:$0x2] =	wrdreg s3  }
0xa9: {  	[dreg:$0x3] =	wrdreg s5  }
0xaa: {  	[dreg:$0x4] =	wrdreg $0xC0  }
0xab: {  	_ =	task [dreg:s7], $0x5FFFF  }
0xac: {  	[dreg:$0x1] =	wrdreg $0xFFFFFFFF  }
0xad: {  	[dreg:$0x0] =	wrdreg $0x60  }
0xae: {  	[dreg:$0x2] =	wrdreg s24  }
0xaf: {  	[dreg:$0x3] =	wrdreg s2  }
0xb0: {  	[dreg:$0x4] =	wrdreg $0x84000  }
0xb1: {  	[dreg:$0x5] =	wrdreg $0x9  }
0xb2: {  	_ =	task.clear_ibuf [dreg:s7], $0x6FFFF;
	_ =	strace $0x90000049  }
0xb3: {  	s29 =	simm.s32 $0x9;
	_ =	strace $0x8000004B  }
0xb4: {  	_ =	swait.ge [sflag:s29], $0x1  }
0xb5: {  	[sflag:s29] =	ssyncadd.s32 $0xFFFFFFFF  }
0xb6: {  	_ =	strace $0x9000004B  }
0xb7: {  	_ =	sfence  }
0xb8: {  	s30 =	sld [smem:$0x0];
	_ =	sdelay $0x2  }
0xb9: {  	s31 =	sshll.u32 s1, $0xD;
	s1 =	sshrl.u32 s1, $0x2  }
0xba: {  	s3 =	sand.u32 $0x4000, s31;
	s1 =	sadd.s32 s1, s30  }
0xbb: {  	s0 =	sor.u32 s3, s0;
	s1 =	sshll.u32 s1, $0x11  }
0xbc: {  	s0 =	sor.u32 s1, s0  }
0xbd: {  	s0 =	sadd.s32 $0x8F2B, s0  }
0xbe: {  	[sflag:s0] =	ssyncadd.remote.s32 $0x1  }
0xbf: {  	_ =	sfence.sel $0xFFFF  }
0xc0: {  	[dreg:$0x0] =	wrdreg $0xFFFFFFFF;
	(pc) =	sbr.abs _section_cstart, $3  }
0xc1: {  	[dreg:$0x1] =	wrdreg $0xFFFFFFFF  }
0xc2: {  	_ =	task.clear_ibuf [dreg:s7], $0x2FFFF;
	_ =	strace $0x9FFFFFFF  }
0xc3: {  	(tm) =	ssettm $0x7FFFFFFF  }
tec
execute0_lowered:
.L_overlay_start_1:
0x0: {  	(tag) =	ssettag $0x1  }
0x1: {  	s0 =	rddreg [dreg:$0x0]  }
0x2: {  	s1 =	rddreg [dreg:$0x1]  }
0x3: {  	s2 =	rddreg [dreg:$0x2];
	s3 =	srdreg.scid;
	s4 =	simm.s32 $0x0  }
0x4: {  	s11 =	stileid.u32;
	s12 =	simm.s32 $0x9;
	s28 =	simm.s32 $0x80  }
0x5: {  	s29 =	simm.s32 $0x280;
	s30 =	simm.s32 $0x5;
	s8 =	smul.u32 $0x14000, s11  }
0x6: {  	s31 =	simm.s32 $0x6;
	s3 =	sand.u32 $0x1, s3;
	s9 =	smul.u32 $0x50000, s11  }
0x7: {  	[smem:$0x7FF] =	sst s4;
	s5 =	sadd.s32 $0xBE00, s0;
	s20 =	smul.u32 $0x2800, s11  }
0x8: {  	s6 =	sadd.s32 $0x1E00, s0;
	s7 =	smul.u32 $0x140000, s3;
	_ =	strace $0x8000004A  }
0x9: {  	s15 =	ssub.s32 $0x2, s3;
	p0 =	seq.s32 s3, $0x1;
	s9 =	sshrl.u32 s9, $0x2  }
0xa: {  	s10 =	sshrl.u32 s15, $0x1;
	s7 =	sadd.s32 s8, s7;
	s16 =	sadd.s32 s9, s2  }
0xb: {  	s8 =	ssub.s32 s15, s10;
	s15 =	simm.s32 $0x1;
	s10 =	simm.s32 $0x8  }
0xc: {  	s7 =	sshrl.u32 s7, $0x3;
	s9 =	sadd.s32 $0x4000, s16;
	[dreg:$0x4] =	wrdreg s16  }
0xd: {  	s17 =	sadd.s32 $0x8000, s16;
	s18 =	sadd.s32 $0xC000, s16;
	[dreg:$0x5] =	wrdreg s9  }
0xe: {  	s26 =	smax.u32 s8, $0x1;
	s8 =	simm.s32 $0x380;
	[dreg:$0x6] =	wrdreg s17  }
0xf: {  	s0 =	sadd.s32 s7, s0;
	s9 =	smul.u32 $0x500, s11;
	[dreg:$0x7] =	wrdreg s18  }
0x10: {  	s7 =	sadd.s32 $0x10000, s16;
	s11 =	sshrl.u32 s20, $0x3;
	[dreg:$0x10] =	wrdreg s26  }
0x11: {  	s26 =	simm.s32 $0x200;
	s16 =	simm.s32 $0x100;
	s17 =	simm.s32 $0x300  }
0x12: {  	s18 =	simm.s32 $0x7;
	[dreg:$0x8] =	wrdreg s7;
	s24 =	sadd.s32 $0x5010, s11  }
0x13: {  	s0 =	sadd.s32 $0x33E00, s0;
	s11 =	simm.s32 $0x4;
	s19 =	sor.u32 $0x10, s9  }
0x14: {  	s13 =	sadd.s32 s6, s9;
	s25 =	sadd.s32 s6, s24;
	[dreg:$0xf] =	wrdreg s0  }
0x15: {  	s14 =	sadd.s32 s1, s9;
	s21 =	sadd.s32 s6, s19;
	[dreg:$0xd] =	wrdreg s25  }
0x16: {  	s22 =	sadd.s32 $0x5000, s9;
	s3 =	sadd.s32 s1, s19;
	[dreg:$0x9] =	wrdreg s21  }
.Ltmp0:
0x17: {  	s23 =	sadd.s32 s6, s22;
	[dreg:$0xa] =	wrdreg s3;
	(pc) =	sbr.rel .LBB2_1-.Ltmp0, $4  }
0x18: {  	s0 =	simm.s32 $0x4400;
	s19 =	simm.s32 $0x3;
	[dreg:$0xb] =	wrdreg s23  }
0x19: {  	s3 =	sadd.s32 s1, s22;
	s23 =	sadd.s32 $0x28000, s20;
	s20 =	simm.s32 $0x2  }
0x1a: {  	s21 =	simm.s32 $0x0;
	[dreg:$0xc] =	wrdreg s3;
	s3 =	sadd.s32 s1, s24  }
0x1b: {  	v0 =	vimm.f32 $0.0e+00;
	s24 =	simm.s32 $0x400;
	[dreg:$0xe] =	wrdreg s3;
	s3 =	simm.s32 $0x180  }
.LBB2_10:
0x1c: {  	[spmem:s2] =	stream.indirect.scatter.add.f32 [tilespmem:s24], [sflag:$0x3], $0x80, s17, s28, $0xb8;
	[tilespmem:$0x1C400] =	vst v63  }
0x1d: {  	_ =	swait.ge [sflag:s20], $0x4000  }
0x1e: {  	[sflag:s20] =	ssyncset.done $0x0  }
0x1f: {  	[sflag:s20] =	ssyncadd.s32 $0xFFFFC000  }
0x20: {  	[spmem:s2] =	stream.indirect.scatter.add.f32 [tilespmem:s0], [sflag:$0x4], $0x80, s8, s28, $0xb8;
	[tilespmem:$0x1C400] =	vst v63  }
0x21: {  	_ =	swait.ge [sflag:s19], $0x4000  }
0x22: {  	[sflag:s19] =	ssyncset.done $0x0  }
0x23: {  	[sflag:s19] =	ssyncadd.s32 $0xFFFFC000  }
0x24: {  	_ =	swait.ge [sflag:s11], $0x4000  }
0x25: {  	[sflag:s11] =	ssyncset.done $0x0  }
0x26: {  	[sflag:s11] =	ssyncadd.s32 $0xFFFFC000  }
0x27: {  	s7 =	stileid.u32;
	[bflag:$0x0] =	sbarrier.arrive $0xFFFF  }
0x28: {  	s7 =	sshll.u32 s7, $0x6;
	s12 =	rddreg [dreg:$0x4]  }
0x29: {  	s7 =	sor.u32 $0x1C09, s7;
	s21 =	rddreg [dreg:$0xf];
	s12 =	sshrl.u32 s12, $0x3  }
0x2a: {  	[hbm:s21], [sflag:s7] =	dma.local [spmem:s12], $0x2800  }
0x2b: {  	s12 =	simm.s32 $0x9  }
0x2c: {  	_ =	swait.ge [sflag:s12], $0x2800  }
0x2d: {  	s22 =	rddreg [dreg:$0x11]  }
0x2e: {  	s25 =	rddreg [dreg:$0x10];
	s21 =	sadd.s32 $0x1, s22  }
0x2f: {  	p1 =	sne.s32 s21, s25  }
.Ltmp1:
0x30: {  	_ = 	snop;
	(pc) =	sbr.rel @!p1 .LBB2_11-.Ltmp1, $3  }
0x31: {  	_ =	sdelay $0x1  }
0x32: {  	[sflag:s12] =	ssyncset.done $0x0  }
0x33: {  	[sflag:s12] =	ssyncadd.s32 $0xFFFFD800  }
.LBB2_1:
0x34: {  	[dreg:$0x11] =	wrdreg s21;
	s21 =	simm.s32 $0x0;
	s22 =	simm.s32 $0x200  }
.LBB2_2:
0x35: {  	p1 =	sne.s32 s22, $0xFE00;
	[tilespmem:s21+$0x470] =	vst v0  }
0x36: {  	[tilespmem:s21+$0x400] =	vst v0  }
0x37: {  	[tilespmem:s21+$0x410] =	vst v0  }
.Ltmp2:
0x38: {  	[tilespmem:s21+$0x420] =	vst v0;
	(pc) =	sbr.rel @p1 .LBB2_2-.Ltmp2, $4  }
0x39: {  	[tilespmem:s21+$0x430] =	vst v0  }
0x3a: {  	[tilespmem:s21+$0x440] =	vst v0  }
0x3b: {  	[tilespmem:s21+$0x450] =	vst v0  }
0x3c: {  	[tilespmem:s21+$0x460] =	vst v0;
	s21 =	sshra.s32 s22, $0x2;
	s22 =	sadd.s32 $0x200, s22  }
0x3d: {  	[tilespmem:s21+$0x470] =	vst v0  }
0x3e: {  	[tilespmem:s21+$0x400] =	vst v0  }
0x3f: {  	[tilespmem:s21+$0x410] =	vst v0  }
0x40: {  	[tilespmem:s21+$0x420] =	vst v0  }
0x41: {  	[tilespmem:s21+$0x430] =	vst v0  }
0x42: {  	[tilespmem:s21+$0x440] =	vst v0  }
0x43: {  	[tilespmem:s21+$0x450] =	vst v0  }
0x44: {  	[tilespmem:s21+$0x460] =	vst v0;
	s7 =	rddreg [dreg:$0x4]  }
0x45: {  	[spmem:s7] =	stream.linear.scatter [tilespmem:s24], [sflag:$0x9], $0x4000, $0x38;
	[tilespmem:$0x1C400] =	vst v63  }
0x46: {  	_ =	swait.ge [sflag:s12], $0x4000  }
0x47: {  	[sflag:s12] =	ssyncset.done $0x0  }
0x48: {  	s25 =	rddreg [dreg:$0x5];
	[sflag:s12] =	ssyncadd.s32 $0xFFFFC000  }
0x49: {  	[spmem:s25] =	stream.linear.scatter [tilespmem:s24], [sflag:$0x9], $0x4000, $0x38;
	[tilespmem:$0x1C400] =	vst v63  }
0x4a: {  	_ =	swait.ge [sflag:s12], $0x4000  }
0x4b: {  	[sflag:s12] =	ssyncset.done $0x0  }
0x4c: {  	s21 =	rddreg [dreg:$0x6];
	[sflag:s12] =	ssyncadd.s32 $0xFFFFC000  }
0x4d: {  	[spmem:s21] =	stream.linear.scatter [tilespmem:s24], [sflag:$0x9], $0x4000, $0x38;
	[tilespmem:$0x1C400] =	vst v63  }
0x4e: {  	_ =	swait.ge [sflag:s12], $0x4000  }
0x4f: {  	[sflag:s12] =	ssyncset.done $0x0  }
0x50: {  	s22 =	rddreg [dreg:$0x7];
	[sflag:s12] =	ssyncadd.s32 $0xFFFFC000  }
0x51: {  	[spmem:s22] =	stream.linear.scatter [tilespmem:s24], [sflag:$0x9], $0x4000, $0x38;
	[tilespmem:$0x1C400] =	vst v63  }
0x52: {  	_ =	swait.ge [sflag:s12], $0x4000  }
0x53: {  	[sflag:s12] =	ssyncset.done $0x0  }
0x54: {  	s25 =	rddreg [dreg:$0x8];
	[sflag:s12] =	ssyncadd.s32 $0xFFFFC000  }
0x55: {  	[spmem:s25] =	stream.linear.scatter [tilespmem:s24], [sflag:$0x9], $0x4000, $0x38;
	[tilespmem:$0x1C400] =	vst v63  }
.Ltmp3:
0x56: {  	_ =	swait.ge [sflag:s12], $0x4000;
	(pc) =	sbr.rel @!p0 .LBB2_4-.Ltmp3, $4  }
0x57: {  	[sflag:s12] =	ssyncset.done $0x0  }
0x58: {  	[sflag:s12] =	ssyncadd.s32 $0xFFFFC000  }
0x59: {  	[bflag:$0x0] =	sbarrier.arrive $0xFFFF  }
0x5a: {  	s21 =	simm.s32 $0x0  }
0x5b: {  	s7 =	rddreg [dreg:$0xb]  }
0x5c: {  	[tilespmem:s21], [sflag:$0x5] =	stream.linear.gather [hbm4b:s7+s21], $0x80, $0x38;
	[tilespmem:$0x1C400] =	vst v63  }
0x5d: {  	s12 =	rddreg [dreg:$0xc]  }
0x5e: {  	[tilespmem:s26], [sflag:$0x5] =	stream.linear.gather [hbm4b:s12+s21], $0x80, $0x38;
	[tilespmem:$0x1C400] =	vst v63  }
0x5f: {  	s22 =	rddreg [dreg:$0xd]  }
0x60: {  	[tilespmem:s28], [sflag:$0x6] =	stream.linear.gather [hbm4b:s22+s21], $0x80, $0x38;
	[tilespmem:$0x1C400] =	vst v63  }
0x61: {  	s25 =	rddreg [dreg:$0xe]  }
0x62: {  	[tilespmem:s29], [sflag:$0x6] =	stream.linear.gather [hbm4b:s25+s21], $0x80, $0x38;
	[tilespmem:$0x1C400] =	vst v63  }
0x63: {  	_ =	swait.ge [sflag:s30], $0x80  }
0x64: {  	[sflag:s30] =	ssyncset.done $0x0  }
0x65: {  	[sflag:s30] =	ssyncadd.s32 $0xFFFFFF80  }
0x66: {  	_ =	swait.ge [sflag:s30], $0x80  }
0x67: {  	[sflag:s30] =	ssyncset.done $0x0  }
0x68: {  	s22 =	simm.s32 $0x0;
	[sflag:s30] =	ssyncadd.s32 $0xFFFFFF80  }
0x69: {  	[tilespmem:s24], [sflag:$0x1] =	stream.indirect.gather [hbm4b:s5+s28], $0x80, s21, s28, $0xb8;
	[tilespmem:$0x1C400] =	vst v63  }
.LBB2_8:
0x6a: {  	_ =	swait.ge [sflag:s31], $0x80  }
0x6b: {  	[sflag:s31] =	ssyncset.done $0x0  }
0x6c: {  	[sflag:s31] =	ssyncadd.s32 $0xFFFFFF80  }
0x6d: {  	_ =	swait.ge [sflag:s31], $0x80  }
0x6e: {  	p1 =	seq.s32 s21, $0x0;
	[sflag:s31] =	ssyncset.done $0x0  }
0x6f: {  	s7 =	simm.s32 @!p1 $0x4;
	[sflag:s31] =	ssyncadd.s32 $0xFFFFFF80  }
0x70: {  	_ =	swait.ge @!p1 [sflag:s7], $0x4000  }
0x71: {  	s12 =	sadd.s32 s22, s23;
	[sflag:s7] =	ssyncset.done @!p1 $0x0  }
0x72: {  	[sflag:s7] =	ssyncadd.s32 @!p1 $0xFFFFC000;
	s7 =	sand.u32 $0xFFC00, s12;
	s12 =	sand.u32 $0x200, s22  }
0x73: {  	[tilespmem:s0], [sflag:$0x2] =	stream.indirect.gather [hbm4b:s5+s28], $0x80, s28, s28, $0xb8;
	[tilespmem:$0x1C400] =	vst v63  }
0x74: {  	s7 =	sor.u32 s7, s12  }
0x75: {  	_ =	swait.ge [sflag:s15], $0x4000;
	s7 =	sshrl.u32 s7, $0x3  }
0x76: {  	[sflag:s15] =	ssyncset.done $0x0;
	s12 =	sor.u32 $0x20, s7  }
0x77: {  	[sflag:s15] =	ssyncadd.s32 $0xFFFFC000;
	s25 =	sadd.s32 s6, s12  }
0x78: {  	[tilespmem:s16], [sflag:$0x7] =	stream.linear.gather [hbm4b:s25+s4], $0x80, $0x38;
	[tilespmem:$0x1C400] =	vst v63  }
0x79: {  	s12 =	sadd.s32 s1, s12  }
0x7a: {  	[tilespmem:s17], [sflag:$0x7] =	stream.linear.gather [hbm4b:s12+s4], $0x80, $0x38;
	[tilespmem:$0x1C400] =	vst v63  }
0x7b: {  	_ = 	snop  }
0x7c: {  	[spmem:s2] =	stream.indirect.scatter.add.f32 [tilespmem:s24], [sflag:$0x3], $0x80, s26, s28, $0xb8;
	[tilespmem:$0x1C400] =	vst v63  }
0x7d: {  	_ =	swait.ge [sflag:s18], $0x80  }
0x7e: {  	[sflag:s18] =	ssyncset.done $0x0  }
0x7f: {  	[sflag:s18] =	ssyncadd.s32 $0xFFFFFF80  }
0x80: {  	_ =	swait.ge [sflag:s18], $0x80  }
0x81: {  	[sflag:s18] =	ssyncset.done $0x0  }
0x82: {  	[sflag:s18] =	ssyncadd.s32 $0xFFFFFF80  }
0x83: {  	_ =	swait.ge [sflag:s19], $0x4000  }
0x84: {  	[sflag:s19] =	ssyncset.done $0x0  }
0x85: {  	[sflag:s19] =	ssyncadd.s32 $0xFFFFC000  }
0x86: {  	[tilespmem:s24], [sflag:$0x1] =	stream.indirect.gather [hbm4b:s5+s28], $0x80, s16, s28, $0xb8;
	[tilespmem:$0x1C400] =	vst v63  }
0x87: {  	_ =	swait.ge [sflag:s20], $0x4000  }
0x88: {  	s7 =	sor.u32 $0x30, s7;
	[sflag:s20] =	ssyncset.done $0x0  }
0x89: {  	s25 =	sadd.s32 s6, s7;
	[sflag:s20] =	ssyncadd.s32 $0xFFFFC000  }
0x8a: {  	[tilespmem:s3], [sflag:$0x8] =	stream.linear.gather [hbm4b:s25+s4], $0x80, $0x38;
	[tilespmem:$0x1C400] =	vst v63  }
0x8b: {  	s7 =	sadd.s32 s1, s7  }
0x8c: {  	[tilespmem:s8], [sflag:$0x8] =	stream.linear.gather [hbm4b:s7+s4], $0x80, $0x38;
	[tilespmem:$0x1C400] =	vst v63  }
0x8d: {  	_ = 	snop  }
0x8e: {  	[spmem:s2] =	stream.indirect.scatter.add.f32 [tilespmem:s0], [sflag:$0x4], $0x80, s29, s28, $0xb8;
	[tilespmem:$0x1C400] =	vst v63  }
0x8f: {  	_ =	swait.ge [sflag:s10], $0x80  }
0x90: {  	[sflag:s10] =	ssyncset.done $0x0  }
0x91: {  	[sflag:s10] =	ssyncadd.s32 $0xFFFFFF80  }
0x92: {  	_ =	swait.ge [sflag:s10], $0x80  }
0x93: {  	[sflag:s10] =	ssyncset.done $0x0  }
0x94: {  	[sflag:s10] =	ssyncadd.s32 $0xFFFFFF80  }
0x95: {  	_ =	swait.ge [sflag:s11], $0x4000  }
0x96: {  	p1 =	seq.s32 s21, $0x4C0;
	[sflag:s11] =	ssyncset.done $0x0  }
.Ltmp4:
0x97: {  	[sflag:s11] =	ssyncadd.s32 $0xFFFFC000;
	(pc) =	sbr.rel @p1 .LBB2_10-.Ltmp4, $4  }
0x98: {  	[tilespmem:s0], [sflag:$0x2] =	stream.indirect.gather [hbm4b:s5+s28], $0x80, s3, s28, $0xb8;
	[tilespmem:$0x1C400] =	vst v63  }
0x99: {  	_ =	swait.ge [sflag:s15], $0x4000  }
0x9a: {  	[sflag:s15] =	ssyncset.done $0x0  }
0x9b: {  	[sflag:s15] =	ssyncadd.s32 $0xFFFFC000  }
0x9c: {  	s7 =	sadd.s32 s21, s13  }
0x9d: {  	s12 =	sadd.s32 $0x5040, s7  }
0x9e: {  	[tilespmem:s4], [sflag:$0x5] =	stream.linear.gather [hbm4b:s12+s4], $0x80, $0x38;
	[tilespmem:$0x1C400] =	vst v63  }
0x9f: {  	s12 =	sadd.s32 s21, s14  }
0xa0: {  	s25 =	sadd.s32 $0x5040, s12  }
0xa1: {  	[tilespmem:s26], [sflag:$0x5] =	stream.linear.gather [hbm4b:s25+s4], $0x80, $0x38;
	[tilespmem:$0x1C400] =	vst v63  }
0xa2: {  	_ = 	snop  }
0xa3: {  	[spmem:s2] =	stream.indirect.scatter.add.f32 [tilespmem:s24], [sflag:$0x3], $0x80, s17, s28, $0xb8;
	[tilespmem:$0x1C400] =	vst v63  }
0xa4: {  	_ =	swait.ge [sflag:s30], $0x80  }
0xa5: {  	[sflag:s30] =	ssyncset.done $0x0  }
0xa6: {  	[sflag:s30] =	ssyncadd.s32 $0xFFFFFF80  }
0xa7: {  	_ =	swait.ge [sflag:s30], $0x80  }
0xa8: {  	[sflag:s30] =	ssyncset.done $0x0  }
0xa9: {  	[sflag:s30] =	ssyncadd.s32 $0xFFFFFF80  }
0xaa: {  	_ =	swait.ge [sflag:s19], $0x4000  }
0xab: {  	[sflag:s19] =	ssyncset.done $0x0  }
0xac: {  	[sflag:s19] =	ssyncadd.s32 $0xFFFFC000  }
0xad: {  	[tilespmem:s24], [sflag:$0x1] =	stream.indirect.gather [hbm4b:s5+s28], $0x80, s4, s28, $0xb8;
	[tilespmem:$0x1C400] =	vst v63  }
0xae: {  	_ =	swait.ge [sflag:s20], $0x4000  }
0xaf: {  	[sflag:s20] =	ssyncset.done $0x0  }
0xb0: {  	s7 =	sadd.s32 $0x5050, s7;
	[sflag:s20] =	ssyncadd.s32 $0xFFFFC000  }
0xb1: {  	[tilespmem:s28], [sflag:$0x6] =	stream.linear.gather [hbm4b:s7+s4], $0x80, $0x38;
	[tilespmem:$0x1C400] =	vst v63  }
.Ltmp5:
0xb2: {  	_ = 	snop;
	(pc) =	sbr.rel .LBB2_8-.Ltmp5, $4  }
0xb3: {  	s25 =	sadd.s32 $0x5050, s12  }
0xb4: {  	[tilespmem:s29], [sflag:$0x6] =	stream.linear.gather [hbm4b:s25+s4], $0x80, $0x38;
	[tilespmem:$0x1C400] =	vst v63  }
0xb5: {  	s22 =	sadd.s32 $0x200, s22;
	s21 =	sadd.s32 $0x40, s21  }
0xb6: {  	[spmem:s2] =	stream.indirect.scatter.add.f32 [tilespmem:s0], [sflag:$0x4], $0x80, s8, s28, $0xb8;
	[tilespmem:$0x1C400] =	vst v63  }
.LBB2_4:
0xb7: {  	[tilespmem:s21], [sflag:$0x5] =	stream.linear.gather [hbm4b:s13+s21], $0x80, $0x38;
	[tilespmem:$0x1C400] =	vst v63  }
0xb8: {  	_ = 	snop  }
0xb9: {  	[tilespmem:s26], [sflag:$0x5] =	stream.linear.gather [hbm4b:s14+s21], $0x80, $0x38;
	[tilespmem:$0x1C400] =	vst v63  }
0xba: {  	s7 =	rddreg [dreg:$0x9]  }
0xbb: {  	[tilespmem:s28], [sflag:$0x6] =	stream.linear.gather [hbm4b:s7+s21], $0x80, $0x38;
	[tilespmem:$0x1C400] =	vst v63  }
0xbc: {  	s25 =	rddreg [dreg:$0xa]  }
0xbd: {  	[tilespmem:s29], [sflag:$0x6] =	stream.linear.gather [hbm4b:s25+s21], $0x80, $0x38;
	[tilespmem:$0x1C400] =	vst v63  }
0xbe: {  	_ =	swait.ge [sflag:s30], $0x80  }
0xbf: {  	[sflag:s30] =	ssyncset.done $0x0  }
0xc0: {  	[sflag:s30] =	ssyncadd.s32 $0xFFFFFF80  }
0xc1: {  	_ =	swait.ge [sflag:s30], $0x80  }
0xc2: {  	[sflag:s30] =	ssyncset.done $0x0  }
0xc3: {  	[sflag:s30] =	ssyncadd.s32 $0xFFFFFF80  }
0xc4: {  	[tilespmem:s24], [sflag:$0x1] =	stream.indirect.gather [hbm4b:s5+s28], $0x80, s21, s28, $0xb8;
	[tilespmem:$0x1C400] =	vst v63  }
.LBB2_5:
0xc5: {  	_ =	swait.ge [sflag:s31], $0x80  }
0xc6: {  	[sflag:s31] =	ssyncset.done $0x0  }
0xc7: {  	[sflag:s31] =	ssyncadd.s32 $0xFFFFFF80  }
0xc8: {  	_ =	swait.ge [sflag:s31], $0x80  }
0xc9: {  	p1 =	seq.s32 s21, $0x0;
	[sflag:s31] =	ssyncset.done $0x0  }
0xca: {  	s22 =	simm.s32 @!p1 $0x4;
	[sflag:s31] =	ssyncadd.s32 $0xFFFFFF80  }
0xcb: {  	_ =	swait.ge @!p1 [sflag:s22], $0x4000  }
0xcc: {  	s12 =	sadd.s32 s21, s9;
	[sflag:s22] =	ssyncset.done @!p1 $0x0  }
0xcd: {  	s7 =	sand.u32 $0x40, s21;
	[sflag:s22] =	ssyncadd.s32 @!p1 $0xFFFFC000;
	s22 =	sand.u32 $0xFF80, s12  }
0xce: {  	[tilespmem:s0], [sflag:$0x2] =	stream.indirect.gather [hbm4b:s5+s28], $0x80, s28, s28, $0xb8;
	[tilespmem:$0x1C400] =	vst v63  }
0xcf: {  	s7 =	sor.u32 s22, s7;
	_ =	swait.ge [sflag:s15], $0x4000  }
0xd0: {  	s22 =	sor.u32 $0x20, s7;
	[sflag:s15] =	ssyncset.done $0x0  }
0xd1: {  	s12 =	sadd.s32 s6, s22;
	[sflag:s15] =	ssyncadd.s32 $0xFFFFC000  }
0xd2: {  	[tilespmem:s16], [sflag:$0x7] =	stream.linear.gather [hbm4b:s12+s4], $0x80, $0x38;
	[tilespmem:$0x1C400] =	vst v63  }
0xd3: {  	s22 =	sadd.s32 s1, s22  }
0xd4: {  	[tilespmem:s17], [sflag:$0x7] =	stream.linear.gather [hbm4b:s22+s4], $0x80, $0x38;
	[tilespmem:$0x1C400] =	vst v63  }
0xd5: {  	_ = 	snop  }
0xd6: {  	[spmem:s2] =	stream.indirect.scatter.add.f32 [tilespmem:s24], [sflag:$0x3], $0x80, s26, s28, $0xb8;
	[tilespmem:$0x1C400] =	vst v63  }
0xd7: {  	_ =	swait.ge [sflag:s18], $0x80  }
0xd8: {  	[sflag:s18] =	ssyncset.done $0x0  }
0xd9: {  	[sflag:s18] =	ssyncadd.s32 $0xFFFFFF80  }
0xda: {  	_ =	swait.ge [sflag:s18], $0x80  }
0xdb: {  	[sflag:s18] =	ssyncset.done $0x0  }
0xdc: {  	[sflag:s18] =	ssyncadd.s32 $0xFFFFFF80  }
0xdd: {  	_ =	swait.ge [sflag:s19], $0x4000  }
0xde: {  	[sflag:s19] =	ssyncset.done $0x0  }
0xdf: {  	[sflag:s19] =	ssyncadd.s32 $0xFFFFC000  }
0xe0: {  	[tilespmem:s24], [sflag:$0x1] =	stream.indirect.gather [hbm4b:s5+s28], $0x80, s16, s28, $0xb8;
	[tilespmem:$0x1C400] =	vst v63  }
0xe1: {  	_ =	swait.ge [sflag:s20], $0x4000  }
0xe2: {  	s7 =	sor.u32 $0x30, s7;
	[sflag:s20] =	ssyncset.done $0x0  }
0xe3: {  	s25 =	sadd.s32 s6, s7;
	[sflag:s20] =	ssyncadd.s32 $0xFFFFC000  }
0xe4: {  	[tilespmem:s3], [sflag:$0x8] =	stream.linear.gather [hbm4b:s25+s4], $0x80, $0x38;
	[tilespmem:$0x1C400] =	vst v63  }
0xe5: {  	s7 =	sadd.s32 s1, s7  }
0xe6: {  	[tilespmem:s8], [sflag:$0x8] =	stream.linear.gather [hbm4b:s7+s4], $0x80, $0x38;
	[tilespmem:$0x1C400] =	vst v63  }
0xe7: {  	_ = 	snop  }
0xe8: {  	[spmem:s2] =	stream.indirect.scatter.add.f32 [tilespmem:s0], [sflag:$0x4], $0x80, s29, s28, $0xb8;
	[tilespmem:$0x1C400] =	vst v63  }
0xe9: {  	_ =	swait.ge [sflag:s10], $0x80  }
0xea: {  	[sflag:s10] =	ssyncset.done $0x0  }
0xeb: {  	[sflag:s10] =	ssyncadd.s32 $0xFFFFFF80  }
0xec: {  	_ =	swait.ge [sflag:s10], $0x80  }
0xed: {  	[sflag:s10] =	ssyncset.done $0x0  }
0xee: {  	[sflag:s10] =	ssyncadd.s32 $0xFFFFFF80  }
0xef: {  	_ =	swait.ge [sflag:s11], $0x4000  }
0xf0: {  	p1 =	seq.s32 s21, $0x4C0;
	[sflag:s11] =	ssyncset.done $0x0  }
.Ltmp6:
0xf1: {  	[sflag:s11] =	ssyncadd.s32 $0xFFFFC000;
	(pc) =	sbr.rel @p1 .LBB2_10-.Ltmp6, $4  }
0xf2: {  	[tilespmem:s0], [sflag:$0x2] =	stream.indirect.gather [hbm4b:s5+s28], $0x80, s3, s28, $0xb8;
	[tilespmem:$0x1C400] =	vst v63  }
0xf3: {  	_ =	swait.ge [sflag:s15], $0x4000  }
0xf4: {  	[sflag:s15] =	ssyncset.done $0x0  }
0xf5: {  	[sflag:s15] =	ssyncadd.s32 $0xFFFFC000  }
0xf6: {  	s7 =	sadd.s32 s21, s13  }
0xf7: {  	s25 =	sadd.s32 s21, s14;
	s12 =	sadd.s32 $0x40, s7  }
0xf8: {  	[tilespmem:s4], [sflag:$0x5] =	stream.linear.gather [hbm4b:s12+s4], $0x80, $0x38;
	[tilespmem:$0x1C400] =	vst v63  }
0xf9: {  	s22 =	sadd.s32 $0x40, s25  }
0xfa: {  	[tilespmem:s26], [sflag:$0x5] =	stream.linear.gather [hbm4b:s22+s4], $0x80, $0x38;
	[tilespmem:$0x1C400] =	vst v63  }
0xfb: {  	_ = 	snop  }
0xfc: {  	[spmem:s2] =	stream.indirect.scatter.add.f32 [tilespmem:s24], [sflag:$0x3], $0x80, s17, s28, $0xb8;
	[tilespmem:$0x1C400] =	vst v63  }
0xfd: {  	_ =	swait.ge [sflag:s30], $0x80  }
0xfe: {  	[sflag:s30] =	ssyncset.done $0x0  }
0xff: {  	[sflag:s30] =	ssyncadd.s32 $0xFFFFFF80  }
0x100: {  	_ =	swait.ge [sflag:s30], $0x80  }
0x101: {  	[sflag:s30] =	ssyncset.done $0x0  }
0x102: {  	[sflag:s30] =	ssyncadd.s32 $0xFFFFFF80  }
0x103: {  	_ =	swait.ge [sflag:s19], $0x4000  }
0x104: {  	[sflag:s19] =	ssyncset.done $0x0  }
0x105: {  	[sflag:s19] =	ssyncadd.s32 $0xFFFFC000  }
0x106: {  	[tilespmem:s24], [sflag:$0x1] =	stream.indirect.gather [hbm4b:s5+s28], $0x80, s4, s28, $0xb8;
	[tilespmem:$0x1C400] =	vst v63  }
0x107: {  	_ =	swait.ge [sflag:s20], $0x4000  }
0x108: {  	[sflag:s20] =	ssyncset.done $0x0  }
0x109: {  	s7 =	sadd.s32 $0x50, s7;
	[sflag:s20] =	ssyncadd.s32 $0xFFFFC000  }
0x10a: {  	[tilespmem:s28], [sflag:$0x6] =	stream.linear.gather [hbm4b:s7+s4], $0x80, $0x38;
	[tilespmem:$0x1C400] =	vst v63  }
.Ltmp7:
0x10b: {  	_ = 	snop;
	(pc) =	sbr.rel .LBB2_5-.Ltmp7, $4  }
0x10c: {  	s25 =	sadd.s32 $0x50, s25  }
0x10d: {  	[tilespmem:s29], [sflag:$0x6] =	stream.linear.gather [hbm4b:s25+s4], $0x80, $0x38;
	[tilespmem:$0x1C400] =	vst v63  }
0x10e: {  	s21 =	sadd.s32 $0x40, s21  }
0x10f: {  	[spmem:s2] =	stream.indirect.scatter.add.f32 [tilespmem:s0], [sflag:$0x4], $0x80, s8, s28, $0xb8;
	[tilespmem:$0x1C400] =	vst v63  }
.LBB2_11:
0x110: {  	_ =	sfence.sel $0x180000  }
0x111: {  	[bflag:$0x0] =	sbarrier.arrive $0xFFFF  }
0x112: {  	_ =	strace $0x9000004A  }
0x113: {  	s0 =	stileid.u32;
	[bflag:$0x2] =	sbarrier.arrive $0xFFFF  }
0x114: {  	p0 =	sne.s32 s0, $0x0;
	s0 =	rddreg [dreg:$0x3]  }
0x115: {  	s0 =	sadd.s32 @!p0 $0x100000, s0  }
0x116: {  	[sflag:s0] =	ssyncadd.tile.s32 @!p0 $0x1;
	_ =	shalt  }
.Lfunc_end2:
_tile_overlayer_lowered:
.L_overlay_start_2:
0x117: {  	(tag) =	ssettag $0x2  }
0x118: {  	s0 =	rddreg [dreg:$0x0];
	s2 =	stileid.u32  }
0x119: {  	s1 =	rddreg [dreg:$0x1];
	p0 =	sne.s32 s2, $0x0  }
0x11a: {  	s3 =	rddreg [dreg:$0x2];
	[bflag:$0x3] =	sbarrier.arrive $0xFFFF;
	s2 =	simm.s32 @!p0 $0x1C09  }
0x11b: {  	[timem:s3], [sflag:s2] =	dma.local @!p0 [hbm:s0], s1  }
0x11c: {  	s0 =	simm.s32 @!p0 $0x9  }
0x11d: {  	_ =	swait.ge @!p0 [sflag:s0], s1  }
0x11e: {  	s1 =	ssub.s32 @!p0 $0x0, s1;
	[sflag:s0] =	ssyncset.done @!p0 $0x0  }
0x11f: {  	[sflag:s0] =	ssyncadd.s32 @!p0 s1  }
0x120: {  	[bflag:$0x3] =	sbarrier.arrive $0xFFFF  }
0x121: {  	_ =	shalt  }

// kernel: kernel.14.cloned.1.call-start
scs
__scs_entry_jumppad:
0x0: {  	(pc) =	sbr.rel $0x88, $3  }
0x1: {  	(tag) =	ssettag $0x0;
	lr =	simm.s32 $0x1  }
0x2: {  	[smem:$0x3F9B] =	sst lr;
	_ =	strace $0xD0000000  }
0x3: {  	_ = 	snop  }
0x4: {  	_ = 	snop  }
0x5: {  	_ = 	snop  }
0x6: {  	_ = 	snop  }
0x7: {  	_ = 	snop  }
__scs_overlays_trampoline_lowered:
0x8: {  	[smem:$0x3FAA] =	sst s0  }
0x9: {  	[smem:$0x3FAB] =	sst s1  }
0xa: {  	[smem:$0x3FAC] =	sst s2  }
0xb: {  	[smem:$0x3FAD] =	sst s3  }
0xc: {  	[smem:$0x3FAE] =	sst s4  }
0xd: {  	[smem:$0x3FAF] =	sst s5  }
0xe: {  	[smem:$0x3FB0] =	sst s6  }
0xf: {  	[smem:$0x3FB1] =	sst s7  }
0x10: {  	[smem:$0x3FB2] =	sst s8  }
0x11: {  	[smem:$0x3FB3] =	sst s9;
	s0 =	simm.s32 @!p0 $0x0  }
0x12: {  	s1 =	sld [smem:$0x3F99];
	s0 =	simm.s32 @p0 $0x1  }
0x13: {  	[smem:$0x3FB4] =	sst s0;
	s0 =	simm.s32 @!p1 $0x0  }
0x14: {  	s2 =	sld [smem:$0x3F98];
	s0 =	simm.s32 @p1 $0x1  }
0x15: {  	[smem:$0x3FB5] =	sst s0;
	s0 =	simm.s32 @!p2 $0x0  }
0x16: {  	s3 =	sld [smem:$0x3FDB];
	s0 =	simm.s32 @p2 $0x1  }
0x17: {  	s4 =	simm.s32 $0x1BF5;
	[smem:$0x3FB7] =	sst s0  }
0x18: {  	s0 =	sld [smem:$0x3F9A];
	_ =	swait.ge [sflag:s4], $0x0  }
0x19: {  	s7 =	sld [smem:$0x3F9B]  }
0x1a: {  	s8 =	sadd.s32 $0xFFFFE003, lr  }
0x1b: {  	s9 =	sadd.s32 $0xFFFFFEF7, lr;
	s5 =	simm.s32 $0xFFFFFFFF;
	p2 =	slt.u32 s8, $0xFFFFF086  }
0x1c: {  	p1 =	slt.u32 s9, $0xF7A;
	s5 =	simm.s32 @!p2 $0x0  }
0x1d: {  	s5 =	simm.s32 @p1 $0x1;
	p0 =	seq.s32 s7, s2  }
0x1e: {  	s7 =	smul.u32 @!p0 $0xF7A, s2;
	p2 =	seq.s32 @!p0 s5, $0x0  }
0x1f: {  	s9 =	smul.u32 $0xF7A, s1;
	s8 =	simm.s32 @!p0 $0x1BF5;
	p2 =	por !p2, p0  }
0x20: {  	[sflag:s8] =	ssyncset.s32 @!p0 $0xFFFFF086;
	s6 =	sadd.s32 @!p0 s3, s7;
	s7 =	simm.s32 @!p0 $0x108  }
0x21: {  	s3 =	sadd.s32 s3, s9;
	s6 =	sadd.s32 @!p0 $0x88, s6;
	s7 =	simm.s32 @p2 $0x1082  }
0x22: {  	[simem:s7], [sflag:s8] =	dma.local @!p0 [hbm:s6], $0xF7A  }
0x23: {  	s9 =	sor.u32 $0xD0000000, s2;
	s6 =	simm.s32 $0x108;
	_ =	swait.ge @!p0 [sflag:s8], $0x0  }
0x24: {  	s3 =	sadd.s32 $0x88, s3;
	s6 =	simm.s32 @!p1 $0x1082;
	[sflag:s4] =	ssyncset.s32 $0xFFFFF086  }
0x25: {  	[simem:s6], [sflag:s4] =	dma.local [hbm:s3], $0xF7A  }
0x26: {  	[smem:$0x3F9B] =	sst s1;
	(tag) =	ssettag s2;
	_ =	strace s9  }
0x27: {  	s1 =	sld [smem:$0x3FAB]  }
0x28: {  	s2 =	sld [smem:$0x3FAC]  }
0x29: {  	s4 =	sld [smem:$0x3FAE]  }
0x2a: {  	p0 =	seq.s32 s5, $0x0;
	s5 =	sld [smem:$0x3FAF]  }
0x2b: {  	s6 =	sld [smem:$0x3FB0]  }
0x2c: {  	s7 =	sld [smem:$0x3FB1]  }
0x2d: {  	s3 =	simm.s32 $0x108;
	s8 =	sld [smem:$0x3FB2]  }
0x2e: {  	s3 =	simm.s32 @!p0 $0x1082;
	s9 =	sld [smem:$0x3FB3]  }
0x2f: {  	lr =	sadd.s32 s0, s3;
	s0 =	sld [smem:$0x3FAA]  }
0x30: {  	s3 =	sld [smem:$0x3FAD]  }
0x31: {  	[smem:$0x3FB6] =	sst s10  }
0x32: {  	s10 =	sld [smem:$0x3FB4];
	_ =	sdelay $0x3  }
0x33: {  	p0 =	seq.s32 s10, $0x1;
	s10 =	sld [smem:$0x3FB6];
	_ =	sdelay $0x3  }
0x34: {  	[smem:$0x3FB6] =	sst s10  }
0x35: {  	s10 =	sld [smem:$0x3FB5];
	_ =	sdelay $0x3  }
0x36: {  	p1 =	seq.s32 s10, $0x1;
	s10 =	sld [smem:$0x3FB6];
	_ =	sdelay $0x3  }
0x37: {  	[smem:$0x3FB6] =	sst s10  }
0x38: {  	s10 =	sld [smem:$0x3FB7]  }
0x39: {  	_ = 	snop;
	(pc) =	sbr.ind lr, $3  }
0x3a: {  	_ = 	snop  }
0x3b: {  	_ = 	snop  }
0x3c: {  	p2 =	seq.s32 s10, $0x1;
	s10 =	sld [smem:$0x3FB6]  }
0x3d: {  	_ =	shalt  }
0x3e: {  	_ =	shalt  }
0x3f: {  	_ =	shalt  }
0x40: {  	_ =	shalt  }
0x41: {  	_ =	shalt  }
0x42: {  	_ =	shalt  }
0x43: {  	_ =	shalt  }
0x44: {  	_ =	shalt  }
0x45: {  	_ =	shalt  }
0x46: {  	_ =	shalt  }
0x47: {  	_ =	shalt  }
0x48: {  	_ =	shalt  }
0x49: {  	_ =	shalt  }
0x4a: {  	_ =	shalt  }
0x4b: {  	_ =	shalt  }
0x4c: {  	_ =	shalt  }
0x4d: {  	_ =	shalt  }
0x4e: {  	_ =	shalt  }
0x4f: {  	_ =	shalt  }
0x50: {  	_ =	shalt  }
0x51: {  	_ =	shalt  }
0x52: {  	_ =	shalt  }
0x53: {  	_ =	shalt  }
0x54: {  	_ =	shalt  }
0x55: {  	_ =	shalt  }
0x56: {  	_ =	shalt  }
0x57: {  	_ =	shalt  }
0x58: {  	_ =	shalt  }
0x59: {  	_ =	shalt  }
0x5a: {  	_ =	shalt  }
0x5b: {  	_ =	shalt  }
0x5c: {  	_ =	shalt  }
0x5d: {  	_ =	shalt  }
0x5e: {  	_ =	shalt  }
0x5f: {  	_ =	shalt  }
0x60: {  	_ =	shalt  }
0x61: {  	_ =	shalt  }
0x62: {  	_ =	shalt  }
0x63: {  	_ =	shalt  }
0x64: {  	_ =	shalt  }
0x65: {  	_ =	shalt  }
0x66: {  	_ =	shalt  }
0x67: {  	_ =	shalt  }
0x68: {  	_ =	shalt  }
0x69: {  	_ =	shalt  }
0x6a: {  	_ =	shalt  }
0x6b: {  	_ =	shalt  }
0x6c: {  	_ =	shalt  }
0x6d: {  	_ =	shalt  }
0x6e: {  	_ =	shalt  }
0x6f: {  	_ =	shalt  }
0x70: {  	_ =	shalt  }
0x71: {  	_ =	shalt  }
0x72: {  	_ =	shalt  }
0x73: {  	_ =	shalt  }
0x74: {  	_ =	shalt  }
0x75: {  	_ =	shalt  }
0x76: {  	_ =	shalt  }
0x77: {  	_ =	shalt  }
0x78: {  	_ =	shalt  }
0x79: {  	_ =	shalt  }
0x7a: {  	_ =	shalt  }
0x7b: {  	_ =	shalt  }
0x7c: {  	_ =	shalt  }
0x7d: {  	_ =	shalt  }
0x7e: {  	_ =	shalt  }
0x7f: {  	_ =	shalt  }
0x80: {  	_ =	shalt  }
0x81: {  	_ =	shalt  }
0x82: {  	_ =	shalt  }
0x83: {  	_ =	shalt  }
0x84: {  	_ =	shalt  }
0x85: {  	_ =	shalt  }
0x86: {  	_ =	shalt  }
0x87: {  	_ =	shalt  }
.Lfunc_end0:
.L_simem_size_0:
called_computation.2_lowered:
.L_overlay_start_0:
0x88: {  	s2 =	sld [smem:$0x3FD9]  }
0x89: {  	s3 =	sld [smem:$0x3FFE];
	_ =	sdelay $0x1  }
0x8a: {  	s1 =	srdreg.scid  }
0x8b: {  	s0 =	sand.u32 $0x1, s1  }
0x8c: {  	s17 =	sshll.u32 s0, $0xA;
	s2 =	sadd.s32 s3, s2  }
0x8d: {  	s2 =	sadd.s32 s2, s17  }
0x8e: {  	[smem:$0x3FC2] =	sst s2  }
0x8f: {  	_ = 	snop  }
0x90: {  	s2 =	sld [smem:$0x3FD0];
	(tm) =	ssettm $0x1  }
0x91: {  	s18 =	sld [smem:$0x3FFB];
	_ =	sdelay $0x3  }
0x92: {  	_ =	strace s18  }
0x93: {  	s3 =	sld [smem:$0x3FFC];
	_ =	sdelay $0x3  }
0x94: {  	_ =	strace s3  }
0x95: {  	s3 =	sld [smem:$0x3FFD];
	_ =	sdelay $0x3  }
0x96: {  	_ =	strace s3  }
0x97: {  	_ =	strace $0x8FFFFFFF  }
0x98: {  	s19 =	sld [smem:$0x3FDB];
	_ =	sdelay $0x1  }
0x99: {  	s4 =	simm.s32 $_scs_section_size  }
0x9a: {  	s5 =	simm.s32 $_size__tile_overlayer_lowered;
	s6 =	simm.s32 $_tile_overlayer_lowered  }
0x9b: {  	s22 =	simm.s32 $0x1BFF;
	s21 =	sshll.u32 s6, $0x1;
	s3 =	sadd.s32 s4, s19  }
0x9c: {  	s7 =	simm.s32 $0x0;
	s20 =	sshll.u32 s5, $0x1;
	s5 =	sadd.s32 s21, s3  }
0x9d: {  	[timem:s7], [sflag:s22] =	dma.local [hbm:s5], s20  }
0x9e: {  	_ =	swait.ge [sflag:s22], s20  }
0x9f: {  	s4 =	ssub.s32 $0x0, s20;
	[sflag:s22] =	ssyncset.done $0x0  }
0xa0: {  	[sflag:s22] =	ssyncadd.s32 s4;
	_ =	sdelay $0x1  }
0xa1: {  	s23 =	simm.s32 $0x1B8B  }
0xa2: {  	_ =	swait.ge [sflag:s23], $0x1  }
0xa3: {  	[sflag:s23] =	ssyncset.done $0x0  }
0xa4: {  	s25 =	simm.s32 $0x1B8E;
	s24 =	sld [smem:$0x3FFE];
	[sflag:s23] =	ssyncadd.s32 $0xFFFFFFFF  }
0xa5: {  	s26 =	simm.s32 $execute0_lowered;
	[smem:$0x3FD2] =	sst s25  }
0xa6: {  	s5 =	sshll.u32 s26, $0x1;
	_ =	strace $0x8000004C;
	[dreg:$0x1] =	wrdreg $0xFFFFFFFF  }
0xa7: {  	s28 =	simm.s32 $_size_execute0_lowered;
	s3 =	sadd.s32 s3, s5;
	[dreg:$0x0] =	wrdreg $0x0  }
0xa8: {  	s5 =	sshll.u32 s28, $0x1;
	[dreg:$0x2] =	wrdreg s3  }
0xa9: {  	[dreg:$0x3] =	wrdreg s5  }
0xaa: {  	[dreg:$0x4] =	wrdreg $0xC0  }
0xab: {  	_ =	task [dreg:s7], $0x5FFFF  }
0xac: {  	[dreg:$0x1] =	wrdreg $0xFFFFFFFF  }
0xad: {  	[dreg:$0x0] =	wrdreg $0x60  }
0xae: {  	[dreg:$0x2] =	wrdreg s24  }
0xaf: {  	[dreg:$0x3] =	wrdreg s2  }
0xb0: {  	[dreg:$0x4] =	wrdreg $0x84000  }
0xb1: {  	[dreg:$0x5] =	wrdreg $0x9  }
0xb2: {  	_ =	task.clear_ibuf [dreg:s7], $0x6FFFF;
	_ =	strace $0x9000004C  }
0xb3: {  	s29 =	simm.s32 $0x9;
	_ =	strace $0x8000004E  }
0xb4: {  	_ =	swait.ge [sflag:s29], $0x1  }
0xb5: {  	[sflag:s29] =	ssyncadd.s32 $0xFFFFFFFF  }
0xb6: {  	_ =	strace $0x9000004E  }
0xb7: {  	_ =	sfence  }
0xb8: {  	s30 =	sld [smem:$0x0];
	_ =	sdelay $0x2  }
0xb9: {  	s31 =	sshll.u32 s1, $0xD;
	s1 =	sshrl.u32 s1, $0x2  }
0xba: {  	s3 =	sand.u32 $0x4000, s31;
	s1 =	sadd.s32 s1, s30  }
0xbb: {  	s0 =	sor.u32 s3, s0;
	s1 =	sshll.u32 s1, $0x11  }
0xbc: {  	s0 =	sor.u32 s1, s0  }
0xbd: {  	s0 =	sadd.s32 $0x8F2B, s0  }
0xbe: {  	[sflag:s0] =	ssyncadd.remote.s32 $0x1  }
0xbf: {  	_ =	sfence.sel $0xFFFF  }
0xc0: {  	[dreg:$0x0] =	wrdreg $0xFFFFFFFF;
	(pc) =	sbr.abs _section_cstart, $3  }
0xc1: {  	[dreg:$0x1] =	wrdreg $0xFFFFFFFF  }
0xc2: {  	_ =	task.clear_ibuf [dreg:s7], $0x2FFFF;
	_ =	strace $0x9FFFFFFF  }
0xc3: {  	(tm) =	ssettm $0x7FFFFFFF  }
tec
execute0_lowered:
.L_overlay_start_1:
0x0: {  	(tag) =	ssettag $0x1  }
0x1: {  	s0 =	rddreg [dreg:$0x0]  }
0x2: {  	s1 =	rddreg [dreg:$0x1]  }
0x3: {  	s2 =	rddreg [dreg:$0x2];
	s3 =	srdreg.scid;
	s4 =	simm.s32 $0x0  }
0x4: {  	s11 =	stileid.u32;
	s12 =	simm.s32 $0x9;
	s28 =	simm.s32 $0x80  }
0x5: {  	s29 =	simm.s32 $0x280;
	s30 =	simm.s32 $0x5;
	s8 =	smul.u32 $0x14000, s11  }
0x6: {  	s31 =	simm.s32 $0x6;
	s3 =	sand.u32 $0x1, s3;
	s9 =	smul.u32 $0x50000, s11  }
0x7: {  	[smem:$0x7FF] =	sst s4;
	s5 =	sadd.s32 $0xBE00, s0;
	s20 =	smul.u32 $0x2800, s11  }
0x8: {  	s6 =	sadd.s32 $0x1E00, s0;
	s7 =	smul.u32 $0x140000, s3;
	_ =	strace $0x8000004D  }
0x9: {  	s15 =	ssub.s32 $0x2, s3;
	p0 =	seq.s32 s3, $0x1;
	s9 =	sshrl.u32 s9, $0x2  }
0xa: {  	s10 =	sshrl.u32 s15, $0x1;
	s7 =	sadd.s32 s8, s7;
	s16 =	sadd.s32 s9, s2  }
0xb: {  	s8 =	ssub.s32 s15, s10;
	s15 =	simm.s32 $0x1;
	s10 =	simm.s32 $0x8  }
0xc: {  	s7 =	sshrl.u32 s7, $0x3;
	s9 =	sadd.s32 $0x4000, s16;
	[dreg:$0x4] =	wrdreg s16  }
0xd: {  	s17 =	sadd.s32 $0x8000, s16;
	s18 =	sadd.s32 $0xC000, s16;
	[dreg:$0x5] =	wrdreg s9  }
0xe: {  	s26 =	smax.u32 s8, $0x1;
	s8 =	simm.s32 $0x380;
	[dreg:$0x6] =	wrdreg s17  }
0xf: {  	s0 =	sadd.s32 s7, s0;
	s9 =	smul.u32 $0x500, s11;
	[dreg:$0x7] =	wrdreg s18  }
0x10: {  	s7 =	sadd.s32 $0x10000, s16;
	s11 =	sshrl.u32 s20, $0x3;
	[dreg:$0x10] =	wrdreg s26  }
0x11: {  	s26 =	simm.s32 $0x200;
	s16 =	simm.s32 $0x100;
	s17 =	simm.s32 $0x300  }
0x12: {  	s18 =	simm.s32 $0x7;
	[dreg:$0x8] =	wrdreg s7;
	s24 =	sadd.s32 $0x5010, s11  }
0x13: {  	s0 =	sadd.s32 $0x33E00, s0;
	s11 =	simm.s32 $0x4;
	s19 =	sor.u32 $0x10, s9  }
0x14: {  	s13 =	sadd.s32 s6, s9;
	s25 =	sadd.s32 s6, s24;
	[dreg:$0xf] =	wrdreg s0  }
0x15: {  	s14 =	sadd.s32 s1, s9;
	s21 =	sadd.s32 s6, s19;
	[dreg:$0xd] =	wrdreg s25  }
0x16: {  	s22 =	sadd.s32 $0x5000, s9;
	s3 =	sadd.s32 s1, s19;
	[dreg:$0x9] =	wrdreg s21  }
.Ltmp0:
0x17: {  	s23 =	sadd.s32 s6, s22;
	[dreg:$0xa] =	wrdreg s3;
	(pc) =	sbr.rel .LBB2_1-.Ltmp0, $4  }
0x18: {  	s0 =	simm.s32 $0x4400;
	s19 =	simm.s32 $0x3;
	[dreg:$0xb] =	wrdreg s23  }
0x19: {  	s3 =	sadd.s32 s1, s22;
	s23 =	sadd.s32 $0x28000, s20;
	s20 =	simm.s32 $0x2  }
0x1a: {  	s21 =	simm.s32 $0x0;
	[dreg:$0xc] =	wrdreg s3;
	s3 =	sadd.s32 s1, s24  }
0x1b: {  	v0 =	vimm.f32 $0.0e+00;
	s24 =	simm.s32 $0x400;
	[dreg:$0xe] =	wrdreg s3;
	s3 =	simm.s32 $0x180  }
.LBB2_10:
0x1c: {  	[spmem:s2] =	stream.indirect.scatter.add.f32 [tilespmem:s24], [sflag:$0x3], $0x80, s17, s28, $0xb8;
	[tilespmem:$0x1C400] =	vst v63  }
0x1d: {  	_ =	swait.ge [sflag:s20], $0x4000  }
0x1e: {  	[sflag:s20] =	ssyncset.done $0x0  }
0x1f: {  	[sflag:s20] =	ssyncadd.s32 $0xFFFFC000  }
0x20: {  	[spmem:s2] =	stream.indirect.scatter.add.f32 [tilespmem:s0], [sflag:$0x4], $0x80, s8, s28, $0xb8;
	[tilespmem:$0x1C400] =	vst v63  }
0x21: {  	_ =	swait.ge [sflag:s19], $0x4000  }
0x22: {  	[sflag:s19] =	ssyncset.done $0x0  }
0x23: {  	[sflag:s19] =	ssyncadd.s32 $0xFFFFC000  }
0x24: {  	_ =	swait.ge [sflag:s11], $0x4000  }
0x25: {  	[sflag:s11] =	ssyncset.done $0x0  }
0x26: {  	[sflag:s11] =	ssyncadd.s32 $0xFFFFC000  }
0x27: {  	s7 =	stileid.u32;
	[bflag:$0x0] =	sbarrier.arrive $0xFFFF  }
0x28: {  	s7 =	sshll.u32 s7, $0x6;
	s12 =	rddreg [dreg:$0x4]  }
0x29: {  	s7 =	sor.u32 $0x1C09, s7;
	s21 =	rddreg [dreg:$0xf];
	s12 =	sshrl.u32 s12, $0x3  }
0x2a: {  	[hbm:s21], [sflag:s7] =	dma.local [spmem:s12], $0x2800  }
0x2b: {  	s12 =	simm.s32 $0x9  }
0x2c: {  	_ =	swait.ge [sflag:s12], $0x2800  }
0x2d: {  	s22 =	rddreg [dreg:$0x11]  }
0x2e: {  	s25 =	rddreg [dreg:$0x10];
	s21 =	sadd.s32 $0x1, s22  }
0x2f: {  	p1 =	sne.s32 s21, s25  }
.Ltmp1:
0x30: {  	_ = 	snop;
	(pc) =	sbr.rel @!p1 .LBB2_11-.Ltmp1, $3  }
0x31: {  	_ =	sdelay $0x1  }
0x32: {  	[sflag:s12] =	ssyncset.done $0x0  }
0x33: {  	[sflag:s12] =	ssyncadd.s32 $0xFFFFD800  }
.LBB2_1:
0x34: {  	[dreg:$0x11] =	wrdreg s21;
	s21 =	simm.s32 $0x0;
	s22 =	simm.s32 $0x200  }
.LBB2_2:
0x35: {  	p1 =	sne.s32 s22, $0xFE00;
	[tilespmem:s21+$0x470] =	vst v0  }
0x36: {  	[tilespmem:s21+$0x400] =	vst v0  }
0x37: {  	[tilespmem:s21+$0x410] =	vst v0  }
.Ltmp2:
0x38: {  	[tilespmem:s21+$0x420] =	vst v0;
	(pc) =	sbr.rel @p1 .LBB2_2-.Ltmp2, $4  }
0x39: {  	[tilespmem:s21+$0x430] =	vst v0  }
0x3a: {  	[tilespmem:s21+$0x440] =	vst v0  }
0x3b: {  	[tilespmem:s21+$0x450] =	vst v0  }
0x3c: {  	[tilespmem:s21+$0x460] =	vst v0;
	s21 =	sshra.s32 s22, $0x2;
	s22 =	sadd.s32 $0x200, s22  }
0x3d: {  	[tilespmem:s21+$0x470] =	vst v0  }
0x3e: {  	[tilespmem:s21+$0x400] =	vst v0  }
0x3f: {  	[tilespmem:s21+$0x410] =	vst v0  }
0x40: {  	[tilespmem:s21+$0x420] =	vst v0  }
0x41: {  	[tilespmem:s21+$0x430] =	vst v0  }
0x42: {  	[tilespmem:s21+$0x440] =	vst v0  }
0x43: {  	[tilespmem:s21+$0x450] =	vst v0  }
0x44: {  	[tilespmem:s21+$0x460] =	vst v0;
	s7 =	rddreg [dreg:$0x4]  }
0x45: {  	[spmem:s7] =	stream.linear.scatter [tilespmem:s24], [sflag:$0x9], $0x4000, $0x38;
	[tilespmem:$0x1C400] =	vst v63  }
0x46: {  	_ =	swait.ge [sflag:s12], $0x4000  }
0x47: {  	[sflag:s12] =	ssyncset.done $0x0  }
0x48: {  	s25 =	rddreg [dreg:$0x5];
	[sflag:s12] =	ssyncadd.s32 $0xFFFFC000  }
0x49: {  	[spmem:s25] =	stream.linear.scatter [tilespmem:s24], [sflag:$0x9], $0x4000, $0x38;
	[tilespmem:$0x1C400] =	vst v63  }
0x4a: {  	_ =	swait.ge [sflag:s12], $0x4000  }
0x4b: {  	[sflag:s12] =	ssyncset.done $0x0  }
0x4c: {  	s21 =	rddreg [dreg:$0x6];
	[sflag:s12] =	ssyncadd.s32 $0xFFFFC000  }
0x4d: {  	[spmem:s21] =	stream.linear.scatter [tilespmem:s24], [sflag:$0x9], $0x4000, $0x38;
	[tilespmem:$0x1C400] =	vst v63  }
0x4e: {  	_ =	swait.ge [sflag:s12], $0x4000  }
0x4f: {  	[sflag:s12] =	ssyncset.done $0x0  }
0x50: {  	s22 =	rddreg [dreg:$0x7];
	[sflag:s12] =	ssyncadd.s32 $0xFFFFC000  }
0x51: {  	[spmem:s22] =	stream.linear.scatter [tilespmem:s24], [sflag:$0x9], $0x4000, $0x38;
	[tilespmem:$0x1C400] =	vst v63  }
0x52: {  	_ =	swait.ge [sflag:s12], $0x4000  }
0x53: {  	[sflag:s12] =	ssyncset.done $0x0  }
0x54: {  	s25 =	rddreg [dreg:$0x8];
	[sflag:s12] =	ssyncadd.s32 $0xFFFFC000  }
0x55: {  	[spmem:s25] =	stream.linear.scatter [tilespmem:s24], [sflag:$0x9], $0x4000, $0x38;
	[tilespmem:$0x1C400] =	vst v63  }
.Ltmp3:
0x56: {  	_ =	swait.ge [sflag:s12], $0x4000;
	(pc) =	sbr.rel @!p0 .LBB2_4-.Ltmp3, $4  }
0x57: {  	[sflag:s12] =	ssyncset.done $0x0  }
0x58: {  	[sflag:s12] =	ssyncadd.s32 $0xFFFFC000  }
0x59: {  	[bflag:$0x0] =	sbarrier.arrive $0xFFFF  }
0x5a: {  	s21 =	simm.s32 $0x0  }
0x5b: {  	s7 =	rddreg [dreg:$0xb]  }
0x5c: {  	[tilespmem:s21], [sflag:$0x5] =	stream.linear.gather [hbm4b:s7+s21], $0x80, $0x38;
	[tilespmem:$0x1C400] =	vst v63  }
0x5d: {  	s12 =	rddreg [dreg:$0xc]  }
0x5e: {  	[tilespmem:s26], [sflag:$0x5] =	stream.linear.gather [hbm4b:s12+s21], $0x80, $0x38;
	[tilespmem:$0x1C400] =	vst v63  }
0x5f: {  	s22 =	rddreg [dreg:$0xd]  }
0x60: {  	[tilespmem:s28], [sflag:$0x6] =	stream.linear.gather [hbm4b:s22+s21], $0x80, $0x38;
	[tilespmem:$0x1C400] =	vst v63  }
0x61: {  	s25 =	rddreg [dreg:$0xe]  }
0x62: {  	[tilespmem:s29], [sflag:$0x6] =	stream.linear.gather [hbm4b:s25+s21], $0x80, $0x38;
	[tilespmem:$0x1C400] =	vst v63  }
0x63: {  	_ =	swait.ge [sflag:s30], $0x80  }
0x64: {  	[sflag:s30] =	ssyncset.done $0x0  }
0x65: {  	[sflag:s30] =	ssyncadd.s32 $0xFFFFFF80  }
0x66: {  	_ =	swait.ge [sflag:s30], $0x80  }
0x67: {  	[sflag:s30] =	ssyncset.done $0x0  }
0x68: {  	s22 =	simm.s32 $0x0;
	[sflag:s30] =	ssyncadd.s32 $0xFFFFFF80  }
0x69: {  	[tilespmem:s24], [sflag:$0x1] =	stream.indirect.gather [hbm4b:s5+s28], $0x80, s21, s28, $0xb8;
	[tilespmem:$0x1C400] =	vst v63  }
.LBB2_8:
0x6a: {  	_ =	swait.ge [sflag:s31], $0x80  }
0x6b: {  	[sflag:s31] =	ssyncset.done $0x0  }
0x6c: {  	[sflag:s31] =	ssyncadd.s32 $0xFFFFFF80  }
0x6d: {  	_ =	swait.ge [sflag:s31], $0x80  }
0x6e: {  	p1 =	seq.s32 s21, $0x0;
	[sflag:s31] =	ssyncset.done $0x0  }
0x6f: {  	s7 =	simm.s32 @!p1 $0x4;
	[sflag:s31] =	ssyncadd.s32 $0xFFFFFF80  }
0x70: {  	_ =	swait.ge @!p1 [sflag:s7], $0x4000  }
0x71: {  	s12 =	sadd.s32 s22, s23;
	[sflag:s7] =	ssyncset.done @!p1 $0x0  }
0x72: {  	[sflag:s7] =	ssyncadd.s32 @!p1 $0xFFFFC000;
	s7 =	sand.u32 $0xFFC00, s12;
	s12 =	sand.u32 $0x200, s22  }
0x73: {  	[tilespmem:s0], [sflag:$0x2] =	stream.indirect.gather [hbm4b:s5+s28], $0x80, s28, s28, $0xb8;
	[tilespmem:$0x1C400] =	vst v63  }
0x74: {  	s7 =	sor.u32 s7, s12  }
0x75: {  	_ =	swait.ge [sflag:s15], $0x4000;
	s7 =	sshrl.u32 s7, $0x3  }
0x76: {  	[sflag:s15] =	ssyncset.done $0x0;
	s12 =	sor.u32 $0x20, s7  }
0x77: {  	[sflag:s15] =	ssyncadd.s32 $0xFFFFC000;
	s25 =	sadd.s32 s6, s12  }
0x78: {  	[tilespmem:s16], [sflag:$0x7] =	stream.linear.gather [hbm4b:s25+s4], $0x80, $0x38;
	[tilespmem:$0x1C400] =	vst v63  }
0x79: {  	s12 =	sadd.s32 s1, s12  }
0x7a: {  	[tilespmem:s17], [sflag:$0x7] =	stream.linear.gather [hbm4b:s12+s4], $0x80, $0x38;
	[tilespmem:$0x1C400] =	vst v63  }
0x7b: {  	_ = 	snop  }
0x7c: {  	[spmem:s2] =	stream.indirect.scatter.add.f32 [tilespmem:s24], [sflag:$0x3], $0x80, s26, s28, $0xb8;
	[tilespmem:$0x1C400] =	vst v63  }
0x7d: {  	_ =	swait.ge [sflag:s18], $0x80  }
0x7e: {  	[sflag:s18] =	ssyncset.done $0x0  }
0x7f: {  	[sflag:s18] =	ssyncadd.s32 $0xFFFFFF80  }
0x80: {  	_ =	swait.ge [sflag:s18], $0x80  }
0x81: {  	[sflag:s18] =	ssyncset.done $0x0  }
0x82: {  	[sflag:s18] =	ssyncadd.s32 $0xFFFFFF80  }
0x83: {  	_ =	swait.ge [sflag:s19], $0x4000  }
0x84: {  	[sflag:s19] =	ssyncset.done $0x0  }
0x85: {  	[sflag:s19] =	ssyncadd.s32 $0xFFFFC000  }
0x86: {  	[tilespmem:s24], [sflag:$0x1] =	stream.indirect.gather [hbm4b:s5+s28], $0x80, s16, s28, $0xb8;
	[tilespmem:$0x1C400] =	vst v63  }
0x87: {  	_ =	swait.ge [sflag:s20], $0x4000  }
0x88: {  	s7 =	sor.u32 $0x30, s7;
	[sflag:s20] =	ssyncset.done $0x0  }
0x89: {  	s25 =	sadd.s32 s6, s7;
	[sflag:s20] =	ssyncadd.s32 $0xFFFFC000  }
0x8a: {  	[tilespmem:s3], [sflag:$0x8] =	stream.linear.gather [hbm4b:s25+s4], $0x80, $0x38;
	[tilespmem:$0x1C400] =	vst v63  }
0x8b: {  	s7 =	sadd.s32 s1, s7  }
0x8c: {  	[tilespmem:s8], [sflag:$0x8] =	stream.linear.gather [hbm4b:s7+s4], $0x80, $0x38;
	[tilespmem:$0x1C400] =	vst v63  }
0x8d: {  	_ = 	snop  }
0x8e: {  	[spmem:s2] =	stream.indirect.scatter.add.f32 [tilespmem:s0], [sflag:$0x4], $0x80, s29, s28, $0xb8;
	[tilespmem:$0x1C400] =	vst v63  }
0x8f: {  	_ =	swait.ge [sflag:s10], $0x80  }
0x90: {  	[sflag:s10] =	ssyncset.done $0x0  }
0x91: {  	[sflag:s10] =	ssyncadd.s32 $0xFFFFFF80  }
0x92: {  	_ =	swait.ge [sflag:s10], $0x80  }
0x93: {  	[sflag:s10] =	ssyncset.done $0x0  }
0x94: {  	[sflag:s10] =	ssyncadd.s32 $0xFFFFFF80  }
0x95: {  	_ =	swait.ge [sflag:s11], $0x4000  }
0x96: {  	p1 =	seq.s32 s21, $0x4C0;
	[sflag:s11] =	ssyncset.done $0x0  }
.Ltmp4:
0x97: {  	[sflag:s11] =	ssyncadd.s32 $0xFFFFC000;
	(pc) =	sbr.rel @p1 .LBB2_10-.Ltmp4, $4  }
0x98: {  	[tilespmem:s0], [sflag:$0x2] =	stream.indirect.gather [hbm4b:s5+s28], $0x80, s3, s28, $0xb8;
	[tilespmem:$0x1C400] =	vst v63  }
0x99: {  	_ =	swait.ge [sflag:s15], $0x4000  }
0x9a: {  	[sflag:s15] =	ssyncset.done $0x0  }
0x9b: {  	[sflag:s15] =	ssyncadd.s32 $0xFFFFC000  }
0x9c: {  	s7 =	sadd.s32 s21, s13  }
0x9d: {  	s12 =	sadd.s32 $0x5040, s7  }
0x9e: {  	[tilespmem:s4], [sflag:$0x5] =	stream.linear.gather [hbm4b:s12+s4], $0x80, $0x38;
	[tilespmem:$0x1C400] =	vst v63  }
0x9f: {  	s12 =	sadd.s32 s21, s14  }
0xa0: {  	s25 =	sadd.s32 $0x5040, s12  }
0xa1: {  	[tilespmem:s26], [sflag:$0x5] =	stream.linear.gather [hbm4b:s25+s4], $0x80, $0x38;
	[tilespmem:$0x1C400] =	vst v63  }
0xa2: {  	_ = 	snop  }
0xa3: {  	[spmem:s2] =	stream.indirect.scatter.add.f32 [tilespmem:s24], [sflag:$0x3], $0x80, s17, s28, $0xb8;
	[tilespmem:$0x1C400] =	vst v63  }
0xa4: {  	_ =	swait.ge [sflag:s30], $0x80  }
0xa5: {  	[sflag:s30] =	ssyncset.done $0x0  }
0xa6: {  	[sflag:s30] =	ssyncadd.s32 $0xFFFFFF80  }
0xa7: {  	_ =	swait.ge [sflag:s30], $0x80  }
0xa8: {  	[sflag:s30] =	ssyncset.done $0x0  }
0xa9: {  	[sflag:s30] =	ssyncadd.s32 $0xFFFFFF80  }
0xaa: {  	_ =	swait.ge [sflag:s19], $0x4000  }
0xab: {  	[sflag:s19] =	ssyncset.done $0x0  }
0xac: {  	[sflag:s19] =	ssyncadd.s32 $0xFFFFC000  }
0xad: {  	[tilespmem:s24], [sflag:$0x1] =	stream.indirect.gather [hbm4b:s5+s28], $0x80, s4, s28, $0xb8;
	[tilespmem:$0x1C400] =	vst v63  }
0xae: {  	_ =	swait.ge [sflag:s20], $0x4000  }
0xaf: {  	[sflag:s20] =	ssyncset.done $0x0  }
0xb0: {  	s7 =	sadd.s32 $0x5050, s7;
	[sflag:s20] =	ssyncadd.s32 $0xFFFFC000  }
0xb1: {  	[tilespmem:s28], [sflag:$0x6] =	stream.linear.gather [hbm4b:s7+s4], $0x80, $0x38;
	[tilespmem:$0x1C400] =	vst v63  }
.Ltmp5:
0xb2: {  	_ = 	snop;
	(pc) =	sbr.rel .LBB2_8-.Ltmp5, $4  }
0xb3: {  	s25 =	sadd.s32 $0x5050, s12  }
0xb4: {  	[tilespmem:s29], [sflag:$0x6] =	stream.linear.gather [hbm4b:s25+s4], $0x80, $0x38;
	[tilespmem:$0x1C400] =	vst v63  }
0xb5: {  	s22 =	sadd.s32 $0x200, s22;
	s21 =	sadd.s32 $0x40, s21  }
0xb6: {  	[spmem:s2] =	stream.indirect.scatter.add.f32 [tilespmem:s0], [sflag:$0x4], $0x80, s8, s28, $0xb8;
	[tilespmem:$0x1C400] =	vst v63  }
.LBB2_4:
0xb7: {  	[tilespmem:s21], [sflag:$0x5] =	stream.linear.gather [hbm4b:s13+s21], $0x80, $0x38;
	[tilespmem:$0x1C400] =	vst v63  }
0xb8: {  	_ = 	snop  }
0xb9: {  	[tilespmem:s26], [sflag:$0x5] =	stream.linear.gather [hbm4b:s14+s21], $0x80, $0x38;
	[tilespmem:$0x1C400] =	vst v63  }
0xba: {  	s7 =	rddreg [dreg:$0x9]  }
0xbb: {  	[tilespmem:s28], [sflag:$0x6] =	stream.linear.gather [hbm4b:s7+s21], $0x80, $0x38;
	[tilespmem:$0x1C400] =	vst v63  }
0xbc: {  	s25 =	rddreg [dreg:$0xa]  }
0xbd: {  	[tilespmem:s29], [sflag:$0x6] =	stream.linear.gather [hbm4b:s25+s21], $0x80, $0x38;
	[tilespmem:$0x1C400] =	vst v63  }
0xbe: {  	_ =	swait.ge [sflag:s30], $0x80  }
0xbf: {  	[sflag:s30] =	ssyncset.done $0x0  }
0xc0: {  	[sflag:s30] =	ssyncadd.s32 $0xFFFFFF80  }
0xc1: {  	_ =	swait.ge [sflag:s30], $0x80  }
0xc2: {  	[sflag:s30] =	ssyncset.done $0x0  }
0xc3: {  	[sflag:s30] =	ssyncadd.s32 $0xFFFFFF80  }
0xc4: {  	[tilespmem:s24], [sflag:$0x1] =	stream.indirect.gather [hbm4b:s5+s28], $0x80, s21, s28, $0xb8;
	[tilespmem:$0x1C400] =	vst v63  }
.LBB2_5:
0xc5: {  	_ =	swait.ge [sflag:s31], $0x80  }
0xc6: {  	[sflag:s31] =	ssyncset.done $0x0  }
0xc7: {  	[sflag:s31] =	ssyncadd.s32 $0xFFFFFF80  }
0xc8: {  	_ =	swait.ge [sflag:s31], $0x80  }
0xc9: {  	p1 =	seq.s32 s21, $0x0;
	[sflag:s31] =	ssyncset.done $0x0  }
0xca: {  	s22 =	simm.s32 @!p1 $0x4;
	[sflag:s31] =	ssyncadd.s32 $0xFFFFFF80  }
0xcb: {  	_ =	swait.ge @!p1 [sflag:s22], $0x4000  }
0xcc: {  	s12 =	sadd.s32 s21, s9;
	[sflag:s22] =	ssyncset.done @!p1 $0x0  }
0xcd: {  	s7 =	sand.u32 $0x40, s21;
	[sflag:s22] =	ssyncadd.s32 @!p1 $0xFFFFC000;
	s22 =	sand.u32 $0xFF80, s12  }
0xce: {  	[tilespmem:s0], [sflag:$0x2] =	stream.indirect.gather [hbm4b:s5+s28], $0x80, s28, s28, $0xb8;
	[tilespmem:$0x1C400] =	vst v63  }
0xcf: {  	s7 =	sor.u32 s22, s7;
	_ =	swait.ge [sflag:s15], $0x4000  }
0xd0: {  	s22 =	sor.u32 $0x20, s7;
	[sflag:s15] =	ssyncset.done $0x0  }
0xd1: {  	s12 =	sadd.s32 s6, s22;
	[sflag:s15] =	ssyncadd.s32 $0xFFFFC000  }
0xd2: {  	[tilespmem:s16], [sflag:$0x7] =	stream.linear.gather [hbm4b:s12+s4], $0x80, $0x38;
	[tilespmem:$0x1C400] =	vst v63  }
0xd3: {  	s22 =	sadd.s32 s1, s22  }
0xd4: {  	[tilespmem:s17], [sflag:$0x7] =	stream.linear.gather [hbm4b:s22+s4], $0x80, $0x38;
	[tilespmem:$0x1C400] =	vst v63  }
0xd5: {  	_ = 	snop  }
0xd6: {  	[spmem:s2] =	stream.indirect.scatter.add.f32 [tilespmem:s24], [sflag:$0x3], $0x80, s26, s28, $0xb8;
	[tilespmem:$0x1C400] =	vst v63  }
0xd7: {  	_ =	swait.ge [sflag:s18], $0x80  }
0xd8: {  	[sflag:s18] =	ssyncset.done $0x0  }
0xd9: {  	[sflag:s18] =	ssyncadd.s32 $0xFFFFFF80  }
0xda: {  	_ =	swait.ge [sflag:s18], $0x80  }
0xdb: {  	[sflag:s18] =	ssyncset.done $0x0  }
0xdc: {  	[sflag:s18] =	ssyncadd.s32 $0xFFFFFF80  }
0xdd: {  	_ =	swait.ge [sflag:s19], $0x4000  }
0xde: {  	[sflag:s19] =	ssyncset.done $0x0  }
0xdf: {  	[sflag:s19] =	ssyncadd.s32 $0xFFFFC000  }
0xe0: {  	[tilespmem:s24], [sflag:$0x1] =	stream.indirect.gather [hbm4b:s5+s28], $0x80, s16, s28, $0xb8;
	[tilespmem:$0x1C400] =	vst v63  }
0xe1: {  	_ =	swait.ge [sflag:s20], $0x4000  }
0xe2: {  	s7 =	sor.u32 $0x30, s7;
	[sflag:s20] =	ssyncset.done $0x0  }
0xe3: {  	s25 =	sadd.s32 s6, s7;
	[sflag:s20] =	ssyncadd.s32 $0xFFFFC000  }
0xe4: {  	[tilespmem:s3], [sflag:$0x8] =	stream.linear.gather [hbm4b:s25+s4], $0x80, $0x38;
	[tilespmem:$0x1C400] =	vst v63  }
0xe5: {  	s7 =	sadd.s32 s1, s7  }
0xe6: {  	[tilespmem:s8], [sflag:$0x8] =	stream.linear.gather [hbm4b:s7+s4], $0x80, $0x38;
	[tilespmem:$0x1C400] =	vst v63  }
0xe7: {  	_ = 	snop  }
0xe8: {  	[spmem:s2] =	stream.indirect.scatter.add.f32 [tilespmem:s0], [sflag:$0x4], $0x80, s29, s28, $0xb8;
	[tilespmem:$0x1C400] =	vst v63  }
0xe9: {  	_ =	swait.ge [sflag:s10], $0x80  }
0xea: {  	[sflag:s10] =	ssyncset.done $0x0  }
0xeb: {  	[sflag:s10] =	ssyncadd.s32 $0xFFFFFF80  }
0xec: {  	_ =	swait.ge [sflag:s10], $0x80  }
0xed: {  	[sflag:s10] =	ssyncset.done $0x0  }
0xee: {  	[sflag:s10] =	ssyncadd.s32 $0xFFFFFF80  }
0xef: {  	_ =	swait.ge [sflag:s11], $0x4000  }
0xf0: {  	p1 =	seq.s32 s21, $0x4C0;
	[sflag:s11] =	ssyncset.done $0x0  }
.Ltmp6:
0xf1: {  	[sflag:s11] =	ssyncadd.s32 $0xFFFFC000;
	(pc) =	sbr.rel @p1 .LBB2_10-.Ltmp6, $4  }
0xf2: {  	[tilespmem:s0], [sflag:$0x2] =	stream.indirect.gather [hbm4b:s5+s28], $0x80, s3, s28, $0xb8;
	[tilespmem:$0x1C400] =	vst v63  }
0xf3: {  	_ =	swait.ge [sflag:s15], $0x4000  }
0xf4: {  	[sflag:s15] =	ssyncset.done $0x0  }
0xf5: {  	[sflag:s15] =	ssyncadd.s32 $0xFFFFC000  }
0xf6: {  	s7 =	sadd.s32 s21, s13  }
0xf7: {  	s25 =	sadd.s32 s21, s14;
	s12 =	sadd.s32 $0x40, s7  }
0xf8: {  	[tilespmem:s4], [sflag:$0x5] =	stream.linear.gather [hbm4b:s12+s4], $0x80, $0x38;
	[tilespmem:$0x1C400] =	vst v63  }
0xf9: {  	s22 =	sadd.s32 $0x40, s25  }
0xfa: {  	[tilespmem:s26], [sflag:$0x5] =	stream.linear.gather [hbm4b:s22+s4], $0x80, $0x38;
	[tilespmem:$0x1C400] =	vst v63  }
0xfb: {  	_ = 	snop  }
0xfc: {  	[spmem:s2] =	stream.indirect.scatter.add.f32 [tilespmem:s24], [sflag:$0x3], $0x80, s17, s28, $0xb8;
	[tilespmem:$0x1C400] =	vst v63  }
0xfd: {  	_ =	swait.ge [sflag:s30], $0x80  }
0xfe: {  	[sflag:s30] =	ssyncset.done $0x0  }
0xff: {  	[sflag:s30] =	ssyncadd.s32 $0xFFFFFF80  }
0x100: {  	_ =	swait.ge [sflag:s30], $0x80  }
0x101: {  	[sflag:s30] =	ssyncset.done $0x0  }
0x102: {  	[sflag:s30] =	ssyncadd.s32 $0xFFFFFF80  }
0x103: {  	_ =	swait.ge [sflag:s19], $0x4000  }
0x104: {  	[sflag:s19] =	ssyncset.done $0x0  }
0x105: {  	[sflag:s19] =	ssyncadd.s32 $0xFFFFC000  }
0x106: {  	[tilespmem:s24], [sflag:$0x1] =	stream.indirect.gather [hbm4b:s5+s28], $0x80, s4, s28, $0xb8;
	[tilespmem:$0x1C400] =	vst v63  }
0x107: {  	_ =	swait.ge [sflag:s20], $0x4000  }
0x108: {  	[sflag:s20] =	ssyncset.done $0x0  }
0x109: {  	s7 =	sadd.s32 $0x50, s7;
	[sflag:s20] =	ssyncadd.s32 $0xFFFFC000  }
0x10a: {  	[tilespmem:s28], [sflag:$0x6] =	stream.linear.gather [hbm4b:s7+s4], $0x80, $0x38;
	[tilespmem:$0x1C400] =	vst v63  }
.Ltmp7:
0x10b: {  	_ = 	snop;
	(pc) =	sbr.rel .LBB2_5-.Ltmp7, $4  }
0x10c: {  	s25 =	sadd.s32 $0x50, s25  }
0x10d: {  	[tilespmem:s29], [sflag:$0x6] =	stream.linear.gather [hbm4b:s25+s4], $0x80, $0x38;
	[tilespmem:$0x1C400] =	vst v63  }
0x10e: {  	s21 =	sadd.s32 $0x40, s21  }
0x10f: {  	[spmem:s2] =	stream.indirect.scatter.add.f32 [tilespmem:s0], [sflag:$0x4], $0x80, s8, s28, $0xb8;
	[tilespmem:$0x1C400] =	vst v63  }
.LBB2_11:
0x110: {  	_ =	sfence.sel $0x180000  }
0x111: {  	[bflag:$0x0] =	sbarrier.arrive $0xFFFF  }
0x112: {  	_ =	strace $0x9000004D  }
0x113: {  	s0 =	stileid.u32;
	[bflag:$0x2] =	sbarrier.arrive $0xFFFF  }
0x114: {  	p0 =	sne.s32 s0, $0x0;
	s0 =	rddreg [dreg:$0x3]  }
0x115: {  	s0 =	sadd.s32 @!p0 $0x100000, s0  }
0x116: {  	[sflag:s0] =	ssyncadd.tile.s32 @!p0 $0x1;
	_ =	shalt  }
.Lfunc_end2:
_tile_overlayer_lowered:
.L_overlay_start_2:
0x117: {  	(tag) =	ssettag $0x2  }
0x118: {  	s0 =	rddreg [dreg:$0x0];
	s2 =	stileid.u32  }
0x119: {  	s1 =	rddreg [dreg:$0x1];
	p0 =	sne.s32 s2, $0x0  }
0x11a: {  	s3 =	rddreg [dreg:$0x2];
	[bflag:$0x3] =	sbarrier.arrive $0xFFFF;
	s2 =	simm.s32 @!p0 $0x1C09  }
0x11b: {  	[timem:s3], [sflag:s2] =	dma.local @!p0 [hbm:s0], s1  }
0x11c: {  	s0 =	simm.s32 @!p0 $0x9  }
0x11d: {  	_ =	swait.ge @!p0 [sflag:s0], s1  }
0x11e: {  	s1 =	ssub.s32 @!p0 $0x0, s1;
	[sflag:s0] =	ssyncset.done @!p0 $0x0  }
0x11f: {  	[sflag:s0] =	ssyncadd.s32 @!p0 s1  }
0x120: {  	[bflag:$0x3] =	sbarrier.arrive $0xFFFF  }
0x121: {  	_ =	shalt  }

// kernel: kernel.8.cloned.1.call-start
scs
__scs_entry_jumppad:
0x0: {  	(pc) =	sbr.rel $0x88, $3  }
0x1: {  	(tag) =	ssettag $0x0;
	lr =	simm.s32 $0x1  }
0x2: {  	[smem:$0x3F9B] =	sst lr;
	_ =	strace $0xD0000000  }
0x3: {  	_ = 	snop  }
0x4: {  	_ = 	snop  }
0x5: {  	_ = 	snop  }
0x6: {  	_ = 	snop  }
0x7: {  	_ = 	snop  }
__scs_overlays_trampoline_lowered:
0x8: {  	[smem:$0x3FAA] =	sst s0  }
0x9: {  	[smem:$0x3FAB] =	sst s1  }
0xa: {  	[smem:$0x3FAC] =	sst s2  }
0xb: {  	[smem:$0x3FAD] =	sst s3  }
0xc: {  	[smem:$0x3FAE] =	sst s4  }
0xd: {  	[smem:$0x3FAF] =	sst s5  }
0xe: {  	[smem:$0x3FB0] =	sst s6  }
0xf: {  	[smem:$0x3FB1] =	sst s7  }
0x10: {  	[smem:$0x3FB2] =	sst s8  }
0x11: {  	[smem:$0x3FB3] =	sst s9;
	s0 =	simm.s32 @!p0 $0x0  }
0x12: {  	s1 =	sld [smem:$0x3F99];
	s0 =	simm.s32 @p0 $0x1  }
0x13: {  	[smem:$0x3FB4] =	sst s0;
	s0 =	simm.s32 @!p1 $0x0  }
0x14: {  	s2 =	sld [smem:$0x3F98];
	s0 =	simm.s32 @p1 $0x1  }
0x15: {  	[smem:$0x3FB5] =	sst s0;
	s0 =	simm.s32 @!p2 $0x0  }
0x16: {  	s3 =	sld [smem:$0x3FDB];
	s0 =	simm.s32 @p2 $0x1  }
0x17: {  	s4 =	simm.s32 $0x1BF5;
	[smem:$0x3FB7] =	sst s0  }
0x18: {  	s0 =	sld [smem:$0x3F9A];
	_ =	swait.ge [sflag:s4], $0x0  }
0x19: {  	s7 =	sld [smem:$0x3F9B]  }
0x1a: {  	s8 =	sadd.s32 $0xFFFFE003, lr  }
0x1b: {  	s9 =	sadd.s32 $0xFFFFFEF7, lr;
	s5 =	simm.s32 $0xFFFFFFFF;
	p2 =	slt.u32 s8, $0xFFFFF086  }
0x1c: {  	p1 =	slt.u32 s9, $0xF7A;
	s5 =	simm.s32 @!p2 $0x0  }
0x1d: {  	s5 =	simm.s32 @p1 $0x1;
	p0 =	seq.s32 s7, s2  }
0x1e: {  	s7 =	smul.u32 @!p0 $0xF7A, s2;
	p2 =	seq.s32 @!p0 s5, $0x0  }
0x1f: {  	s9 =	smul.u32 $0xF7A, s1;
	s8 =	simm.s32 @!p0 $0x1BF5;
	p2 =	por !p2, p0  }
0x20: {  	[sflag:s8] =	ssyncset.s32 @!p0 $0xFFFFF086;
	s6 =	sadd.s32 @!p0 s3, s7;
	s7 =	simm.s32 @!p0 $0x108  }
0x21: {  	s3 =	sadd.s32 s3, s9;
	s6 =	sadd.s32 @!p0 $0x88, s6;
	s7 =	simm.s32 @p2 $0x1082  }
0x22: {  	[simem:s7], [sflag:s8] =	dma.local @!p0 [hbm:s6], $0xF7A  }
0x23: {  	s9 =	sor.u32 $0xD0000000, s2;
	s6 =	simm.s32 $0x108;
	_ =	swait.ge @!p0 [sflag:s8], $0x0  }
0x24: {  	s3 =	sadd.s32 $0x88, s3;
	s6 =	simm.s32 @!p1 $0x1082;
	[sflag:s4] =	ssyncset.s32 $0xFFFFF086  }
0x25: {  	[simem:s6], [sflag:s4] =	dma.local [hbm:s3], $0xF7A  }
0x26: {  	[smem:$0x3F9B] =	sst s1;
	(tag) =	ssettag s2;
	_ =	strace s9  }
0x27: {  	s1 =	sld [smem:$0x3FAB]  }
0x28: {  	s2 =	sld [smem:$0x3FAC]  }
0x29: {  	s4 =	sld [smem:$0x3FAE]  }
0x2a: {  	p0 =	seq.s32 s5, $0x0;
	s5 =	sld [smem:$0x3FAF]  }
0x2b: {  	s6 =	sld [smem:$0x3FB0]  }
0x2c: {  	s7 =	sld [smem:$0x3FB1]  }
0x2d: {  	s3 =	simm.s32 $0x108;
	s8 =	sld [smem:$0x3FB2]  }
0x2e: {  	s3 =	simm.s32 @!p0 $0x1082;
	s9 =	sld [smem:$0x3FB3]  }
0x2f: {  	lr =	sadd.s32 s0, s3;
	s0 =	sld [smem:$0x3FAA]  }
0x30: {  	s3 =	sld [smem:$0x3FAD]  }
0x31: {  	[smem:$0x3FB6] =	sst s10  }
0x32: {  	s10 =	sld [smem:$0x3FB4];
	_ =	sdelay $0x3  }
0x33: {  	p0 =	seq.s32 s10, $0x1;
	s10 =	sld [smem:$0x3FB6];
	_ =	sdelay $0x3  }
0x34: {  	[smem:$0x3FB6] =	sst s10  }
0x35: {  	s10 =	sld [smem:$0x3FB5];
	_ =	sdelay $0x3  }
0x36: {  	p1 =	seq.s32 s10, $0x1;
	s10 =	sld [smem:$0x3FB6];
	_ =	sdelay $0x3  }
0x37: {  	[smem:$0x3FB6] =	sst s10  }
0x38: {  	s10 =	sld [smem:$0x3FB7]  }
0x39: {  	_ = 	snop;
	(pc) =	sbr.ind lr, $3  }
0x3a: {  	_ = 	snop  }
0x3b: {  	_ = 	snop  }
0x3c: {  	p2 =	seq.s32 s10, $0x1;
	s10 =	sld [smem:$0x3FB6]  }
0x3d: {  	_ =	shalt  }
0x3e: {  	_ =	shalt  }
0x3f: {  	_ =	shalt  }
0x40: {  	_ =	shalt  }
0x41: {  	_ =	shalt  }
0x42: {  	_ =	shalt  }
0x43: {  	_ =	shalt  }
0x44: {  	_ =	shalt  }
0x45: {  	_ =	shalt  }
0x46: {  	_ =	shalt  }
0x47: {  	_ =	shalt  }
0x48: {  	_ =	shalt  }
0x49: {  	_ =	shalt  }
0x4a: {  	_ =	shalt  }
0x4b: {  	_ =	shalt  }
0x4c: {  	_ =	shalt  }
0x4d: {  	_ =	shalt  }
0x4e: {  	_ =	shalt  }
0x4f: {  	_ =	shalt  }
0x50: {  	_ =	shalt  }
0x51: {  	_ =	shalt  }
0x52: {  	_ =	shalt  }
0x53: {  	_ =	shalt  }
0x54: {  	_ =	shalt  }
0x55: {  	_ =	shalt  }
0x56: {  	_ =	shalt  }
0x57: {  	_ =	shalt  }
0x58: {  	_ =	shalt  }
0x59: {  	_ =	shalt  }
0x5a: {  	_ =	shalt  }
0x5b: {  	_ =	shalt  }
0x5c: {  	_ =	shalt  }
0x5d: {  	_ =	shalt  }
0x5e: {  	_ =	shalt  }
0x5f: {  	_ =	shalt  }
0x60: {  	_ =	shalt  }
0x61: {  	_ =	shalt  }
0x62: {  	_ =	shalt  }
0x63: {  	_ =	shalt  }
0x64: {  	_ =	shalt  }
0x65: {  	_ =	shalt  }
0x66: {  	_ =	shalt  }
0x67: {  	_ =	shalt  }
0x68: {  	_ =	shalt  }
0x69: {  	_ =	shalt  }
0x6a: {  	_ =	shalt  }
0x6b: {  	_ =	shalt  }
0x6c: {  	_ =	shalt  }
0x6d: {  	_ =	shalt  }
0x6e: {  	_ =	shalt  }
0x6f: {  	_ =	shalt  }
0x70: {  	_ =	shalt  }
0x71: {  	_ =	shalt  }
0x72: {  	_ =	shalt  }
0x73: {  	_ =	shalt  }
0x74: {  	_ =	shalt  }
0x75: {  	_ =	shalt  }
0x76: {  	_ =	shalt  }
0x77: {  	_ =	shalt  }
0x78: {  	_ =	shalt  }
0x79: {  	_ =	shalt  }
0x7a: {  	_ =	shalt  }
0x7b: {  	_ =	shalt  }
0x7c: {  	_ =	shalt  }
0x7d: {  	_ =	shalt  }
0x7e: {  	_ =	shalt  }
0x7f: {  	_ =	shalt  }
0x80: {  	_ =	shalt  }
0x81: {  	_ =	shalt  }
0x82: {  	_ =	shalt  }
0x83: {  	_ =	shalt  }
0x84: {  	_ =	shalt  }
0x85: {  	_ =	shalt  }
0x86: {  	_ =	shalt  }
0x87: {  	_ =	shalt  }
.Lfunc_end0:
.L_simem_size_0:
called_computation_lowered:
.L_overlay_start_0:
0x88: {  	s2 =	sld [smem:$0x3FD9]  }
0x89: {  	s3 =	sld [smem:$0x3FFE];
	_ =	sdelay $0x1  }
0x8a: {  	s1 =	srdreg.scid  }
0x8b: {  	s0 =	sand.u32 $0x1, s1  }
0x8c: {  	s17 =	sshll.u32 s0, $0xA;
	s2 =	sadd.s32 s3, s2  }
0x8d: {  	s2 =	sadd.s32 s2, s17  }
0x8e: {  	[smem:$0x3FC2] =	sst s2  }
0x8f: {  	_ = 	snop  }
0x90: {  	s2 =	sld [smem:$0x3FD0];
	(tm) =	ssettm $0x1  }
0x91: {  	s18 =	sld [smem:$0x3FFB];
	_ =	sdelay $0x3  }
0x92: {  	_ =	strace s18  }
0x93: {  	s3 =	sld [smem:$0x3FFC];
	_ =	sdelay $0x3  }
0x94: {  	_ =	strace s3  }
0x95: {  	s3 =	sld [smem:$0x3FFD];
	_ =	sdelay $0x3  }
0x96: {  	_ =	strace s3  }
0x97: {  	_ =	strace $0x8FFFFFFF  }
0x98: {  	s19 =	sld [smem:$0x3FDB];
	_ =	sdelay $0x1  }
0x99: {  	s4 =	simm.s32 $_scs_section_size  }
0x9a: {  	s5 =	simm.s32 $_size__tile_overlayer_lowered;
	s6 =	simm.s32 $_tile_overlayer_lowered  }
0x9b: {  	s22 =	simm.s32 $0x1BFF;
	s21 =	sshll.u32 s6, $0x1;
	s3 =	sadd.s32 s4, s19  }
0x9c: {  	s7 =	simm.s32 $0x0;
	s20 =	sshll.u32 s5, $0x1;
	s5 =	sadd.s32 s21, s3  }
0x9d: {  	[timem:s7], [sflag:s22] =	dma.local [hbm:s5], s20  }
0x9e: {  	_ =	swait.ge [sflag:s22], s20  }
0x9f: {  	s4 =	ssub.s32 $0x0, s20;
	[sflag:s22] =	ssyncset.done $0x0  }
0xa0: {  	[sflag:s22] =	ssyncadd.s32 s4;
	_ =	sdelay $0x1  }
0xa1: {  	s23 =	simm.s32 $0x1B8B  }
0xa2: {  	_ =	swait.ge [sflag:s23], $0x1  }
0xa3: {  	[sflag:s23] =	ssyncset.done $0x0  }
0xa4: {  	s25 =	simm.s32 $0x1B8E;
	s24 =	sld [smem:$0x3FFE];
	[sflag:s23] =	ssyncadd.s32 $0xFFFFFFFF  }
0xa5: {  	s26 =	simm.s32 $execute0_lowered;
	[smem:$0x3FD2] =	sst s25  }
0xa6: {  	s5 =	sshll.u32 s26, $0x1;
	_ =	strace $0x80000046;
	[dreg:$0x1] =	wrdreg $0xFFFFFFFF  }
0xa7: {  	s28 =	simm.s32 $_size_execute0_lowered;
	s3 =	sadd.s32 s3, s5;
	[dreg:$0x0] =	wrdreg $0x0  }
0xa8: {  	s5 =	sshll.u32 s28, $0x1;
	[dreg:$0x2] =	wrdreg s3  }
0xa9: {  	[dreg:$0x3] =	wrdreg s5  }
0xaa: {  	[dreg:$0x4] =	wrdreg $0xC0  }
0xab: {  	_ =	task [dreg:s7], $0x5FFFF  }
0xac: {  	[dreg:$0x1] =	wrdreg $0xFFFFFFFF  }
0xad: {  	[dreg:$0x0] =	wrdreg $0x60  }
0xae: {  	[dreg:$0x2] =	wrdreg s24  }
0xaf: {  	[dreg:$0x3] =	wrdreg s2  }
0xb0: {  	[dreg:$0x4] =	wrdreg $0x51000  }
0xb1: {  	[dreg:$0x5] =	wrdreg $0x53800  }
0xb2: {  	[dreg:$0x6] =	wrdreg $0x9  }
0xb3: {  	_ =	task.clear_ibuf [dreg:s7], $0x7FFFF;
	_ =	strace $0x90000046  }
0xb4: {  	s29 =	simm.s32 $0x9;
	_ =	strace $0x80000048  }
0xb5: {  	_ =	swait.ge [sflag:s29], $0x1  }
0xb6: {  	[sflag:s29] =	ssyncadd.s32 $0xFFFFFFFF  }
0xb7: {  	_ =	strace $0x90000048  }
0xb8: {  	_ =	sfence  }
0xb9: {  	s30 =	sld [smem:$0x0];
	_ =	sdelay $0x2  }
0xba: {  	s31 =	sshll.u32 s1, $0xD;
	s1 =	sshrl.u32 s1, $0x2  }
0xbb: {  	s3 =	sand.u32 $0x4000, s31;
	s1 =	sadd.s32 s1, s30  }
0xbc: {  	s0 =	sor.u32 s3, s0;
	s1 =	sshll.u32 s1, $0x11  }
0xbd: {  	s0 =	sor.u32 s1, s0  }
0xbe: {  	s0 =	sadd.s32 $0x8F2B, s0  }
0xbf: {  	[sflag:s0] =	ssyncadd.remote.s32 $0x1  }
0xc0: {  	_ =	sfence.sel $0xFFFF  }
0xc1: {  	[dreg:$0x0] =	wrdreg $0xFFFFFFFF;
	(pc) =	sbr.abs _section_cstart, $3  }
0xc2: {  	[dreg:$0x1] =	wrdreg $0xFFFFFFFF  }
0xc3: {  	_ =	task.clear_ibuf [dreg:s7], $0x2FFFF;
	_ =	strace $0x9FFFFFFF  }
0xc4: {  	(tm) =	ssettm $0x7FFFFFFF  }
0xc5: {  	_ =	shalt  }
tec
execute0_lowered:
.L_overlay_start_1:
0x0: {  	(tag) =	ssettag $0x1  }
0x1: {  	s5 =	rddreg [dreg:$0x0]  }
0x2: {  	s16 =	rddreg [dreg:$0x1]  }
0x3: {  	s1 =	rddreg [dreg:$0x2]  }
0x4: {  	s0 =	srdreg.scid;
	s2 =	rddreg [dreg:$0x3]  }
0x5: {  	s25 =	stileid.u32;
	s3 =	simm.s32 $0x0;
	s20 =	simm.s32 $0x5080  }
0x6: {  	s21 =	simm.s32 $0x2;
	s22 =	simm.s32 $0x5000;
	s24 =	simm.s32 $0x80  }
0x7: {  	s26 =	simm.s32 $0x0;
	s4 =	sand.u32 $0x1, s0;
	[smem:$0x7FF] =	sst s3  }
0x8: {  	s13 =	smul.u32 $0x280, s25;
	p0 =	sne.s32 s25, $0x0;
	s6 =	sshll.u32 s4, $0x4  }
0x9: {  	_ =	strace $0x80000047;
	s30 =	smul.u32 $0xA00, s4;
	s7 =	ssub.s32 $0x2, s4  }
0xa: {  	s4 =	sadd.s32 $0xBE00, s5;
	s6 =	sor.u32 s25, s6;
	s8 =	sshrl.u32 s7, $0x1  }
0xb: {  	s31 =	sadd.s32 $0x80, s13;
	s10 =	sadd.s32 $0x100, s13;
	s12 =	sadd.s32 $0x180, s13  }
0xc: {  	s14 =	sadd.s32 $0x200, s13;
	s25 =	simm.s32 $0x1;
	s17 =	smul.u32 $0x500, s6  }
0xd: {  	s18 =	sadd.s32 s30, s5;
	s19 =	ssub.s32 s7, s8;
	s6 =	sadd.s32 s13, s2  }
0xe: {  	s7 =	sadd.s32 s31, s1;
	s8 =	sadd.s32 s31, s2;
	s9 =	sadd.s32 s10, s1  }
0xf: {  	s10 =	sadd.s32 s10, s2;
	s11 =	sadd.s32 s12, s1;
	s12 =	sadd.s32 s12, s2  }
0x10: {  	s19 =	smax.u32 s19, $0x1;
	s15 =	sadd.s32 s17, s5;
	s5 =	sadd.s32 s13, s1  }
0x11: {  	s13 =	sadd.s32 s14, s1;
	s14 =	sadd.s32 s14, s2;
	s16 =	sadd.s32 s16, s17  }
0x12: {  	v0 =	vimm.f32 $0.0e+00;
	s17 =	sadd.s32 $0xC000, s18;
	s18 =	sadd.s32 $0xC010, s18;
	s15 =	sadd.s32 $0x1E00, s15  }
.LBB2_1:
0x13: {  	[tilespmem:$0x5080] =	vst v0  }
0x14: {  	[tilespmem:$0x5090] =	vst v0  }
0x15: {  	[tilespmem:$0x50A0] =	vst v0  }
0x16: {  	[tilespmem:$0x50B0] =	vst v0  }
0x17: {  	[tilespmem:$0x50C0] =	vst v0  }
0x18: {  	[tilespmem:$0x50D0] =	vst v0  }
0x19: {  	[tilespmem:$0x50E0] =	vst v0  }
0x1a: {  	[tilespmem:$0x50F0] =	vst v0  }
0x1b: {  	[spmem:s5] =	stream.linear.scatter [tilespmem:s20], [sflag:$0x2], $0x80, $0x38;
	[tilespmem:$0x5600] =	vst v63  }
0x1c: {  	_ =	swait.ge [sflag:s21], $0x80  }
0x1d: {  	[sflag:s21] =	ssyncset.done $0x0  }
0x1e: {  	[sflag:s21] =	ssyncadd.s32 $0xFFFFFF80  }
0x1f: {  	[spmem:s6] =	stream.linear.scatter [tilespmem:s20], [sflag:$0x2], $0x80, $0x38;
	[tilespmem:$0x5600] =	vst v63  }
0x20: {  	_ =	swait.ge [sflag:s21], $0x80  }
0x21: {  	[sflag:s21] =	ssyncset.done $0x0  }
0x22: {  	[sflag:s21] =	ssyncadd.s32 $0xFFFFFF80  }
0x23: {  	[spmem:s7] =	stream.linear.scatter [tilespmem:s20], [sflag:$0x2], $0x80, $0x38;
	[tilespmem:$0x5600] =	vst v63  }
0x24: {  	_ =	swait.ge [sflag:s21], $0x80  }
0x25: {  	[sflag:s21] =	ssyncset.done $0x0  }
0x26: {  	[sflag:s21] =	ssyncadd.s32 $0xFFFFFF80  }
0x27: {  	[spmem:s8] =	stream.linear.scatter [tilespmem:s20], [sflag:$0x2], $0x80, $0x38;
	[tilespmem:$0x5600] =	vst v63  }
0x28: {  	_ =	swait.ge [sflag:s21], $0x80  }
0x29: {  	[sflag:s21] =	ssyncset.done $0x0  }
0x2a: {  	[sflag:s21] =	ssyncadd.s32 $0xFFFFFF80  }
0x2b: {  	[spmem:s9] =	stream.linear.scatter [tilespmem:s20], [sflag:$0x2], $0x80, $0x38;
	[tilespmem:$0x5600] =	vst v63  }
0x2c: {  	_ =	swait.ge [sflag:s21], $0x80  }
0x2d: {  	[sflag:s21] =	ssyncset.done $0x0  }
0x2e: {  	[sflag:s21] =	ssyncadd.s32 $0xFFFFFF80  }
0x2f: {  	[spmem:s10] =	stream.linear.scatter [tilespmem:s20], [sflag:$0x2], $0x80, $0x38;
	[tilespmem:$0x5600] =	vst v63  }
0x30: {  	_ =	swait.ge [sflag:s21], $0x80  }
0x31: {  	[sflag:s21] =	ssyncset.done $0x0  }
0x32: {  	[sflag:s21] =	ssyncadd.s32 $0xFFFFFF80  }
0x33: {  	[spmem:s11] =	stream.linear.scatter [tilespmem:s20], [sflag:$0x2], $0x80, $0x38;
	[tilespmem:$0x5600] =	vst v63  }
0x34: {  	_ =	swait.ge [sflag:s21], $0x80  }
0x35: {  	[sflag:s21] =	ssyncset.done $0x0  }
0x36: {  	[sflag:s21] =	ssyncadd.s32 $0xFFFFFF80  }
0x37: {  	[spmem:s12] =	stream.linear.scatter [tilespmem:s20], [sflag:$0x2], $0x80, $0x38;
	[tilespmem:$0x5600] =	vst v63  }
0x38: {  	_ =	swait.ge [sflag:s21], $0x80  }
0x39: {  	[sflag:s21] =	ssyncset.done $0x0  }
0x3a: {  	[sflag:s21] =	ssyncadd.s32 $0xFFFFFF80  }
0x3b: {  	[spmem:s13] =	stream.linear.scatter [tilespmem:s20], [sflag:$0x2], $0x80, $0x38;
	[tilespmem:$0x5600] =	vst v63  }
0x3c: {  	_ =	swait.ge [sflag:s21], $0x80  }
0x3d: {  	[sflag:s21] =	ssyncset.done $0x0  }
0x3e: {  	[sflag:s21] =	ssyncadd.s32 $0xFFFFFF80  }
0x3f: {  	[spmem:s14] =	stream.linear.scatter [tilespmem:s20], [sflag:$0x2], $0x80, $0x38;
	[tilespmem:$0x5600] =	vst v63  }
0x40: {  	_ =	swait.ge [sflag:s21], $0x80  }
0x41: {  	[sflag:s21] =	ssyncset.done $0x0  }
0x42: {  	[sflag:s21] =	ssyncadd.s32 $0xFFFFFF80  }
0x43: {  	[tilespmem:s22], [sflag:$0x2] =	stream.linear.gather [hbm4b:s4+s3], $0x80, $0x38;
	[tilespmem:$0x5600] =	vst v63  }
0x44: {  	_ =	swait.ge [sflag:s21], $0x80  }
0x45: {  	[sflag:s21] =	ssyncset.done $0x0  }
0x46: {  	[sflag:s21] =	ssyncadd.s32 $0xFFFFFF80  }
0x47: {  	[tilespmem:s3], [sflag:$0x2] =	stream.linear.gather [hbm4b:s15+s3], $0x2800, $0x38;
	[tilespmem:$0x5600] =	vst v63  }
0x48: {  	_ =	swait.ge [sflag:s21], $0x2800  }
0x49: {  	[sflag:s21] =	ssyncset.done $0x0  }
0x4a: {  	s0 =	simm.s32 $0x2800;
	[sflag:s21] =	ssyncadd.s32 $0xFFFFD800  }
0x4b: {  	[tilespmem:s0], [sflag:$0x2] =	stream.linear.gather [hbm4b:s16+s3], $0x2800, $0x38;
	[tilespmem:$0x5600] =	vst v63  }
0x4c: {  	_ =	swait.ge [sflag:s21], $0x2800  }
0x4d: {  	[sflag:s21] =	ssyncset.done $0x0  }
0x4e: {  	[sflag:s21] =	ssyncadd.s32 $0xFFFFD800  }
0x4f: {  	s28 =	simm.s32 $0x0;
	[bflag:$0x0] =	sbarrier.arrive $0xFFFF  }
0x50: {  	[spmem:s1] =	stream.indirect.scatter.add.f32 [tilespmem:s22], [sflag:$0x1], $0x1, s28, s24, $0xb8;
	[tilespmem:$0x5600] =	vst v63  }
0x51: {  	s28 =	simm.s32 $0x2800  }
0x52: {  	[spmem:s2] =	stream.indirect.scatter.add.f32 [tilespmem:s22], [sflag:$0x1], $0x1, s28, s24, $0xb8;
	[tilespmem:$0x5600] =	vst v63  }
0x53: {  	s28 =	simm.s32 $0x80  }
0x54: {  	[spmem:s1] =	stream.indirect.scatter.add.f32 [tilespmem:s22], [sflag:$0x1], $0x1, s28, s24, $0xb8;
	[tilespmem:$0x5600] =	vst v63  }
0x55: {  	s28 =	simm.s32 $0x2880  }
0x56: {  	[spmem:s2] =	stream.indirect.scatter.add.f32 [tilespmem:s22], [sflag:$0x1], $0x1, s28, s24, $0xb8;
	[tilespmem:$0x5600] =	vst v63  }
0x57: {  	s28 =	simm.s32 $0x100  }
0x58: {  	[spmem:s1] =	stream.indirect.scatter.add.f32 [tilespmem:s22], [sflag:$0x1], $0x1, s28, s24, $0xb8;
	[tilespmem:$0x5600] =	vst v63  }
0x59: {  	s28 =	simm.s32 $0x2900  }
0x5a: {  	[spmem:s2] =	stream.indirect.scatter.add.f32 [tilespmem:s22], [sflag:$0x1], $0x1, s28, s24, $0xb8;
	[tilespmem:$0x5600] =	vst v63  }
0x5b: {  	s28 =	simm.s32 $0x180  }
0x5c: {  	[spmem:s1] =	stream.indirect.scatter.add.f32 [tilespmem:s22], [sflag:$0x1], $0x1, s28, s24, $0xb8;
	[tilespmem:$0x5600] =	vst v63  }
0x5d: {  	s28 =	simm.s32 $0x2980  }
0x5e: {  	[spmem:s2] =	stream.indirect.scatter.add.f32 [tilespmem:s22], [sflag:$0x1], $0x1, s28, s24, $0xb8;
	[tilespmem:$0x5600] =	vst v63  }
0x5f: {  	s28 =	simm.s32 $0x200  }
0x60: {  	[spmem:s1] =	stream.indirect.scatter.add.f32 [tilespmem:s22], [sflag:$0x1], $0x1, s28, s24, $0xb8;
	[tilespmem:$0x5600] =	vst v63  }
0x61: {  	s28 =	simm.s32 $0x2A00  }
0x62: {  	[spmem:s2] =	stream.indirect.scatter.add.f32 [tilespmem:s22], [sflag:$0x1], $0x1, s28, s24, $0xb8;
	[tilespmem:$0x5600] =	vst v63  }
0x63: {  	s28 =	simm.s32 $0x280  }
0x64: {  	[spmem:s1] =	stream.indirect.scatter.add.f32 [tilespmem:s22], [sflag:$0x1], $0x1, s28, s24, $0xb8;
	[tilespmem:$0x5600] =	vst v63  }
0x65: {  	s28 =	simm.s32 $0x2A80  }
0x66: {  	[spmem:s2] =	stream.indirect.scatter.add.f32 [tilespmem:s22], [sflag:$0x1], $0x1, s28, s24, $0xb8;
	[tilespmem:$0x5600] =	vst v63  }
0x67: {  	s28 =	simm.s32 $0x300  }
0x68: {  	[spmem:s1] =	stream.indirect.scatter.add.f32 [tilespmem:s22], [sflag:$0x1], $0x1, s28, s24, $0xb8;
	[tilespmem:$0x5600] =	vst v63  }
0x69: {  	s28 =	simm.s32 $0x2B00  }
0x6a: {  	[spmem:s2] =	stream.indirect.scatter.add.f32 [tilespmem:s22], [sflag:$0x1], $0x1, s28, s24, $0xb8;
	[tilespmem:$0x5600] =	vst v63  }
0x6b: {  	s28 =	simm.s32 $0x380  }
0x6c: {  	[spmem:s1] =	stream.indirect.scatter.add.f32 [tilespmem:s22], [sflag:$0x1], $0x1, s28, s24, $0xb8;
	[tilespmem:$0x5600] =	vst v63  }
0x6d: {  	s28 =	simm.s32 $0x2B80  }
0x6e: {  	[spmem:s2] =	stream.indirect.scatter.add.f32 [tilespmem:s22], [sflag:$0x1], $0x1, s28, s24, $0xb8;
	[tilespmem:$0x5600] =	vst v63  }
0x6f: {  	_ =	swait.ge [sflag:s25], $0x80  }
0x70: {  	[sflag:s25] =	ssyncset.done $0x0  }
0x71: {  	[sflag:s25] =	ssyncadd.s32 $0xFFFFFF80  }
0x72: {  	_ =	swait.ge [sflag:s25], $0x80  }
0x73: {  	[sflag:s25] =	ssyncset.done $0x0  }
0x74: {  	[sflag:s25] =	ssyncadd.s32 $0xFFFFFF80  }
0x75: {  	_ =	swait.ge [sflag:s25], $0x80  }
0x76: {  	[sflag:s25] =	ssyncset.done $0x0  }
0x77: {  	[sflag:s25] =	ssyncadd.s32 $0xFFFFFF80  }
0x78: {  	_ =	swait.ge [sflag:s25], $0x80  }
0x79: {  	[sflag:s25] =	ssyncset.done $0x0  }
0x7a: {  	[sflag:s25] =	ssyncadd.s32 $0xFFFFFF80  }
0x7b: {  	_ =	swait.ge [sflag:s25], $0x80  }
0x7c: {  	[sflag:s25] =	ssyncset.done $0x0  }
0x7d: {  	[sflag:s25] =	ssyncadd.s32 $0xFFFFFF80  }
0x7e: {  	_ =	swait.ge [sflag:s25], $0x80  }
0x7f: {  	[sflag:s25] =	ssyncset.done $0x0  }
0x80: {  	[sflag:s25] =	ssyncadd.s32 $0xFFFFFF80  }
0x81: {  	_ =	swait.ge [sflag:s25], $0x80  }
0x82: {  	[sflag:s25] =	ssyncset.done $0x0  }
0x83: {  	[sflag:s25] =	ssyncadd.s32 $0xFFFFFF80  }
0x84: {  	_ =	swait.ge [sflag:s25], $0x80  }
0x85: {  	[sflag:s25] =	ssyncset.done $0x0  }
0x86: {  	[sflag:s25] =	ssyncadd.s32 $0xFFFFFF80  }
0x87: {  	_ =	swait.ge [sflag:s25], $0x80  }
0x88: {  	[sflag:s25] =	ssyncset.done $0x0  }
0x89: {  	[sflag:s25] =	ssyncadd.s32 $0xFFFFFF80  }
0x8a: {  	_ =	swait.ge [sflag:s25], $0x80  }
0x8b: {  	[sflag:s25] =	ssyncset.done $0x0  }
0x8c: {  	[sflag:s25] =	ssyncadd.s32 $0xFFFFFF80  }
0x8d: {  	_ =	swait.ge [sflag:s25], $0x80  }
0x8e: {  	[sflag:s25] =	ssyncset.done $0x0  }
0x8f: {  	[sflag:s25] =	ssyncadd.s32 $0xFFFFFF80  }
0x90: {  	_ =	swait.ge [sflag:s25], $0x80  }
0x91: {  	[sflag:s25] =	ssyncset.done $0x0  }
0x92: {  	[sflag:s25] =	ssyncadd.s32 $0xFFFFFF80  }
0x93: {  	_ =	swait.ge [sflag:s25], $0x80  }
0x94: {  	[sflag:s25] =	ssyncset.done $0x0  }
0x95: {  	[sflag:s25] =	ssyncadd.s32 $0xFFFFFF80  }
0x96: {  	_ =	swait.ge [sflag:s25], $0x80  }
0x97: {  	[sflag:s25] =	ssyncset.done $0x0  }
0x98: {  	[sflag:s25] =	ssyncadd.s32 $0xFFFFFF80  }
0x99: {  	_ =	swait.ge [sflag:s25], $0x80  }
0x9a: {  	[sflag:s25] =	ssyncset.done $0x0  }
0x9b: {  	[sflag:s25] =	ssyncadd.s32 $0xFFFFFF80  }
0x9c: {  	_ =	swait.ge [sflag:s25], $0x80  }
0x9d: {  	s31 =	simm.s32 $0x2000;
	s28 =	simm.s32 $0x1000;
	[sflag:s25] =	ssyncset.done $0x0  }
.LBB2_2:
0x9e: {  	s30 =	sshra.s32 s28, $0x2  }
0x9f: {  	[sflag:s25] =	ssyncadd.s32 $0xFFFFFF80;
	s28 =	smov.u32 s31;
	s29 =	sadd.s32 $0x1000, s31  }
0xa0: {  	[spmem:s1] =	stream.indirect.scatter.add.f32 [tilespmem:s22], [sflag:$0x1], $0x1, s30, s24, $0xb8;
	[tilespmem:$0x5600] =	vst v63  }
0xa1: {  	p1 =	sne.s32 s31, $0x9000;
	s31 =	sadd.s32 $0x2800, s30  }
0xa2: {  	[spmem:s2] =	stream.indirect.scatter.add.f32 [tilespmem:s22], [sflag:$0x1], $0x1, s31, s24, $0xb8;
	[tilespmem:$0x5600] =	vst v63  }
0xa3: {  	s31 =	sadd.s32 $0x80, s30  }
0xa4: {  	[spmem:s1] =	stream.indirect.scatter.add.f32 [tilespmem:s22], [sflag:$0x1], $0x1, s31, s24, $0xb8;
	[tilespmem:$0x5600] =	vst v63  }
0xa5: {  	s31 =	sadd.s32 $0x2880, s30  }
0xa6: {  	[spmem:s2] =	stream.indirect.scatter.add.f32 [tilespmem:s22], [sflag:$0x1], $0x1, s31, s24, $0xb8;
	[tilespmem:$0x5600] =	vst v63  }
0xa7: {  	s31 =	sadd.s32 $0x100, s30  }
0xa8: {  	[spmem:s1] =	stream.indirect.scatter.add.f32 [tilespmem:s22], [sflag:$0x1], $0x1, s31, s24, $0xb8;
	[tilespmem:$0x5600] =	vst v63  }
0xa9: {  	s31 =	sadd.s32 $0x2900, s30  }
0xaa: {  	[spmem:s2] =	stream.indirect.scatter.add.f32 [tilespmem:s22], [sflag:$0x1], $0x1, s31, s24, $0xb8;
	[tilespmem:$0x5600] =	vst v63  }
0xab: {  	s31 =	sadd.s32 $0x180, s30  }
0xac: {  	[spmem:s1] =	stream.indirect.scatter.add.f32 [tilespmem:s22], [sflag:$0x1], $0x1, s31, s24, $0xb8;
	[tilespmem:$0x5600] =	vst v63  }
0xad: {  	s31 =	sadd.s32 $0x2980, s30  }
0xae: {  	[spmem:s2] =	stream.indirect.scatter.add.f32 [tilespmem:s22], [sflag:$0x1], $0x1, s31, s24, $0xb8;
	[tilespmem:$0x5600] =	vst v63  }
0xaf: {  	s31 =	sadd.s32 $0x200, s30  }
0xb0: {  	[spmem:s1] =	stream.indirect.scatter.add.f32 [tilespmem:s22], [sflag:$0x1], $0x1, s31, s24, $0xb8;
	[tilespmem:$0x5600] =	vst v63  }
0xb1: {  	s31 =	sadd.s32 $0x2A00, s30  }
0xb2: {  	[spmem:s2] =	stream.indirect.scatter.add.f32 [tilespmem:s22], [sflag:$0x1], $0x1, s31, s24, $0xb8;
	[tilespmem:$0x5600] =	vst v63  }
0xb3: {  	s31 =	sadd.s32 $0x280, s30  }
0xb4: {  	[spmem:s1] =	stream.indirect.scatter.add.f32 [tilespmem:s22], [sflag:$0x1], $0x1, s31, s24, $0xb8;
	[tilespmem:$0x5600] =	vst v63  }
0xb5: {  	s31 =	sadd.s32 $0x2A80, s30  }
0xb6: {  	[spmem:s2] =	stream.indirect.scatter.add.f32 [tilespmem:s22], [sflag:$0x1], $0x1, s31, s24, $0xb8;
	[tilespmem:$0x5600] =	vst v63  }
0xb7: {  	s31 =	sadd.s32 $0x300, s30  }
0xb8: {  	[spmem:s1] =	stream.indirect.scatter.add.f32 [tilespmem:s22], [sflag:$0x1], $0x1, s31, s24, $0xb8;
	[tilespmem:$0x5600] =	vst v63  }
0xb9: {  	s31 =	sadd.s32 $0x2B00, s30  }
0xba: {  	[spmem:s2] =	stream.indirect.scatter.add.f32 [tilespmem:s22], [sflag:$0x1], $0x1, s31, s24, $0xb8;
	[tilespmem:$0x5600] =	vst v63  }
0xbb: {  	s31 =	sadd.s32 $0x380, s30  }
0xbc: {  	[spmem:s1] =	stream.indirect.scatter.add.f32 [tilespmem:s22], [sflag:$0x1], $0x1, s31, s24, $0xb8;
	[tilespmem:$0x5600] =	vst v63  }
0xbd: {  	s30 =	sadd.s32 $0x2B80, s30  }
0xbe: {  	[spmem:s2] =	stream.indirect.scatter.add.f32 [tilespmem:s22], [sflag:$0x1], $0x1, s30, s24, $0xb8;
	[tilespmem:$0x5600] =	vst v63  }
0xbf: {  	_ =	swait.ge [sflag:s25], $0x80  }
0xc0: {  	[sflag:s25] =	ssyncset.done $0x0  }
0xc1: {  	[sflag:s25] =	ssyncadd.s32 $0xFFFFFF80  }
0xc2: {  	_ =	swait.ge [sflag:s25], $0x80  }
0xc3: {  	[sflag:s25] =	ssyncset.done $0x0  }
0xc4: {  	[sflag:s25] =	ssyncadd.s32 $0xFFFFFF80  }
0xc5: {  	_ =	swait.ge [sflag:s25], $0x80  }
0xc6: {  	[sflag:s25] =	ssyncset.done $0x0  }
0xc7: {  	[sflag:s25] =	ssyncadd.s32 $0xFFFFFF80  }
0xc8: {  	_ =	swait.ge [sflag:s25], $0x80  }
0xc9: {  	[sflag:s25] =	ssyncset.done $0x0  }
0xca: {  	[sflag:s25] =	ssyncadd.s32 $0xFFFFFF80  }
0xcb: {  	_ =	swait.ge [sflag:s25], $0x80  }
0xcc: {  	[sflag:s25] =	ssyncset.done $0x0  }
0xcd: {  	[sflag:s25] =	ssyncadd.s32 $0xFFFFFF80  }
0xce: {  	_ =	swait.ge [sflag:s25], $0x80  }
0xcf: {  	[sflag:s25] =	ssyncset.done $0x0  }
0xd0: {  	[sflag:s25] =	ssyncadd.s32 $0xFFFFFF80  }
0xd1: {  	_ =	swait.ge [sflag:s25], $0x80  }
0xd2: {  	[sflag:s25] =	ssyncset.done $0x0  }
0xd3: {  	[sflag:s25] =	ssyncadd.s32 $0xFFFFFF80  }
0xd4: {  	_ =	swait.ge [sflag:s25], $0x80  }
0xd5: {  	[sflag:s25] =	ssyncset.done $0x0  }
0xd6: {  	[sflag:s25] =	ssyncadd.s32 $0xFFFFFF80  }
0xd7: {  	_ =	swait.ge [sflag:s25], $0x80  }
0xd8: {  	[sflag:s25] =	ssyncset.done $0x0  }
0xd9: {  	[sflag:s25] =	ssyncadd.s32 $0xFFFFFF80  }
0xda: {  	_ =	swait.ge [sflag:s25], $0x80  }
0xdb: {  	[sflag:s25] =	ssyncset.done $0x0  }
0xdc: {  	[sflag:s25] =	ssyncadd.s32 $0xFFFFFF80  }
0xdd: {  	_ =	swait.ge [sflag:s25], $0x80  }
0xde: {  	[sflag:s25] =	ssyncset.done $0x0  }
0xdf: {  	[sflag:s25] =	ssyncadd.s32 $0xFFFFFF80  }
0xe0: {  	_ =	swait.ge [sflag:s25], $0x80  }
0xe1: {  	[sflag:s25] =	ssyncset.done $0x0  }
0xe2: {  	[sflag:s25] =	ssyncadd.s32 $0xFFFFFF80  }
0xe3: {  	_ =	swait.ge [sflag:s25], $0x80  }
0xe4: {  	[sflag:s25] =	ssyncset.done $0x0  }
0xe5: {  	[sflag:s25] =	ssyncadd.s32 $0xFFFFFF80  }
0xe6: {  	_ =	swait.ge [sflag:s25], $0x80  }
0xe7: {  	[sflag:s25] =	ssyncset.done $0x0  }
0xe8: {  	[sflag:s25] =	ssyncadd.s32 $0xFFFFFF80  }
.Ltmp0:
0xe9: {  	_ =	swait.ge [sflag:s25], $0x80;
	(pc) =	sbr.rel @p1 .LBB2_2-.Ltmp0, $4  }
0xea: {  	[sflag:s25] =	ssyncset.done $0x0  }
0xeb: {  	[sflag:s25] =	ssyncadd.s32 $0xFFFFFF80  }
0xec: {  	_ =	swait.ge [sflag:s25], $0x80  }
0xed: {  	s31 =	smov.u32 s29;
	[sflag:s25] =	ssyncset.done $0x0  }
0xee: {  	s28 =	sshra.s32 s28, $0x2;
	[sflag:s25] =	ssyncadd.s32 $0xFFFFFF80  }
0xef: {  	[spmem:s1] =	stream.indirect.scatter.add.f32 [tilespmem:s22], [sflag:$0x1], $0x1, s28, s24, $0xb8;
	[tilespmem:$0x5600] =	vst v63  }
0xf0: {  	s29 =	sadd.s32 $0x2800, s28  }
0xf1: {  	[spmem:s2] =	stream.indirect.scatter.add.f32 [tilespmem:s22], [sflag:$0x1], $0x1, s29, s24, $0xb8;
	[tilespmem:$0x5600] =	vst v63  }
0xf2: {  	s31 =	sadd.s32 $0x80, s28  }
0xf3: {  	[spmem:s1] =	stream.indirect.scatter.add.f32 [tilespmem:s22], [sflag:$0x1], $0x1, s31, s24, $0xb8;
	[tilespmem:$0x5600] =	vst v63  }
0xf4: {  	s0 =	sadd.s32 $0x2880, s28  }
0xf5: {  	[spmem:s2] =	stream.indirect.scatter.add.f32 [tilespmem:s22], [sflag:$0x1], $0x1, s0, s24, $0xb8;
	[tilespmem:$0x5600] =	vst v63  }
0xf6: {  	s23 =	sadd.s32 $0x100, s28  }
0xf7: {  	[spmem:s1] =	stream.indirect.scatter.add.f32 [tilespmem:s22], [sflag:$0x1], $0x1, s23, s24, $0xb8;
	[tilespmem:$0x5600] =	vst v63  }
0xf8: {  	s30 =	sadd.s32 $0x2900, s28  }
0xf9: {  	[spmem:s2] =	stream.indirect.scatter.add.f32 [tilespmem:s22], [sflag:$0x1], $0x1, s30, s24, $0xb8;
	[tilespmem:$0x5600] =	vst v63  }
0xfa: {  	s31 =	sadd.s32 $0x180, s28  }
0xfb: {  	[spmem:s1] =	stream.indirect.scatter.add.f32 [tilespmem:s22], [sflag:$0x1], $0x1, s31, s24, $0xb8;
	[tilespmem:$0x5600] =	vst v63  }
0xfc: {  	s0 =	sadd.s32 $0x2980, s28  }
0xfd: {  	[spmem:s2] =	stream.indirect.scatter.add.f32 [tilespmem:s22], [sflag:$0x1], $0x1, s0, s24, $0xb8;
	[tilespmem:$0x5600] =	vst v63  }
0xfe: {  	s23 =	sadd.s32 $0x200, s28  }
0xff: {  	[spmem:s1] =	stream.indirect.scatter.add.f32 [tilespmem:s22], [sflag:$0x1], $0x1, s23, s24, $0xb8;
	[tilespmem:$0x5600] =	vst v63  }
0x100: {  	s30 =	sadd.s32 $0x2A00, s28  }
0x101: {  	[spmem:s2] =	stream.indirect.scatter.add.f32 [tilespmem:s22], [sflag:$0x1], $0x1, s30, s24, $0xb8;
	[tilespmem:$0x5600] =	vst v63  }
0x102: {  	s31 =	sadd.s32 $0x280, s28  }
0x103: {  	[spmem:s1] =	stream.indirect.scatter.add.f32 [tilespmem:s22], [sflag:$0x1], $0x1, s31, s24, $0xb8;
	[tilespmem:$0x5600] =	vst v63  }
0x104: {  	s0 =	sadd.s32 $0x2A80, s28  }
0x105: {  	[spmem:s2] =	stream.indirect.scatter.add.f32 [tilespmem:s22], [sflag:$0x1], $0x1, s0, s24, $0xb8;
	[tilespmem:$0x5600] =	vst v63  }
0x106: {  	s23 =	sadd.s32 $0x300, s28  }
0x107: {  	[spmem:s1] =	stream.indirect.scatter.add.f32 [tilespmem:s22], [sflag:$0x1], $0x1, s23, s24, $0xb8;
	[tilespmem:$0x5600] =	vst v63  }
0x108: {  	s30 =	sadd.s32 $0x2B00, s28  }
0x109: {  	[spmem:s2] =	stream.indirect.scatter.add.f32 [tilespmem:s22], [sflag:$0x1], $0x1, s30, s24, $0xb8;
	[tilespmem:$0x5600] =	vst v63  }
0x10a: {  	s31 =	sadd.s32 $0x380, s28  }
0x10b: {  	[spmem:s1] =	stream.indirect.scatter.add.f32 [tilespmem:s22], [sflag:$0x1], $0x1, s31, s24, $0xb8;
	[tilespmem:$0x5600] =	vst v63  }
0x10c: {  	s28 =	sadd.s32 $0x2B80, s28  }
0x10d: {  	[spmem:s2] =	stream.indirect.scatter.add.f32 [tilespmem:s22], [sflag:$0x1], $0x1, s28, s24, $0xb8;
	[tilespmem:$0x5600] =	vst v63  }
0x10e: {  	_ =	swait.ge [sflag:s25], $0x80  }
0x10f: {  	[sflag:s25] =	ssyncset.done $0x0  }
0x110: {  	[sflag:s25] =	ssyncadd.s32 $0xFFFFFF80  }
0x111: {  	_ =	swait.ge [sflag:s25], $0x80  }
0x112: {  	[sflag:s25] =	ssyncset.done $0x0  }
0x113: {  	[sflag:s25] =	ssyncadd.s32 $0xFFFFFF80  }
0x114: {  	_ =	swait.ge [sflag:s25], $0x80  }
0x115: {  	[sflag:s25] =	ssyncset.done $0x0  }
0x116: {  	[sflag:s25] =	ssyncadd.s32 $0xFFFFFF80  }
0x117: {  	_ =	swait.ge [sflag:s25], $0x80  }
0x118: {  	[sflag:s25] =	ssyncset.done $0x0  }
0x119: {  	[sflag:s25] =	ssyncadd.s32 $0xFFFFFF80  }
0x11a: {  	_ =	swait.ge [sflag:s25], $0x80  }
0x11b: {  	[sflag:s25] =	ssyncset.done $0x0  }
0x11c: {  	[sflag:s25] =	ssyncadd.s32 $0xFFFFFF80  }
0x11d: {  	_ =	swait.ge [sflag:s25], $0x80  }
0x11e: {  	[sflag:s25] =	ssyncset.done $0x0  }
0x11f: {  	[sflag:s25] =	ssyncadd.s32 $0xFFFFFF80  }
0x120: {  	_ =	swait.ge [sflag:s25], $0x80  }
0x121: {  	[sflag:s25] =	ssyncset.done $0x0  }
0x122: {  	[sflag:s25] =	ssyncadd.s32 $0xFFFFFF80  }
0x123: {  	_ =	swait.ge [sflag:s25], $0x80  }
0x124: {  	[sflag:s25] =	ssyncset.done $0x0  }
0x125: {  	[sflag:s25] =	ssyncadd.s32 $0xFFFFFF80  }
0x126: {  	_ =	swait.ge [sflag:s25], $0x80  }
0x127: {  	[sflag:s25] =	ssyncset.done $0x0  }
0x128: {  	[sflag:s25] =	ssyncadd.s32 $0xFFFFFF80  }
0x129: {  	_ =	swait.ge [sflag:s25], $0x80  }
0x12a: {  	[sflag:s25] =	ssyncset.done $0x0  }
0x12b: {  	[sflag:s25] =	ssyncadd.s32 $0xFFFFFF80  }
0x12c: {  	_ =	swait.ge [sflag:s25], $0x80  }
0x12d: {  	[sflag:s25] =	ssyncset.done $0x0  }
0x12e: {  	[sflag:s25] =	ssyncadd.s32 $0xFFFFFF80  }
0x12f: {  	_ =	swait.ge [sflag:s25], $0x80  }
0x130: {  	[sflag:s25] =	ssyncset.done $0x0  }
0x131: {  	[sflag:s25] =	ssyncadd.s32 $0xFFFFFF80  }
0x132: {  	_ =	swait.ge [sflag:s25], $0x80  }
0x133: {  	[sflag:s25] =	ssyncset.done $0x0  }
0x134: {  	[sflag:s25] =	ssyncadd.s32 $0xFFFFFF80  }
0x135: {  	_ =	swait.ge [sflag:s25], $0x80  }
0x136: {  	[sflag:s25] =	ssyncset.done $0x0  }
0x137: {  	[sflag:s25] =	ssyncadd.s32 $0xFFFFFF80  }
0x138: {  	_ =	swait.ge [sflag:s25], $0x80  }
0x139: {  	[sflag:s25] =	ssyncset.done $0x0  }
0x13a: {  	[sflag:s25] =	ssyncadd.s32 $0xFFFFFF80  }
0x13b: {  	_ =	swait.ge [sflag:s25], $0x80  }
0x13c: {  	s29 =	simm.s32 @!p0 $0x1;
	[sflag:s25] =	ssyncset.done $0x0  }
0x13d: {  	s0 =	simm.s32 @!p0 $0x1C02;
	s30 =	simm.s32 @!p0 $0x20;
	[sflag:s25] =	ssyncadd.s32 $0xFFFFFF80  }
0x13e: {  	s31 =	simm.s32 @!p0 $0x10;
	s28 =	sshrl.u32 @!p0 s1, $0x3;
	[bflag:$0x0] =	sbarrier.arrive $0xFFFF  }
0x13f: {  	[hbm:s17@s30], [sflag:s0] =	dma.strided @!p0 [spmem:s28@s31], $0x500, s29, $0x10   }
0x140: {  	s28 =	simm.s32 @!p0 $0x2  }
0x141: {  	s26 =	sadd.s32 $0x1, s26;
	_ =	swait.ge @!p0 [sflag:s28], $0x500  }
0x142: {  	p1 =	sne.s32 s26, s19;
	[sflag:s28] =	ssyncset.done @!p0 $0x0  }
.Ltmp1:
0x143: {  	s23 =	sshrl.u32 @!p0 s2, $0x3;
	[sflag:s28] =	ssyncadd.s32 @!p0 $0xFFFFFB00;
	(pc) =	sbr.rel @p1 .LBB2_1-.Ltmp1, $4  }
0x144: {  	[hbm:s18@s30], [sflag:s0] =	dma.strided @!p0 [spmem:s23@s31], $0x500, s29, $0x10   }
0x145: {  	_ =	swait.ge @!p0 [sflag:s28], $0x500  }
0x146: {  	[sflag:s28] =	ssyncset.done @!p0 $0x0  }
0x147: {  	[sflag:s28] =	ssyncadd.s32 @!p0 $0xFFFFFB00  }
0x148: {  	_ =	sfence.sel $0x180000  }
0x149: {  	[bflag:$0x0] =	sbarrier.arrive $0xFFFF  }
0x14a: {  	_ =	strace $0x90000047  }
0x14b: {  	[bflag:$0x2] =	sbarrier.arrive $0xFFFF  }
0x14c: {  	s0 =	rddreg [dreg:$0x4]  }
0x14d: {  	s0 =	sadd.s32 @!p0 $0x100000, s0  }
0x14e: {  	[sflag:s0] =	ssyncadd.tile.s32 @!p0 $0x1;
	_ =	shalt  }
.Lfunc_end2:
_tile_overlayer_lowered:
.L_overlay_start_2:
0x14f: {  	(tag) =	ssettag $0x2  }
0x150: {  	s0 =	rddreg [dreg:$0x0];
	s2 =	stileid.u32  }
0x151: {  	s1 =	rddreg [dreg:$0x1];
	p0 =	sne.s32 s2, $0x0  }
0x152: {  	s3 =	rddreg [dreg:$0x2];
	[bflag:$0x3] =	sbarrier.arrive $0xFFFF;
	s2 =	simm.s32 @!p0 $0x1C02  }
0x153: {  	[timem:s3], [sflag:s2] =	dma.local @!p0 [hbm:s0], s1  }
0x154: {  	s0 =	simm.s32 @!p0 $0x2  }
0x155: {  	_ =	swait.ge @!p0 [sflag:s0], s1  }
0x156: {  	s1 =	ssub.s32 @!p0 $0x0, s1;
	[sflag:s0] =	ssyncset.done @!p0 $0x0  }
0x157: {  	[sflag:s0] =	ssyncadd.s32 @!p0 s1  }
0x158: {  	[bflag:$0x3] =	sbarrier.arrive $0xFFFF  }
0x159: {  	_ =	shalt  }

</sc_bundles>
